<compile_context>
chip_gen: v7x
topology: tpu7x:2x2x1
jax: 0.10.2.dev20260603
libtpu: 0.0.44.dev20260713+nightly
codegen_flags: <defaults>
</compile_context>

<pallas_src>
import functools
import numpy as np
import jax
import jax.numpy as jnp
from jax import lax
from jax.experimental import pallas as pl
from jax.experimental.pallas import tpu as pltpu
from jax.experimental.pallas import tpu_sc as plsc

N = 4096
D = 512
L = 4
K = 10
TEMP_INV = 100.0
V_DECAY = 0.95
BN = 256
NB = N // BN
VL = 16
NW = 32
GR = 8
NCHUNK = N // VL

_DECAY_NORM = float(1.0 / np.sum(V_DECAY ** np.arange(K, dtype=np.float64)))
_LOG_V = float(np.log(V_DECAY))


def _make_sims_kernel(l_const):
    def _sims_kernel(idx_ref, f_ref, negs_ref, tcol_ref, trow_ref, out_ref):
        f = f_ref[...]
        fn = f / jnp.maximum(jnp.sqrt(jnp.sum(f * f, axis=1, keepdims=True)),
                             1e-12)
        g = negs_ref[...]
        gn = g / jnp.maximum(jnp.sqrt(jnp.sum(g * g, axis=1, keepdims=True)),
                             1e-12)
        scores = jax.lax.dot_general(
            fn, gn, (((1,), (1,)), ((), ())),
            preferred_element_type=jnp.float32,
            precision=jax.lax.Precision.DEFAULT,
        )
        same = tcol_ref[...] == trow_ref[...]
        is_idx = l_const == idx_ref[0]
        out_ref[...] = jnp.where(jnp.logical_and(is_idx, same),
                                 jnp.float32(-jnp.inf), scores)
    return _sims_kernel


def _make_sc_topk(rows_total):
    rpw = rows_total // NW
    ngroup = rpw // GR

    def _sc_topk_kernel(sims_hbm, out_hbm, rowbuf, outstage, sem0, sem1):
        cid = lax.axis_index("c")
        sid = lax.axis_index("s")
        wid = sid * 2 + cid
        base_row = wid * rpw

        def merge(t16, c):
            cd = lax.rev(lax.sort(c), (0,))
            m = jnp.maximum(t16, cd)
            return lax.sort(m)

        def start_fetch(g, b, sem):
            row0 = base_row + jnp.minimum(g, ngroup - 1) * GR
            pltpu.async_copy(sims_hbm.at[pl.ds(row0, GR)], rowbuf.at[b], sem)

        def wait_fetch(b, sem):
            pltpu.make_async_copy(sims_hbm.at[pl.ds(0, GR)], rowbuf.at[b],
                                  sem).wait()

        def process(g, b):
            def do_row(r, _):
                def do_chunk8(q, t16):
                    off = q * (8 * VL)
                    for s in range(8):
                        t16 = merge(t16,
                                    rowbuf[b, r, pl.ds(off + s * VL, VL)])
                    return t16

                t16 = lax.fori_loop(0, NCHUNK // 8, do_chunk8,
                                    jnp.full((VL,), -jnp.inf, jnp.float32))
                desc = lax.rev(t16, (0,))
                outstage[pl.ds((g * GR + r) * VL, VL)] = desc
                return 0

            lax.fori_loop(0, GR, do_row, 0)

        start_fetch(0, 0, sem0)

        def do_pair(p, _):
            g0 = 2 * p
            start_fetch(g0 + 1, 1, sem1)
            wait_fetch(0, sem0)
            process(g0, 0)
            start_fetch(g0 + 2, 0, sem0)
            wait_fetch(1, sem1)
            process(g0 + 1, 1)
            return 0

        lax.fori_loop(0, ngroup // 2, do_pair, 0)
        wait_fetch(0, sem0)
        pltpu.sync_copy(outstage, out_hbm.at[pl.ds(base_row * VL, rpw * VL)])

    return _sc_topk_kernel


def _entropy_kernel(tops_ref, out_ref):
    x = tops_ref[...]
    m = jnp.max(x, axis=0)
    z = (x - m[None]) * TEMP_INV
    e = jnp.exp(z)
    s1 = jnp.sum(e, axis=0)
    s2 = jnp.sum(e * z, axis=0)
    ent = s2 / s1 - jnp.log(s1)
    lane = jax.lax.broadcasted_iota(jnp.int32, (1, VL), 1)
    decay = jnp.where(lane < K,
                      jnp.exp(lane.astype(jnp.float32) * _LOG_V) * _DECAY_NORM,
                      0.0)
    out_ref[...] = (jnp.sum(ent * decay, keepdims=True).reshape(1, 1)
                    * (1.0 / N) + jnp.log(jnp.float32(L)))


@jax.jit
def _run(feature, target, negative_features, idx):
    idx_s = jnp.asarray(idx, jnp.int32).reshape(1)
    tcol = target.astype(jnp.int32).reshape(N, 1)
    trow = target.astype(jnp.int32).reshape(1, N)

    mesh = plsc.VectorSubcoreMesh(core_axis_name="c", subcore_axis_name="s",
                                  num_cores=2, num_subcores=16)
    rpw = N // NW
    sc_topk = pl.kernel(
        _make_sc_topk(N),
        out_type=jax.ShapeDtypeStruct((N * VL,), jnp.float32),
        mesh=mesh,
        compiler_params=pltpu.CompilerParams(needs_layout_passes=False),
        scratch_types=[
            pltpu.VMEM((2, GR, N), jnp.float32),
            pltpu.VMEM((rpw * VL,), jnp.float32),
            pltpu.SemaphoreType.DMA,
            pltpu.SemaphoreType.DMA,
        ],
    )

    tops_l = []
    for l in range(L):
        sims_l = pl.pallas_call(
            _make_sims_kernel(l),
            grid=(NB,),
            in_specs=[
                pl.BlockSpec(memory_space=pltpu.SMEM),
                pl.BlockSpec((BN, D), lambda nb: (nb, 0)),
                pl.BlockSpec((N, D), lambda nb: (0, 0)),
                pl.BlockSpec((BN, 1), lambda nb: (nb, 0)),
                pl.BlockSpec((1, N), lambda nb: (0, 0)),
            ],
            out_specs=pl.BlockSpec((BN, N), lambda nb: (nb, 0)),
            out_shape=jax.ShapeDtypeStruct((N, N), jnp.float32),
        )(idx_s, feature, negative_features[l], tcol, trow)
        tops_l.append(sc_topk(sims_l).reshape(N, VL))

    tops = jnp.stack(tops_l)
    out = pl.pallas_call(
        _entropy_kernel,
        grid=(1,),
        in_specs=[pl.BlockSpec((L, N, VL), lambda i: (0, 0, 0))],
        out_specs=pl.BlockSpec((1, 1), lambda i: (0, 0)),
        out_shape=jax.ShapeDtypeStruct((1, 1), jnp.float32),
    )(tops)
    return out[0, 0]


def kernel(feature, target, negative_features, idx):
    return _run(feature, target, negative_features, idx)

# --- scband reference (transcript-rebuilt; emitter-appended) ---
"""Pipeline reference for scband-neg-uniform-49589692399688 (READ-ONLY COPY).

The authoritative reference and input builder live on the scoring server;
editing this copy changes nothing except your own understanding.
"""

import jax, jax.numpy as jnp
import numpy as np

K = 10
TEMPERATURE = 0.01
V = 0.95


def _l2_normalize(x, axis=-1, eps=1e-12):
    n = jnp.linalg.norm(x, axis=axis, keepdims=True)
    return x / jnp.maximum(n, eps)


def setup_inputs(seed: int = 0) -> dict:
    key = jax.random.key(seed)
    k1, k2, k3 = jax.random.split(key, 3)
    feature = jax.random.normal(k1, (4096, 512), dtype=jnp.float32)
    negative_features = jax.random.normal(k2, (4, 4096, 512), dtype=jnp.float32)
    target = jax.random.randint(k3, (4096,), 0, 128)
    idx = 1
    return {"feature": feature, "target": target, "negative_features": negative_features, "idx": idx}


def reference(feature, target, negative_features, idx):
    L = negative_features.shape[0]
    n = feature.shape[0]
    f = _l2_normalize(feature, axis=-1)
    negs = _l2_normalize(negative_features, axis=-1)
    # cosine similarity matrices: [L, n, n]
    sims = jnp.einsum('nd,lmd->lnm', f, negs)
    # same-class mask [n, n] (True where target_i == target_j)
    mask = (target[:, None] == target[None, :])
    # for the negative set at position `idx`, exclude same-class entries by
    # setting them to -inf before top-k (equivalent to boolean-indexed topk)
    is_idx = (jnp.arange(L) == idx)[:, None, None]
    sims_masked = jnp.where(is_idx & mask[None, :, :], -jnp.inf, sims)
    top_vals, _ = jax.lax.top_k(sims_masked, K)  # [L, n, K]
    neg_top = jnp.transpose(top_vals, (1, 0, 2))  # [n, L, K]
    neg_top = neg_top / TEMPERATURE
    neg_top = jax.nn.softmax(neg_top, axis=1)
    w = jnp.array([V ** i for i in range(K)], dtype=jnp.float32)
    decay = w / jnp.maximum(jnp.sum(jnp.abs(w)), 1e-12)  # F.normalize p=1
    ent = jnp.sum(neg_top * jnp.log(neg_top), axis=1)  # [n, K]
    loss = jnp.mean(jnp.sum(ent * decay[None, :], axis=1)) + jnp.log(float(L))
    return loss

if __name__ == "__main__":
    import jax
    _d = setup_inputs()
    print(jax.jit(kernel)(*tuple(_d.values())))

</pallas_src>

<mosaic_0001>
#map = affine_map<(d0, d1) -> (0, 0)>
#map1 = affine_map<(d0, d1) -> (0)>
module attributes {stable_mosaic.version = 14 : i64} {
  func.func @_sc_topk_kernel(%arg0: i32, %arg1: i32, %arg2: memref<4096x4096xf32, #tpu.memory_space<hbm>>, %arg3: memref<65536xf32, #tpu.memory_space<hbm>>, %arg4: memref<2x8x4096xf32, #tpu.memory_space<vmem>>, %arg5: memref<2048xf32, #tpu.memory_space<vmem>>, %arg6: memref<!tpu.dma_semaphore, #tpu.memory_space<semaphore_mem>>, %arg7: memref<!tpu.dma_semaphore, #tpu.memory_space<semaphore_mem>>) attributes {dimension_semantics = [#tpu.dimension_semantics<core_parallel>, #tpu.dimension_semantics<subcore_parallel>], iteration_bounds = array<i64: 2, 16>, scalar_prefetch = 0 : i64, scratch_operands = 4 : i64, tpu.core_type = #tpu.core_type<sc_vector_subcore>, window_params = [{transform_indices = #map}, {transform_indices = #map1}]} {
    %mul3A = arith.constant 2 : i32
    %mul3A_0 = arith.muli %arg1, %mul3A : i32
    %add3A = arith.addi %mul3A_0, %arg0 : i32
    %mul3A_1 = arith.constant 128 : i32
    %mul3A_2 = arith.muli %add3A, %mul3A_1 : i32
    %min3A = arith.constant 0 : i32
    %min3A_3 = arith.constant 15 : i32
    %min3A_4 = arith.minsi %min3A, %min3A_3 : i32
    %mul3A_5 = arith.constant 8 : i32
    %mul3A_6 = arith.muli %min3A_4, %mul3A_5 : i32
    %add3A_7 = arith.addi %mul3A_2, %mul3A_6 : i32
    %dma_start3A = arith.constant 0 : i32
    %dma_start3A_8 = arith.constant 0 : i32
    %dma_start3A_9 = arith.constant 0 : i32
    %dma_start3A_10 = tpu.memref_slice %arg4[%dma_start3A, %dma_start3A_8, %dma_start3A_9] : memref<2x8x4096xf32, #tpu.memory_space<vmem>> -> memref<1x8x4096xf32, #tpu.memory_space<vmem>>
    %dma_start3A_11 = tpu.memref_squeeze %dma_start3A_10 : memref<1x8x4096xf32, #tpu.memory_space<vmem>> -> memref<8x4096xf32, #tpu.memory_space<vmem>>
    %dma_start3A_12 = arith.constant 0 : i32
    %dma_start3A_13 = tpu.memref_slice %arg2[%add3A_7, %dma_start3A_12] : memref<4096x4096xf32, #tpu.memory_space<hbm>> -> memref<8x4096xf32, #tpu.memory_space<hbm>>
    %dma_start3A_14 = arith.constant 0 : i32
    %dma_start3A_15 = arith.constant 0 : i32
    %dma_start3A_16 = tpu.memref_slice %arg4[%dma_start3A, %dma_start3A_14, %dma_start3A_15] : memref<2x8x4096xf32, #tpu.memory_space<vmem>> -> memref<1x8x4096xf32, #tpu.memory_space<vmem>>
    %dma_start3A_17 = tpu.memref_squeeze %dma_start3A_16 : memref<1x8x4096xf32, #tpu.memory_space<vmem>> -> memref<8x4096xf32, #tpu.memory_space<vmem>>
    %dma_start3A_18 = arith.constant 0 : i32
    %dma_start3A_19 = tpu.memref_slice %arg2[%add3A_7, %dma_start3A_18] : memref<4096x4096xf32, #tpu.memory_space<hbm>> -> memref<8x4096xf32, #tpu.memory_space<hbm>>
    tpu.enqueue_dma source(%dma_start3A_19 : memref<8x4096xf32, #tpu.memory_space<hbm>>) target(%dma_start3A_17 : memref<8x4096xf32, #tpu.memory_space<vmem>>) target_semaphore(%arg6 : memref<!tpu.dma_semaphore, #tpu.memory_space<semaphore_mem>>)
    %scan3A = arith.constant 0 : i32
    %scan3A_20 = arith.constant 0 : i32
    %scan3A_21 = arith.constant 8 : i32
    %scan3A_22 = arith.addi %scan3A_20, %scan3A_21 : i32
    %scan3A_23 = arith.constant 1 : i32
    %scan3A_24 = scf.for %scan3A_42 = %scan3A_20 to %scan3A_22 step %scan3A_23 iter_args(%scan3A_43 = %scan3A) -> (i32)  : i32 {
      %mul3A_44 = arith.constant 2 : i32
      %mul3A_45 = arith.muli %mul3A_44, %scan3A_42 : i32
      %add3A_46 = arith.constant 1 : i32
      %add3A_47 = arith.addi %mul3A_45, %add3A_46 : i32
      %min3A_48 = arith.constant 15 : i32
      %min3A_49 = arith.minsi %add3A_47, %min3A_48 : i32
      %mul3A_50 = arith.constant 8 : i32
      %mul3A_51 = arith.muli %min3A_49, %mul3A_50 : i32
      %add3A_52 = arith.addi %mul3A_2, %mul3A_51 : i32
      %dma_start3A_53 = arith.constant 1 : i32
      %dma_start3A_54 = arith.constant 0 : i32
      %dma_start3A_55 = arith.constant 0 : i32
      %dma_start3A_56 = tpu.memref_slice %arg4[%dma_start3A_53, %dma_start3A_54, %dma_start3A_55] : memref<2x8x4096xf32, #tpu.memory_space<vmem>> -> memref<1x8x4096xf32, #tpu.memory_space<vmem>>
      %dma_start3A_57 = tpu.memref_squeeze %dma_start3A_56 : memref<1x8x4096xf32, #tpu.memory_space<vmem>> -> memref<8x4096xf32, #tpu.memory_space<vmem>>
      %dma_start3A_58 = arith.constant 0 : i32
      %dma_start3A_59 = tpu.memref_slice %arg2[%add3A_52, %dma_start3A_58] : memref<4096x4096xf32, #tpu.memory_space<hbm>> -> memref<8x4096xf32, #tpu.memory_space<hbm>>
      %dma_start3A_60 = arith.constant 0 : i32
      %dma_start3A_61 = arith.constant 0 : i32
      %dma_start3A_62 = tpu.memref_slice %arg4[%dma_start3A_53, %dma_start3A_60, %dma_start3A_61] : memref<2x8x4096xf32, #tpu.memory_space<vmem>> -> memref<1x8x4096xf32, #tpu.memory_space<vmem>>
      %dma_start3A_63 = tpu.memref_squeeze %dma_start3A_62 : memref<1x8x4096xf32, #tpu.memory_space<vmem>> -> memref<8x4096xf32, #tpu.memory_space<vmem>>
      %dma_start3A_64 = arith.constant 0 : i32
      %dma_start3A_65 = tpu.memref_slice %arg2[%add3A_52, %dma_start3A_64] : memref<4096x4096xf32, #tpu.memory_space<hbm>> -> memref<8x4096xf32, #tpu.memory_space<hbm>>
      tpu.enqueue_dma source(%dma_start3A_65 : memref<8x4096xf32, #tpu.memory_space<hbm>>) target(%dma_start3A_63 : memref<8x4096xf32, #tpu.memory_space<vmem>>) target_semaphore(%arg7 : memref<!tpu.dma_semaphore, #tpu.memory_space<semaphore_mem>>)
      %dma_wait3A_66 = arith.constant 0 : i32
      %dma_wait3A_67 = arith.constant 0 : i32
      %dma_wait3A_68 = arith.constant 0 : i32
      %dma_wait3A_69 = tpu.memref_slice %arg4[%dma_wait3A_66, %dma_wait3A_67, %dma_wait3A_68] : memref<2x8x4096xf32, #tpu.memory_space<vmem>> -> memref<1x8x4096xf32, #tpu.memory_space<vmem>>
      %dma_wait3A_70 = tpu.memref_squeeze %dma_wait3A_69 : memref<1x8x4096xf32, #tpu.memory_space<vmem>> -> memref<8x4096xf32, #tpu.memory_space<vmem>>
      %dma_wait3A_71 = arith.constant 0 : i32
      %dma_wait3A_72 = arith.constant 0 : i32
      %dma_wait3A_73 = tpu.memref_slice %arg2[%dma_wait3A_71, %dma_wait3A_72] : memref<4096x4096xf32, #tpu.memory_space<hbm>> -> memref<8x4096xf32, #tpu.memory_space<hbm>>
      %dma_wait3A_74 = arith.constant 0 : i32
      %dma_wait3A_75 = arith.constant 0 : i32
      %dma_wait3A_76 = tpu.memref_slice %arg4[%dma_wait3A_66, %dma_wait3A_74, %dma_wait3A_75] : memref<2x8x4096xf32, #tpu.memory_space<vmem>> -> memref<1x8x4096xf32, #tpu.memory_space<vmem>>
      %dma_wait3A_77 = tpu.memref_squeeze %dma_wait3A_76 : memref<1x8x4096xf32, #tpu.memory_space<vmem>> -> memref<8x4096xf32, #tpu.memory_space<vmem>>
      %dma_wait3A_78 = arith.constant 0 : i32
      %dma_wait3A_79 = arith.constant 0 : i32
      %dma_wait3A_80 = tpu.memref_slice %arg2[%dma_wait3A_78, %dma_wait3A_79] : memref<4096x4096xf32, #tpu.memory_space<hbm>> -> memref<8x4096xf32, #tpu.memory_space<hbm>>
      tpu.wait_dma2 semaphore(%arg6 : memref<!tpu.dma_semaphore, #tpu.memory_space<semaphore_mem>>) src(%dma_wait3A_80 : memref<8x4096xf32, #tpu.memory_space<hbm>>) dst(%dma_wait3A_77 : memref<8x4096xf32, #tpu.memory_space<vmem>>)
      %scan3A_81 = arith.constant 0 : i32
      %scan3A_82 = arith.constant 0 : i32
      %scan3A_83 = arith.constant 8 : i32
      %scan3A_84 = arith.addi %scan3A_82, %scan3A_83 : i32
      %scan3A_85 = arith.constant 1 : i32
      %scan3A_86 = scf.for %scan3A_133 = %scan3A_82 to %scan3A_84 step %scan3A_85 iter_args(%scan3A_134 = %scan3A_81) -> (i32)  : i32 {
        %broadcast_in_dim3A = arith.constant 0xFF800000 : f32
        %broadcast_in_dim3A_135 = vector.broadcast %broadcast_in_dim3A : f32 to vector<16xf32>
        %scan3A_136 = arith.constant 0 : i32
        %scan3A_137 = arith.constant 32 : i32
        %scan3A_138 = arith.addi %scan3A_136, %scan3A_137 : i32
        %scan3A_139 = arith.constant 1 : i32
        %scan3A_140 = scf.for %scan3A_153 = %scan3A_136 to %scan3A_138 step %scan3A_139 iter_args(%scan3A_154 = %broadcast_in_dim3A_135) -> (vector<16xf32>)  : i32 {
          %mul3A_155 = arith.constant 128 : i32
          %mul3A_156 = arith.muli %scan3A_153, %mul3A_155 : i32
          %add3A_157 = arith.constant 0 : i32
          %add3A_158 = arith.addi %mul3A_156, %add3A_157 : i32
          %get3A = arith.constant 0 : i32
          %get3A_159 = arith.index_cast %get3A : i32 to index
          %get3A_160 = arith.index_cast %scan3A_133 : i32 to index
          %get3A_161 = arith.index_cast %add3A_158 : i32 to index
          %get3A_162 = tpu.vector_load %arg4[%get3A_159, %get3A_160, %get3A_161] {strides = array<i32>} : memref<2x8x4096xf32, #tpu.memory_space<vmem>>, vector<16xf32>,
          %sort3A = arith.constant dense<true> : vector<16xi1>
          %sort3A_163, %sort3A_164, %sort3A_165 = tpu.sort %get3A_162, %get3A_162 masked %sort3A : (vector<16xf32>, vector<16xf32>, vector<16xi1>) -> (vector<16xi1>, vector<16xf32>, vector<16xf32>)
          %rev3A_166 = arith.constant 15 : i32
          %rev3A_167 = vector.broadcast %rev3A_166 : i32 to vector<16xi32>
          %rev3A_168 = tpu.iota {dimensions = array<i32: 0>} : vector<16xi32>
          %rev3A_169 = arith.subi %rev3A_167, %rev3A_168 : vector<16xi32>
          %rev3A_170 = tpu.dynamic_gather %sort3A_164[%rev3A_169] in [0] : vector<16xf32>, vector<16xi32> -> vector<16xf32>
          %max3A = arith.maximumf %scan3A_154, %rev3A_170 : vector<16xf32>
          %sort3A_171 = arith.constant dense<true> : vector<16xi1>
          %sort3A_172, %sort3A_173, %sort3A_174 = tpu.sort %max3A, %max3A masked %sort3A_171 : (vector<16xf32>, vector<16xf32>, vector<16xi1>) -> (vector<16xi1>, vector<16xf32>, vector<16xf32>)
          %add3A_175 = arith.constant 16 : i32
          %add3A_176 = arith.addi %mul3A_156, %add3A_175 : i32
          %get3A_177 = arith.constant 0 : i32
          %get3A_178 = arith.index_cast %get3A_177 : i32 to index
          %get3A_179 = arith.index_cast %scan3A_133 : i32 to index
          %get3A_180 = arith.index_cast %add3A_176 : i32 to index
          %get3A_181 = tpu.vector_load %arg4[%get3A_178, %get3A_179, %get3A_180] {strides = array<i32>} : memref<2x8x4096xf32, #tpu.memory_space<vmem>>, vector<16xf32>,
          %sort3A_182 = arith.constant dense<true> : vector<16xi1>
          %sort3A_183, %sort3A_184, %sort3A_185 = tpu.sort %get3A_181, %get3A_181 masked %sort3A_182 : (vector<16xf32>, vector<16xf32>, vector<16xi1>) -> (vector<16xi1>, vector<16xf32>, vector<16xf32>)
          %rev3A_186 = arith.constant 15 : i32
          %rev3A_187 = vector.broadcast %rev3A_186 : i32 to vector<16xi32>
          %rev3A_188 = tpu.iota {dimensions = array<i32: 0>} : vector<16xi32>
          %rev3A_189 = arith.subi %rev3A_187, %rev3A_188 : vector<16xi32>
          %rev3A_190 = tpu.dynamic_gather %sort3A_184[%rev3A_189] in [0] : vector<16xf32>, vector<16xi32> -> vector<16xf32>
          %max3A_191 = arith.maximumf %sort3A_173, %rev3A_190 : vector<16xf32>
          %sort3A_192 = arith.constant dense<true> : vector<16xi1>
          %sort3A_193, %sort3A_194, %sort3A_195 = tpu.sort %max3A_191, %max3A_191 masked %sort3A_192 : (vector<16xf32>, vector<16xf32>, vector<16xi1>) -> (vector<16xi1>, vector<16xf32>, vector<16xf32>)
          %add3A_196 = arith.constant 32 : i32
          %add3A_197 = arith.addi %mul3A_156, %add3A_196 : i32
          %get3A_198 = arith.constant 0 : i32
          %get3A_199 = arith.index_cast %get3A_198 : i32 to index
          %get3A_200 = arith.index_cast %scan3A_133 : i32 to index
          %get3A_201 = arith.index_cast %add3A_197 : i32 to index
          %get3A_202 = tpu.vector_load %arg4[%get3A_199, %get3A_200, %get3A_201] {strides = array<i32>} : memref<2x8x4096xf32, #tpu.memory_space<vmem>>, vector<16xf32>,
          %sort3A_203 = arith.constant dense<true> : vector<16xi1>
          %sort3A_204, %sort3A_205, %sort3A_206 = tpu.sort %get3A_202, %get3A_202 masked %sort3A_203 : (vector<16xf32>, vector<16xf32>, vector<16xi1>) -> (vector<16xi1>, vector<16xf32>, vector<16xf32>)
          %rev3A_207 = arith.constant 15 : i32
          %rev3A_208 = vector.broadcast %rev3A_207 : i32 to vector<16xi32>
          %rev3A_209 = tpu.iota {dimensions = array<i32: 0>} : vector<16xi32>
          %rev3A_210 = arith.subi %rev3A_208, %rev3A_209 : vector<16xi32>
          %rev3A_211 = tpu.dynamic_gather %sort3A_205[%rev3A_210] in [0] : vector<16xf32>, vector<16xi32> -> vector<16xf32>
          %max3A_212 = arith.maximumf %sort3A_194, %rev3A_211 : vector<16xf32>
          %sort3A_213 = arith.constant dense<true> : vector<16xi1>
          %sort3A_214, %sort3A_215, %sort3A_216 = tpu.sort %max3A_212, %max3A_212 masked %sort3A_213 : (vector<16xf32>, vector<16xf32>, vector<16xi1>) -> (vector<16xi1>, vector<16xf32>, vector<16xf32>)
          %add3A_217 = arith.constant 48 : i32
          %add3A_218 = arith.addi %mul3A_156, %add3A_217 : i32
          %get3A_219 = arith.constant 0 : i32
          %get3A_220 = arith.index_cast %get3A_219 : i32 to index
          %get3A_221 = arith.index_cast %scan3A_133 : i32 to index
          %get3A_222 = arith.index_cast %add3A_218 : i32 to index
          %get3A_223 = tpu.vector_load %arg4[%get3A_220, %get3A_221, %get3A_222] {strides = array<i32>} : memref<2x8x4096xf32, #tpu.memory_space<vmem>>, vector<16xf32>,
          %sort3A_224 = arith.constant dense<true> : vector<16xi1>
          %sort3A_225, %sort3A_226, %sort3A_227 = tpu.sort %get3A_223, %get3A_223 masked %sort3A_224 : (vector<16xf32>, vector<16xf32>, vector<16xi1>) -> (vector<16xi1>, vector<16xf32>, vector<16xf32>)
          %rev3A_228 = arith.constant 15 : i32
          %rev3A_229 = vector.broadcast %rev3A_228 : i32 to vector<16xi32>
          %rev3A_230 = tpu.iota {dimensions = array<i32: 0>} : vector<16xi32>
          %rev3A_231 = arith.subi %rev3A_229, %rev3A_230 : vector<16xi32>
          %rev3A_232 = tpu.dynamic_gather %sort3A_226[%rev3A_231] in [0] : vector<16xf32>, vector<16xi32> -> vector<16xf32>
          %max3A_233 = arith.maximumf %sort3A_215, %rev3A_232 : vector<16xf32>
          %sort3A_234 = arith.constant dense<true> : vector<16xi1>
          %sort3A_235, %sort3A_236, %sort3A_237 = tpu.sort %max3A_233, %max3A_233 masked %sort3A_234 : (vector<16xf32>, vector<16xf32>, vector<16xi1>) -> (vector<16xi1>, vector<16xf32>, vector<16xf32>)
          %add3A_238 = arith.constant 64 : i32
          %add3A_239 = arith.addi %mul3A_156, %add3A_238 : i32
          %get3A_240 = arith.constant 0 : i32
          %get3A_241 = arith.index_cast %get3A_240 : i32 to index
          %get3A_242 = arith.index_cast %scan3A_133 : i32 to index
          %get3A_243 = arith.index_cast %add3A_239 : i32 to index
          %get3A_244 = tpu.vector_load %arg4[%get3A_241, %get3A_242, %get3A_243] {strides = array<i32>} : memref<2x8x4096xf32, #tpu.memory_space<vmem>>, vector<16xf32>,
          %sort3A_245 = arith.constant dense<true> : vector<16xi1>
          %sort3A_246, %sort3A_247, %sort3A_248 = tpu.sort %get3A_244, %get3A_244 masked %sort3A_245 : (vector<16xf32>, vector<16xf32>, vector<16xi1>) -> (vector<16xi1>, vector<16xf32>, vector<16xf32>)
          %rev3A_249 = arith.constant 15 : i32
          %rev3A_250 = vector.broadcast %rev3A_249 : i32 to vector<16xi32>
          %rev3A_251 = tpu.iota {dimensions = array<i32: 0>} : vector<16xi32>
          %rev3A_252 = arith.subi %rev3A_250, %rev3A_251 : vector<16xi32>
          %rev3A_253 = tpu.dynamic_gather %sort3A_247[%rev3A_252] in [0] : vector<16xf32>, vector<16xi32> -> vector<16xf32>
          %max3A_254 = arith.maximumf %sort3A_236, %rev3A_253 : vector<16xf32>
          %sort3A_255 = arith.constant dense<true> : vector<16xi1>
          %sort3A_256, %sort3A_257, %sort3A_258 = tpu.sort %max3A_254, %max3A_254 masked %sort3A_255 : (vector<16xf32>, vector<16xf32>, vector<16xi1>) -> (vector<16xi1>, vector<16xf32>, vector<16xf32>)
          %add3A_259 = arith.constant 80 : i32
          %add3A_260 = arith.addi %mul3A_156, %add3A_259 : i32
          %get3A_261 = arith.constant 0 : i32
          %get3A_262 = arith.index_cast %get3A_261 : i32 to index
          %get3A_263 = arith.index_cast %scan3A_133 : i32 to index
          %get3A_264 = arith.index_cast %add3A_260 : i32 to index
          %get3A_265 = tpu.vector_load %arg4[%get3A_262, %get3A_263, %get3A_264] {strides = array<i32>} : memref<2x8x4096xf32, #tpu.memory_space<vmem>>, vector<16xf32>,
          %sort3A_266 = arith.constant dense<true> : vector<16xi1>
          %sort3A_267, %sort3A_268, %sort3A_269 = tpu.sort %get3A_265, %get3A_265 masked %sort3A_266 : (vector<16xf32>, vector<16xf32>, vector<16xi1>) -> (vector<16xi1>, vector<16xf32>, vector<16xf32>)
          %rev3A_270 = arith.constant 15 : i32
          %rev3A_271 = vector.broadcast %rev3A_270 : i32 to vector<16xi32>
          %rev3A_272 = tpu.iota {dimensions = array<i32: 0>} : vector<16xi32>
          %rev3A_273 = arith.subi %rev3A_271, %rev3A_272 : vector<16xi32>
          %rev3A_274 = tpu.dynamic_gather %sort3A_268[%rev3A_273] in [0] : vector<16xf32>, vector<16xi32> -> vector<16xf32>
          %max3A_275 = arith.maximumf %sort3A_257, %rev3A_274 : vector<16xf32>
          %sort3A_276 = arith.constant dense<true> : vector<16xi1>
          %sort3A_277, %sort3A_278, %sort3A_279 = tpu.sort %max3A_275, %max3A_275 masked %sort3A_276 : (vector<16xf32>, vector<16xf32>, vector<16xi1>) -> (vector<16xi1>, vector<16xf32>, vector<16xf32>)
          %add3A_280 = arith.constant 96 : i32
          %add3A_281 = arith.addi %mul3A_156, %add3A_280 : i32
          %get3A_282 = arith.constant 0 : i32
          %get3A_283 = arith.index_cast %get3A_282 : i32 to index
          %get3A_284 = arith.index_cast %scan3A_133 : i32 to index
          %get3A_285 = arith.index_cast %add3A_281 : i32 to index
          %get3A_286 = tpu.vector_load %arg4[%get3A_283, %get3A_284, %get3A_285] {strides = array<i32>} : memref<2x8x4096xf32, #tpu.memory_space<vmem>>, vector<16xf32>,
          %sort3A_287 = arith.constant dense<true> : vector<16xi1>
          %sort3A_288, %sort3A_289, %sort3A_290 = tpu.sort %get3A_286, %get3A_286 masked %sort3A_287 : (vector<16xf32>, vector<16xf32>, vector<16xi1>) -> (vector<16xi1>, vector<16xf32>, vector<16xf32>)
          %rev3A_291 = arith.constant 15 : i32
          %rev3A_292 = vector.broadcast %rev3A_291 : i32 to vector<16xi32>
          %rev3A_293 = tpu.iota {dimensions = array<i32: 0>} : vector<16xi32>
          %rev3A_294 = arith.subi %rev3A_292, %rev3A_293 : vector<16xi32>
          %rev3A_295 = tpu.dynamic_gather %sort3A_289[%rev3A_294] in [0] : vector<16xf32>, vector<16xi32> -> vector<16xf32>
          %max3A_296 = arith.maximumf %sort3A_278, %rev3A_295 : vector<16xf32>
          %sort3A_297 = arith.constant dense<true> : vector<16xi1>
          %sort3A_298, %sort3A_299, %sort3A_300 = tpu.sort %max3A_296, %max3A_296 masked %sort3A_297 : (vector<16xf32>, vector<16xf32>, vector<16xi1>) -> (vector<16xi1>, vector<16xf32>, vector<16xf32>)
          %add3A_301 = arith.constant 112 : i32
          %add3A_302 = arith.addi %mul3A_156, %add3A_301 : i32
          %get3A_303 = arith.constant 0 : i32
          %get3A_304 = arith.index_cast %get3A_303 : i32 to index
          %get3A_305 = arith.index_cast %scan3A_133 : i32 to index
          %get3A_306 = arith.index_cast %add3A_302 : i32 to index
          %get3A_307 = tpu.vector_load %arg4[%get3A_304, %get3A_305, %get3A_306] {strides = array<i32>} : memref<2x8x4096xf32, #tpu.memory_space<vmem>>, vector<16xf32>,
          %sort3A_308 = arith.constant dense<true> : vector<16xi1>
          %sort3A_309, %sort3A_310, %sort3A_311 = tpu.sort %get3A_307, %get3A_307 masked %sort3A_308 : (vector<16xf32>, vector<16xf32>, vector<16xi1>) -> (vector<16xi1>, vector<16xf32>, vector<16xf32>)
          %rev3A_312 = arith.constant 15 : i32
          %rev3A_313 = vector.broadcast %rev3A_312 : i32 to vector<16xi32>
          %rev3A_314 = tpu.iota {dimensions = array<i32: 0>} : vector<16xi32>
          %rev3A_315 = arith.subi %rev3A_313, %rev3A_314 : vector<16xi32>
          %rev3A_316 = tpu.dynamic_gather %sort3A_310[%rev3A_315] in [0] : vector<16xf32>, vector<16xi32> -> vector<16xf32>
          %max3A_317 = arith.maximumf %sort3A_299, %rev3A_316 : vector<16xf32>
          %sort3A_318 = arith.constant dense<true> : vector<16xi1>
          %sort3A_319, %sort3A_320, %sort3A_321 = tpu.sort %max3A_317, %max3A_317 masked %sort3A_318 : (vector<16xf32>, vector<16xf32>, vector<16xi1>) -> (vector<16xi1>, vector<16xf32>, vector<16xf32>)
          scf.yield %sort3A_320 : vector<16xf32>
        }
        %scan3A_141 = arith.constant 32 : i32
        %rev3A = arith.constant 15 : i32
        %rev3A_142 = vector.broadcast %rev3A : i32 to vector<16xi32>
        %rev3A_143 = tpu.iota {dimensions = array<i32: 0>} : vector<16xi32>
        %rev3A_144 = arith.subi %rev3A_142, %rev3A_143 : vector<16xi32>
        %rev3A_145 = tpu.dynamic_gather %scan3A_140[%rev3A_144] in [0] : vector<16xf32>, vector<16xi32> -> vector<16xf32>
        %mul3A_146 = arith.constant 8 : i32
        %mul3A_147 = arith.muli %mul3A_45, %mul3A_146 : i32
        %add3A_148 = arith.addi %mul3A_147, %scan3A_133 : i32
        %mul3A_149 = arith.constant 16 : i32
        %mul3A_150 = arith.muli %add3A_148, %mul3A_149 : i32
        %swap3A = arith.index_cast %mul3A_150 : i32 to index
        %swap3A_151 = tpu.vector_load %arg5[%swap3A] {strides = array<i32>} : memref<2048xf32, #tpu.memory_space<vmem>>, vector<16xf32>,
        tpu.vector_store %arg5[%swap3A], %rev3A_145 {strides = array<i32>} : memref<2048xf32, #tpu.memory_space<vmem>>, vector<16xf32>,
        %scan3A_152 = arith.constant 0 : i32
        scf.yield %scan3A_152 : i32
      }
      %scan3A_87 = arith.constant 8 : i32
      %add3A_88 = arith.constant 2 : i32
      %add3A_89 = arith.addi %mul3A_45, %add3A_88 : i32
      %min3A_90 = arith.constant 15 : i32
      %min3A_91 = arith.minsi %add3A_89, %min3A_90 : i32
      %mul3A_92 = arith.constant 8 : i32
      %mul3A_93 = arith.muli %min3A_91, %mul3A_92 : i32
      %add3A_94 = arith.addi %mul3A_2, %mul3A_93 : i32
      %dma_start3A_95 = arith.constant 0 : i32
      %dma_start3A_96 = arith.constant 0 : i32
      %dma_start3A_97 = arith.constant 0 : i32
      %dma_start3A_98 = tpu.memref_slice %arg4[%dma_start3A_95, %dma_start3A_96, %dma_start3A_97] : memref<2x8x4096xf32, #tpu.memory_space<vmem>> -> memref<1x8x4096xf32, #tpu.memory_space<vmem>>
      %dma_start3A_99 = tpu.memref_squeeze %dma_start3A_98 : memref<1x8x4096xf32, #tpu.memory_space<vmem>> -> memref<8x4096xf32, #tpu.memory_space<vmem>>
      %dma_start3A_100 = arith.constant 0 : i32
      %dma_start3A_101 = tpu.memref_slice %arg2[%add3A_94, %dma_start3A_100] : memref<4096x4096xf32, #tpu.memory_space<hbm>> -> memref<8x4096xf32, #tpu.memory_space<hbm>>
      %dma_start3A_102 = arith.constant 0 : i32
      %dma_start3A_103 = arith.constant 0 : i32
      %dma_start3A_104 = tpu.memref_slice %arg4[%dma_start3A_95, %dma_start3A_102, %dma_start3A_103] : memref<2x8x4096xf32, #tpu.memory_space<vmem>> -> memref<1x8x4096xf32, #tpu.memory_space<vmem>>
      %dma_start3A_105 = tpu.memref_squeeze %dma_start3A_104 : memref<1x8x4096xf32, #tpu.memory_space<vmem>> -> memref<8x4096xf32, #tpu.memory_space<vmem>>
      %dma_start3A_106 = arith.constant 0 : i32
      %dma_start3A_107 = tpu.memref_slice %arg2[%add3A_94, %dma_start3A_106] : memref<4096x4096xf32, #tpu.memory_space<hbm>> -> memref<8x4096xf32, #tpu.memory_space<hbm>>
      tpu.enqueue_dma source(%dma_start3A_107 : memref<8x4096xf32, #tpu.memory_space<hbm>>) target(%dma_start3A_105 : memref<8x4096xf32, #tpu.memory_space<vmem>>) target_semaphore(%arg6 : memref<!tpu.dma_semaphore, #tpu.memory_space<semaphore_mem>>)
      %dma_wait3A_108 = arith.constant 1 : i32
      %dma_wait3A_109 = arith.constant 0 : i32
      %dma_wait3A_110 = arith.constant 0 : i32
      %dma_wait3A_111 = tpu.memref_slice %arg4[%dma_wait3A_108, %dma_wait3A_109, %dma_wait3A_110] : memref<2x8x4096xf32, #tpu.memory_space<vmem>> -> memref<1x8x4096xf32, #tpu.memory_space<vmem>>
      %dma_wait3A_112 = tpu.memref_squeeze %dma_wait3A_111 : memref<1x8x4096xf32, #tpu.memory_space<vmem>> -> memref<8x4096xf32, #tpu.memory_space<vmem>>
      %dma_wait3A_113 = arith.constant 0 : i32
      %dma_wait3A_114 = arith.constant 0 : i32
      %dma_wait3A_115 = tpu.memref_slice %arg2[%dma_wait3A_113, %dma_wait3A_114] : memref<4096x4096xf32, #tpu.memory_space<hbm>> -> memref<8x4096xf32, #tpu.memory_space<hbm>>
      %dma_wait3A_116 = arith.constant 0 : i32
      %dma_wait3A_117 = arith.constant 0 : i32
      %dma_wait3A_118 = tpu.memref_slice %arg4[%dma_wait3A_108, %dma_wait3A_116, %dma_wait3A_117] : memref<2x8x4096xf32, #tpu.memory_space<vmem>> -> memref<1x8x4096xf32, #tpu.memory_space<vmem>>
      %dma_wait3A_119 = tpu.memref_squeeze %dma_wait3A_118 : memref<1x8x4096xf32, #tpu.memory_space<vmem>> -> memref<8x4096xf32, #tpu.memory_space<vmem>>
      %dma_wait3A_120 = arith.constant 0 : i32
      %dma_wait3A_121 = arith.constant 0 : i32
      %dma_wait3A_122 = tpu.memref_slice %arg2[%dma_wait3A_120, %dma_wait3A_121] : memref<4096x4096xf32, #tpu.memory_space<hbm>> -> memref<8x4096xf32, #tpu.memory_space<hbm>>
      tpu.wait_dma2 semaphore(%arg7 : memref<!tpu.dma_semaphore, #tpu.memory_space<semaphore_mem>>) src(%dma_wait3A_122 : memref<8x4096xf32, #tpu.memory_space<hbm>>) dst(%dma_wait3A_119 : memref<8x4096xf32, #tpu.memory_space<vmem>>)
      %add3A_123 = arith.constant 1 : i32
      %add3A_124 = arith.addi %mul3A_45, %add3A_123 : i32
      %scan3A_125 = arith.constant 0 : i32
      %scan3A_126 = arith.constant 0 : i32
      %scan3A_127 = arith.constant 8 : i32
      %scan3A_128 = arith.addi %scan3A_126, %scan3A_127 : i32
      %scan3A_129 = arith.constant 1 : i32
      %scan3A_130 = scf.for %scan3A_133 = %scan3A_126 to %scan3A_128 step %scan3A_129 iter_args(%scan3A_134 = %scan3A_125) -> (i32)  : i32 {
        %broadcast_in_dim3A = arith.constant 0xFF800000 : f32
        %broadcast_in_dim3A_135 = vector.broadcast %broadcast_in_dim3A : f32 to vector<16xf32>
        %scan3A_136 = arith.constant 0 : i32
        %scan3A_137 = arith.constant 32 : i32
        %scan3A_138 = arith.addi %scan3A_136, %scan3A_137 : i32
        %scan3A_139 = arith.constant 1 : i32
        %scan3A_140 = scf.for %scan3A_153 = %scan3A_136 to %scan3A_138 step %scan3A_139 iter_args(%scan3A_154 = %broadcast_in_dim3A_135) -> (vector<16xf32>)  : i32 {
          %mul3A_155 = arith.constant 128 : i32
          %mul3A_156 = arith.muli %scan3A_153, %mul3A_155 : i32
          %add3A_157 = arith.constant 0 : i32
          %add3A_158 = arith.addi %mul3A_156, %add3A_157 : i32
          %get3A = arith.constant 1 : i32
          %get3A_159 = arith.index_cast %get3A : i32 to index
          %get3A_160 = arith.index_cast %scan3A_133 : i32 to index
          %get3A_161 = arith.index_cast %add3A_158 : i32 to index
          %get3A_162 = tpu.vector_load %arg4[%get3A_159, %get3A_160, %get3A_161] {strides = array<i32>} : memref<2x8x4096xf32, #tpu.memory_space<vmem>>, vector<16xf32>,
          %sort3A = arith.constant dense<true> : vector<16xi1>
          %sort3A_163, %sort3A_164, %sort3A_165 = tpu.sort %get3A_162, %get3A_162 masked %sort3A : (vector<16xf32>, vector<16xf32>, vector<16xi1>) -> (vector<16xi1>, vector<16xf32>, vector<16xf32>)
          %rev3A_166 = arith.constant 15 : i32
          %rev3A_167 = vector.broadcast %rev3A_166 : i32 to vector<16xi32>
          %rev3A_168 = tpu.iota {dimensions = array<i32: 0>} : vector<16xi32>
          %rev3A_169 = arith.subi %rev3A_167, %rev3A_168 : vector<16xi32>
          %rev3A_170 = tpu.dynamic_gather %sort3A_164[%rev3A_169] in [0] : vector<16xf32>, vector<16xi32> -> vector<16xf32>
          %max3A = arith.maximumf %scan3A_154, %rev3A_170 : vector<16xf32>
          %sort3A_171 = arith.constant dense<true> : vector<16xi1>
          %sort3A_172, %sort3A_173, %sort3A_174 = tpu.sort %max3A, %max3A masked %sort3A_171 : (vector<16xf32>, vector<16xf32>, vector<16xi1>) -> (vector<16xi1>, vector<16xf32>, vector<16xf32>)
          %add3A_175 = arith.constant 16 : i32
          %add3A_176 = arith.addi %mul3A_156, %add3A_175 : i32
          %get3A_177 = arith.constant 1 : i32
          %get3A_178 = arith.index_cast %get3A_177 : i32 to index
          %get3A_179 = arith.index_cast %scan3A_133 : i32 to index
          %get3A_180 = arith.index_cast %add3A_176 : i32 to index
          %get3A_181 = tpu.vector_load %arg4[%get3A_178, %get3A_179, %get3A_180] {strides = array<i32>} : memref<2x8x4096xf32, #tpu.memory_space<vmem>>, vector<16xf32>,
          %sort3A_182 = arith.constant dense<true> : vector<16xi1>
          %sort3A_183, %sort3A_184, %sort3A_185 = tpu.sort %get3A_181, %get3A_181 masked %sort3A_182 : (vector<16xf32>, vector<16xf32>, vector<16xi1>) -> (vector<16xi1>, vector<16xf32>, vector<16xf32>)
          %rev3A_186 = arith.constant 15 : i32
          %rev3A_187 = vector.broadcast %rev3A_186 : i32 to vector<16xi32>
          %rev3A_188 = tpu.iota {dimensions = array<i32: 0>} : vector<16xi32>
          %rev3A_189 = arith.subi %rev3A_187, %rev3A_188 : vector<16xi32>
          %rev3A_190 = tpu.dynamic_gather %sort3A_184[%rev3A_189] in [0] : vector<16xf32>, vector<16xi32> -> vector<16xf32>
          %max3A_191 = arith.maximumf %sort3A_173, %rev3A_190 : vector<16xf32>
          %sort3A_192 = arith.constant dense<true> : vector<16xi1>
          %sort3A_193, %sort3A_194, %sort3A_195 = tpu.sort %max3A_191, %max3A_191 masked %sort3A_192 : (vector<16xf32>, vector<16xf32>, vector<16xi1>) -> (vector<16xi1>, vector<16xf32>, vector<16xf32>)
          %add3A_196 = arith.constant 32 : i32
          %add3A_197 = arith.addi %mul3A_156, %add3A_196 : i32
          %get3A_198 = arith.constant 1 : i32
          %get3A_199 = arith.index_cast %get3A_198 : i32 to index
          %get3A_200 = arith.index_cast %scan3A_133 : i32 to index
          %get3A_201 = arith.index_cast %add3A_197 : i32 to index
          %get3A_202 = tpu.vector_load %arg4[%get3A_199, %get3A_200, %get3A_201] {strides = array<i32>} : memref<2x8x4096xf32, #tpu.memory_space<vmem>>, vector<16xf32>,
          %sort3A_203 = arith.constant dense<true> : vector<16xi1>
          %sort3A_204, %sort3A_205, %sort3A_206 = tpu.sort %get3A_202, %get3A_202 masked %sort3A_203 : (vector<16xf32>, vector<16xf32>, vector<16xi1>) -> (vector<16xi1>, vector<16xf32>, vector<16xf32>)
          %rev3A_207 = arith.constant 15 : i32
          %rev3A_208 = vector.broadcast %rev3A_207 : i32 to vector<16xi32>
          %rev3A_209 = tpu.iota {dimensions = array<i32: 0>} : vector<16xi32>
          %rev3A_210 = arith.subi %rev3A_208, %rev3A_209 : vector<16xi32>
          %rev3A_211 = tpu.dynamic_gather %sort3A_205[%rev3A_210] in [0] : vector<16xf32>, vector<16xi32> -> vector<16xf32>
          %max3A_212 = arith.maximumf %sort3A_194, %rev3A_211 : vector<16xf32>
          %sort3A_213 = arith.constant dense<true> : vector<16xi1>
          %sort3A_214, %sort3A_215, %sort3A_216 = tpu.sort %max3A_212, %max3A_212 masked %sort3A_213 : (vector<16xf32>, vector<16xf32>, vector<16xi1>) -> (vector<16xi1>, vector<16xf32>, vector<16xf32>)
          %add3A_217 = arith.constant 48 : i32
          %add3A_218 = arith.addi %mul3A_156, %add3A_217 : i32
          %get3A_219 = arith.constant 1 : i32
          %get3A_220 = arith.index_cast %get3A_219 : i32 to index
          %get3A_221 = arith.index_cast %scan3A_133 : i32 to index
          %get3A_222 = arith.index_cast %add3A_218 : i32 to index
          %get3A_223 = tpu.vector_load %arg4[%get3A_220, %get3A_221, %get3A_222] {strides = array<i32>} : memref<2x8x4096xf32, #tpu.memory_space<vmem>>, vector<16xf32>,
          %sort3A_224 = arith.constant dense<true> : vector<16xi1>
          %sort3A_225, %sort3A_226, %sort3A_227 = tpu.sort %get3A_223, %get3A_223 masked %sort3A_224 : (vector<16xf32>, vector<16xf32>, vector<16xi1>) -> (vector<16xi1>, vector<16xf32>, vector<16xf32>)
          %rev3A_228 = arith.constant 15 : i32
          %rev3A_229 = vector.broadcast %rev3A_228 : i32 to vector<16xi32>
          %rev3A_230 = tpu.iota {dimensions = array<i32: 0>} : vector<16xi32>
          %rev3A_231 = arith.subi %rev3A_229, %rev3A_230 : vector<16xi32>
          %rev3A_232 = tpu.dynamic_gather %sort3A_226[%rev3A_231] in [0] : vector<16xf32>, vector<16xi32> -> vector<16xf32>
          %max3A_233 = arith.maximumf %sort3A_215, %rev3A_232 : vector<16xf32>
          %sort3A_234 = arith.constant dense<true> : vector<16xi1>
          %sort3A_235, %sort3A_236, %sort3A_237 = tpu.sort %max3A_233, %max3A_233 masked %sort3A_234 : (vector<16xf32>, vector<16xf32>, vector<16xi1>) -> (vector<16xi1>, vector<16xf32>, vector<16xf32>)
          %add3A_238 = arith.constant 64 : i32
          %add3A_239 = arith.addi %mul3A_156, %add3A_238 : i32
          %get3A_240 = arith.constant 1 : i32
          %get3A_241 = arith.index_cast %get3A_240 : i32 to index
          %get3A_242 = arith.index_cast %scan3A_133 : i32 to index
          %get3A_243 = arith.index_cast %add3A_239 : i32 to index
          %get3A_244 = tpu.vector_load %arg4[%get3A_241, %get3A_242, %get3A_243] {strides = array<i32>} : memref<2x8x4096xf32, #tpu.memory_space<vmem>>, vector<16xf32>,
          %sort3A_245 = arith.constant dense<true> : vector<16xi1>
          %sort3A_246, %sort3A_247, %sort3A_248 = tpu.sort %get3A_244, %get3A_244 masked %sort3A_245 : (vector<16xf32>, vector<16xf32>, vector<16xi1>) -> (vector<16xi1>, vector<16xf32>, vector<16xf32>)
          %rev3A_249 = arith.constant 15 : i32
          %rev3A_250 = vector.broadcast %rev3A_249 : i32 to vector<16xi32>
          %rev3A_251 = tpu.iota {dimensions = array<i32: 0>} : vector<16xi32>
          %rev3A_252 = arith.subi %rev3A_250, %rev3A_251 : vector<16xi32>
          %rev3A_253 = tpu.dynamic_gather %sort3A_247[%rev3A_252] in [0] : vector<16xf32>, vector<16xi32> -> vector<16xf32>
          %max3A_254 = arith.maximumf %sort3A_236, %rev3A_253 : vector<16xf32>
          %sort3A_255 = arith.constant dense<true> : vector<16xi1>
          %sort3A_256, %sort3A_257, %sort3A_258 = tpu.sort %max3A_254, %max3A_254 masked %sort3A_255 : (vector<16xf32>, vector<16xf32>, vector<16xi1>) -> (vector<16xi1>, vector<16xf32>, vector<16xf32>)
          %add3A_259 = arith.constant 80 : i32
          %add3A_260 = arith.addi %mul3A_156, %add3A_259 : i32
          %get3A_261 = arith.constant 1 : i32
          %get3A_262 = arith.index_cast %get3A_261 : i32 to index
          %get3A_263 = arith.index_cast %scan3A_133 : i32 to index
          %get3A_264 = arith.index_cast %add3A_260 : i32 to index
          %get3A_265 = tpu.vector_load %arg4[%get3A_262, %get3A_263, %get3A_264] {strides = array<i32>} : memref<2x8x4096xf32, #tpu.memory_space<vmem>>, vector<16xf32>,
          %sort3A_266 = arith.constant dense<true> : vector<16xi1>
          %sort3A_267, %sort3A_268, %sort3A_269 = tpu.sort %get3A_265, %get3A_265 masked %sort3A_266 : (vector<16xf32>, vector<16xf32>, vector<16xi1>) -> (vector<16xi1>, vector<16xf32>, vector<16xf32>)
          %rev3A_270 = arith.constant 15 : i32
          %rev3A_271 = vector.broadcast %rev3A_270 : i32 to vector<16xi32>
          %rev3A_272 = tpu.iota {dimensions = array<i32: 0>} : vector<16xi32>
          %rev3A_273 = arith.subi %rev3A_271, %rev3A_272 : vector<16xi32>
          %rev3A_274 = tpu.dynamic_gather %sort3A_268[%rev3A_273] in [0] : vector<16xf32>, vector<16xi32> -> vector<16xf32>
          %max3A_275 = arith.maximumf %sort3A_257, %rev3A_274 : vector<16xf32>
          %sort3A_276 = arith.constant dense<true> : vector<16xi1>
          %sort3A_277, %sort3A_278, %sort3A_279 = tpu.sort %max3A_275, %max3A_275 masked %sort3A_276 : (vector<16xf32>, vector<16xf32>, vector<16xi1>) -> (vector<16xi1>, vector<16xf32>, vector<16xf32>)
          %add3A_280 = arith.constant 96 : i32
          %add3A_281 = arith.addi %mul3A_156, %add3A_280 : i32
          %get3A_282 = arith.constant 1 : i32
          %get3A_283 = arith.index_cast %get3A_282 : i32 to index
          %get3A_284 = arith.index_cast %scan3A_133 : i32 to index
          %get3A_285 = arith.index_cast %add3A_281 : i32 to index
          %get3A_286 = tpu.vector_load %arg4[%get3A_283, %get3A_284, %get3A_285] {strides = array<i32>} : memref<2x8x4096xf32, #tpu.memory_space<vmem>>, vector<16xf32>,
          %sort3A_287 = arith.constant dense<true> : vector<16xi1>
          %sort3A_288, %sort3A_289, %sort3A_290 = tpu.sort %get3A_286, %get3A_286 masked %sort3A_287 : (vector<16xf32>, vector<16xf32>, vector<16xi1>) -> (vector<16xi1>, vector<16xf32>, vector<16xf32>)
          %rev3A_291 = arith.constant 15 : i32
          %rev3A_292 = vector.broadcast %rev3A_291 : i32 to vector<16xi32>
          %rev3A_293 = tpu.iota {dimensions = array<i32: 0>} : vector<16xi32>
          %rev3A_294 = arith.subi %rev3A_292, %rev3A_293 : vector<16xi32>
          %rev3A_295 = tpu.dynamic_gather %sort3A_289[%rev3A_294] in [0] : vector<16xf32>, vector<16xi32> -> vector<16xf32>
          %max3A_296 = arith.maximumf %sort3A_278, %rev3A_295 : vector<16xf32>
          %sort3A_297 = arith.constant dense<true> : vector<16xi1>
          %sort3A_298, %sort3A_299, %sort3A_300 = tpu.sort %max3A_296, %max3A_296 masked %sort3A_297 : (vector<16xf32>, vector<16xf32>, vector<16xi1>) -> (vector<16xi1>, vector<16xf32>, vector<16xf32>)
          %add3A_301 = arith.constant 112 : i32
          %add3A_302 = arith.addi %mul3A_156, %add3A_301 : i32
          %get3A_303 = arith.constant 1 : i32
          %get3A_304 = arith.index_cast %get3A_303 : i32 to index
          %get3A_305 = arith.index_cast %scan3A_133 : i32 to index
          %get3A_306 = arith.index_cast %add3A_302 : i32 to index
          %get3A_307 = tpu.vector_load %arg4[%get3A_304, %get3A_305, %get3A_306] {strides = array<i32>} : memref<2x8x4096xf32, #tpu.memory_space<vmem>>, vector<16xf32>,
          %sort3A_308 = arith.constant dense<true> : vector<16xi1>
          %sort3A_309, %sort3A_310, %sort3A_311 = tpu.sort %get3A_307, %get3A_307 masked %sort3A_308 : (vector<16xf32>, vector<16xf32>, vector<16xi1>) -> (vector<16xi1>, vector<16xf32>, vector<16xf32>)
          %rev3A_312 = arith.constant 15 : i32
          %rev3A_313 = vector.broadcast %rev3A_312 : i32 to vector<16xi32>
          %rev3A_314 = tpu.iota {dimensions = array<i32: 0>} : vector<16xi32>
          %rev3A_315 = arith.subi %rev3A_313, %rev3A_314 : vector<16xi32>
          %rev3A_316 = tpu.dynamic_gather %sort3A_310[%rev3A_315] in [0] : vector<16xf32>, vector<16xi32> -> vector<16xf32>
          %max3A_317 = arith.maximumf %sort3A_299, %rev3A_316 : vector<16xf32>
          %sort3A_318 = arith.constant dense<true> : vector<16xi1>
          %sort3A_319, %sort3A_320, %sort3A_321 = tpu.sort %max3A_317, %max3A_317 masked %sort3A_318 : (vector<16xf32>, vector<16xf32>, vector<16xi1>) -> (vector<16xi1>, vector<16xf32>, vector<16xf32>)
          scf.yield %sort3A_320 : vector<16xf32>
        }
        %scan3A_141 = arith.constant 32 : i32
        %rev3A = arith.constant 15 : i32
        %rev3A_142 = vector.broadcast %rev3A : i32 to vector<16xi32>
        %rev3A_143 = tpu.iota {dimensions = array<i32: 0>} : vector<16xi32>
        %rev3A_144 = arith.subi %rev3A_142, %rev3A_143 : vector<16xi32>
        %rev3A_145 = tpu.dynamic_gather %scan3A_140[%rev3A_144] in [0] : vector<16xf32>, vector<16xi32> -> vector<16xf32>
        %mul3A_146 = arith.constant 8 : i32
        %mul3A_147 = arith.muli %add3A_124, %mul3A_146 : i32
        %add3A_148 = arith.addi %mul3A_147, %scan3A_133 : i32
        %mul3A_149 = arith.constant 16 : i32
        %mul3A_150 = arith.muli %add3A_148, %mul3A_149 : i32
        %swap3A = arith.index_cast %mul3A_150 : i32 to index
        %swap3A_151 = tpu.vector_load %arg5[%swap3A] {strides = array<i32>} : memref<2048xf32, #tpu.memory_space<vmem>>, vector<16xf32>,
        tpu.vector_store %arg5[%swap3A], %rev3A_145 {strides = array<i32>} : memref<2048xf32, #tpu.memory_space<vmem>>, vector<16xf32>,
        %scan3A_152 = arith.constant 0 : i32
        scf.yield %scan3A_152 : i32
      }
      %scan3A_131 = arith.constant 8 : i32
      %scan3A_132 = arith.constant 0 : i32
      scf.yield %scan3A_132 : i32
    }
    %scan3A_25 = arith.constant 8 : i32
    %dma_wait3A = arith.constant 0 : i32
    %dma_wait3A_26 = arith.constant 0 : i32
    %dma_wait3A_27 = arith.constant 0 : i32
    %dma_wait3A_28 = tpu.memref_slice %arg4[%dma_wait3A, %dma_wait3A_26, %dma_wait3A_27] : memref<2x8x4096xf32, #tpu.memory_space<vmem>> -> memref<1x8x4096xf32, #tpu.memory_space<vmem>>
    %dma_wait3A_29 = tpu.memref_squeeze %dma_wait3A_28 : memref<1x8x4096xf32, #tpu.memory_space<vmem>> -> memref<8x4096xf32, #tpu.memory_space<vmem>>
    %dma_wait3A_30 = arith.constant 0 : i32
    %dma_wait3A_31 = arith.constant 0 : i32
    %dma_wait3A_32 = tpu.memref_slice %arg2[%dma_wait3A_30, %dma_wait3A_31] : memref<4096x4096xf32, #tpu.memory_space<hbm>> -> memref<8x4096xf32, #tpu.memory_space<hbm>>
    %dma_wait3A_33 = arith.constant 0 : i32
    %dma_wait3A_34 = arith.constant 0 : i32
    %dma_wait3A_35 = tpu.memref_slice %arg4[%dma_wait3A, %dma_wait3A_33, %dma_wait3A_34] : memref<2x8x4096xf32, #tpu.memory_space<vmem>> -> memref<1x8x4096xf32, #tpu.memory_space<vmem>>
    %dma_wait3A_36 = tpu.memref_squeeze %dma_wait3A_35 : memref<1x8x4096xf32, #tpu.memory_space<vmem>> -> memref<8x4096xf32, #tpu.memory_space<vmem>>
    %dma_wait3A_37 = arith.constant 0 : i32
    %dma_wait3A_38 = arith.constant 0 : i32
    %dma_wait3A_39 = tpu.memref_slice %arg2[%dma_wait3A_37, %dma_wait3A_38] : memref<4096x4096xf32, #tpu.memory_space<hbm>> -> memref<8x4096xf32, #tpu.memory_space<hbm>>
    tpu.wait_dma2 semaphore(%arg6 : memref<!tpu.dma_semaphore, #tpu.memory_space<semaphore_mem>>) src(%dma_wait3A_39 : memref<8x4096xf32, #tpu.memory_space<hbm>>) dst(%dma_wait3A_36 : memref<8x4096xf32, #tpu.memory_space<vmem>>)
    %mul3A_40 = arith.constant 16 : i32
    %mul3A_41 = arith.muli %mul3A_2, %mul3A_40 : i32
    "tpu.region"() ({
      %run_scoped3A = tpu.sem_alloc : memref<!tpu.dma_semaphore, #tpu.memory_space<semaphore_mem>>
      %dma_start3A_42 = tpu.memref_slice %arg3[%mul3A_41] : memref<65536xf32, #tpu.memory_space<hbm>> -> memref<2048xf32, #tpu.memory_space<hbm>>
      %dma_start3A_43 = tpu.memref_slice %arg3[%mul3A_41] : memref<65536xf32, #tpu.memory_space<hbm>> -> memref<2048xf32, #tpu.memory_space<hbm>>
      tpu.enqueue_dma source(%arg5 : memref<2048xf32, #tpu.memory_space<vmem>>) target(%dma_start3A_43 : memref<2048xf32, #tpu.memory_space<hbm>>) target_semaphore(%run_scoped3A : memref<!tpu.dma_semaphore, #tpu.memory_space<semaphore_mem>>)
      %dma_wait3A_44 = tpu.memref_slice %arg3[%mul3A_41] : memref<65536xf32, #tpu.memory_space<hbm>> -> memref<2048xf32, #tpu.memory_space<hbm>>
      %dma_wait3A_45 = tpu.memref_slice %arg3[%mul3A_41] : memref<65536xf32, #tpu.memory_space<hbm>> -> memref<2048xf32, #tpu.memory_space<hbm>>
      tpu.wait_dma2 semaphore(%run_scoped3A : memref<!tpu.dma_semaphore, #tpu.memory_space<semaphore_mem>>) src(%arg5 : memref<2048xf32, #tpu.memory_space<vmem>>) dst(%dma_wait3A_45 : memref<2048xf32, #tpu.memory_space<hbm>>)
      tpu.yield
    }) : () -> ()
    return
  }
}

#map = affine_map<(d0, d1) -> (0, 0)>
#map1 = affine_map<(d0, d1) -> (0)>
module attributes {stable_mosaic.version = 14 : i64} {
  func.func @_sc_topk_kernel(%arg0: i32, %arg1: i32, %arg2: memref<4096x4096xf32, #tpu.memory_space<hbm>>, %arg3: memref<65536xf32, #tpu.memory_space<hbm>>, %arg4: memref<2x8x4096xf32, #tpu.memory_space<vmem>>, %arg5: memref<2048xf32, #tpu.memory_space<vmem>>, %arg6: memref<!tpu.dma_semaphore, #tpu.memory_space<semaphore_mem>>, %arg7: memref<!tpu.dma_semaphore, #tpu.memory_space<semaphore_mem>>) attributes {dimension_semantics = [#tpu.dimension_semantics<core_parallel>, #tpu.dimension_semantics<subcore_parallel>], iteration_bounds = array<i64: 2, 16>, scalar_prefetch = 0 : i64, scratch_operands = 4 : i64, tpu.core_type = #tpu.core_type<sc_vector_subcore>, window_params = [{transform_indices = #map}, {transform_indices = #map1}]} {
    %mul3A = arith.constant 2 : i32
    %mul3A_0 = arith.muli %arg1, %mul3A : i32
    %add3A = arith.addi %mul3A_0, %arg0 : i32
    %mul3A_1 = arith.constant 128 : i32
    %mul3A_2 = arith.muli %add3A, %mul3A_1 : i32
    %min3A = arith.constant 0 : i32
    %min3A_3 = arith.constant 15 : i32
    %min3A_4 = arith.minsi %min3A, %min3A_3 : i32
    %mul3A_5 = arith.constant 8 : i32
    %mul3A_6 = arith.muli %min3A_4, %mul3A_5 : i32
    %add3A_7 = arith.addi %mul3A_2, %mul3A_6 : i32
    %dma_start3A = arith.constant 0 : i32
    %dma_start3A_8 = arith.constant 0 : i32
    %dma_start3A_9 = arith.constant 0 : i32
    %dma_start3A_10 = tpu.memref_slice %arg4[%dma_start3A, %dma_start3A_8, %dma_start3A_9] : memref<2x8x4096xf32, #tpu.memory_space<vmem>> -> memref<1x8x4096xf32, #tpu.memory_space<vmem>>
    %dma_start3A_11 = tpu.memref_squeeze %dma_start3A_10 : memref<1x8x4096xf32, #tpu.memory_space<vmem>> -> memref<8x4096xf32, #tpu.memory_space<vmem>>
    %dma_start3A_12 = arith.constant 0 : i32
    %dma_start3A_13 = tpu.memref_slice %arg2[%add3A_7, %dma_start3A_12] : memref<4096x4096xf32, #tpu.memory_space<hbm>> -> memref<8x4096xf32, #tpu.memory_space<hbm>>
    %dma_start3A_14 = arith.constant 0 : i32
    %dma_start3A_15 = arith.constant 0 : i32
    %dma_start3A_16 = tpu.memref_slice %arg4[%dma_start3A, %dma_start3A_14, %dma_start3A_15] : memref<2x8x4096xf32, #tpu.memory_space<vmem>> -> memref<1x8x4096xf32, #tpu.memory_space<vmem>>
    %dma_start3A_17 = tpu.memref_squeeze %dma_start3A_16 : memref<1x8x4096xf32, #tpu.memory_space<vmem>> -> memref<8x4096xf32, #tpu.memory_space<vmem>>
    %dma_start3A_18 = arith.constant 0 : i32
    %dma_start3A_19 = tpu.memref_slice %arg2[%add3A_7, %dma_start3A_18] : memref<4096x4096xf32, #tpu.memory_space<hbm>> -> memref<8x4096xf32, #tpu.memory_space<hbm>>
    tpu.enqueue_dma source(%dma_start3A_19 : memref<8x4096xf32, #tpu.memory_space<hbm>>) target(%dma_start3A_17 : memref<8x4096xf32, #tpu.memory_space<vmem>>) target_semaphore(%arg6 : memref<!tpu.dma_semaphore, #tpu.memory_space<semaphore_mem>>)
    %scan3A = arith.constant 0 : i32
    %scan3A_20 = arith.constant 0 : i32
    %scan3A_21 = arith.constant 8 : i32
    %scan3A_22 = arith.addi %scan3A_20, %scan3A_21 : i32
    %scan3A_23 = arith.constant 1 : i32
    %scan3A_24 = scf.for %scan3A_42 = %scan3A_20 to %scan3A_22 step %scan3A_23 iter_args(%scan3A_43 = %scan3A) -> (i32)  : i32 {
      %mul3A_44 = arith.constant 2 : i32
      %mul3A_45 = arith.muli %mul3A_44, %scan3A_42 : i32
      %add3A_46 = arith.constant 1 : i32
      %add3A_47 = arith.addi %mul3A_45, %add3A_46 : i32
      %min3A_48 = arith.constant 15 : i32
      %min3A_49 = arith.minsi %add3A_47, %min3A_48 : i32
      %mul3A_50 = arith.constant 8 : i32
      %mul3A_51 = arith.muli %min3A_49, %mul3A_50 : i32
      %add3A_52 = arith.addi %mul3A_2, %mul3A_51 : i32
      %dma_start3A_53 = arith.constant 1 : i32
      %dma_start3A_54 = arith.constant 0 : i32
      %dma_start3A_55 = arith.constant 0 : i32
      %dma_start3A_56 = tpu.memref_slice %arg4[%dma_start3A_53, %dma_start3A_54, %dma_start3A_55] : memref<2x8x4096xf32, #tpu.memory_space<vmem>> -> memref<1x8x4096xf32, #tpu.memory_space<vmem>>
      %dma_start3A_57 = tpu.memref_squeeze %dma_start3A_56 : memref<1x8x4096xf32, #tpu.memory_space<vmem>> -> memref<8x4096xf32, #tpu.memory_space<vmem>>
      %dma_start3A_58 = arith.constant 0 : i32
      %dma_start3A_59 = tpu.memref_slice %arg2[%add3A_52, %dma_start3A_58] : memref<4096x4096xf32, #tpu.memory_space<hbm>> -> memref<8x4096xf32, #tpu.memory_space<hbm>>
      %dma_start3A_60 = arith.constant 0 : i32
      %dma_start3A_61 = arith.constant 0 : i32
      %dma_start3A_62 = tpu.memref_slice %arg4[%dma_start3A_53, %dma_start3A_60, %dma_start3A_61] : memref<2x8x4096xf32, #tpu.memory_space<vmem>> -> memref<1x8x4096xf32, #tpu.memory_space<vmem>>
      %dma_start3A_63 = tpu.memref_squeeze %dma_start3A_62 : memref<1x8x4096xf32, #tpu.memory_space<vmem>> -> memref<8x4096xf32, #tpu.memory_space<vmem>>
      %dma_start3A_64 = arith.constant 0 : i32
      %dma_start3A_65 = tpu.memref_slice %arg2[%add3A_52, %dma_start3A_64] : memref<4096x4096xf32, #tpu.memory_space<hbm>> -> memref<8x4096xf32, #tpu.memory_space<hbm>>
      tpu.enqueue_dma source(%dma_start3A_65 : memref<8x4096xf32, #tpu.memory_space<hbm>>) target(%dma_start3A_63 : memref<8x4096xf32, #tpu.memory_space<vmem>>) target_semaphore(%arg7 : memref<!tpu.dma_semaphore, #tpu.memory_space<semaphore_mem>>)
      %dma_wait3A_66 = arith.constant 0 : i32
      %dma_wait3A_67 = arith.constant 0 : i32
      %dma_wait3A_68 = arith.constant 0 : i32
      %dma_wait3A_69 = tpu.memref_slice %arg4[%dma_wait3A_66, %dma_wait3A_67, %dma_wait3A_68] : memref<2x8x4096xf32, #tpu.memory_space<vmem>> -> memref<1x8x4096xf32, #tpu.memory_space<vmem>>
      %dma_wait3A_70 = tpu.memref_squeeze %dma_wait3A_69 : memref<1x8x4096xf32, #tpu.memory_space<vmem>> -> memref<8x4096xf32, #tpu.memory_space<vmem>>
      %dma_wait3A_71 = arith.constant 0 : i32
      %dma_wait3A_72 = arith.constant 0 : i32
      %dma_wait3A_73 = tpu.memref_slice %arg2[%dma_wait3A_71, %dma_wait3A_72] : memref<4096x4096xf32, #tpu.memory_space<hbm>> -> memref<8x4096xf32, #tpu.memory_space<hbm>>
      %dma_wait3A_74 = arith.constant 0 : i32
      %dma_wait3A_75 = arith.constant 0 : i32
      %dma_wait3A_76 = tpu.memref_slice %arg4[%dma_wait3A_66, %dma_wait3A_74, %dma_wait3A_75] : memref<2x8x4096xf32, #tpu.memory_space<vmem>> -> memref<1x8x4096xf32, #tpu.memory_space<vmem>>
      %dma_wait3A_77 = tpu.memref_squeeze %dma_wait3A_76 : memref<1x8x4096xf32, #tpu.memory_space<vmem>> -> memref<8x4096xf32, #tpu.memory_space<vmem>>
      %dma_wait3A_78 = arith.constant 0 : i32
      %dma_wait3A_79 = arith.constant 0 : i32
      %dma_wait3A_80 = tpu.memref_slice %arg2[%dma_wait3A_78, %dma_wait3A_79] : memref<4096x4096xf32, #tpu.memory_space<hbm>> -> memref<8x4096xf32, #tpu.memory_space<hbm>>
      tpu.wait_dma2 semaphore(%arg6 : memref<!tpu.dma_semaphore, #tpu.memory_space<semaphore_mem>>) src(%dma_wait3A_80 : memref<8x4096xf32, #tpu.memory_space<hbm>>) dst(%dma_wait3A_77 : memref<8x4096xf32, #tpu.memory_space<vmem>>)
      %scan3A_81 = arith.constant 0 : i32
      %scan3A_82 = arith.constant 0 : i32
      %scan3A_83 = arith.constant 8 : i32
      %scan3A_84 = arith.addi %scan3A_82, %scan3A_83 : i32
      %scan3A_85 = arith.constant 1 : i32
      %scan3A_86 = scf.for %scan3A_133 = %scan3A_82 to %scan3A_84 step %scan3A_85 iter_args(%scan3A_134 = %scan3A_81) -> (i32)  : i32 {
        %broadcast_in_dim3A = arith.constant 0xFF800000 : f32
        %broadcast_in_dim3A_135 = vector.broadcast %broadcast_in_dim3A : f32 to vector<16xf32>
        %scan3A_136 = arith.constant 0 : i32
        %scan3A_137 = arith.constant 32 : i32
        %scan3A_138 = arith.addi %scan3A_136, %scan3A_137 : i32
        %scan3A_139 = arith.constant 1 : i32
        %scan3A_140 = scf.for %scan3A_153 = %scan3A_136 to %scan3A_138 step %scan3A_139 iter_args(%scan3A_154 = %broadcast_in_dim3A_135) -> (vector<16xf32>)  : i32 {
          %mul3A_155 = arith.constant 128 : i32
          %mul3A_156 = arith.muli %scan3A_153, %mul3A_155 : i32
          %add3A_157 = arith.constant 0 : i32
          %add3A_158 = arith.addi %mul3A_156, %add3A_157 : i32
          %get3A = arith.constant 0 : i32
          %get3A_159 = arith.index_cast %get3A : i32 to index
          %get3A_160 = arith.index_cast %scan3A_133 : i32 to index
          %get3A_161 = arith.index_cast %add3A_158 : i32 to index
          %get3A_162 = tpu.vector_load %arg4[%get3A_159, %get3A_160, %get3A_161] {strides = array<i32>} : memref<2x8x4096xf32, #tpu.memory_space<vmem>>, vector<16xf32>,
          %sort3A = arith.constant dense<true> : vector<16xi1>
          %sort3A_163, %sort3A_164, %sort3A_165 = tpu.sort %get3A_162, %get3A_162 masked %sort3A : (vector<16xf32>, vector<16xf32>, vector<16xi1>) -> (vector<16xi1>, vector<16xf32>, vector<16xf32>)
          %rev3A_166 = arith.constant 15 : i32
          %rev3A_167 = vector.broadcast %rev3A_166 : i32 to vector<16xi32>
          %rev3A_168 = tpu.iota {dimensions = array<i32: 0>} : vector<16xi32>
          %rev3A_169 = arith.subi %rev3A_167, %rev3A_168 : vector<16xi32>
          %rev3A_170 = tpu.dynamic_gather %sort3A_164[%rev3A_169] in [0] : vector<16xf32>, vector<16xi32> -> vector<16xf32>
          %max3A = arith.maximumf %scan3A_154, %rev3A_170 : vector<16xf32>
          %sort3A_171 = arith.constant dense<true> : vector<16xi1>
          %sort3A_172, %sort3A_173, %sort3A_174 = tpu.sort %max3A, %max3A masked %sort3A_171 : (vector<16xf32>, vector<16xf32>, vector<16xi1>) -> (vector<16xi1>, vector<16xf32>, vector<16xf32>)
          %add3A_175 = arith.constant 16 : i32
          %add3A_176 = arith.addi %mul3A_156, %add3A_175 : i32
          %get3A_177 = arith.constant 0 : i32
          %get3A_178 = arith.index_cast %get3A_177 : i32 to index
          %get3A_179 = arith.index_cast %scan3A_133 : i32 to index
          %get3A_180 = arith.index_cast %add3A_176 : i32 to index
          %get3A_181 = tpu.vector_load %arg4[%get3A_178, %get3A_179, %get3A_180] {strides = array<i32>} : memref<2x8x4096xf32, #tpu.memory_space<vmem>>, vector<16xf32>,
          %sort3A_182 = arith.constant dense<true> : vector<16xi1>
          %sort3A_183, %sort3A_184, %sort3A_185 = tpu.sort %get3A_181, %get3A_181 masked %sort3A_182 : (vector<16xf32>, vector<16xf32>, vector<16xi1>) -> (vector<16xi1>, vector<16xf32>, vector<16xf32>)
          %rev3A_186 = arith.constant 15 : i32
          %rev3A_187 = vector.broadcast %rev3A_186 : i32 to vector<16xi32>
          %rev3A_188 = tpu.iota {dimensions = array<i32: 0>} : vector<16xi32>
          %rev3A_189 = arith.subi %rev3A_187, %rev3A_188 : vector<16xi32>
          %rev3A_190 = tpu.dynamic_gather %sort3A_184[%rev3A_189] in [0] : vector<16xf32>, vector<16xi32> -> vector<16xf32>
          %max3A_191 = arith.maximumf %sort3A_173, %rev3A_190 : vector<16xf32>
          %sort3A_192 = arith.constant dense<true> : vector<16xi1>
          %sort3A_193, %sort3A_194, %sort3A_195 = tpu.sort %max3A_191, %max3A_191 masked %sort3A_192 : (vector<16xf32>, vector<16xf32>, vector<16xi1>) -> (vector<16xi1>, vector<16xf32>, vector<16xf32>)
          %add3A_196 = arith.constant 32 : i32
          %add3A_197 = arith.addi %mul3A_156, %add3A_196 : i32
          %get3A_198 = arith.constant 0 : i32
          %get3A_199 = arith.index_cast %get3A_198 : i32 to index
          %get3A_200 = arith.index_cast %scan3A_133 : i32 to index
          %get3A_201 = arith.index_cast %add3A_197 : i32 to index
          %get3A_202 = tpu.vector_load %arg4[%get3A_199, %get3A_200, %get3A_201] {strides = array<i32>} : memref<2x8x4096xf32, #tpu.memory_space<vmem>>, vector<16xf32>,
          %sort3A_203 = arith.constant dense<true> : vector<16xi1>
          %sort3A_204, %sort3A_205, %sort3A_206 = tpu.sort %get3A_202, %get3A_202 masked %sort3A_203 : (vector<16xf32>, vector<16xf32>, vector<16xi1>) -> (vector<16xi1>, vector<16xf32>, vector<16xf32>)
          %rev3A_207 = arith.constant 15 : i32
          %rev3A_208 = vector.broadcast %rev3A_207 : i32 to vector<16xi32>
          %rev3A_209 = tpu.iota {dimensions = array<i32: 0>} : vector<16xi32>
          %rev3A_210 = arith.subi %rev3A_208, %rev3A_209 : vector<16xi32>
          %rev3A_211 = tpu.dynamic_gather %sort3A_205[%rev3A_210] in [0] : vector<16xf32>, vector<16xi32> -> vector<16xf32>
          %max3A_212 = arith.maximumf %sort3A_194, %rev3A_211 : vector<16xf32>
          %sort3A_213 = arith.constant dense<true> : vector<16xi1>
          %sort3A_214, %sort3A_215, %sort3A_216 = tpu.sort %max3A_212, %max3A_212 masked %sort3A_213 : (vector<16xf32>, vector<16xf32>, vector<16xi1>) -> (vector<16xi1>, vector<16xf32>, vector<16xf32>)
          %add3A_217 = arith.constant 48 : i32
          %add3A_218 = arith.addi %mul3A_156, %add3A_217 : i32
          %get3A_219 = arith.constant 0 : i32
          %get3A_220 = arith.index_cast %get3A_219 : i32 to index
          %get3A_221 = arith.index_cast %scan3A_133 : i32 to index
          %get3A_222 = arith.index_cast %add3A_218 : i32 to index
          %get3A_223 = tpu.vector_load %arg4[%get3A_220, %get3A_221, %get3A_222] {strides = array<i32>} : memref<2x8x4096xf32, #tpu.memory_space<vmem>>, vector<16xf32>,
          %sort3A_224 = arith.constant dense<true> : vector<16xi1>
          %sort3A_225, %sort3A_226, %sort3A_227 = tpu.sort %get3A_223, %get3A_223 masked %sort3A_224 : (vector<16xf32>, vector<16xf32>, vector<16xi1>) -> (vector<16xi1>, vector<16xf32>, vector<16xf32>)
          %rev3A_228 = arith.constant 15 : i32
          %rev3A_229 = vector.broadcast %rev3A_228 : i32 to vector<16xi32>
          %rev3A_230 = tpu.iota {dimensions = array<i32: 0>} : vector<16xi32>
          %rev3A_231 = arith.subi %rev3A_229, %rev3A_230 : vector<16xi32>
          %rev3A_232 = tpu.dynamic_gather %sort3A_226[%rev3A_231] in [0] : vector<16xf32>, vector<16xi32> -> vector<16xf32>
          %max3A_233 = arith.maximumf %sort3A_215, %rev3A_232 : vector<16xf32>
          %sort3A_234 = arith.constant dense<true> : vector<16xi1>
          %sort3A_235, %sort3A_236, %sort3A_237 = tpu.sort %max3A_233, %max3A_233 masked %sort3A_234 : (vector<16xf32>, vector<16xf32>, vector<16xi1>) -> (vector<16xi1>, vector<16xf32>, vector<16xf32>)
          %add3A_238 = arith.constant 64 : i32
          %add3A_239 = arith.addi %mul3A_156, %add3A_238 : i32
          %get3A_240 = arith.constant 0 : i32
          %get3A_241 = arith.index_cast %get3A_240 : i32 to index
          %get3A_242 = arith.index_cast %scan3A_133 : i32 to index
          %get3A_243 = arith.index_cast %add3A_239 : i32 to index
          %get3A_244 = tpu.vector_load %arg4[%get3A_241, %get3A_242, %get3A_243] {strides = array<i32>} : memref<2x8x4096xf32, #tpu.memory_space<vmem>>, vector<16xf32>,
          %sort3A_245 = arith.constant dense<true> : vector<16xi1>
          %sort3A_246, %sort3A_247, %sort3A_248 = tpu.sort %get3A_244, %get3A_244 masked %sort3A_245 : (vector<16xf32>, vector<16xf32>, vector<16xi1>) -> (vector<16xi1>, vector<16xf32>, vector<16xf32>)
          %rev3A_249 = arith.constant 15 : i32
          %rev3A_250 = vector.broadcast %rev3A_249 : i32 to vector<16xi32>
          %rev3A_251 = tpu.iota {dimensions = array<i32: 0>} : vector<16xi32>
          %rev3A_252 = arith.subi %rev3A_250, %rev3A_251 : vector<16xi32>
          %rev3A_253 = tpu.dynamic_gather %sort3A_247[%rev3A_252] in [0] : vector<16xf32>, vector<16xi32> -> vector<16xf32>
          %max3A_254 = arith.maximumf %sort3A_236, %rev3A_253 : vector<16xf32>
          %sort3A_255 = arith.constant dense<true> : vector<16xi1>
          %sort3A_256, %sort3A_257, %sort3A_258 = tpu.sort %max3A_254, %max3A_254 masked %sort3A_255 : (vector<16xf32>, vector<16xf32>, vector<16xi1>) -> (vector<16xi1>, vector<16xf32>, vector<16xf32>)
          %add3A_259 = arith.constant 80 : i32
          %add3A_260 = arith.addi %mul3A_156, %add3A_259 : i32
          %get3A_261 = arith.constant 0 : i32
          %get3A_262 = arith.index_cast %get3A_261 : i32 to index
          %get3A_263 = arith.index_cast %scan3A_133 : i32 to index
          %get3A_264 = arith.index_cast %add3A_260 : i32 to index
          %get3A_265 = tpu.vector_load %arg4[%get3A_262, %get3A_263, %get3A_264] {strides = array<i32>} : memref<2x8x4096xf32, #tpu.memory_space<vmem>>, vector<16xf32>,
          %sort3A_266 = arith.constant dense<true> : vector<16xi1>
          %sort3A_267, %sort3A_268, %sort3A_269 = tpu.sort %get3A_265, %get3A_265 masked %sort3A_266 : (vector<16xf32>, vector<16xf32>, vector<16xi1>) -> (vector<16xi1>, vector<16xf32>, vector<16xf32>)
          %rev3A_270 = arith.constant 15 : i32
          %rev3A_271 = vector.broadcast %rev3A_270 : i32 to vector<16xi32>
          %rev3A_272 = tpu.iota {dimensions = array<i32: 0>} : vector<16xi32>
          %rev3A_273 = arith.subi %rev3A_271, %rev3A_272 : vector<16xi32>
          %rev3A_274 = tpu.dynamic_gather %sort3A_268[%rev3A_273] in [0] : vector<16xf32>, vector<16xi32> -> vector<16xf32>
          %max3A_275 = arith.maximumf %sort3A_257, %rev3A_274 : vector<16xf32>
          %sort3A_276 = arith.constant dense<true> : vector<16xi1>
          %sort3A_277, %sort3A_278, %sort3A_279 = tpu.sort %max3A_275, %max3A_275 masked %sort3A_276 : (vector<16xf32>, vector<16xf32>, vector<16xi1>) -> (vector<16xi1>, vector<16xf32>, vector<16xf32>)
          %add3A_280 = arith.constant 96 : i32
          %add3A_281 = arith.addi %mul3A_156, %add3A_280 : i32
          %get3A_282 = arith.constant 0 : i32
          %get3A_283 = arith.index_cast %get3A_282 : i32 to index
          %get3A_284 = arith.index_cast %scan3A_133 : i32 to index
          %get3A_285 = arith.index_cast %add3A_281 : i32 to index
          %get3A_286 = tpu.vector_load %arg4[%get3A_283, %get3A_284, %get3A_285] {strides = array<i32>} : memref<2x8x4096xf32, #tpu.memory_space<vmem>>, vector<16xf32>,
          %sort3A_287 = arith.constant dense<true> : vector<16xi1>
          %sort3A_288, %sort3A_289, %sort3A_290 = tpu.sort %get3A_286, %get3A_286 masked %sort3A_287 : (vector<16xf32>, vector<16xf32>, vector<16xi1>) -> (vector<16xi1>, vector<16xf32>, vector<16xf32>)
          %rev3A_291 = arith.constant 15 : i32
          %rev3A_292 = vector.broadcast %rev3A_291 : i32 to vector<16xi32>
          %rev3A_293 = tpu.iota {dimensions = array<i32: 0>} : vector<16xi32>
          %rev3A_294 = arith.subi %rev3A_292, %rev3A_293 : vector<16xi32>
          %rev3A_295 = tpu.dynamic_gather %sort3A_289[%rev3A_294] in [0] : vector<16xf32>, vector<16xi32> -> vector<16xf32>
          %max3A_296 = arith.maximumf %sort3A_278, %rev3A_295 : vector<16xf32>
          %sort3A_297 = arith.constant dense<true> : vector<16xi1>
          %sort3A_298, %sort3A_299, %sort3A_300 = tpu.sort %max3A_296, %max3A_296 masked %sort3A_297 : (vector<16xf32>, vector<16xf32>, vector<16xi1>) -> (vector<16xi1>, vector<16xf32>, vector<16xf32>)
          %add3A_301 = arith.constant 112 : i32
          %add3A_302 = arith.addi %mul3A_156, %add3A_301 : i32
          %get3A_303 = arith.constant 0 : i32
          %get3A_304 = arith.index_cast %get3A_303 : i32 to index
          %get3A_305 = arith.index_cast %scan3A_133 : i32 to index
          %get3A_306 = arith.index_cast %add3A_302 : i32 to index
          %get3A_307 = tpu.vector_load %arg4[%get3A_304, %get3A_305, %get3A_306] {strides = array<i32>} : memref<2x8x4096xf32, #tpu.memory_space<vmem>>, vector<16xf32>,
          %sort3A_308 = arith.constant dense<true> : vector<16xi1>
          %sort3A_309, %sort3A_310, %sort3A_311 = tpu.sort %get3A_307, %get3A_307 masked %sort3A_308 : (vector<16xf32>, vector<16xf32>, vector<16xi1>) -> (vector<16xi1>, vector<16xf32>, vector<16xf32>)
          %rev3A_312 = arith.constant 15 : i32
          %rev3A_313 = vector.broadcast %rev3A_312 : i32 to vector<16xi32>
          %rev3A_314 = tpu.iota {dimensions = array<i32: 0>} : vector<16xi32>
          %rev3A_315 = arith.subi %rev3A_313, %rev3A_314 : vector<16xi32>
          %rev3A_316 = tpu.dynamic_gather %sort3A_310[%rev3A_315] in [0] : vector<16xf32>, vector<16xi32> -> vector<16xf32>
          %max3A_317 = arith.maximumf %sort3A_299, %rev3A_316 : vector<16xf32>
          %sort3A_318 = arith.constant dense<true> : vector<16xi1>
          %sort3A_319, %sort3A_320, %sort3A_321 = tpu.sort %max3A_317, %max3A_317 masked %sort3A_318 : (vector<16xf32>, vector<16xf32>, vector<16xi1>) -> (vector<16xi1>, vector<16xf32>, vector<16xf32>)
          scf.yield %sort3A_320 : vector<16xf32>
        }
        %scan3A_141 = arith.constant 32 : i32
        %rev3A = arith.constant 15 : i32
        %rev3A_142 = vector.broadcast %rev3A : i32 to vector<16xi32>
        %rev3A_143 = tpu.iota {dimensions = array<i32: 0>} : vector<16xi32>
        %rev3A_144 = arith.subi %rev3A_142, %rev3A_143 : vector<16xi32>
        %rev3A_145 = tpu.dynamic_gather %scan3A_140[%rev3A_144] in [0] : vector<16xf32>, vector<16xi32> -> vector<16xf32>
        %mul3A_146 = arith.constant 8 : i32
        %mul3A_147 = arith.muli %mul3A_45, %mul3A_146 : i32
        %add3A_148 = arith.addi %mul3A_147, %scan3A_133 : i32
        %mul3A_149 = arith.constant 16 : i32
        %mul3A_150 = arith.muli %add3A_148, %mul3A_149 : i32
        %swap3A = arith.index_cast %mul3A_150 : i32 to index
        %swap3A_151 = tpu.vector_load %arg5[%swap3A] {strides = array<i32>} : memref<2048xf32, #tpu.memory_space<vmem>>, vector<16xf32>,
        tpu.vector_store %arg5[%swap3A], %rev3A_145 {strides = array<i32>} : memref<2048xf32, #tpu.memory_space<vmem>>, vector<16xf32>,
        %scan3A_152 = arith.constant 0 : i32
        scf.yield %scan3A_152 : i32
      }
      %scan3A_87 = arith.constant 8 : i32
      %add3A_88 = arith.constant 2 : i32
      %add3A_89 = arith.addi %mul3A_45, %add3A_88 : i32
      %min3A_90 = arith.constant 15 : i32
      %min3A_91 = arith.minsi %add3A_89, %min3A_90 : i32
      %mul3A_92 = arith.constant 8 : i32
      %mul3A_93 = arith.muli %min3A_91, %mul3A_92 : i32
      %add3A_94 = arith.addi %mul3A_2, %mul3A_93 : i32
      %dma_start3A_95 = arith.constant 0 : i32
      %dma_start3A_96 = arith.constant 0 : i32
      %dma_start3A_97 = arith.constant 0 : i32
      %dma_start3A_98 = tpu.memref_slice %arg4[%dma_start3A_95, %dma_start3A_96, %dma_start3A_97] : memref<2x8x4096xf32, #tpu.memory_space<vmem>> -> memref<1x8x4096xf32, #tpu.memory_space<vmem>>
      %dma_start3A_99 = tpu.memref_squeeze %dma_start3A_98 : memref<1x8x4096xf32, #tpu.memory_space<vmem>> -> memref<8x4096xf32, #tpu.memory_space<vmem>>
      %dma_start3A_100 = arith.constant 0 : i32
      %dma_start3A_101 = tpu.memref_slice %arg2[%add3A_94, %dma_start3A_100] : memref<4096x4096xf32, #tpu.memory_space<hbm>> -> memref<8x4096xf32, #tpu.memory_space<hbm>>
      %dma_start3A_102 = arith.constant 0 : i32
      %dma_start3A_103 = arith.constant 0 : i32
      %dma_start3A_104 = tpu.memref_slice %arg4[%dma_start3A_95, %dma_start3A_102, %dma_start3A_103] : memref<2x8x4096xf32, #tpu.memory_space<vmem>> -> memref<1x8x4096xf32, #tpu.memory_space<vmem>>
      %dma_start3A_105 = tpu.memref_squeeze %dma_start3A_104 : memref<1x8x4096xf32, #tpu.memory_space<vmem>> -> memref<8x4096xf32, #tpu.memory_space<vmem>>
      %dma_start3A_106 = arith.constant 0 : i32
      %dma_start3A_107 = tpu.memref_slice %arg2[%add3A_94, %dma_start3A_106] : memref<4096x4096xf32, #tpu.memory_space<hbm>> -> memref<8x4096xf32, #tpu.memory_space<hbm>>
      tpu.enqueue_dma source(%dma_start3A_107 : memref<8x4096xf32, #tpu.memory_space<hbm>>) target(%dma_start3A_105 : memref<8x4096xf32, #tpu.memory_space<vmem>>) target_semaphore(%arg6 : memref<!tpu.dma_semaphore, #tpu.memory_space<semaphore_mem>>)
      %dma_wait3A_108 = arith.constant 1 : i32
      %dma_wait3A_109 = arith.constant 0 : i32
      %dma_wait3A_110 = arith.constant 0 : i32
      %dma_wait3A_111 = tpu.memref_slice %arg4[%dma_wait3A_108, %dma_wait3A_109, %dma_wait3A_110] : memref<2x8x4096xf32, #tpu.memory_space<vmem>> -> memref<1x8x4096xf32, #tpu.memory_space<vmem>>
      %dma_wait3A_112 = tpu.memref_squeeze %dma_wait3A_111 : memref<1x8x4096xf32, #tpu.memory_space<vmem>> -> memref<8x4096xf32, #tpu.memory_space<vmem>>
      %dma_wait3A_113 = arith.constant 0 : i32
      %dma_wait3A_114 = arith.constant 0 : i32
      %dma_wait3A_115 = tpu.memref_slice %arg2[%dma_wait3A_113, %dma_wait3A_114] : memref<4096x4096xf32, #tpu.memory_space<hbm>> -> memref<8x4096xf32, #tpu.memory_space<hbm>>
      %dma_wait3A_116 = arith.constant 0 : i32
      %dma_wait3A_117 = arith.constant 0 : i32
      %dma_wait3A_118 = tpu.memref_slice %arg4[%dma_wait3A_108, %dma_wait3A_116, %dma_wait3A_117] : memref<2x8x4096xf32, #tpu.memory_space<vmem>> -> memref<1x8x4096xf32, #tpu.memory_space<vmem>>
      %dma_wait3A_119 = tpu.memref_squeeze %dma_wait3A_118 : memref<1x8x4096xf32, #tpu.memory_space<vmem>> -> memref<8x4096xf32, #tpu.memory_space<vmem>>
      %dma_wait3A_120 = arith.constant 0 : i32
      %dma_wait3A_121 = arith.constant 0 : i32
      %dma_wait3A_122 = tpu.memref_slice %arg2[%dma_wait3A_120, %dma_wait3A_121] : memref<4096x4096xf32, #tpu.memory_space<hbm>> -> memref<8x4096xf32, #tpu.memory_space<hbm>>
      tpu.wait_dma2 semaphore(%arg7 : memref<!tpu.dma_semaphore, #tpu.memory_space<semaphore_mem>>) src(%dma_wait3A_122 : memref<8x4096xf32, #tpu.memory_space<hbm>>) dst(%dma_wait3A_119 : memref<8x4096xf32, #tpu.memory_space<vmem>>)
      %add3A_123 = arith.constant 1 : i32
      %add3A_124 = arith.addi %mul3A_45, %add3A_123 : i32
      %scan3A_125 = arith.constant 0 : i32
      %scan3A_126 = arith.constant 0 : i32
      %scan3A_127 = arith.constant 8 : i32
      %scan3A_128 = arith.addi %scan3A_126, %scan3A_127 : i32
      %scan3A_129 = arith.constant 1 : i32
      %scan3A_130 = scf.for %scan3A_133 = %scan3A_126 to %scan3A_128 step %scan3A_129 iter_args(%scan3A_134 = %scan3A_125) -> (i32)  : i32 {
        %broadcast_in_dim3A = arith.constant 0xFF800000 : f32
        %broadcast_in_dim3A_135 = vector.broadcast %broadcast_in_dim3A : f32 to vector<16xf32>
        %scan3A_136 = arith.constant 0 : i32
        %scan3A_137 = arith.constant 32 : i32
        %scan3A_138 = arith.addi %scan3A_136, %scan3A_137 : i32
        %scan3A_139 = arith.constant 1 : i32
        %scan3A_140 = scf.for %scan3A_153 = %scan3A_136 to %scan3A_138 step %scan3A_139 iter_args(%scan3A_154 = %broadcast_in_dim3A_135) -> (vector<16xf32>)  : i32 {
          %mul3A_155 = arith.constant 128 : i32
          %mul3A_156 = arith.muli %scan3A_153, %mul3A_155 : i32
          %add3A_157 = arith.constant 0 : i32
          %add3A_158 = arith.addi %mul3A_156, %add3A_157 : i32
          %get3A = arith.constant 1 : i32
          %get3A_159 = arith.index_cast %get3A : i32 to index
          %get3A_160 = arith.index_cast %scan3A_133 : i32 to index
          %get3A_161 = arith.index_cast %add3A_158 : i32 to index
          %get3A_162 = tpu.vector_load %arg4[%get3A_159, %get3A_160, %get3A_161] {strides = array<i32>} : memref<2x8x4096xf32, #tpu.memory_space<vmem>>, vector<16xf32>,
          %sort3A = arith.constant dense<true> : vector<16xi1>
          %sort3A_163, %sort3A_164, %sort3A_165 = tpu.sort %get3A_162, %get3A_162 masked %sort3A : (vector<16xf32>, vector<16xf32>, vector<16xi1>) -> (vector<16xi1>, vector<16xf32>, vector<16xf32>)
          %rev3A_166 = arith.constant 15 : i32
          %rev3A_167 = vector.broadcast %rev3A_166 : i32 to vector<16xi32>
          %rev3A_168 = tpu.iota {dimensions = array<i32: 0>} : vector<16xi32>
          %rev3A_169 = arith.subi %rev3A_167, %rev3A_168 : vector<16xi32>
          %rev3A_170 = tpu.dynamic_gather %sort3A_164[%rev3A_169] in [0] : vector<16xf32>, vector<16xi32> -> vector<16xf32>
          %max3A = arith.maximumf %scan3A_154, %rev3A_170 : vector<16xf32>
          %sort3A_171 = arith.constant dense<true> : vector<16xi1>
          %sort3A_172, %sort3A_173, %sort3A_174 = tpu.sort %max3A, %max3A masked %sort3A_171 : (vector<16xf32>, vector<16xf32>, vector<16xi1>) -> (vector<16xi1>, vector<16xf32>, vector<16xf32>)
          %add3A_175 = arith.constant 16 : i32
          %add3A_176 = arith.addi %mul3A_156, %add3A_175 : i32
          %get3A_177 = arith.constant 1 : i32
          %get3A_178 = arith.index_cast %get3A_177 : i32 to index
          %get3A_179 = arith.index_cast %scan3A_133 : i32 to index
          %get3A_180 = arith.index_cast %add3A_176 : i32 to index
          %get3A_181 = tpu.vector_load %arg4[%get3A_178, %get3A_179, %get3A_180] {strides = array<i32>} : memref<2x8x4096xf32, #tpu.memory_space<vmem>>, vector<16xf32>,
          %sort3A_182 = arith.constant dense<true> : vector<16xi1>
          %sort3A_183, %sort3A_184, %sort3A_185 = tpu.sort %get3A_181, %get3A_181 masked %sort3A_182 : (vector<16xf32>, vector<16xf32>, vector<16xi1>) -> (vector<16xi1>, vector<16xf32>, vector<16xf32>)
          %rev3A_186 = arith.constant 15 : i32
          %rev3A_187 = vector.broadcast %rev3A_186 : i32 to vector<16xi32>
          %rev3A_188 = tpu.iota {dimensions = array<i32: 0>} : vector<16xi32>
          %rev3A_189 = arith.subi %rev3A_187, %rev3A_188 : vector<16xi32>
          %rev3A_190 = tpu.dynamic_gather %sort3A_184[%rev3A_189] in [0] : vector<16xf32>, vector<16xi32> -> vector<16xf32>
          %max3A_191 = arith.maximumf %sort3A_173, %rev3A_190 : vector<16xf32>
          %sort3A_192 = arith.constant dense<true> : vector<16xi1>
          %sort3A_193, %sort3A_194, %sort3A_195 = tpu.sort %max3A_191, %max3A_191 masked %sort3A_192 : (vector<16xf32>, vector<16xf32>, vector<16xi1>) -> (vector<16xi1>, vector<16xf32>, vector<16xf32>)
          %add3A_196 = arith.constant 32 : i32
          %add3A_197 = arith.addi %mul3A_156, %add3A_196 : i32
          %get3A_198 = arith.constant 1 : i32
          %get3A_199 = arith.index_cast %get3A_198 : i32 to index
          %get3A_200 = arith.index_cast %scan3A_133 : i32 to index
          %get3A_201 = arith.index_cast %add3A_197 : i32 to index
          %get3A_202 = tpu.vector_load %arg4[%get3A_199, %get3A_200, %get3A_201] {strides = array<i32>} : memref<2x8x4096xf32, #tpu.memory_space<vmem>>, vector<16xf32>,
          %sort3A_203 = arith.constant dense<true> : vector<16xi1>
          %sort3A_204, %sort3A_205, %sort3A_206 = tpu.sort %get3A_202, %get3A_202 masked %sort3A_203 : (vector<16xf32>, vector<16xf32>, vector<16xi1>) -> (vector<16xi1>, vector<16xf32>, vector<16xf32>)
          %rev3A_207 = arith.constant 15 : i32
          %rev3A_208 = vector.broadcast %rev3A_207 : i32 to vector<16xi32>
          %rev3A_209 = tpu.iota {dimensions = array<i32: 0>} : vector<16xi32>
          %rev3A_210 = arith.subi %rev3A_208, %rev3A_209 : vector<16xi32>
          %rev3A_211 = tpu.dynamic_gather %sort3A_205[%rev3A_210] in [0] : vector<16xf32>, vector<16xi32> -> vector<16xf32>
          %max3A_212 = arith.maximumf %sort3A_194, %rev3A_211 : vector<16xf32>
          %sort3A_213 = arith.constant dense<true> : vector<16xi1>
          %sort3A_214, %sort3A_215, %sort3A_216 = tpu.sort %max3A_212, %max3A_212 masked %sort3A_213 : (vector<16xf32>, vector<16xf32>, vector<16xi1>) -> (vector<16xi1>, vector<16xf32>, vector<16xf32>)
          %add3A_217 = arith.constant 48 : i32
          %add3A_218 = arith.addi %mul3A_156, %add3A_217 : i32
          %get3A_219 = arith.constant 1 : i32
          %get3A_220 = arith.index_cast %get3A_219 : i32 to index
          %get3A_221 = arith.index_cast %scan3A_133 : i32 to index
          %get3A_222 = arith.index_cast %add3A_218 : i32 to index
          %get3A_223 = tpu.vector_load %arg4[%get3A_220, %get3A_221, %get3A_222] {strides = array<i32>} : memref<2x8x4096xf32, #tpu.memory_space<vmem>>, vector<16xf32>,
          %sort3A_224 = arith.constant dense<true> : vector<16xi1>
          %sort3A_225, %sort3A_226, %sort3A_227 = tpu.sort %get3A_223, %get3A_223 masked %sort3A_224 : (vector<16xf32>, vector<16xf32>, vector<16xi1>) -> (vector<16xi1>, vector<16xf32>, vector<16xf32>)
          %rev3A_228 = arith.constant 15 : i32
          %rev3A_229 = vector.broadcast %rev3A_228 : i32 to vector<16xi32>
          %rev3A_230 = tpu.iota {dimensions = array<i32: 0>} : vector<16xi32>
          %rev3A_231 = arith.subi %rev3A_229, %rev3A_230 : vector<16xi32>
          %rev3A_232 = tpu.dynamic_gather %sort3A_226[%rev3A_231] in [0] : vector<16xf32>, vector<16xi32> -> vector<16xf32>
          %max3A_233 = arith.maximumf %sort3A_215, %rev3A_232 : vector<16xf32>
          %sort3A_234 = arith.constant dense<true> : vector<16xi1>
          %sort3A_235, %sort3A_236, %sort3A_237 = tpu.sort %max3A_233, %max3A_233 masked %sort3A_234 : (vector<16xf32>, vector<16xf32>, vector<16xi1>) -> (vector<16xi1>, vector<16xf32>, vector<16xf32>)
          %add3A_238 = arith.constant 64 : i32
          %add3A_239 = arith.addi %mul3A_156, %add3A_238 : i32
          %get3A_240 = arith.constant 1 : i32
          %get3A_241 = arith.index_cast %get3A_240 : i32 to index
          %get3A_242 = arith.index_cast %scan3A_133 : i32 to index
          %get3A_243 = arith.index_cast %add3A_239 : i32 to index
          %get3A_244 = tpu.vector_load %arg4[%get3A_241, %get3A_242, %get3A_243] {strides = array<i32>} : memref<2x8x4096xf32, #tpu.memory_space<vmem>>, vector<16xf32>,
          %sort3A_245 = arith.constant dense<true> : vector<16xi1>
          %sort3A_246, %sort3A_247, %sort3A_248 = tpu.sort %get3A_244, %get3A_244 masked %sort3A_245 : (vector<16xf32>, vector<16xf32>, vector<16xi1>) -> (vector<16xi1>, vector<16xf32>, vector<16xf32>)
          %rev3A_249 = arith.constant 15 : i32
          %rev3A_250 = vector.broadcast %rev3A_249 : i32 to vector<16xi32>
          %rev3A_251 = tpu.iota {dimensions = array<i32: 0>} : vector<16xi32>
          %rev3A_252 = arith.subi %rev3A_250, %rev3A_251 : vector<16xi32>
          %rev3A_253 = tpu.dynamic_gather %sort3A_247[%rev3A_252] in [0] : vector<16xf32>, vector<16xi32> -> vector<16xf32>
          %max3A_254 = arith.maximumf %sort3A_236, %rev3A_253 : vector<16xf32>
          %sort3A_255 = arith.constant dense<true> : vector<16xi1>
          %sort3A_256, %sort3A_257, %sort3A_258 = tpu.sort %max3A_254, %max3A_254 masked %sort3A_255 : (vector<16xf32>, vector<16xf32>, vector<16xi1>) -> (vector<16xi1>, vector<16xf32>, vector<16xf32>)
          %add3A_259 = arith.constant 80 : i32
          %add3A_260 = arith.addi %mul3A_156, %add3A_259 : i32
          %get3A_261 = arith.constant 1 : i32
          %get3A_262 = arith.index_cast %get3A_261 : i32 to index
          %get3A_263 = arith.index_cast %scan3A_133 : i32 to index
          %get3A_264 = arith.index_cast %add3A_260 : i32 to index
          %get3A_265 = tpu.vector_load %arg4[%get3A_262, %get3A_263, %get3A_264] {strides = array<i32>} : memref<2x8x4096xf32, #tpu.memory_space<vmem>>, vector<16xf32>,
          %sort3A_266 = arith.constant dense<true> : vector<16xi1>
          %sort3A_267, %sort3A_268, %sort3A_269 = tpu.sort %get3A_265, %get3A_265 masked %sort3A_266 : (vector<16xf32>, vector<16xf32>, vector<16xi1>) -> (vector<16xi1>, vector<16xf32>, vector<16xf32>)
          %rev3A_270 = arith.constant 15 : i32
          %rev3A_271 = vector.broadcast %rev3A_270 : i32 to vector<16xi32>
          %rev3A_272 = tpu.iota {dimensions = array<i32: 0>} : vector<16xi32>
          %rev3A_273 = arith.subi %rev3A_271, %rev3A_272 : vector<16xi32>
          %rev3A_274 = tpu.dynamic_gather %sort3A_268[%rev3A_273] in [0] : vector<16xf32>, vector<16xi32> -> vector<16xf32>
          %max3A_275 = arith.maximumf %sort3A_257, %rev3A_274 : vector<16xf32>
          %sort3A_276 = arith.constant dense<true> : vector<16xi1>
          %sort3A_277, %sort3A_278, %sort3A_279 = tpu.sort %max3A_275, %max3A_275 masked %sort3A_276 : (vector<16xf32>, vector<16xf32>, vector<16xi1>) -> (vector<16xi1>, vector<16xf32>, vector<16xf32>)
          %add3A_280 = arith.constant 96 : i32
          %add3A_281 = arith.addi %mul3A_156, %add3A_280 : i32
          %get3A_282 = arith.constant 1 : i32
          %get3A_283 = arith.index_cast %get3A_282 : i32 to index
          %get3A_284 = arith.index_cast %scan3A_133 : i32 to index
          %get3A_285 = arith.index_cast %add3A_281 : i32 to index
          %get3A_286 = tpu.vector_load %arg4[%get3A_283, %get3A_284, %get3A_285] {strides = array<i32>} : memref<2x8x4096xf32, #tpu.memory_space<vmem>>, vector<16xf32>,
          %sort3A_287 = arith.constant dense<true> : vector<16xi1>
          %sort3A_288, %sort3A_289, %sort3A_290 = tpu.sort %get3A_286, %get3A_286 masked %sort3A_287 : (vector<16xf32>, vector<16xf32>, vector<16xi1>) -> (vector<16xi1>, vector<16xf32>, vector<16xf32>)
          %rev3A_291 = arith.constant 15 : i32
          %rev3A_292 = vector.broadcast %rev3A_291 : i32 to vector<16xi32>
          %rev3A_293 = tpu.iota {dimensions = array<i32: 0>} : vector<16xi32>
          %rev3A_294 = arith.subi %rev3A_292, %rev3A_293 : vector<16xi32>
          %rev3A_295 = tpu.dynamic_gather %sort3A_289[%rev3A_294] in [0] : vector<16xf32>, vector<16xi32> -> vector<16xf32>
          %max3A_296 = arith.maximumf %sort3A_278, %rev3A_295 : vector<16xf32>
          %sort3A_297 = arith.constant dense<true> : vector<16xi1>
          %sort3A_298, %sort3A_299, %sort3A_300 = tpu.sort %max3A_296, %max3A_296 masked %sort3A_297 : (vector<16xf32>, vector<16xf32>, vector<16xi1>) -> (vector<16xi1>, vector<16xf32>, vector<16xf32>)
          %add3A_301 = arith.constant 112 : i32
          %add3A_302 = arith.addi %mul3A_156, %add3A_301 : i32
          %get3A_303 = arith.constant 1 : i32
          %get3A_304 = arith.index_cast %get3A_303 : i32 to index
          %get3A_305 = arith.index_cast %scan3A_133 : i32 to index
          %get3A_306 = arith.index_cast %add3A_302 : i32 to index
          %get3A_307 = tpu.vector_load %arg4[%get3A_304, %get3A_305, %get3A_306] {strides = array<i32>} : memref<2x8x4096xf32, #tpu.memory_space<vmem>>, vector<16xf32>,
          %sort3A_308 = arith.constant dense<true> : vector<16xi1>
          %sort3A_309, %sort3A_310, %sort3A_311 = tpu.sort %get3A_307, %get3A_307 masked %sort3A_308 : (vector<16xf32>, vector<16xf32>, vector<16xi1>) -> (vector<16xi1>, vector<16xf32>, vector<16xf32>)
          %rev3A_312 = arith.constant 15 : i32
          %rev3A_313 = vector.broadcast %rev3A_312 : i32 to vector<16xi32>
          %rev3A_314 = tpu.iota {dimensions = array<i32: 0>} : vector<16xi32>
          %rev3A_315 = arith.subi %rev3A_313, %rev3A_314 : vector<16xi32>
          %rev3A_316 = tpu.dynamic_gather %sort3A_310[%rev3A_315] in [0] : vector<16xf32>, vector<16xi32> -> vector<16xf32>
          %max3A_317 = arith.maximumf %sort3A_299, %rev3A_316 : vector<16xf32>
          %sort3A_318 = arith.constant dense<true> : vector<16xi1>
          %sort3A_319, %sort3A_320, %sort3A_321 = tpu.sort %max3A_317, %max3A_317 masked %sort3A_318 : (vector<16xf32>, vector<16xf32>, vector<16xi1>) -> (vector<16xi1>, vector<16xf32>, vector<16xf32>)
          scf.yield %sort3A_320 : vector<16xf32>
        }
        %scan3A_141 = arith.constant 32 : i32
        %rev3A = arith.constant 15 : i32
        %rev3A_142 = vector.broadcast %rev3A : i32 to vector<16xi32>
        %rev3A_143 = tpu.iota {dimensions = array<i32: 0>} : vector<16xi32>
        %rev3A_144 = arith.subi %rev3A_142, %rev3A_143 : vector<16xi32>
        %rev3A_145 = tpu.dynamic_gather %scan3A_140[%rev3A_144] in [0] : vector<16xf32>, vector<16xi32> -> vector<16xf32>
        %mul3A_146 = arith.constant 8 : i32
        %mul3A_147 = arith.muli %add3A_124, %mul3A_146 : i32
        %add3A_148 = arith.addi %mul3A_147, %scan3A_133 : i32
        %mul3A_149 = arith.constant 16 : i32
        %mul3A_150 = arith.muli %add3A_148, %mul3A_149 : i32
        %swap3A = arith.index_cast %mul3A_150 : i32 to index
        %swap3A_151 = tpu.vector_load %arg5[%swap3A] {strides = array<i32>} : memref<2048xf32, #tpu.memory_space<vmem>>, vector<16xf32>,
        tpu.vector_store %arg5[%swap3A], %rev3A_145 {strides = array<i32>} : memref<2048xf32, #tpu.memory_space<vmem>>, vector<16xf32>,
        %scan3A_152 = arith.constant 0 : i32
        scf.yield %scan3A_152 : i32
      }
      %scan3A_131 = arith.constant 8 : i32
      %scan3A_132 = arith.constant 0 : i32
      scf.yield %scan3A_132 : i32
    }
    %scan3A_25 = arith.constant 8 : i32
    %dma_wait3A = arith.constant 0 : i32
    %dma_wait3A_26 = arith.constant 0 : i32
    %dma_wait3A_27 = arith.constant 0 : i32
    %dma_wait3A_28 = tpu.memref_slice %arg4[%dma_wait3A, %dma_wait3A_26, %dma_wait3A_27] : memref<2x8x4096xf32, #tpu.memory_space<vmem>> -> memref<1x8x4096xf32, #tpu.memory_space<vmem>>
    %dma_wait3A_29 = tpu.memref_squeeze %dma_wait3A_28 : memref<1x8x4096xf32, #tpu.memory_space<vmem>> -> memref<8x4096xf32, #tpu.memory_space<vmem>>
    %dma_wait3A_30 = arith.constant 0 : i32
    %dma_wait3A_31 = arith.constant 0 : i32
    %dma_wait3A_32 = tpu.memref_slice %arg2[%dma_wait3A_30, %dma_wait3A_31] : memref<4096x4096xf32, #tpu.memory_space<hbm>> -> memref<8x4096xf32, #tpu.memory_space<hbm>>
    %dma_wait3A_33 = arith.constant 0 : i32
    %dma_wait3A_34 = arith.constant 0 : i32
    %dma_wait3A_35 = tpu.memref_slice %arg4[%dma_wait3A, %dma_wait3A_33, %dma_wait3A_34] : memref<2x8x4096xf32, #tpu.memory_space<vmem>> -> memref<1x8x4096xf32, #tpu.memory_space<vmem>>
    %dma_wait3A_36 = tpu.memref_squeeze %dma_wait3A_35 : memref<1x8x4096xf32, #tpu.memory_space<vmem>> -> memref<8x4096xf32, #tpu.memory_space<vmem>>
    %dma_wait3A_37 = arith.constant 0 : i32
    %dma_wait3A_38 = arith.constant 0 : i32
    %dma_wait3A_39 = tpu.memref_slice %arg2[%dma_wait3A_37, %dma_wait3A_38] : memref<4096x4096xf32, #tpu.memory_space<hbm>> -> memref<8x4096xf32, #tpu.memory_space<hbm>>
    tpu.wait_dma2 semaphore(%arg6 : memref<!tpu.dma_semaphore, #tpu.memory_space<semaphore_mem>>) src(%dma_wait3A_39 : memref<8x4096xf32, #tpu.memory_space<hbm>>) dst(%dma_wait3A_36 : memref<8x4096xf32, #tpu.memory_space<vmem>>)
    %mul3A_40 = arith.constant 16 : i32
    %mul3A_41 = arith.muli %mul3A_2, %mul3A_40 : i32
    "tpu.region"() ({
      %run_scoped3A = tpu.sem_alloc : memref<!tpu.dma_semaphore, #tpu.memory_space<semaphore_mem>>
      %dma_start3A_42 = tpu.memref_slice %arg3[%mul3A_41] : memref<65536xf32, #tpu.memory_space<hbm>> -> memref<2048xf32, #tpu.memory_space<hbm>>
      %dma_start3A_43 = tpu.memref_slice %arg3[%mul3A_41] : memref<65536xf32, #tpu.memory_space<hbm>> -> memref<2048xf32, #tpu.memory_space<hbm>>
      tpu.enqueue_dma source(%arg5 : memref<2048xf32, #tpu.memory_space<vmem>>) target(%dma_start3A_43 : memref<2048xf32, #tpu.memory_space<hbm>>) target_semaphore(%run_scoped3A : memref<!tpu.dma_semaphore, #tpu.memory_space<semaphore_mem>>)
      %dma_wait3A_44 = tpu.memref_slice %arg3[%mul3A_41] : memref<65536xf32, #tpu.memory_space<hbm>> -> memref<2048xf32, #tpu.memory_space<hbm>>
      %dma_wait3A_45 = tpu.memref_slice %arg3[%mul3A_41] : memref<65536xf32, #tpu.memory_space<hbm>> -> memref<2048xf32, #tpu.memory_space<hbm>>
      tpu.wait_dma2 semaphore(%run_scoped3A : memref<!tpu.dma_semaphore, #tpu.memory_space<semaphore_mem>>) src(%arg5 : memref<2048xf32, #tpu.memory_space<vmem>>) dst(%dma_wait3A_45 : memref<2048xf32, #tpu.memory_space<hbm>>)
      tpu.yield
    }) : () -> ()
    return
  }
}

#map = affine_map<(d0, d1) -> (0, 0)>
#map1 = affine_map<(d0, d1) -> (0)>
module attributes {stable_mosaic.version = 14 : i64} {
  func.func @_sc_topk_kernel(%arg0: i32, %arg1: i32, %arg2: memref<4096x4096xf32, #tpu.memory_space<hbm>>, %arg3: memref<65536xf32, #tpu.memory_space<hbm>>, %arg4: memref<2x8x4096xf32, #tpu.memory_space<vmem>>, %arg5: memref<2048xf32, #tpu.memory_space<vmem>>, %arg6: memref<!tpu.dma_semaphore, #tpu.memory_space<semaphore_mem>>, %arg7: memref<!tpu.dma_semaphore, #tpu.memory_space<semaphore_mem>>) attributes {dimension_semantics = [#tpu.dimension_semantics<core_parallel>, #tpu.dimension_semantics<subcore_parallel>], iteration_bounds = array<i64: 2, 16>, scalar_prefetch = 0 : i64, scratch_operands = 4 : i64, tpu.core_type = #tpu.core_type<sc_vector_subcore>, window_params = [{transform_indices = #map}, {transform_indices = #map1}]} {
    %mul3A = arith.constant 2 : i32
    %mul3A_0 = arith.muli %arg1, %mul3A : i32
    %add3A = arith.addi %mul3A_0, %arg0 : i32
    %mul3A_1 = arith.constant 128 : i32
    %mul3A_2 = arith.muli %add3A, %mul3A_1 : i32
    %min3A = arith.constant 0 : i32
    %min3A_3 = arith.constant 15 : i32
    %min3A_4 = arith.minsi %min3A, %min3A_3 : i32
    %mul3A_5 = arith.constant 8 : i32
    %mul3A_6 = arith.muli %min3A_4, %mul3A_5 : i32
    %add3A_7 = arith.addi %mul3A_2, %mul3A_6 : i32
    %dma_start3A = arith.constant 0 : i32
    %dma_start3A_8 = arith.constant 0 : i32
    %dma_start3A_9 = arith.constant 0 : i32
    %dma_start3A_10 = tpu.memref_slice %arg4[%dma_start3A, %dma_start3A_8, %dma_start3A_9] : memref<2x8x4096xf32, #tpu.memory_space<vmem>> -> memref<1x8x4096xf32, #tpu.memory_space<vmem>>
    %dma_start3A_11 = tpu.memref_squeeze %dma_start3A_10 : memref<1x8x4096xf32, #tpu.memory_space<vmem>> -> memref<8x4096xf32, #tpu.memory_space<vmem>>
    %dma_start3A_12 = arith.constant 0 : i32
    %dma_start3A_13 = tpu.memref_slice %arg2[%add3A_7, %dma_start3A_12] : memref<4096x4096xf32, #tpu.memory_space<hbm>> -> memref<8x4096xf32, #tpu.memory_space<hbm>>
    %dma_start3A_14 = arith.constant 0 : i32
    %dma_start3A_15 = arith.constant 0 : i32
    %dma_start3A_16 = tpu.memref_slice %arg4[%dma_start3A, %dma_start3A_14, %dma_start3A_15] : memref<2x8x4096xf32, #tpu.memory_space<vmem>> -> memref<1x8x4096xf32, #tpu.memory_space<vmem>>
    %dma_start3A_17 = tpu.memref_squeeze %dma_start3A_16 : memref<1x8x4096xf32, #tpu.memory_space<vmem>> -> memref<8x4096xf32, #tpu.memory_space<vmem>>
    %dma_start3A_18 = arith.constant 0 : i32
    %dma_start3A_19 = tpu.memref_slice %arg2[%add3A_7, %dma_start3A_18] : memref<4096x4096xf32, #tpu.memory_space<hbm>> -> memref<8x4096xf32, #tpu.memory_space<hbm>>
    tpu.enqueue_dma source(%dma_start3A_19 : memref<8x4096xf32, #tpu.memory_space<hbm>>) target(%dma_start3A_17 : memref<8x4096xf32, #tpu.memory_space<vmem>>) target_semaphore(%arg6 : memref<!tpu.dma_semaphore, #tpu.memory_space<semaphore_mem>>)
    %scan3A = arith.constant 0 : i32
    %scan3A_20 = arith.constant 0 : i32
    %scan3A_21 = arith.constant 8 : i32
    %scan3A_22 = arith.addi %scan3A_20, %scan3A_21 : i32
    %scan3A_23 = arith.constant 1 : i32
    %scan3A_24 = scf.for %scan3A_42 = %scan3A_20 to %scan3A_22 step %scan3A_23 iter_args(%scan3A_43 = %scan3A) -> (i32)  : i32 {
      %mul3A_44 = arith.constant 2 : i32
      %mul3A_45 = arith.muli %mul3A_44, %scan3A_42 : i32
      %add3A_46 = arith.constant 1 : i32
      %add3A_47 = arith.addi %mul3A_45, %add3A_46 : i32
      %min3A_48 = arith.constant 15 : i32
      %min3A_49 = arith.minsi %add3A_47, %min3A_48 : i32
      %mul3A_50 = arith.constant 8 : i32
      %mul3A_51 = arith.muli %min3A_49, %mul3A_50 : i32
      %add3A_52 = arith.addi %mul3A_2, %mul3A_51 : i32
      %dma_start3A_53 = arith.constant 1 : i32
      %dma_start3A_54 = arith.constant 0 : i32
      %dma_start3A_55 = arith.constant 0 : i32
      %dma_start3A_56 = tpu.memref_slice %arg4[%dma_start3A_53, %dma_start3A_54, %dma_start3A_55] : memref<2x8x4096xf32, #tpu.memory_space<vmem>> -> memref<1x8x4096xf32, #tpu.memory_space<vmem>>
      %dma_start3A_57 = tpu.memref_squeeze %dma_start3A_56 : memref<1x8x4096xf32, #tpu.memory_space<vmem>> -> memref<8x4096xf32, #tpu.memory_space<vmem>>
      %dma_start3A_58 = arith.constant 0 : i32
      %dma_start3A_59 = tpu.memref_slice %arg2[%add3A_52, %dma_start3A_58] : memref<4096x4096xf32, #tpu.memory_space<hbm>> -> memref<8x4096xf32, #tpu.memory_space<hbm>>
      %dma_start3A_60 = arith.constant 0 : i32
      %dma_start3A_61 = arith.constant 0 : i32
      %dma_start3A_62 = tpu.memref_slice %arg4[%dma_start3A_53, %dma_start3A_60, %dma_start3A_61] : memref<2x8x4096xf32, #tpu.memory_space<vmem>> -> memref<1x8x4096xf32, #tpu.memory_space<vmem>>
      %dma_start3A_63 = tpu.memref_squeeze %dma_start3A_62 : memref<1x8x4096xf32, #tpu.memory_space<vmem>> -> memref<8x4096xf32, #tpu.memory_space<vmem>>
      %dma_start3A_64 = arith.constant 0 : i32
      %dma_start3A_65 = tpu.memref_slice %arg2[%add3A_52, %dma_start3A_64] : memref<4096x4096xf32, #tpu.memory_space<hbm>> -> memref<8x4096xf32, #tpu.memory_space<hbm>>
      tpu.enqueue_dma source(%dma_start3A_65 : memref<8x4096xf32, #tpu.memory_space<hbm>>) target(%dma_start3A_63 : memref<8x4096xf32, #tpu.memory_space<vmem>>) target_semaphore(%arg7 : memref<!tpu.dma_semaphore, #tpu.memory_space<semaphore_mem>>)
      %dma_wait3A_66 = arith.constant 0 : i32
      %dma_wait3A_67 = arith.constant 0 : i32
      %dma_wait3A_68 = arith.constant 0 : i32
      %dma_wait3A_69 = tpu.memref_slice %arg4[%dma_wait3A_66, %dma_wait3A_67, %dma_wait3A_68] : memref<2x8x4096xf32, #tpu.memory_space<vmem>> -> memref<1x8x4096xf32, #tpu.memory_space<vmem>>
      %dma_wait3A_70 = tpu.memref_squeeze %dma_wait3A_69 : memref<1x8x4096xf32, #tpu.memory_space<vmem>> -> memref<8x4096xf32, #tpu.memory_space<vmem>>
      %dma_wait3A_71 = arith.constant 0 : i32
      %dma_wait3A_72 = arith.constant 0 : i32
      %dma_wait3A_73 = tpu.memref_slice %arg2[%dma_wait3A_71, %dma_wait3A_72] : memref<4096x4096xf32, #tpu.memory_space<hbm>> -> memref<8x4096xf32, #tpu.memory_space<hbm>>
      %dma_wait3A_74 = arith.constant 0 : i32
      %dma_wait3A_75 = arith.constant 0 : i32
      %dma_wait3A_76 = tpu.memref_slice %arg4[%dma_wait3A_66, %dma_wait3A_74, %dma_wait3A_75] : memref<2x8x4096xf32, #tpu.memory_space<vmem>> -> memref<1x8x4096xf32, #tpu.memory_space<vmem>>
      %dma_wait3A_77 = tpu.memref_squeeze %dma_wait3A_76 : memref<1x8x4096xf32, #tpu.memory_space<vmem>> -> memref<8x4096xf32, #tpu.memory_space<vmem>>
      %dma_wait3A_78 = arith.constant 0 : i32
      %dma_wait3A_79 = arith.constant 0 : i32
      %dma_wait3A_80 = tpu.memref_slice %arg2[%dma_wait3A_78, %dma_wait3A_79] : memref<4096x4096xf32, #tpu.memory_space<hbm>> -> memref<8x4096xf32, #tpu.memory_space<hbm>>
      tpu.wait_dma2 semaphore(%arg6 : memref<!tpu.dma_semaphore, #tpu.memory_space<semaphore_mem>>) src(%dma_wait3A_80 : memref<8x4096xf32, #tpu.memory_space<hbm>>) dst(%dma_wait3A_77 : memref<8x4096xf32, #tpu.memory_space<vmem>>)
      %scan3A_81 = arith.constant 0 : i32
      %scan3A_82 = arith.constant 0 : i32
      %scan3A_83 = arith.constant 8 : i32
      %scan3A_84 = arith.addi %scan3A_82, %scan3A_83 : i32
      %scan3A_85 = arith.constant 1 : i32
      %scan3A_86 = scf.for %scan3A_133 = %scan3A_82 to %scan3A_84 step %scan3A_85 iter_args(%scan3A_134 = %scan3A_81) -> (i32)  : i32 {
        %broadcast_in_dim3A = arith.constant 0xFF800000 : f32
        %broadcast_in_dim3A_135 = vector.broadcast %broadcast_in_dim3A : f32 to vector<16xf32>
        %scan3A_136 = arith.constant 0 : i32
        %scan3A_137 = arith.constant 32 : i32
        %scan3A_138 = arith.addi %scan3A_136, %scan3A_137 : i32
        %scan3A_139 = arith.constant 1 : i32
        %scan3A_140 = scf.for %scan3A_153 = %scan3A_136 to %scan3A_138 step %scan3A_139 iter_args(%scan3A_154 = %broadcast_in_dim3A_135) -> (vector<16xf32>)  : i32 {
          %mul3A_155 = arith.constant 128 : i32
          %mul3A_156 = arith.muli %scan3A_153, %mul3A_155 : i32
          %add3A_157 = arith.constant 0 : i32
          %add3A_158 = arith.addi %mul3A_156, %add3A_157 : i32
          %get3A = arith.constant 0 : i32
          %get3A_159 = arith.index_cast %get3A : i32 to index
          %get3A_160 = arith.index_cast %scan3A_133 : i32 to index
          %get3A_161 = arith.index_cast %add3A_158 : i32 to index
          %get3A_162 = tpu.vector_load %arg4[%get3A_159, %get3A_160, %get3A_161] {strides = array<i32>} : memref<2x8x4096xf32, #tpu.memory_space<vmem>>, vector<16xf32>,
          %sort3A = arith.constant dense<true> : vector<16xi1>
          %sort3A_163, %sort3A_164, %sort3A_165 = tpu.sort %get3A_162, %get3A_162 masked %sort3A : (vector<16xf32>, vector<16xf32>, vector<16xi1>) -> (vector<16xi1>, vector<16xf32>, vector<16xf32>)
          %rev3A_166 = arith.constant 15 : i32
          %rev3A_167 = vector.broadcast %rev3A_166 : i32 to vector<16xi32>
          %rev3A_168 = tpu.iota {dimensions = array<i32: 0>} : vector<16xi32>
          %rev3A_169 = arith.subi %rev3A_167, %rev3A_168 : vector<16xi32>
          %rev3A_170 = tpu.dynamic_gather %sort3A_164[%rev3A_169] in [0] : vector<16xf32>, vector<16xi32> -> vector<16xf32>
          %max3A = arith.maximumf %scan3A_154, %rev3A_170 : vector<16xf32>
          %sort3A_171 = arith.constant dense<true> : vector<16xi1>
          %sort3A_172, %sort3A_173, %sort3A_174 = tpu.sort %max3A, %max3A masked %sort3A_171 : (vector<16xf32>, vector<16xf32>, vector<16xi1>) -> (vector<16xi1>, vector<16xf32>, vector<16xf32>)
          %add3A_175 = arith.constant 16 : i32
          %add3A_176 = arith.addi %mul3A_156, %add3A_175 : i32
          %get3A_177 = arith.constant 0 : i32
          %get3A_178 = arith.index_cast %get3A_177 : i32 to index
          %get3A_179 = arith.index_cast %scan3A_133 : i32 to index
          %get3A_180 = arith.index_cast %add3A_176 : i32 to index
          %get3A_181 = tpu.vector_load %arg4[%get3A_178, %get3A_179, %get3A_180] {strides = array<i32>} : memref<2x8x4096xf32, #tpu.memory_space<vmem>>, vector<16xf32>,
          %sort3A_182 = arith.constant dense<true> : vector<16xi1>
          %sort3A_183, %sort3A_184, %sort3A_185 = tpu.sort %get3A_181, %get3A_181 masked %sort3A_182 : (vector<16xf32>, vector<16xf32>, vector<16xi1>) -> (vector<16xi1>, vector<16xf32>, vector<16xf32>)
          %rev3A_186 = arith.constant 15 : i32
          %rev3A_187 = vector.broadcast %rev3A_186 : i32 to vector<16xi32>
          %rev3A_188 = tpu.iota {dimensions = array<i32: 0>} : vector<16xi32>
          %rev3A_189 = arith.subi %rev3A_187, %rev3A_188 : vector<16xi32>
          %rev3A_190 = tpu.dynamic_gather %sort3A_184[%rev3A_189] in [0] : vector<16xf32>, vector<16xi32> -> vector<16xf32>
          %max3A_191 = arith.maximumf %sort3A_173, %rev3A_190 : vector<16xf32>
          %sort3A_192 = arith.constant dense<true> : vector<16xi1>
          %sort3A_193, %sort3A_194, %sort3A_195 = tpu.sort %max3A_191, %max3A_191 masked %sort3A_192 : (vector<16xf32>, vector<16xf32>, vector<16xi1>) -> (vector<16xi1>, vector<16xf32>, vector<16xf32>)
          %add3A_196 = arith.constant 32 : i32
          %add3A_197 = arith.addi %mul3A_156, %add3A_196 : i32
          %get3A_198 = arith.constant 0 : i32
          %get3A_199 = arith.index_cast %get3A_198 : i32 to index
          %get3A_200 = arith.index_cast %scan3A_133 : i32 to index
          %get3A_201 = arith.index_cast %add3A_197 : i32 to index
          %get3A_202 = tpu.vector_load %arg4[%get3A_199, %get3A_200, %get3A_201] {strides = array<i32>} : memref<2x8x4096xf32, #tpu.memory_space<vmem>>, vector<16xf32>,
          %sort3A_203 = arith.constant dense<true> : vector<16xi1>
          %sort3A_204, %sort3A_205, %sort3A_206 = tpu.sort %get3A_202, %get3A_202 masked %sort3A_203 : (vector<16xf32>, vector<16xf32>, vector<16xi1>) -> (vector<16xi1>, vector<16xf32>, vector<16xf32>)
          %rev3A_207 = arith.constant 15 : i32
          %rev3A_208 = vector.broadcast %rev3A_207 : i32 to vector<16xi32>
          %rev3A_209 = tpu.iota {dimensions = array<i32: 0>} : vector<16xi32>
          %rev3A_210 = arith.subi %rev3A_208, %rev3A_209 : vector<16xi32>
          %rev3A_211 = tpu.dynamic_gather %sort3A_205[%rev3A_210] in [0] : vector<16xf32>, vector<16xi32> -> vector<16xf32>
          %max3A_212 = arith.maximumf %sort3A_194, %rev3A_211 : vector<16xf32>
          %sort3A_213 = arith.constant dense<true> : vector<16xi1>
          %sort3A_214, %sort3A_215, %sort3A_216 = tpu.sort %max3A_212, %max3A_212 masked %sort3A_213 : (vector<16xf32>, vector<16xf32>, vector<16xi1>) -> (vector<16xi1>, vector<16xf32>, vector<16xf32>)
          %add3A_217 = arith.constant 48 : i32
          %add3A_218 = arith.addi %mul3A_156, %add3A_217 : i32
          %get3A_219 = arith.constant 0 : i32
          %get3A_220 = arith.index_cast %get3A_219 : i32 to index
          %get3A_221 = arith.index_cast %scan3A_133 : i32 to index
          %get3A_222 = arith.index_cast %add3A_218 : i32 to index
          %get3A_223 = tpu.vector_load %arg4[%get3A_220, %get3A_221, %get3A_222] {strides = array<i32>} : memref<2x8x4096xf32, #tpu.memory_space<vmem>>, vector<16xf32>,
          %sort3A_224 = arith.constant dense<true> : vector<16xi1>
          %sort3A_225, %sort3A_226, %sort3A_227 = tpu.sort %get3A_223, %get3A_223 masked %sort3A_224 : (vector<16xf32>, vector<16xf32>, vector<16xi1>) -> (vector<16xi1>, vector<16xf32>, vector<16xf32>)
          %rev3A_228 = arith.constant 15 : i32
          %rev3A_229 = vector.broadcast %rev3A_228 : i32 to vector<16xi32>
          %rev3A_230 = tpu.iota {dimensions = array<i32: 0>} : vector<16xi32>
          %rev3A_231 = arith.subi %rev3A_229, %rev3A_230 : vector<16xi32>
          %rev3A_232 = tpu.dynamic_gather %sort3A_226[%rev3A_231] in [0] : vector<16xf32>, vector<16xi32> -> vector<16xf32>
          %max3A_233 = arith.maximumf %sort3A_215, %rev3A_232 : vector<16xf32>
          %sort3A_234 = arith.constant dense<true> : vector<16xi1>
          %sort3A_235, %sort3A_236, %sort3A_237 = tpu.sort %max3A_233, %max3A_233 masked %sort3A_234 : (vector<16xf32>, vector<16xf32>, vector<16xi1>) -> (vector<16xi1>, vector<16xf32>, vector<16xf32>)
          %add3A_238 = arith.constant 64 : i32
          %add3A_239 = arith.addi %mul3A_156, %add3A_238 : i32
          %get3A_240 = arith.constant 0 : i32
          %get3A_241 = arith.index_cast %get3A_240 : i32 to index
          %get3A_242 = arith.index_cast %scan3A_133 : i32 to index
          %get3A_243 = arith.index_cast %add3A_239 : i32 to index
          %get3A_244 = tpu.vector_load %arg4[%get3A_241, %get3A_242, %get3A_243] {strides = array<i32>} : memref<2x8x4096xf32, #tpu.memory_space<vmem>>, vector<16xf32>,
          %sort3A_245 = arith.constant dense<true> : vector<16xi1>
          %sort3A_246, %sort3A_247, %sort3A_248 = tpu.sort %get3A_244, %get3A_244 masked %sort3A_245 : (vector<16xf32>, vector<16xf32>, vector<16xi1>) -> (vector<16xi1>, vector<16xf32>, vector<16xf32>)
          %rev3A_249 = arith.constant 15 : i32
          %rev3A_250 = vector.broadcast %rev3A_249 : i32 to vector<16xi32>
          %rev3A_251 = tpu.iota {dimensions = array<i32: 0>} : vector<16xi32>
          %rev3A_252 = arith.subi %rev3A_250, %rev3A_251 : vector<16xi32>
          %rev3A_253 = tpu.dynamic_gather %sort3A_247[%rev3A_252] in [0] : vector<16xf32>, vector<16xi32> -> vector<16xf32>
          %max3A_254 = arith.maximumf %sort3A_236, %rev3A_253 : vector<16xf32>
          %sort3A_255 = arith.constant dense<true> : vector<16xi1>
          %sort3A_256, %sort3A_257, %sort3A_258 = tpu.sort %max3A_254, %max3A_254 masked %sort3A_255 : (vector<16xf32>, vector<16xf32>, vector<16xi1>) -> (vector<16xi1>, vector<16xf32>, vector<16xf32>)
          %add3A_259 = arith.constant 80 : i32
          %add3A_260 = arith.addi %mul3A_156, %add3A_259 : i32
          %get3A_261 = arith.constant 0 : i32
          %get3A_262 = arith.index_cast %get3A_261 : i32 to index
          %get3A_263 = arith.index_cast %scan3A_133 : i32 to index
          %get3A_264 = arith.index_cast %add3A_260 : i32 to index
          %get3A_265 = tpu.vector_load %arg4[%get3A_262, %get3A_263, %get3A_264] {strides = array<i32>} : memref<2x8x4096xf32, #tpu.memory_space<vmem>>, vector<16xf32>,
          %sort3A_266 = arith.constant dense<true> : vector<16xi1>
          %sort3A_267, %sort3A_268, %sort3A_269 = tpu.sort %get3A_265, %get3A_265 masked %sort3A_266 : (vector<16xf32>, vector<16xf32>, vector<16xi1>) -> (vector<16xi1>, vector<16xf32>, vector<16xf32>)
          %rev3A_270 = arith.constant 15 : i32
          %rev3A_271 = vector.broadcast %rev3A_270 : i32 to vector<16xi32>
          %rev3A_272 = tpu.iota {dimensions = array<i32: 0>} : vector<16xi32>
          %rev3A_273 = arith.subi %rev3A_271, %rev3A_272 : vector<16xi32>
          %rev3A_274 = tpu.dynamic_gather %sort3A_268[%rev3A_273] in [0] : vector<16xf32>, vector<16xi32> -> vector<16xf32>
          %max3A_275 = arith.maximumf %sort3A_257, %rev3A_274 : vector<16xf32>
          %sort3A_276 = arith.constant dense<true> : vector<16xi1>
          %sort3A_277, %sort3A_278, %sort3A_279 = tpu.sort %max3A_275, %max3A_275 masked %sort3A_276 : (vector<16xf32>, vector<16xf32>, vector<16xi1>) -> (vector<16xi1>, vector<16xf32>, vector<16xf32>)
          %add3A_280 = arith.constant 96 : i32
          %add3A_281 = arith.addi %mul3A_156, %add3A_280 : i32
          %get3A_282 = arith.constant 0 : i32
          %get3A_283 = arith.index_cast %get3A_282 : i32 to index
          %get3A_284 = arith.index_cast %scan3A_133 : i32 to index
          %get3A_285 = arith.index_cast %add3A_281 : i32 to index
          %get3A_286 = tpu.vector_load %arg4[%get3A_283, %get3A_284, %get3A_285] {strides = array<i32>} : memref<2x8x4096xf32, #tpu.memory_space<vmem>>, vector<16xf32>,
          %sort3A_287 = arith.constant dense<true> : vector<16xi1>
          %sort3A_288, %sort3A_289, %sort3A_290 = tpu.sort %get3A_286, %get3A_286 masked %sort3A_287 : (vector<16xf32>, vector<16xf32>, vector<16xi1>) -> (vector<16xi1>, vector<16xf32>, vector<16xf32>)
          %rev3A_291 = arith.constant 15 : i32
          %rev3A_292 = vector.broadcast %rev3A_291 : i32 to vector<16xi32>
          %rev3A_293 = tpu.iota {dimensions = array<i32: 0>} : vector<16xi32>
          %rev3A_294 = arith.subi %rev3A_292, %rev3A_293 : vector<16xi32>
          %rev3A_295 = tpu.dynamic_gather %sort3A_289[%rev3A_294] in [0] : vector<16xf32>, vector<16xi32> -> vector<16xf32>
          %max3A_296 = arith.maximumf %sort3A_278, %rev3A_295 : vector<16xf32>
          %sort3A_297 = arith.constant dense<true> : vector<16xi1>
          %sort3A_298, %sort3A_299, %sort3A_300 = tpu.sort %max3A_296, %max3A_296 masked %sort3A_297 : (vector<16xf32>, vector<16xf32>, vector<16xi1>) -> (vector<16xi1>, vector<16xf32>, vector<16xf32>)
          %add3A_301 = arith.constant 112 : i32
          %add3A_302 = arith.addi %mul3A_156, %add3A_301 : i32
          %get3A_303 = arith.constant 0 : i32
          %get3A_304 = arith.index_cast %get3A_303 : i32 to index
          %get3A_305 = arith.index_cast %scan3A_133 : i32 to index
          %get3A_306 = arith.index_cast %add3A_302 : i32 to index
          %get3A_307 = tpu.vector_load %arg4[%get3A_304, %get3A_305, %get3A_306] {strides = array<i32>} : memref<2x8x4096xf32, #tpu.memory_space<vmem>>, vector<16xf32>,
          %sort3A_308 = arith.constant dense<true> : vector<16xi1>
          %sort3A_309, %sort3A_310, %sort3A_311 = tpu.sort %get3A_307, %get3A_307 masked %sort3A_308 : (vector<16xf32>, vector<16xf32>, vector<16xi1>) -> (vector<16xi1>, vector<16xf32>, vector<16xf32>)
          %rev3A_312 = arith.constant 15 : i32
          %rev3A_313 = vector.broadcast %rev3A_312 : i32 to vector<16xi32>
          %rev3A_314 = tpu.iota {dimensions = array<i32: 0>} : vector<16xi32>
          %rev3A_315 = arith.subi %rev3A_313, %rev3A_314 : vector<16xi32>
          %rev3A_316 = tpu.dynamic_gather %sort3A_310[%rev3A_315] in [0] : vector<16xf32>, vector<16xi32> -> vector<16xf32>
          %max3A_317 = arith.maximumf %sort3A_299, %rev3A_316 : vector<16xf32>
          %sort3A_318 = arith.constant dense<true> : vector<16xi1>
          %sort3A_319, %sort3A_320, %sort3A_321 = tpu.sort %max3A_317, %max3A_317 masked %sort3A_318 : (vector<16xf32>, vector<16xf32>, vector<16xi1>) -> (vector<16xi1>, vector<16xf32>, vector<16xf32>)
          scf.yield %sort3A_320 : vector<16xf32>
        }
        %scan3A_141 = arith.constant 32 : i32
        %rev3A = arith.constant 15 : i32
        %rev3A_142 = vector.broadcast %rev3A : i32 to vector<16xi32>
        %rev3A_143 = tpu.iota {dimensions = array<i32: 0>} : vector<16xi32>
        %rev3A_144 = arith.subi %rev3A_142, %rev3A_143 : vector<16xi32>
        %rev3A_145 = tpu.dynamic_gather %scan3A_140[%rev3A_144] in [0] : vector<16xf32>, vector<16xi32> -> vector<16xf32>
        %mul3A_146 = arith.constant 8 : i32
        %mul3A_147 = arith.muli %mul3A_45, %mul3A_146 : i32
        %add3A_148 = arith.addi %mul3A_147, %scan3A_133 : i32
        %mul3A_149 = arith.constant 16 : i32
        %mul3A_150 = arith.muli %add3A_148, %mul3A_149 : i32
        %swap3A = arith.index_cast %mul3A_150 : i32 to index
        %swap3A_151 = tpu.vector_load %arg5[%swap3A] {strides = array<i32>} : memref<2048xf32, #tpu.memory_space<vmem>>, vector<16xf32>,
        tpu.vector_store %arg5[%swap3A], %rev3A_145 {strides = array<i32>} : memref<2048xf32, #tpu.memory_space<vmem>>, vector<16xf32>,
        %scan3A_152 = arith.constant 0 : i32
        scf.yield %scan3A_152 : i32
      }
      %scan3A_87 = arith.constant 8 : i32
      %add3A_88 = arith.constant 2 : i32
      %add3A_89 = arith.addi %mul3A_45, %add3A_88 : i32
      %min3A_90 = arith.constant 15 : i32
      %min3A_91 = arith.minsi %add3A_89, %min3A_90 : i32
      %mul3A_92 = arith.constant 8 : i32
      %mul3A_93 = arith.muli %min3A_91, %mul3A_92 : i32
      %add3A_94 = arith.addi %mul3A_2, %mul3A_93 : i32
      %dma_start3A_95 = arith.constant 0 : i32
      %dma_start3A_96 = arith.constant 0 : i32
      %dma_start3A_97 = arith.constant 0 : i32
      %dma_start3A_98 = tpu.memref_slice %arg4[%dma_start3A_95, %dma_start3A_96, %dma_start3A_97] : memref<2x8x4096xf32, #tpu.memory_space<vmem>> -> memref<1x8x4096xf32, #tpu.memory_space<vmem>>
      %dma_start3A_99 = tpu.memref_squeeze %dma_start3A_98 : memref<1x8x4096xf32, #tpu.memory_space<vmem>> -> memref<8x4096xf32, #tpu.memory_space<vmem>>
      %dma_start3A_100 = arith.constant 0 : i32
      %dma_start3A_101 = tpu.memref_slice %arg2[%add3A_94, %dma_start3A_100] : memref<4096x4096xf32, #tpu.memory_space<hbm>> -> memref<8x4096xf32, #tpu.memory_space<hbm>>
      %dma_start3A_102 = arith.constant 0 : i32
      %dma_start3A_103 = arith.constant 0 : i32
      %dma_start3A_104 = tpu.memref_slice %arg4[%dma_start3A_95, %dma_start3A_102, %dma_start3A_103] : memref<2x8x4096xf32, #tpu.memory_space<vmem>> -> memref<1x8x4096xf32, #tpu.memory_space<vmem>>
      %dma_start3A_105 = tpu.memref_squeeze %dma_start3A_104 : memref<1x8x4096xf32, #tpu.memory_space<vmem>> -> memref<8x4096xf32, #tpu.memory_space<vmem>>
      %dma_start3A_106 = arith.constant 0 : i32
      %dma_start3A_107 = tpu.memref_slice %arg2[%add3A_94, %dma_start3A_106] : memref<4096x4096xf32, #tpu.memory_space<hbm>> -> memref<8x4096xf32, #tpu.memory_space<hbm>>
      tpu.enqueue_dma source(%dma_start3A_107 : memref<8x4096xf32, #tpu.memory_space<hbm>>) target(%dma_start3A_105 : memref<8x4096xf32, #tpu.memory_space<vmem>>) target_semaphore(%arg6 : memref<!tpu.dma_semaphore, #tpu.memory_space<semaphore_mem>>)
      %dma_wait3A_108 = arith.constant 1 : i32
      %dma_wait3A_109 = arith.constant 0 : i32
      %dma_wait3A_110 = arith.constant 0 : i32
      %dma_wait3A_111 = tpu.memref_slice %arg4[%dma_wait3A_108, %dma_wait3A_109, %dma_wait3A_110] : memref<2x8x4096xf32, #tpu.memory_space<vmem>> -> memref<1x8x4096xf32, #tpu.memory_space<vmem>>
      %dma_wait3A_112 = tpu.memref_squeeze %dma_wait3A_111 : memref<1x8x4096xf32, #tpu.memory_space<vmem>> -> memref<8x4096xf32, #tpu.memory_space<vmem>>
      %dma_wait3A_113 = arith.constant 0 : i32
      %dma_wait3A_114 = arith.constant 0 : i32
      %dma_wait3A_115 = tpu.memref_slice %arg2[%dma_wait3A_113, %dma_wait3A_114] : memref<4096x4096xf32, #tpu.memory_space<hbm>> -> memref<8x4096xf32, #tpu.memory_space<hbm>>
      %dma_wait3A_116 = arith.constant 0 : i32
      %dma_wait3A_117 = arith.constant 0 : i32
      %dma_wait3A_118 = tpu.memref_slice %arg4[%dma_wait3A_108, %dma_wait3A_116, %dma_wait3A_117] : memref<2x8x4096xf32, #tpu.memory_space<vmem>> -> memref<1x8x4096xf32, #tpu.memory_space<vmem>>
      %dma_wait3A_119 = tpu.memref_squeeze %dma_wait3A_118 : memref<1x8x4096xf32, #tpu.memory_space<vmem>> -> memref<8x4096xf32, #tpu.memory_space<vmem>>
      %dma_wait3A_120 = arith.constant 0 : i32
      %dma_wait3A_121 = arith.constant 0 : i32
      %dma_wait3A_122 = tpu.memref_slice %arg2[%dma_wait3A_120, %dma_wait3A_121] : memref<4096x4096xf32, #tpu.memory_space<hbm>> -> memref<8x4096xf32, #tpu.memory_space<hbm>>
      tpu.wait_dma2 semaphore(%arg7 : memref<!tpu.dma_semaphore, #tpu.memory_space<semaphore_mem>>) src(%dma_wait3A_122 : memref<8x4096xf32, #tpu.memory_space<hbm>>) dst(%dma_wait3A_119 : memref<8x4096xf32, #tpu.memory_space<vmem>>)
      %add3A_123 = arith.constant 1 : i32
      %add3A_124 = arith.addi %mul3A_45, %add3A_123 : i32
      %scan3A_125 = arith.constant 0 : i32
      %scan3A_126 = arith.constant 0 : i32
      %scan3A_127 = arith.constant 8 : i32
      %scan3A_128 = arith.addi %scan3A_126, %scan3A_127 : i32
      %scan3A_129 = arith.constant 1 : i32
      %scan3A_130 = scf.for %scan3A_133 = %scan3A_126 to %scan3A_128 step %scan3A_129 iter_args(%scan3A_134 = %scan3A_125) -> (i32)  : i32 {
        %broadcast_in_dim3A = arith.constant 0xFF800000 : f32
        %broadcast_in_dim3A_135 = vector.broadcast %broadcast_in_dim3A : f32 to vector<16xf32>
        %scan3A_136 = arith.constant 0 : i32
        %scan3A_137 = arith.constant 32 : i32
        %scan3A_138 = arith.addi %scan3A_136, %scan3A_137 : i32
        %scan3A_139 = arith.constant 1 : i32
        %scan3A_140 = scf.for %scan3A_153 = %scan3A_136 to %scan3A_138 step %scan3A_139 iter_args(%scan3A_154 = %broadcast_in_dim3A_135) -> (vector<16xf32>)  : i32 {
          %mul3A_155 = arith.constant 128 : i32
          %mul3A_156 = arith.muli %scan3A_153, %mul3A_155 : i32
          %add3A_157 = arith.constant 0 : i32
          %add3A_158 = arith.addi %mul3A_156, %add3A_157 : i32
          %get3A = arith.constant 1 : i32
          %get3A_159 = arith.index_cast %get3A : i32 to index
          %get3A_160 = arith.index_cast %scan3A_133 : i32 to index
          %get3A_161 = arith.index_cast %add3A_158 : i32 to index
          %get3A_162 = tpu.vector_load %arg4[%get3A_159, %get3A_160, %get3A_161] {strides = array<i32>} : memref<2x8x4096xf32, #tpu.memory_space<vmem>>, vector<16xf32>,
          %sort3A = arith.constant dense<true> : vector<16xi1>
          %sort3A_163, %sort3A_164, %sort3A_165 = tpu.sort %get3A_162, %get3A_162 masked %sort3A : (vector<16xf32>, vector<16xf32>, vector<16xi1>) -> (vector<16xi1>, vector<16xf32>, vector<16xf32>)
          %rev3A_166 = arith.constant 15 : i32
          %rev3A_167 = vector.broadcast %rev3A_166 : i32 to vector<16xi32>
          %rev3A_168 = tpu.iota {dimensions = array<i32: 0>} : vector<16xi32>
          %rev3A_169 = arith.subi %rev3A_167, %rev3A_168 : vector<16xi32>
          %rev3A_170 = tpu.dynamic_gather %sort3A_164[%rev3A_169] in [0] : vector<16xf32>, vector<16xi32> -> vector<16xf32>
          %max3A = arith.maximumf %scan3A_154, %rev3A_170 : vector<16xf32>
          %sort3A_171 = arith.constant dense<true> : vector<16xi1>
          %sort3A_172, %sort3A_173, %sort3A_174 = tpu.sort %max3A, %max3A masked %sort3A_171 : (vector<16xf32>, vector<16xf32>, vector<16xi1>) -> (vector<16xi1>, vector<16xf32>, vector<16xf32>)
          %add3A_175 = arith.constant 16 : i32
          %add3A_176 = arith.addi %mul3A_156, %add3A_175 : i32
          %get3A_177 = arith.constant 1 : i32
          %get3A_178 = arith.index_cast %get3A_177 : i32 to index
          %get3A_179 = arith.index_cast %scan3A_133 : i32 to index
          %get3A_180 = arith.index_cast %add3A_176 : i32 to index
          %get3A_181 = tpu.vector_load %arg4[%get3A_178, %get3A_179, %get3A_180] {strides = array<i32>} : memref<2x8x4096xf32, #tpu.memory_space<vmem>>, vector<16xf32>,
          %sort3A_182 = arith.constant dense<true> : vector<16xi1>
          %sort3A_183, %sort3A_184, %sort3A_185 = tpu.sort %get3A_181, %get3A_181 masked %sort3A_182 : (vector<16xf32>, vector<16xf32>, vector<16xi1>) -> (vector<16xi1>, vector<16xf32>, vector<16xf32>)
          %rev3A_186 = arith.constant 15 : i32
          %rev3A_187 = vector.broadcast %rev3A_186 : i32 to vector<16xi32>
          %rev3A_188 = tpu.iota {dimensions = array<i32: 0>} : vector<16xi32>
          %rev3A_189 = arith.subi %rev3A_187, %rev3A_188 : vector<16xi32>
          %rev3A_190 = tpu.dynamic_gather %sort3A_184[%rev3A_189] in [0] : vector<16xf32>, vector<16xi32> -> vector<16xf32>
          %max3A_191 = arith.maximumf %sort3A_173, %rev3A_190 : vector<16xf32>
          %sort3A_192 = arith.constant dense<true> : vector<16xi1>
          %sort3A_193, %sort3A_194, %sort3A_195 = tpu.sort %max3A_191, %max3A_191 masked %sort3A_192 : (vector<16xf32>, vector<16xf32>, vector<16xi1>) -> (vector<16xi1>, vector<16xf32>, vector<16xf32>)
          %add3A_196 = arith.constant 32 : i32
          %add3A_197 = arith.addi %mul3A_156, %add3A_196 : i32
          %get3A_198 = arith.constant 1 : i32
          %get3A_199 = arith.index_cast %get3A_198 : i32 to index
          %get3A_200 = arith.index_cast %scan3A_133 : i32 to index
          %get3A_201 = arith.index_cast %add3A_197 : i32 to index
          %get3A_202 = tpu.vector_load %arg4[%get3A_199, %get3A_200, %get3A_201] {strides = array<i32>} : memref<2x8x4096xf32, #tpu.memory_space<vmem>>, vector<16xf32>,
          %sort3A_203 = arith.constant dense<true> : vector<16xi1>
          %sort3A_204, %sort3A_205, %sort3A_206 = tpu.sort %get3A_202, %get3A_202 masked %sort3A_203 : (vector<16xf32>, vector<16xf32>, vector<16xi1>) -> (vector<16xi1>, vector<16xf32>, vector<16xf32>)
          %rev3A_207 = arith.constant 15 : i32
          %rev3A_208 = vector.broadcast %rev3A_207 : i32 to vector<16xi32>
          %rev3A_209 = tpu.iota {dimensions = array<i32: 0>} : vector<16xi32>
          %rev3A_210 = arith.subi %rev3A_208, %rev3A_209 : vector<16xi32>
          %rev3A_211 = tpu.dynamic_gather %sort3A_205[%rev3A_210] in [0] : vector<16xf32>, vector<16xi32> -> vector<16xf32>
          %max3A_212 = arith.maximumf %sort3A_194, %rev3A_211 : vector<16xf32>
          %sort3A_213 = arith.constant dense<true> : vector<16xi1>
          %sort3A_214, %sort3A_215, %sort3A_216 = tpu.sort %max3A_212, %max3A_212 masked %sort3A_213 : (vector<16xf32>, vector<16xf32>, vector<16xi1>) -> (vector<16xi1>, vector<16xf32>, vector<16xf32>)
          %add3A_217 = arith.constant 48 : i32
          %add3A_218 = arith.addi %mul3A_156, %add3A_217 : i32
          %get3A_219 = arith.constant 1 : i32
          %get3A_220 = arith.index_cast %get3A_219 : i32 to index
          %get3A_221 = arith.index_cast %scan3A_133 : i32 to index
          %get3A_222 = arith.index_cast %add3A_218 : i32 to index
          %get3A_223 = tpu.vector_load %arg4[%get3A_220, %get3A_221, %get3A_222] {strides = array<i32>} : memref<2x8x4096xf32, #tpu.memory_space<vmem>>, vector<16xf32>,
          %sort3A_224 = arith.constant dense<true> : vector<16xi1>
          %sort3A_225, %sort3A_226, %sort3A_227 = tpu.sort %get3A_223, %get3A_223 masked %sort3A_224 : (vector<16xf32>, vector<16xf32>, vector<16xi1>) -> (vector<16xi1>, vector<16xf32>, vector<16xf32>)
          %rev3A_228 = arith.constant 15 : i32
          %rev3A_229 = vector.broadcast %rev3A_228 : i32 to vector<16xi32>
          %rev3A_230 = tpu.iota {dimensions = array<i32: 0>} : vector<16xi32>
          %rev3A_231 = arith.subi %rev3A_229, %rev3A_230 : vector<16xi32>
          %rev3A_232 = tpu.dynamic_gather %sort3A_226[%rev3A_231] in [0] : vector<16xf32>, vector<16xi32> -> vector<16xf32>
          %max3A_233 = arith.maximumf %sort3A_215, %rev3A_232 : vector<16xf32>
          %sort3A_234 = arith.constant dense<true> : vector<16xi1>
          %sort3A_235, %sort3A_236, %sort3A_237 = tpu.sort %max3A_233, %max3A_233 masked %sort3A_234 : (vector<16xf32>, vector<16xf32>, vector<16xi1>) -> (vector<16xi1>, vector<16xf32>, vector<16xf32>)
          %add3A_238 = arith.constant 64 : i32
          %add3A_239 = arith.addi %mul3A_156, %add3A_238 : i32
          %get3A_240 = arith.constant 1 : i32
          %get3A_241 = arith.index_cast %get3A_240 : i32 to index
          %get3A_242 = arith.index_cast %scan3A_133 : i32 to index
          %get3A_243 = arith.index_cast %add3A_239 : i32 to index
          %get3A_244 = tpu.vector_load %arg4[%get3A_241, %get3A_242, %get3A_243] {strides = array<i32>} : memref<2x8x4096xf32, #tpu.memory_space<vmem>>, vector<16xf32>,
          %sort3A_245 = arith.constant dense<true> : vector<16xi1>
          %sort3A_246, %sort3A_247, %sort3A_248 = tpu.sort %get3A_244, %get3A_244 masked %sort3A_245 : (vector<16xf32>, vector<16xf32>, vector<16xi1>) -> (vector<16xi1>, vector<16xf32>, vector<16xf32>)
          %rev3A_249 = arith.constant 15 : i32
          %rev3A_250 = vector.broadcast %rev3A_249 : i32 to vector<16xi32>
          %rev3A_251 = tpu.iota {dimensions = array<i32: 0>} : vector<16xi32>
          %rev3A_252 = arith.subi %rev3A_250, %rev3A_251 : vector<16xi32>
          %rev3A_253 = tpu.dynamic_gather %sort3A_247[%rev3A_252] in [0] : vector<16xf32>, vector<16xi32> -> vector<16xf32>
          %max3A_254 = arith.maximumf %sort3A_236, %rev3A_253 : vector<16xf32>
          %sort3A_255 = arith.constant dense<true> : vector<16xi1>
          %sort3A_256, %sort3A_257, %sort3A_258 = tpu.sort %max3A_254, %max3A_254 masked %sort3A_255 : (vector<16xf32>, vector<16xf32>, vector<16xi1>) -> (vector<16xi1>, vector<16xf32>, vector<16xf32>)
          %add3A_259 = arith.constant 80 : i32
          %add3A_260 = arith.addi %mul3A_156, %add3A_259 : i32
          %get3A_261 = arith.constant 1 : i32
          %get3A_262 = arith.index_cast %get3A_261 : i32 to index
          %get3A_263 = arith.index_cast %scan3A_133 : i32 to index
          %get3A_264 = arith.index_cast %add3A_260 : i32 to index
          %get3A_265 = tpu.vector_load %arg4[%get3A_262, %get3A_263, %get3A_264] {strides = array<i32>} : memref<2x8x4096xf32, #tpu.memory_space<vmem>>, vector<16xf32>,
          %sort3A_266 = arith.constant dense<true> : vector<16xi1>
          %sort3A_267, %sort3A_268, %sort3A_269 = tpu.sort %get3A_265, %get3A_265 masked %sort3A_266 : (vector<16xf32>, vector<16xf32>, vector<16xi1>) -> (vector<16xi1>, vector<16xf32>, vector<16xf32>)
          %rev3A_270 = arith.constant 15 : i32
          %rev3A_271 = vector.broadcast %rev3A_270 : i32 to vector<16xi32>
          %rev3A_272 = tpu.iota {dimensions = array<i32: 0>} : vector<16xi32>
          %rev3A_273 = arith.subi %rev3A_271, %rev3A_272 : vector<16xi32>
          %rev3A_274 = tpu.dynamic_gather %sort3A_268[%rev3A_273] in [0] : vector<16xf32>, vector<16xi32> -> vector<16xf32>
          %max3A_275 = arith.maximumf %sort3A_257, %rev3A_274 : vector<16xf32>
          %sort3A_276 = arith.constant dense<true> : vector<16xi1>
          %sort3A_277, %sort3A_278, %sort3A_279 = tpu.sort %max3A_275, %max3A_275 masked %sort3A_276 : (vector<16xf32>, vector<16xf32>, vector<16xi1>) -> (vector<16xi1>, vector<16xf32>, vector<16xf32>)
          %add3A_280 = arith.constant 96 : i32
          %add3A_281 = arith.addi %mul3A_156, %add3A_280 : i32
          %get3A_282 = arith.constant 1 : i32
          %get3A_283 = arith.index_cast %get3A_282 : i32 to index
          %get3A_284 = arith.index_cast %scan3A_133 : i32 to index
          %get3A_285 = arith.index_cast %add3A_281 : i32 to index
          %get3A_286 = tpu.vector_load %arg4[%get3A_283, %get3A_284, %get3A_285] {strides = array<i32>} : memref<2x8x4096xf32, #tpu.memory_space<vmem>>, vector<16xf32>,
          %sort3A_287 = arith.constant dense<true> : vector<16xi1>
          %sort3A_288, %sort3A_289, %sort3A_290 = tpu.sort %get3A_286, %get3A_286 masked %sort3A_287 : (vector<16xf32>, vector<16xf32>, vector<16xi1>) -> (vector<16xi1>, vector<16xf32>, vector<16xf32>)
          %rev3A_291 = arith.constant 15 : i32
          %rev3A_292 = vector.broadcast %rev3A_291 : i32 to vector<16xi32>
          %rev3A_293 = tpu.iota {dimensions = array<i32: 0>} : vector<16xi32>
          %rev3A_294 = arith.subi %rev3A_292, %rev3A_293 : vector<16xi32>
          %rev3A_295 = tpu.dynamic_gather %sort3A_289[%rev3A_294] in [0] : vector<16xf32>, vector<16xi32> -> vector<16xf32>
          %max3A_296 = arith.maximumf %sort3A_278, %rev3A_295 : vector<16xf32>
          %sort3A_297 = arith.constant dense<true> : vector<16xi1>
          %sort3A_298, %sort3A_299, %sort3A_300 = tpu.sort %max3A_296, %max3A_296 masked %sort3A_297 : (vector<16xf32>, vector<16xf32>, vector<16xi1>) -> (vector<16xi1>, vector<16xf32>, vector<16xf32>)
          %add3A_301 = arith.constant 112 : i32
          %add3A_302 = arith.addi %mul3A_156, %add3A_301 : i32
          %get3A_303 = arith.constant 1 : i32
          %get3A_304 = arith.index_cast %get3A_303 : i32 to index
          %get3A_305 = arith.index_cast %scan3A_133 : i32 to index
          %get3A_306 = arith.index_cast %add3A_302 : i32 to index
          %get3A_307 = tpu.vector_load %arg4[%get3A_304, %get3A_305, %get3A_306] {strides = array<i32>} : memref<2x8x4096xf32, #tpu.memory_space<vmem>>, vector<16xf32>,
          %sort3A_308 = arith.constant dense<true> : vector<16xi1>
          %sort3A_309, %sort3A_310, %sort3A_311 = tpu.sort %get3A_307, %get3A_307 masked %sort3A_308 : (vector<16xf32>, vector<16xf32>, vector<16xi1>) -> (vector<16xi1>, vector<16xf32>, vector<16xf32>)
          %rev3A_312 = arith.constant 15 : i32
          %rev3A_313 = vector.broadcast %rev3A_312 : i32 to vector<16xi32>
          %rev3A_314 = tpu.iota {dimensions = array<i32: 0>} : vector<16xi32>
          %rev3A_315 = arith.subi %rev3A_313, %rev3A_314 : vector<16xi32>
          %rev3A_316 = tpu.dynamic_gather %sort3A_310[%rev3A_315] in [0] : vector<16xf32>, vector<16xi32> -> vector<16xf32>
          %max3A_317 = arith.maximumf %sort3A_299, %rev3A_316 : vector<16xf32>
          %sort3A_318 = arith.constant dense<true> : vector<16xi1>
          %sort3A_319, %sort3A_320, %sort3A_321 = tpu.sort %max3A_317, %max3A_317 masked %sort3A_318 : (vector<16xf32>, vector<16xf32>, vector<16xi1>) -> (vector<16xi1>, vector<16xf32>, vector<16xf32>)
          scf.yield %sort3A_320 : vector<16xf32>
        }
        %scan3A_141 = arith.constant 32 : i32
        %rev3A = arith.constant 15 : i32
        %rev3A_142 = vector.broadcast %rev3A : i32 to vector<16xi32>
        %rev3A_143 = tpu.iota {dimensions = array<i32: 0>} : vector<16xi32>
        %rev3A_144 = arith.subi %rev3A_142, %rev3A_143 : vector<16xi32>
        %rev3A_145 = tpu.dynamic_gather %scan3A_140[%rev3A_144] in [0] : vector<16xf32>, vector<16xi32> -> vector<16xf32>
        %mul3A_146 = arith.constant 8 : i32
        %mul3A_147 = arith.muli %add3A_124, %mul3A_146 : i32
        %add3A_148 = arith.addi %mul3A_147, %scan3A_133 : i32
        %mul3A_149 = arith.constant 16 : i32
        %mul3A_150 = arith.muli %add3A_148, %mul3A_149 : i32
        %swap3A = arith.index_cast %mul3A_150 : i32 to index
        %swap3A_151 = tpu.vector_load %arg5[%swap3A] {strides = array<i32>} : memref<2048xf32, #tpu.memory_space<vmem>>, vector<16xf32>,
        tpu.vector_store %arg5[%swap3A], %rev3A_145 {strides = array<i32>} : memref<2048xf32, #tpu.memory_space<vmem>>, vector<16xf32>,
        %scan3A_152 = arith.constant 0 : i32
        scf.yield %scan3A_152 : i32
      }
      %scan3A_131 = arith.constant 8 : i32
      %scan3A_132 = arith.constant 0 : i32
      scf.yield %scan3A_132 : i32
    }
    %scan3A_25 = arith.constant 8 : i32
    %dma_wait3A = arith.constant 0 : i32
    %dma_wait3A_26 = arith.constant 0 : i32
    %dma_wait3A_27 = arith.constant 0 : i32
    %dma_wait3A_28 = tpu.memref_slice %arg4[%dma_wait3A, %dma_wait3A_26, %dma_wait3A_27] : memref<2x8x4096xf32, #tpu.memory_space<vmem>> -> memref<1x8x4096xf32, #tpu.memory_space<vmem>>
    %dma_wait3A_29 = tpu.memref_squeeze %dma_wait3A_28 : memref<1x8x4096xf32, #tpu.memory_space<vmem>> -> memref<8x4096xf32, #tpu.memory_space<vmem>>
    %dma_wait3A_30 = arith.constant 0 : i32
    %dma_wait3A_31 = arith.constant 0 : i32
    %dma_wait3A_32 = tpu.memref_slice %arg2[%dma_wait3A_30, %dma_wait3A_31] : memref<4096x4096xf32, #tpu.memory_space<hbm>> -> memref<8x4096xf32, #tpu.memory_space<hbm>>
    %dma_wait3A_33 = arith.constant 0 : i32
    %dma_wait3A_34 = arith.constant 0 : i32
    %dma_wait3A_35 = tpu.memref_slice %arg4[%dma_wait3A, %dma_wait3A_33, %dma_wait3A_34] : memref<2x8x4096xf32, #tpu.memory_space<vmem>> -> memref<1x8x4096xf32, #tpu.memory_space<vmem>>
    %dma_wait3A_36 = tpu.memref_squeeze %dma_wait3A_35 : memref<1x8x4096xf32, #tpu.memory_space<vmem>> -> memref<8x4096xf32, #tpu.memory_space<vmem>>
    %dma_wait3A_37 = arith.constant 0 : i32
    %dma_wait3A_38 = arith.constant 0 : i32
    %dma_wait3A_39 = tpu.memref_slice %arg2[%dma_wait3A_37, %dma_wait3A_38] : memref<4096x4096xf32, #tpu.memory_space<hbm>> -> memref<8x4096xf32, #tpu.memory_space<hbm>>
    tpu.wait_dma2 semaphore(%arg6 : memref<!tpu.dma_semaphore, #tpu.memory_space<semaphore_mem>>) src(%dma_wait3A_39 : memref<8x4096xf32, #tpu.memory_space<hbm>>) dst(%dma_wait3A_36 : memref<8x4096xf32, #tpu.memory_space<vmem>>)
    %mul3A_40 = arith.constant 16 : i32
    %mul3A_41 = arith.muli %mul3A_2, %mul3A_40 : i32
    "tpu.region"() ({
      %run_scoped3A = tpu.sem_alloc : memref<!tpu.dma_semaphore, #tpu.memory_space<semaphore_mem>>
      %dma_start3A_42 = tpu.memref_slice %arg3[%mul3A_41] : memref<65536xf32, #tpu.memory_space<hbm>> -> memref<2048xf32, #tpu.memory_space<hbm>>
      %dma_start3A_43 = tpu.memref_slice %arg3[%mul3A_41] : memref<65536xf32, #tpu.memory_space<hbm>> -> memref<2048xf32, #tpu.memory_space<hbm>>
      tpu.enqueue_dma source(%arg5 : memref<2048xf32, #tpu.memory_space<vmem>>) target(%dma_start3A_43 : memref<2048xf32, #tpu.memory_space<hbm>>) target_semaphore(%run_scoped3A : memref<!tpu.dma_semaphore, #tpu.memory_space<semaphore_mem>>)
      %dma_wait3A_44 = tpu.memref_slice %arg3[%mul3A_41] : memref<65536xf32, #tpu.memory_space<hbm>> -> memref<2048xf32, #tpu.memory_space<hbm>>
      %dma_wait3A_45 = tpu.memref_slice %arg3[%mul3A_41] : memref<65536xf32, #tpu.memory_space<hbm>> -> memref<2048xf32, #tpu.memory_space<hbm>>
      tpu.wait_dma2 semaphore(%run_scoped3A : memref<!tpu.dma_semaphore, #tpu.memory_space<semaphore_mem>>) src(%arg5 : memref<2048xf32, #tpu.memory_space<vmem>>) dst(%dma_wait3A_45 : memref<2048xf32, #tpu.memory_space<hbm>>)
      tpu.yield
    }) : () -> ()
    return
  }
}

#map = affine_map<(d0, d1) -> (0, 0)>
#map1 = affine_map<(d0, d1) -> (0)>
module attributes {stable_mosaic.version = 14 : i64} {
  func.func @_sc_topk_kernel(%arg0: i32, %arg1: i32, %arg2: memref<4096x4096xf32, #tpu.memory_space<hbm>>, %arg3: memref<65536xf32, #tpu.memory_space<hbm>>, %arg4: memref<2x8x4096xf32, #tpu.memory_space<vmem>>, %arg5: memref<2048xf32, #tpu.memory_space<vmem>>, %arg6: memref<!tpu.dma_semaphore, #tpu.memory_space<semaphore_mem>>, %arg7: memref<!tpu.dma_semaphore, #tpu.memory_space<semaphore_mem>>) attributes {dimension_semantics = [#tpu.dimension_semantics<core_parallel>, #tpu.dimension_semantics<subcore_parallel>], iteration_bounds = array<i64: 2, 16>, scalar_prefetch = 0 : i64, scratch_operands = 4 : i64, tpu.core_type = #tpu.core_type<sc_vector_subcore>, window_params = [{transform_indices = #map}, {transform_indices = #map1}]} {
    %mul3A = arith.constant 2 : i32
    %mul3A_0 = arith.muli %arg1, %mul3A : i32
    %add3A = arith.addi %mul3A_0, %arg0 : i32
    %mul3A_1 = arith.constant 128 : i32
    %mul3A_2 = arith.muli %add3A, %mul3A_1 : i32
    %min3A = arith.constant 0 : i32
    %min3A_3 = arith.constant 15 : i32
    %min3A_4 = arith.minsi %min3A, %min3A_3 : i32
    %mul3A_5 = arith.constant 8 : i32
    %mul3A_6 = arith.muli %min3A_4, %mul3A_5 : i32
    %add3A_7 = arith.addi %mul3A_2, %mul3A_6 : i32
    %dma_start3A = arith.constant 0 : i32
    %dma_start3A_8 = arith.constant 0 : i32
    %dma_start3A_9 = arith.constant 0 : i32
    %dma_start3A_10 = tpu.memref_slice %arg4[%dma_start3A, %dma_start3A_8, %dma_start3A_9] : memref<2x8x4096xf32, #tpu.memory_space<vmem>> -> memref<1x8x4096xf32, #tpu.memory_space<vmem>>
    %dma_start3A_11 = tpu.memref_squeeze %dma_start3A_10 : memref<1x8x4096xf32, #tpu.memory_space<vmem>> -> memref<8x4096xf32, #tpu.memory_space<vmem>>
    %dma_start3A_12 = arith.constant 0 : i32
    %dma_start3A_13 = tpu.memref_slice %arg2[%add3A_7, %dma_start3A_12] : memref<4096x4096xf32, #tpu.memory_space<hbm>> -> memref<8x4096xf32, #tpu.memory_space<hbm>>
    %dma_start3A_14 = arith.constant 0 : i32
    %dma_start3A_15 = arith.constant 0 : i32
    %dma_start3A_16 = tpu.memref_slice %arg4[%dma_start3A, %dma_start3A_14, %dma_start3A_15] : memref<2x8x4096xf32, #tpu.memory_space<vmem>> -> memref<1x8x4096xf32, #tpu.memory_space<vmem>>
    %dma_start3A_17 = tpu.memref_squeeze %dma_start3A_16 : memref<1x8x4096xf32, #tpu.memory_space<vmem>> -> memref<8x4096xf32, #tpu.memory_space<vmem>>
    %dma_start3A_18 = arith.constant 0 : i32
    %dma_start3A_19 = tpu.memref_slice %arg2[%add3A_7, %dma_start3A_18] : memref<4096x4096xf32, #tpu.memory_space<hbm>> -> memref<8x4096xf32, #tpu.memory_space<hbm>>
    tpu.enqueue_dma source(%dma_start3A_19 : memref<8x4096xf32, #tpu.memory_space<hbm>>) target(%dma_start3A_17 : memref<8x4096xf32, #tpu.memory_space<vmem>>) target_semaphore(%arg6 : memref<!tpu.dma_semaphore, #tpu.memory_space<semaphore_mem>>)
    %scan3A = arith.constant 0 : i32
    %scan3A_20 = arith.constant 0 : i32
    %scan3A_21 = arith.constant 8 : i32
    %scan3A_22 = arith.addi %scan3A_20, %scan3A_21 : i32
    %scan3A_23 = arith.constant 1 : i32
    %scan3A_24 = scf.for %scan3A_42 = %scan3A_20 to %scan3A_22 step %scan3A_23 iter_args(%scan3A_43 = %scan3A) -> (i32)  : i32 {
      %mul3A_44 = arith.constant 2 : i32
      %mul3A_45 = arith.muli %mul3A_44, %scan3A_42 : i32
      %add3A_46 = arith.constant 1 : i32
      %add3A_47 = arith.addi %mul3A_45, %add3A_46 : i32
      %min3A_48 = arith.constant 15 : i32
      %min3A_49 = arith.minsi %add3A_47, %min3A_48 : i32
      %mul3A_50 = arith.constant 8 : i32
      %mul3A_51 = arith.muli %min3A_49, %mul3A_50 : i32
      %add3A_52 = arith.addi %mul3A_2, %mul3A_51 : i32
      %dma_start3A_53 = arith.constant 1 : i32
      %dma_start3A_54 = arith.constant 0 : i32
      %dma_start3A_55 = arith.constant 0 : i32
      %dma_start3A_56 = tpu.memref_slice %arg4[%dma_start3A_53, %dma_start3A_54, %dma_start3A_55] : memref<2x8x4096xf32, #tpu.memory_space<vmem>> -> memref<1x8x4096xf32, #tpu.memory_space<vmem>>
      %dma_start3A_57 = tpu.memref_squeeze %dma_start3A_56 : memref<1x8x4096xf32, #tpu.memory_space<vmem>> -> memref<8x4096xf32, #tpu.memory_space<vmem>>
      %dma_start3A_58 = arith.constant 0 : i32
      %dma_start3A_59 = tpu.memref_slice %arg2[%add3A_52, %dma_start3A_58] : memref<4096x4096xf32, #tpu.memory_space<hbm>> -> memref<8x4096xf32, #tpu.memory_space<hbm>>
      %dma_start3A_60 = arith.constant 0 : i32
      %dma_start3A_61 = arith.constant 0 : i32
      %dma_start3A_62 = tpu.memref_slice %arg4[%dma_start3A_53, %dma_start3A_60, %dma_start3A_61] : memref<2x8x4096xf32, #tpu.memory_space<vmem>> -> memref<1x8x4096xf32, #tpu.memory_space<vmem>>
      %dma_start3A_63 = tpu.memref_squeeze %dma_start3A_62 : memref<1x8x4096xf32, #tpu.memory_space<vmem>> -> memref<8x4096xf32, #tpu.memory_space<vmem>>
      %dma_start3A_64 = arith.constant 0 : i32
      %dma_start3A_65 = tpu.memref_slice %arg2[%add3A_52, %dma_start3A_64] : memref<4096x4096xf32, #tpu.memory_space<hbm>> -> memref<8x4096xf32, #tpu.memory_space<hbm>>
      tpu.enqueue_dma source(%dma_start3A_65 : memref<8x4096xf32, #tpu.memory_space<hbm>>) target(%dma_start3A_63 : memref<8x4096xf32, #tpu.memory_space<vmem>>) target_semaphore(%arg7 : memref<!tpu.dma_semaphore, #tpu.memory_space<semaphore_mem>>)
      %dma_wait3A_66 = arith.constant 0 : i32
      %dma_wait3A_67 = arith.constant 0 : i32
      %dma_wait3A_68 = arith.constant 0 : i32
      %dma_wait3A_69 = tpu.memref_slice %arg4[%dma_wait3A_66, %dma_wait3A_67, %dma_wait3A_68] : memref<2x8x4096xf32, #tpu.memory_space<vmem>> -> memref<1x8x4096xf32, #tpu.memory_space<vmem>>
      %dma_wait3A_70 = tpu.memref_squeeze %dma_wait3A_69 : memref<1x8x4096xf32, #tpu.memory_space<vmem>> -> memref<8x4096xf32, #tpu.memory_space<vmem>>
      %dma_wait3A_71 = arith.constant 0 : i32
      %dma_wait3A_72 = arith.constant 0 : i32
      %dma_wait3A_73 = tpu.memref_slice %arg2[%dma_wait3A_71, %dma_wait3A_72] : memref<4096x4096xf32, #tpu.memory_space<hbm>> -> memref<8x4096xf32, #tpu.memory_space<hbm>>
      %dma_wait3A_74 = arith.constant 0 : i32
      %dma_wait3A_75 = arith.constant 0 : i32
      %dma_wait3A_76 = tpu.memref_slice %arg4[%dma_wait3A_66, %dma_wait3A_74, %dma_wait3A_75] : memref<2x8x4096xf32, #tpu.memory_space<vmem>> -> memref<1x8x4096xf32, #tpu.memory_space<vmem>>
      %dma_wait3A_77 = tpu.memref_squeeze %dma_wait3A_76 : memref<1x8x4096xf32, #tpu.memory_space<vmem>> -> memref<8x4096xf32, #tpu.memory_space<vmem>>
      %dma_wait3A_78 = arith.constant 0 : i32
      %dma_wait3A_79 = arith.constant 0 : i32
      %dma_wait3A_80 = tpu.memref_slice %arg2[%dma_wait3A_78, %dma_wait3A_79] : memref<4096x4096xf32, #tpu.memory_space<hbm>> -> memref<8x4096xf32, #tpu.memory_space<hbm>>
      tpu.wait_dma2 semaphore(%arg6 : memref<!tpu.dma_semaphore, #tpu.memory_space<semaphore_mem>>) src(%dma_wait3A_80 : memref<8x4096xf32, #tpu.memory_space<hbm>>) dst(%dma_wait3A_77 : memref<8x4096xf32, #tpu.memory_space<vmem>>)
      %scan3A_81 = arith.constant 0 : i32
      %scan3A_82 = arith.constant 0 : i32
      %scan3A_83 = arith.constant 8 : i32
      %scan3A_84 = arith.addi %scan3A_82, %scan3A_83 : i32
      %scan3A_85 = arith.constant 1 : i32
      %scan3A_86 = scf.for %scan3A_133 = %scan3A_82 to %scan3A_84 step %scan3A_85 iter_args(%scan3A_134 = %scan3A_81) -> (i32)  : i32 {
        %broadcast_in_dim3A = arith.constant 0xFF800000 : f32
        %broadcast_in_dim3A_135 = vector.broadcast %broadcast_in_dim3A : f32 to vector<16xf32>
        %scan3A_136 = arith.constant 0 : i32
        %scan3A_137 = arith.constant 32 : i32
        %scan3A_138 = arith.addi %scan3A_136, %scan3A_137 : i32
        %scan3A_139 = arith.constant 1 : i32
        %scan3A_140 = scf.for %scan3A_153 = %scan3A_136 to %scan3A_138 step %scan3A_139 iter_args(%scan3A_154 = %broadcast_in_dim3A_135) -> (vector<16xf32>)  : i32 {
          %mul3A_155 = arith.constant 128 : i32
          %mul3A_156 = arith.muli %scan3A_153, %mul3A_155 : i32
          %add3A_157 = arith.constant 0 : i32
          %add3A_158 = arith.addi %mul3A_156, %add3A_157 : i32
          %get3A = arith.constant 0 : i32
          %get3A_159 = arith.index_cast %get3A : i32 to index
          %get3A_160 = arith.index_cast %scan3A_133 : i32 to index
          %get3A_161 = arith.index_cast %add3A_158 : i32 to index
          %get3A_162 = tpu.vector_load %arg4[%get3A_159, %get3A_160, %get3A_161] {strides = array<i32>} : memref<2x8x4096xf32, #tpu.memory_space<vmem>>, vector<16xf32>,
          %sort3A = arith.constant dense<true> : vector<16xi1>
          %sort3A_163, %sort3A_164, %sort3A_165 = tpu.sort %get3A_162, %get3A_162 masked %sort3A : (vector<16xf32>, vector<16xf32>, vector<16xi1>) -> (vector<16xi1>, vector<16xf32>, vector<16xf32>)
          %rev3A_166 = arith.constant 15 : i32
          %rev3A_167 = vector.broadcast %rev3A_166 : i32 to vector<16xi32>
          %rev3A_168 = tpu.iota {dimensions = array<i32: 0>} : vector<16xi32>
          %rev3A_169 = arith.subi %rev3A_167, %rev3A_168 : vector<16xi32>
          %rev3A_170 = tpu.dynamic_gather %sort3A_164[%rev3A_169] in [0] : vector<16xf32>, vector<16xi32> -> vector<16xf32>
          %max3A = arith.maximumf %scan3A_154, %rev3A_170 : vector<16xf32>
          %sort3A_171 = arith.constant dense<true> : vector<16xi1>
          %sort3A_172, %sort3A_173, %sort3A_174 = tpu.sort %max3A, %max3A masked %sort3A_171 : (vector<16xf32>, vector<16xf32>, vector<16xi1>) -> (vector<16xi1>, vector<16xf32>, vector<16xf32>)
          %add3A_175 = arith.constant 16 : i32
          %add3A_176 = arith.addi %mul3A_156, %add3A_175 : i32
          %get3A_177 = arith.constant 0 : i32
          %get3A_178 = arith.index_cast %get3A_177 : i32 to index
          %get3A_179 = arith.index_cast %scan3A_133 : i32 to index
          %get3A_180 = arith.index_cast %add3A_176 : i32 to index
          %get3A_181 = tpu.vector_load %arg4[%get3A_178, %get3A_179, %get3A_180] {strides = array<i32>} : memref<2x8x4096xf32, #tpu.memory_space<vmem>>, vector<16xf32>,
          %sort3A_182 = arith.constant dense<true> : vector<16xi1>
          %sort3A_183, %sort3A_184, %sort3A_185 = tpu.sort %get3A_181, %get3A_181 masked %sort3A_182 : (vector<16xf32>, vector<16xf32>, vector<16xi1>) -> (vector<16xi1>, vector<16xf32>, vector<16xf32>)
          %rev3A_186 = arith.constant 15 : i32
          %rev3A_187 = vector.broadcast %rev3A_186 : i32 to vector<16xi32>
          %rev3A_188 = tpu.iota {dimensions = array<i32: 0>} : vector<16xi32>
          %rev3A_189 = arith.subi %rev3A_187, %rev3A_188 : vector<16xi32>
          %rev3A_190 = tpu.dynamic_gather %sort3A_184[%rev3A_189] in [0] : vector<16xf32>, vector<16xi32> -> vector<16xf32>
          %max3A_191 = arith.maximumf %sort3A_173, %rev3A_190 : vector<16xf32>
          %sort3A_192 = arith.constant dense<true> : vector<16xi1>
          %sort3A_193, %sort3A_194, %sort3A_195 = tpu.sort %max3A_191, %max3A_191 masked %sort3A_192 : (vector<16xf32>, vector<16xf32>, vector<16xi1>) -> (vector<16xi1>, vector<16xf32>, vector<16xf32>)
          %add3A_196 = arith.constant 32 : i32
          %add3A_197 = arith.addi %mul3A_156, %add3A_196 : i32
          %get3A_198 = arith.constant 0 : i32
          %get3A_199 = arith.index_cast %get3A_198 : i32 to index
          %get3A_200 = arith.index_cast %scan3A_133 : i32 to index
          %get3A_201 = arith.index_cast %add3A_197 : i32 to index
          %get3A_202 = tpu.vector_load %arg4[%get3A_199, %get3A_200, %get3A_201] {strides = array<i32>} : memref<2x8x4096xf32, #tpu.memory_space<vmem>>, vector<16xf32>,
          %sort3A_203 = arith.constant dense<true> : vector<16xi1>
          %sort3A_204, %sort3A_205, %sort3A_206 = tpu.sort %get3A_202, %get3A_202 masked %sort3A_203 : (vector<16xf32>, vector<16xf32>, vector<16xi1>) -> (vector<16xi1>, vector<16xf32>, vector<16xf32>)
          %rev3A_207 = arith.constant 15 : i32
          %rev3A_208 = vector.broadcast %rev3A_207 : i32 to vector<16xi32>
          %rev3A_209 = tpu.iota {dimensions = array<i32: 0>} : vector<16xi32>
          %rev3A_210 = arith.subi %rev3A_208, %rev3A_209 : vector<16xi32>
          %rev3A_211 = tpu.dynamic_gather %sort3A_205[%rev3A_210] in [0] : vector<16xf32>, vector<16xi32> -> vector<16xf32>
          %max3A_212 = arith.maximumf %sort3A_194, %rev3A_211 : vector<16xf32>
          %sort3A_213 = arith.constant dense<true> : vector<16xi1>
          %sort3A_214, %sort3A_215, %sort3A_216 = tpu.sort %max3A_212, %max3A_212 masked %sort3A_213 : (vector<16xf32>, vector<16xf32>, vector<16xi1>) -> (vector<16xi1>, vector<16xf32>, vector<16xf32>)
          %add3A_217 = arith.constant 48 : i32
          %add3A_218 = arith.addi %mul3A_156, %add3A_217 : i32
          %get3A_219 = arith.constant 0 : i32
          %get3A_220 = arith.index_cast %get3A_219 : i32 to index
          %get3A_221 = arith.index_cast %scan3A_133 : i32 to index
          %get3A_222 = arith.index_cast %add3A_218 : i32 to index
          %get3A_223 = tpu.vector_load %arg4[%get3A_220, %get3A_221, %get3A_222] {strides = array<i32>} : memref<2x8x4096xf32, #tpu.memory_space<vmem>>, vector<16xf32>,
          %sort3A_224 = arith.constant dense<true> : vector<16xi1>
          %sort3A_225, %sort3A_226, %sort3A_227 = tpu.sort %get3A_223, %get3A_223 masked %sort3A_224 : (vector<16xf32>, vector<16xf32>, vector<16xi1>) -> (vector<16xi1>, vector<16xf32>, vector<16xf32>)
          %rev3A_228 = arith.constant 15 : i32
          %rev3A_229 = vector.broadcast %rev3A_228 : i32 to vector<16xi32>
          %rev3A_230 = tpu.iota {dimensions = array<i32: 0>} : vector<16xi32>
          %rev3A_231 = arith.subi %rev3A_229, %rev3A_230 : vector<16xi32>
          %rev3A_232 = tpu.dynamic_gather %sort3A_226[%rev3A_231] in [0] : vector<16xf32>, vector<16xi32> -> vector<16xf32>
          %max3A_233 = arith.maximumf %sort3A_215, %rev3A_232 : vector<16xf32>
          %sort3A_234 = arith.constant dense<true> : vector<16xi1>
          %sort3A_235, %sort3A_236, %sort3A_237 = tpu.sort %max3A_233, %max3A_233 masked %sort3A_234 : (vector<16xf32>, vector<16xf32>, vector<16xi1>) -> (vector<16xi1>, vector<16xf32>, vector<16xf32>)
          %add3A_238 = arith.constant 64 : i32
          %add3A_239 = arith.addi %mul3A_156, %add3A_238 : i32
          %get3A_240 = arith.constant 0 : i32
          %get3A_241 = arith.index_cast %get3A_240 : i32 to index
          %get3A_242 = arith.index_cast %scan3A_133 : i32 to index
          %get3A_243 = arith.index_cast %add3A_239 : i32 to index
          %get3A_244 = tpu.vector_load %arg4[%get3A_241, %get3A_242, %get3A_243] {strides = array<i32>} : memref<2x8x4096xf32, #tpu.memory_space<vmem>>, vector<16xf32>,
          %sort3A_245 = arith.constant dense<true> : vector<16xi1>
          %sort3A_246, %sort3A_247, %sort3A_248 = tpu.sort %get3A_244, %get3A_244 masked %sort3A_245 : (vector<16xf32>, vector<16xf32>, vector<16xi1>) -> (vector<16xi1>, vector<16xf32>, vector<16xf32>)
          %rev3A_249 = arith.constant 15 : i32
          %rev3A_250 = vector.broadcast %rev3A_249 : i32 to vector<16xi32>
          %rev3A_251 = tpu.iota {dimensions = array<i32: 0>} : vector<16xi32>
          %rev3A_252 = arith.subi %rev3A_250, %rev3A_251 : vector<16xi32>
          %rev3A_253 = tpu.dynamic_gather %sort3A_247[%rev3A_252] in [0] : vector<16xf32>, vector<16xi32> -> vector<16xf32>
          %max3A_254 = arith.maximumf %sort3A_236, %rev3A_253 : vector<16xf32>
          %sort3A_255 = arith.constant dense<true> : vector<16xi1>
          %sort3A_256, %sort3A_257, %sort3A_258 = tpu.sort %max3A_254, %max3A_254 masked %sort3A_255 : (vector<16xf32>, vector<16xf32>, vector<16xi1>) -> (vector<16xi1>, vector<16xf32>, vector<16xf32>)
          %add3A_259 = arith.constant 80 : i32
          %add3A_260 = arith.addi %mul3A_156, %add3A_259 : i32
          %get3A_261 = arith.constant 0 : i32
          %get3A_262 = arith.index_cast %get3A_261 : i32 to index
          %get3A_263 = arith.index_cast %scan3A_133 : i32 to index
          %get3A_264 = arith.index_cast %add3A_260 : i32 to index
          %get3A_265 = tpu.vector_load %arg4[%get3A_262, %get3A_263, %get3A_264] {strides = array<i32>} : memref<2x8x4096xf32, #tpu.memory_space<vmem>>, vector<16xf32>,
          %sort3A_266 = arith.constant dense<true> : vector<16xi1>
          %sort3A_267, %sort3A_268, %sort3A_269 = tpu.sort %get3A_265, %get3A_265 masked %sort3A_266 : (vector<16xf32>, vector<16xf32>, vector<16xi1>) -> (vector<16xi1>, vector<16xf32>, vector<16xf32>)
          %rev3A_270 = arith.constant 15 : i32
          %rev3A_271 = vector.broadcast %rev3A_270 : i32 to vector<16xi32>
          %rev3A_272 = tpu.iota {dimensions = array<i32: 0>} : vector<16xi32>
          %rev3A_273 = arith.subi %rev3A_271, %rev3A_272 : vector<16xi32>
          %rev3A_274 = tpu.dynamic_gather %sort3A_268[%rev3A_273] in [0] : vector<16xf32>, vector<16xi32> -> vector<16xf32>
          %max3A_275 = arith.maximumf %sort3A_257, %rev3A_274 : vector<16xf32>
          %sort3A_276 = arith.constant dense<true> : vector<16xi1>
          %sort3A_277, %sort3A_278, %sort3A_279 = tpu.sort %max3A_275, %max3A_275 masked %sort3A_276 : (vector<16xf32>, vector<16xf32>, vector<16xi1>) -> (vector<16xi1>, vector<16xf32>, vector<16xf32>)
          %add3A_280 = arith.constant 96 : i32
          %add3A_281 = arith.addi %mul3A_156, %add3A_280 : i32
          %get3A_282 = arith.constant 0 : i32
          %get3A_283 = arith.index_cast %get3A_282 : i32 to index
          %get3A_284 = arith.index_cast %scan3A_133 : i32 to index
          %get3A_285 = arith.index_cast %add3A_281 : i32 to index
          %get3A_286 = tpu.vector_load %arg4[%get3A_283, %get3A_284, %get3A_285] {strides = array<i32>} : memref<2x8x4096xf32, #tpu.memory_space<vmem>>, vector<16xf32>,
          %sort3A_287 = arith.constant dense<true> : vector<16xi1>
          %sort3A_288, %sort3A_289, %sort3A_290 = tpu.sort %get3A_286, %get3A_286 masked %sort3A_287 : (vector<16xf32>, vector<16xf32>, vector<16xi1>) -> (vector<16xi1>, vector<16xf32>, vector<16xf32>)
          %rev3A_291 = arith.constant 15 : i32
          %rev3A_292 = vector.broadcast %rev3A_291 : i32 to vector<16xi32>
          %rev3A_293 = tpu.iota {dimensions = array<i32: 0>} : vector<16xi32>
          %rev3A_294 = arith.subi %rev3A_292, %rev3A_293 : vector<16xi32>
          %rev3A_295 = tpu.dynamic_gather %sort3A_289[%rev3A_294] in [0] : vector<16xf32>, vector<16xi32> -> vector<16xf32>
          %max3A_296 = arith.maximumf %sort3A_278, %rev3A_295 : vector<16xf32>
          %sort3A_297 = arith.constant dense<true> : vector<16xi1>
          %sort3A_298, %sort3A_299, %sort3A_300 = tpu.sort %max3A_296, %max3A_296 masked %sort3A_297 : (vector<16xf32>, vector<16xf32>, vector<16xi1>) -> (vector<16xi1>, vector<16xf32>, vector<16xf32>)
          %add3A_301 = arith.constant 112 : i32
          %add3A_302 = arith.addi %mul3A_156, %add3A_301 : i32
          %get3A_303 = arith.constant 0 : i32
          %get3A_304 = arith.index_cast %get3A_303 : i32 to index
          %get3A_305 = arith.index_cast %scan3A_133 : i32 to index
          %get3A_306 = arith.index_cast %add3A_302 : i32 to index
          %get3A_307 = tpu.vector_load %arg4[%get3A_304, %get3A_305, %get3A_306] {strides = array<i32>} : memref<2x8x4096xf32, #tpu.memory_space<vmem>>, vector<16xf32>,
          %sort3A_308 = arith.constant dense<true> : vector<16xi1>
          %sort3A_309, %sort3A_310, %sort3A_311 = tpu.sort %get3A_307, %get3A_307 masked %sort3A_308 : (vector<16xf32>, vector<16xf32>, vector<16xi1>) -> (vector<16xi1>, vector<16xf32>, vector<16xf32>)
          %rev3A_312 = arith.constant 15 : i32
          %rev3A_313 = vector.broadcast %rev3A_312 : i32 to vector<16xi32>
          %rev3A_314 = tpu.iota {dimensions = array<i32: 0>} : vector<16xi32>
          %rev3A_315 = arith.subi %rev3A_313, %rev3A_314 : vector<16xi32>
          %rev3A_316 = tpu.dynamic_gather %sort3A_310[%rev3A_315] in [0] : vector<16xf32>, vector<16xi32> -> vector<16xf32>
          %max3A_317 = arith.maximumf %sort3A_299, %rev3A_316 : vector<16xf32>
          %sort3A_318 = arith.constant dense<true> : vector<16xi1>
          %sort3A_319, %sort3A_320, %sort3A_321 = tpu.sort %max3A_317, %max3A_317 masked %sort3A_318 : (vector<16xf32>, vector<16xf32>, vector<16xi1>) -> (vector<16xi1>, vector<16xf32>, vector<16xf32>)
          scf.yield %sort3A_320 : vector<16xf32>
        }
        %scan3A_141 = arith.constant 32 : i32
        %rev3A = arith.constant 15 : i32
        %rev3A_142 = vector.broadcast %rev3A : i32 to vector<16xi32>
        %rev3A_143 = tpu.iota {dimensions = array<i32: 0>} : vector<16xi32>
        %rev3A_144 = arith.subi %rev3A_142, %rev3A_143 : vector<16xi32>
        %rev3A_145 = tpu.dynamic_gather %scan3A_140[%rev3A_144] in [0] : vector<16xf32>, vector<16xi32> -> vector<16xf32>
        %mul3A_146 = arith.constant 8 : i32
        %mul3A_147 = arith.muli %mul3A_45, %mul3A_146 : i32
        %add3A_148 = arith.addi %mul3A_147, %scan3A_133 : i32
        %mul3A_149 = arith.constant 16 : i32
        %mul3A_150 = arith.muli %add3A_148, %mul3A_149 : i32
        %swap3A = arith.index_cast %mul3A_150 : i32 to index
        %swap3A_151 = tpu.vector_load %arg5[%swap3A] {strides = array<i32>} : memref<2048xf32, #tpu.memory_space<vmem>>, vector<16xf32>,
        tpu.vector_store %arg5[%swap3A], %rev3A_145 {strides = array<i32>} : memref<2048xf32, #tpu.memory_space<vmem>>, vector<16xf32>,
        %scan3A_152 = arith.constant 0 : i32
        scf.yield %scan3A_152 : i32
      }
      %scan3A_87 = arith.constant 8 : i32
      %add3A_88 = arith.constant 2 : i32
      %add3A_89 = arith.addi %mul3A_45, %add3A_88 : i32
      %min3A_90 = arith.constant 15 : i32
      %min3A_91 = arith.minsi %add3A_89, %min3A_90 : i32
      %mul3A_92 = arith.constant 8 : i32
      %mul3A_93 = arith.muli %min3A_91, %mul3A_92 : i32
      %add3A_94 = arith.addi %mul3A_2, %mul3A_93 : i32
      %dma_start3A_95 = arith.constant 0 : i32
      %dma_start3A_96 = arith.constant 0 : i32
      %dma_start3A_97 = arith.constant 0 : i32
      %dma_start3A_98 = tpu.memref_slice %arg4[%dma_start3A_95, %dma_start3A_96, %dma_start3A_97] : memref<2x8x4096xf32, #tpu.memory_space<vmem>> -> memref<1x8x4096xf32, #tpu.memory_space<vmem>>
      %dma_start3A_99 = tpu.memref_squeeze %dma_start3A_98 : memref<1x8x4096xf32, #tpu.memory_space<vmem>> -> memref<8x4096xf32, #tpu.memory_space<vmem>>
      %dma_start3A_100 = arith.constant 0 : i32
      %dma_start3A_101 = tpu.memref_slice %arg2[%add3A_94, %dma_start3A_100] : memref<4096x4096xf32, #tpu.memory_space<hbm>> -> memref<8x4096xf32, #tpu.memory_space<hbm>>
      %dma_start3A_102 = arith.constant 0 : i32
      %dma_start3A_103 = arith.constant 0 : i32
      %dma_start3A_104 = tpu.memref_slice %arg4[%dma_start3A_95, %dma_start3A_102, %dma_start3A_103] : memref<2x8x4096xf32, #tpu.memory_space<vmem>> -> memref<1x8x4096xf32, #tpu.memory_space<vmem>>
      %dma_start3A_105 = tpu.memref_squeeze %dma_start3A_104 : memref<1x8x4096xf32, #tpu.memory_space<vmem>> -> memref<8x4096xf32, #tpu.memory_space<vmem>>
      %dma_start3A_106 = arith.constant 0 : i32
      %dma_start3A_107 = tpu.memref_slice %arg2[%add3A_94, %dma_start3A_106] : memref<4096x4096xf32, #tpu.memory_space<hbm>> -> memref<8x4096xf32, #tpu.memory_space<hbm>>
      tpu.enqueue_dma source(%dma_start3A_107 : memref<8x4096xf32, #tpu.memory_space<hbm>>) target(%dma_start3A_105 : memref<8x4096xf32, #tpu.memory_space<vmem>>) target_semaphore(%arg6 : memref<!tpu.dma_semaphore, #tpu.memory_space<semaphore_mem>>)
      %dma_wait3A_108 = arith.constant 1 : i32
      %dma_wait3A_109 = arith.constant 0 : i32
      %dma_wait3A_110 = arith.constant 0 : i32
      %dma_wait3A_111 = tpu.memref_slice %arg4[%dma_wait3A_108, %dma_wait3A_109, %dma_wait3A_110] : memref<2x8x4096xf32, #tpu.memory_space<vmem>> -> memref<1x8x4096xf32, #tpu.memory_space<vmem>>
      %dma_wait3A_112 = tpu.memref_squeeze %dma_wait3A_111 : memref<1x8x4096xf32, #tpu.memory_space<vmem>> -> memref<8x4096xf32, #tpu.memory_space<vmem>>
      %dma_wait3A_113 = arith.constant 0 : i32
      %dma_wait3A_114 = arith.constant 0 : i32
      %dma_wait3A_115 = tpu.memref_slice %arg2[%dma_wait3A_113, %dma_wait3A_114] : memref<4096x4096xf32, #tpu.memory_space<hbm>> -> memref<8x4096xf32, #tpu.memory_space<hbm>>
      %dma_wait3A_116 = arith.constant 0 : i32
      %dma_wait3A_117 = arith.constant 0 : i32
      %dma_wait3A_118 = tpu.memref_slice %arg4[%dma_wait3A_108, %dma_wait3A_116, %dma_wait3A_117] : memref<2x8x4096xf32, #tpu.memory_space<vmem>> -> memref<1x8x4096xf32, #tpu.memory_space<vmem>>
      %dma_wait3A_119 = tpu.memref_squeeze %dma_wait3A_118 : memref<1x8x4096xf32, #tpu.memory_space<vmem>> -> memref<8x4096xf32, #tpu.memory_space<vmem>>
      %dma_wait3A_120 = arith.constant 0 : i32
      %dma_wait3A_121 = arith.constant 0 : i32
      %dma_wait3A_122 = tpu.memref_slice %arg2[%dma_wait3A_120, %dma_wait3A_121] : memref<4096x4096xf32, #tpu.memory_space<hbm>> -> memref<8x4096xf32, #tpu.memory_space<hbm>>
      tpu.wait_dma2 semaphore(%arg7 : memref<!tpu.dma_semaphore, #tpu.memory_space<semaphore_mem>>) src(%dma_wait3A_122 : memref<8x4096xf32, #tpu.memory_space<hbm>>) dst(%dma_wait3A_119 : memref<8x4096xf32, #tpu.memory_space<vmem>>)
      %add3A_123 = arith.constant 1 : i32
      %add3A_124 = arith.addi %mul3A_45, %add3A_123 : i32
      %scan3A_125 = arith.constant 0 : i32
      %scan3A_126 = arith.constant 0 : i32
      %scan3A_127 = arith.constant 8 : i32
      %scan3A_128 = arith.addi %scan3A_126, %scan3A_127 : i32
      %scan3A_129 = arith.constant 1 : i32
      %scan3A_130 = scf.for %scan3A_133 = %scan3A_126 to %scan3A_128 step %scan3A_129 iter_args(%scan3A_134 = %scan3A_125) -> (i32)  : i32 {
        %broadcast_in_dim3A = arith.constant 0xFF800000 : f32
        %broadcast_in_dim3A_135 = vector.broadcast %broadcast_in_dim3A : f32 to vector<16xf32>
        %scan3A_136 = arith.constant 0 : i32
        %scan3A_137 = arith.constant 32 : i32
        %scan3A_138 = arith.addi %scan3A_136, %scan3A_137 : i32
        %scan3A_139 = arith.constant 1 : i32
        %scan3A_140 = scf.for %scan3A_153 = %scan3A_136 to %scan3A_138 step %scan3A_139 iter_args(%scan3A_154 = %broadcast_in_dim3A_135) -> (vector<16xf32>)  : i32 {
          %mul3A_155 = arith.constant 128 : i32
          %mul3A_156 = arith.muli %scan3A_153, %mul3A_155 : i32
          %add3A_157 = arith.constant 0 : i32
          %add3A_158 = arith.addi %mul3A_156, %add3A_157 : i32
          %get3A = arith.constant 1 : i32
          %get3A_159 = arith.index_cast %get3A : i32 to index
          %get3A_160 = arith.index_cast %scan3A_133 : i32 to index
          %get3A_161 = arith.index_cast %add3A_158 : i32 to index
          %get3A_162 = tpu.vector_load %arg4[%get3A_159, %get3A_160, %get3A_161] {strides = array<i32>} : memref<2x8x4096xf32, #tpu.memory_space<vmem>>, vector<16xf32>,
          %sort3A = arith.constant dense<true> : vector<16xi1>
          %sort3A_163, %sort3A_164, %sort3A_165 = tpu.sort %get3A_162, %get3A_162 masked %sort3A : (vector<16xf32>, vector<16xf32>, vector<16xi1>) -> (vector<16xi1>, vector<16xf32>, vector<16xf32>)
          %rev3A_166 = arith.constant 15 : i32
          %rev3A_167 = vector.broadcast %rev3A_166 : i32 to vector<16xi32>
          %rev3A_168 = tpu.iota {dimensions = array<i32: 0>} : vector<16xi32>
          %rev3A_169 = arith.subi %rev3A_167, %rev3A_168 : vector<16xi32>
          %rev3A_170 = tpu.dynamic_gather %sort3A_164[%rev3A_169] in [0] : vector<16xf32>, vector<16xi32> -> vector<16xf32>
          %max3A = arith.maximumf %scan3A_154, %rev3A_170 : vector<16xf32>
          %sort3A_171 = arith.constant dense<true> : vector<16xi1>
          %sort3A_172, %sort3A_173, %sort3A_174 = tpu.sort %max3A, %max3A masked %sort3A_171 : (vector<16xf32>, vector<16xf32>, vector<16xi1>) -> (vector<16xi1>, vector<16xf32>, vector<16xf32>)
          %add3A_175 = arith.constant 16 : i32
          %add3A_176 = arith.addi %mul3A_156, %add3A_175 : i32
          %get3A_177 = arith.constant 1 : i32
          %get3A_178 = arith.index_cast %get3A_177 : i32 to index
          %get3A_179 = arith.index_cast %scan3A_133 : i32 to index
          %get3A_180 = arith.index_cast %add3A_176 : i32 to index
          %get3A_181 = tpu.vector_load %arg4[%get3A_178, %get3A_179, %get3A_180] {strides = array<i32>} : memref<2x8x4096xf32, #tpu.memory_space<vmem>>, vector<16xf32>,
          %sort3A_182 = arith.constant dense<true> : vector<16xi1>
          %sort3A_183, %sort3A_184, %sort3A_185 = tpu.sort %get3A_181, %get3A_181 masked %sort3A_182 : (vector<16xf32>, vector<16xf32>, vector<16xi1>) -> (vector<16xi1>, vector<16xf32>, vector<16xf32>)
          %rev3A_186 = arith.constant 15 : i32
          %rev3A_187 = vector.broadcast %rev3A_186 : i32 to vector<16xi32>
          %rev3A_188 = tpu.iota {dimensions = array<i32: 0>} : vector<16xi32>
          %rev3A_189 = arith.subi %rev3A_187, %rev3A_188 : vector<16xi32>
          %rev3A_190 = tpu.dynamic_gather %sort3A_184[%rev3A_189] in [0] : vector<16xf32>, vector<16xi32> -> vector<16xf32>
          %max3A_191 = arith.maximumf %sort3A_173, %rev3A_190 : vector<16xf32>
          %sort3A_192 = arith.constant dense<true> : vector<16xi1>
          %sort3A_193, %sort3A_194, %sort3A_195 = tpu.sort %max3A_191, %max3A_191 masked %sort3A_192 : (vector<16xf32>, vector<16xf32>, vector<16xi1>) -> (vector<16xi1>, vector<16xf32>, vector<16xf32>)
          %add3A_196 = arith.constant 32 : i32
          %add3A_197 = arith.addi %mul3A_156, %add3A_196 : i32
          %get3A_198 = arith.constant 1 : i32
          %get3A_199 = arith.index_cast %get3A_198 : i32 to index
          %get3A_200 = arith.index_cast %scan3A_133 : i32 to index
          %get3A_201 = arith.index_cast %add3A_197 : i32 to index
          %get3A_202 = tpu.vector_load %arg4[%get3A_199, %get3A_200, %get3A_201] {strides = array<i32>} : memref<2x8x4096xf32, #tpu.memory_space<vmem>>, vector<16xf32>,
          %sort3A_203 = arith.constant dense<true> : vector<16xi1>
          %sort3A_204, %sort3A_205, %sort3A_206 = tpu.sort %get3A_202, %get3A_202 masked %sort3A_203 : (vector<16xf32>, vector<16xf32>, vector<16xi1>) -> (vector<16xi1>, vector<16xf32>, vector<16xf32>)
          %rev3A_207 = arith.constant 15 : i32
          %rev3A_208 = vector.broadcast %rev3A_207 : i32 to vector<16xi32>
          %rev3A_209 = tpu.iota {dimensions = array<i32: 0>} : vector<16xi32>
          %rev3A_210 = arith.subi %rev3A_208, %rev3A_209 : vector<16xi32>
          %rev3A_211 = tpu.dynamic_gather %sort3A_205[%rev3A_210] in [0] : vector<16xf32>, vector<16xi32> -> vector<16xf32>
          %max3A_212 = arith.maximumf %sort3A_194, %rev3A_211 : vector<16xf32>
          %sort3A_213 = arith.constant dense<true> : vector<16xi1>
          %sort3A_214, %sort3A_215, %sort3A_216 = tpu.sort %max3A_212, %max3A_212 masked %sort3A_213 : (vector<16xf32>, vector<16xf32>, vector<16xi1>) -> (vector<16xi1>, vector<16xf32>, vector<16xf32>)
          %add3A_217 = arith.constant 48 : i32
          %add3A_218 = arith.addi %mul3A_156, %add3A_217 : i32
          %get3A_219 = arith.constant 1 : i32
          %get3A_220 = arith.index_cast %get3A_219 : i32 to index
          %get3A_221 = arith.index_cast %scan3A_133 : i32 to index
          %get3A_222 = arith.index_cast %add3A_218 : i32 to index
          %get3A_223 = tpu.vector_load %arg4[%get3A_220, %get3A_221, %get3A_222] {strides = array<i32>} : memref<2x8x4096xf32, #tpu.memory_space<vmem>>, vector<16xf32>,
          %sort3A_224 = arith.constant dense<true> : vector<16xi1>
          %sort3A_225, %sort3A_226, %sort3A_227 = tpu.sort %get3A_223, %get3A_223 masked %sort3A_224 : (vector<16xf32>, vector<16xf32>, vector<16xi1>) -> (vector<16xi1>, vector<16xf32>, vector<16xf32>)
          %rev3A_228 = arith.constant 15 : i32
          %rev3A_229 = vector.broadcast %rev3A_228 : i32 to vector<16xi32>
          %rev3A_230 = tpu.iota {dimensions = array<i32: 0>} : vector<16xi32>
          %rev3A_231 = arith.subi %rev3A_229, %rev3A_230 : vector<16xi32>
          %rev3A_232 = tpu.dynamic_gather %sort3A_226[%rev3A_231] in [0] : vector<16xf32>, vector<16xi32> -> vector<16xf32>
          %max3A_233 = arith.maximumf %sort3A_215, %rev3A_232 : vector<16xf32>
          %sort3A_234 = arith.constant dense<true> : vector<16xi1>
          %sort3A_235, %sort3A_236, %sort3A_237 = tpu.sort %max3A_233, %max3A_233 masked %sort3A_234 : (vector<16xf32>, vector<16xf32>, vector<16xi1>) -> (vector<16xi1>, vector<16xf32>, vector<16xf32>)
          %add3A_238 = arith.constant 64 : i32
          %add3A_239 = arith.addi %mul3A_156, %add3A_238 : i32
          %get3A_240 = arith.constant 1 : i32
          %get3A_241 = arith.index_cast %get3A_240 : i32 to index
          %get3A_242 = arith.index_cast %scan3A_133 : i32 to index
          %get3A_243 = arith.index_cast %add3A_239 : i32 to index
          %get3A_244 = tpu.vector_load %arg4[%get3A_241, %get3A_242, %get3A_243] {strides = array<i32>} : memref<2x8x4096xf32, #tpu.memory_space<vmem>>, vector<16xf32>,
          %sort3A_245 = arith.constant dense<true> : vector<16xi1>
          %sort3A_246, %sort3A_247, %sort3A_248 = tpu.sort %get3A_244, %get3A_244 masked %sort3A_245 : (vector<16xf32>, vector<16xf32>, vector<16xi1>) -> (vector<16xi1>, vector<16xf32>, vector<16xf32>)
          %rev3A_249 = arith.constant 15 : i32
          %rev3A_250 = vector.broadcast %rev3A_249 : i32 to vector<16xi32>
          %rev3A_251 = tpu.iota {dimensions = array<i32: 0>} : vector<16xi32>
          %rev3A_252 = arith.subi %rev3A_250, %rev3A_251 : vector<16xi32>
          %rev3A_253 = tpu.dynamic_gather %sort3A_247[%rev3A_252] in [0] : vector<16xf32>, vector<16xi32> -> vector<16xf32>
          %max3A_254 = arith.maximumf %sort3A_236, %rev3A_253 : vector<16xf32>
          %sort3A_255 = arith.constant dense<true> : vector<16xi1>
          %sort3A_256, %sort3A_257, %sort3A_258 = tpu.sort %max3A_254, %max3A_254 masked %sort3A_255 : (vector<16xf32>, vector<16xf32>, vector<16xi1>) -> (vector<16xi1>, vector<16xf32>, vector<16xf32>)
          %add3A_259 = arith.constant 80 : i32
          %add3A_260 = arith.addi %mul3A_156, %add3A_259 : i32
          %get3A_261 = arith.constant 1 : i32
          %get3A_262 = arith.index_cast %get3A_261 : i32 to index
          %get3A_263 = arith.index_cast %scan3A_133 : i32 to index
          %get3A_264 = arith.index_cast %add3A_260 : i32 to index
          %get3A_265 = tpu.vector_load %arg4[%get3A_262, %get3A_263, %get3A_264] {strides = array<i32>} : memref<2x8x4096xf32, #tpu.memory_space<vmem>>, vector<16xf32>,
          %sort3A_266 = arith.constant dense<true> : vector<16xi1>
          %sort3A_267, %sort3A_268, %sort3A_269 = tpu.sort %get3A_265, %get3A_265 masked %sort3A_266 : (vector<16xf32>, vector<16xf32>, vector<16xi1>) -> (vector<16xi1>, vector<16xf32>, vector<16xf32>)
          %rev3A_270 = arith.constant 15 : i32
          %rev3A_271 = vector.broadcast %rev3A_270 : i32 to vector<16xi32>
          %rev3A_272 = tpu.iota {dimensions = array<i32: 0>} : vector<16xi32>
          %rev3A_273 = arith.subi %rev3A_271, %rev3A_272 : vector<16xi32>
          %rev3A_274 = tpu.dynamic_gather %sort3A_268[%rev3A_273] in [0] : vector<16xf32>, vector<16xi32> -> vector<16xf32>
          %max3A_275 = arith.maximumf %sort3A_257, %rev3A_274 : vector<16xf32>
          %sort3A_276 = arith.constant dense<true> : vector<16xi1>
          %sort3A_277, %sort3A_278, %sort3A_279 = tpu.sort %max3A_275, %max3A_275 masked %sort3A_276 : (vector<16xf32>, vector<16xf32>, vector<16xi1>) -> (vector<16xi1>, vector<16xf32>, vector<16xf32>)
          %add3A_280 = arith.constant 96 : i32
          %add3A_281 = arith.addi %mul3A_156, %add3A_280 : i32
          %get3A_282 = arith.constant 1 : i32
          %get3A_283 = arith.index_cast %get3A_282 : i32 to index
          %get3A_284 = arith.index_cast %scan3A_133 : i32 to index
          %get3A_285 = arith.index_cast %add3A_281 : i32 to index
          %get3A_286 = tpu.vector_load %arg4[%get3A_283, %get3A_284, %get3A_285] {strides = array<i32>} : memref<2x8x4096xf32, #tpu.memory_space<vmem>>, vector<16xf32>,
          %sort3A_287 = arith.constant dense<true> : vector<16xi1>
          %sort3A_288, %sort3A_289, %sort3A_290 = tpu.sort %get3A_286, %get3A_286 masked %sort3A_287 : (vector<16xf32>, vector<16xf32>, vector<16xi1>) -> (vector<16xi1>, vector<16xf32>, vector<16xf32>)
          %rev3A_291 = arith.constant 15 : i32
          %rev3A_292 = vector.broadcast %rev3A_291 : i32 to vector<16xi32>
          %rev3A_293 = tpu.iota {dimensions = array<i32: 0>} : vector<16xi32>
          %rev3A_294 = arith.subi %rev3A_292, %rev3A_293 : vector<16xi32>
          %rev3A_295 = tpu.dynamic_gather %sort3A_289[%rev3A_294] in [0] : vector<16xf32>, vector<16xi32> -> vector<16xf32>
          %max3A_296 = arith.maximumf %sort3A_278, %rev3A_295 : vector<16xf32>
          %sort3A_297 = arith.constant dense<true> : vector<16xi1>
          %sort3A_298, %sort3A_299, %sort3A_300 = tpu.sort %max3A_296, %max3A_296 masked %sort3A_297 : (vector<16xf32>, vector<16xf32>, vector<16xi1>) -> (vector<16xi1>, vector<16xf32>, vector<16xf32>)
          %add3A_301 = arith.constant 112 : i32
          %add3A_302 = arith.addi %mul3A_156, %add3A_301 : i32
          %get3A_303 = arith.constant 1 : i32
          %get3A_304 = arith.index_cast %get3A_303 : i32 to index
          %get3A_305 = arith.index_cast %scan3A_133 : i32 to index
          %get3A_306 = arith.index_cast %add3A_302 : i32 to index
          %get3A_307 = tpu.vector_load %arg4[%get3A_304, %get3A_305, %get3A_306] {strides = array<i32>} : memref<2x8x4096xf32, #tpu.memory_space<vmem>>, vector<16xf32>,
          %sort3A_308 = arith.constant dense<true> : vector<16xi1>
          %sort3A_309, %sort3A_310, %sort3A_311 = tpu.sort %get3A_307, %get3A_307 masked %sort3A_308 : (vector<16xf32>, vector<16xf32>, vector<16xi1>) -> (vector<16xi1>, vector<16xf32>, vector<16xf32>)
          %rev3A_312 = arith.constant 15 : i32
          %rev3A_313 = vector.broadcast %rev3A_312 : i32 to vector<16xi32>
          %rev3A_314 = tpu.iota {dimensions = array<i32: 0>} : vector<16xi32>
          %rev3A_315 = arith.subi %rev3A_313, %rev3A_314 : vector<16xi32>
          %rev3A_316 = tpu.dynamic_gather %sort3A_310[%rev3A_315] in [0] : vector<16xf32>, vector<16xi32> -> vector<16xf32>
          %max3A_317 = arith.maximumf %sort3A_299, %rev3A_316 : vector<16xf32>
          %sort3A_318 = arith.constant dense<true> : vector<16xi1>
          %sort3A_319, %sort3A_320, %sort3A_321 = tpu.sort %max3A_317, %max3A_317 masked %sort3A_318 : (vector<16xf32>, vector<16xf32>, vector<16xi1>) -> (vector<16xi1>, vector<16xf32>, vector<16xf32>)
          scf.yield %sort3A_320 : vector<16xf32>
        }
        %scan3A_141 = arith.constant 32 : i32
        %rev3A = arith.constant 15 : i32
        %rev3A_142 = vector.broadcast %rev3A : i32 to vector<16xi32>
        %rev3A_143 = tpu.iota {dimensions = array<i32: 0>} : vector<16xi32>
        %rev3A_144 = arith.subi %rev3A_142, %rev3A_143 : vector<16xi32>
        %rev3A_145 = tpu.dynamic_gather %scan3A_140[%rev3A_144] in [0] : vector<16xf32>, vector<16xi32> -> vector<16xf32>
        %mul3A_146 = arith.constant 8 : i32
        %mul3A_147 = arith.muli %add3A_124, %mul3A_146 : i32
        %add3A_148 = arith.addi %mul3A_147, %scan3A_133 : i32
        %mul3A_149 = arith.constant 16 : i32
        %mul3A_150 = arith.muli %add3A_148, %mul3A_149 : i32
        %swap3A = arith.index_cast %mul3A_150 : i32 to index
        %swap3A_151 = tpu.vector_load %arg5[%swap3A] {strides = array<i32>} : memref<2048xf32, #tpu.memory_space<vmem>>, vector<16xf32>,
        tpu.vector_store %arg5[%swap3A], %rev3A_145 {strides = array<i32>} : memref<2048xf32, #tpu.memory_space<vmem>>, vector<16xf32>,
        %scan3A_152 = arith.constant 0 : i32
        scf.yield %scan3A_152 : i32
      }
      %scan3A_131 = arith.constant 8 : i32
      %scan3A_132 = arith.constant 0 : i32
      scf.yield %scan3A_132 : i32
    }
    %scan3A_25 = arith.constant 8 : i32
    %dma_wait3A = arith.constant 0 : i32
    %dma_wait3A_26 = arith.constant 0 : i32
    %dma_wait3A_27 = arith.constant 0 : i32
    %dma_wait3A_28 = tpu.memref_slice %arg4[%dma_wait3A, %dma_wait3A_26, %dma_wait3A_27] : memref<2x8x4096xf32, #tpu.memory_space<vmem>> -> memref<1x8x4096xf32, #tpu.memory_space<vmem>>
    %dma_wait3A_29 = tpu.memref_squeeze %dma_wait3A_28 : memref<1x8x4096xf32, #tpu.memory_space<vmem>> -> memref<8x4096xf32, #tpu.memory_space<vmem>>
    %dma_wait3A_30 = arith.constant 0 : i32
    %dma_wait3A_31 = arith.constant 0 : i32
    %dma_wait3A_32 = tpu.memref_slice %arg2[%dma_wait3A_30, %dma_wait3A_31] : memref<4096x4096xf32, #tpu.memory_space<hbm>> -> memref<8x4096xf32, #tpu.memory_space<hbm>>
    %dma_wait3A_33 = arith.constant 0 : i32
    %dma_wait3A_34 = arith.constant 0 : i32
    %dma_wait3A_35 = tpu.memref_slice %arg4[%dma_wait3A, %dma_wait3A_33, %dma_wait3A_34] : memref<2x8x4096xf32, #tpu.memory_space<vmem>> -> memref<1x8x4096xf32, #tpu.memory_space<vmem>>
    %dma_wait3A_36 = tpu.memref_squeeze %dma_wait3A_35 : memref<1x8x4096xf32, #tpu.memory_space<vmem>> -> memref<8x4096xf32, #tpu.memory_space<vmem>>
    %dma_wait3A_37 = arith.constant 0 : i32
    %dma_wait3A_38 = arith.constant 0 : i32
    %dma_wait3A_39 = tpu.memref_slice %arg2[%dma_wait3A_37, %dma_wait3A_38] : memref<4096x4096xf32, #tpu.memory_space<hbm>> -> memref<8x4096xf32, #tpu.memory_space<hbm>>
    tpu.wait_dma2 semaphore(%arg6 : memref<!tpu.dma_semaphore, #tpu.memory_space<semaphore_mem>>) src(%dma_wait3A_39 : memref<8x4096xf32, #tpu.memory_space<hbm>>) dst(%dma_wait3A_36 : memref<8x4096xf32, #tpu.memory_space<vmem>>)
    %mul3A_40 = arith.constant 16 : i32
    %mul3A_41 = arith.muli %mul3A_2, %mul3A_40 : i32
    "tpu.region"() ({
      %run_scoped3A = tpu.sem_alloc : memref<!tpu.dma_semaphore, #tpu.memory_space<semaphore_mem>>
      %dma_start3A_42 = tpu.memref_slice %arg3[%mul3A_41] : memref<65536xf32, #tpu.memory_space<hbm>> -> memref<2048xf32, #tpu.memory_space<hbm>>
      %dma_start3A_43 = tpu.memref_slice %arg3[%mul3A_41] : memref<65536xf32, #tpu.memory_space<hbm>> -> memref<2048xf32, #tpu.memory_space<hbm>>
      tpu.enqueue_dma source(%arg5 : memref<2048xf32, #tpu.memory_space<vmem>>) target(%dma_start3A_43 : memref<2048xf32, #tpu.memory_space<hbm>>) target_semaphore(%run_scoped3A : memref<!tpu.dma_semaphore, #tpu.memory_space<semaphore_mem>>)
      %dma_wait3A_44 = tpu.memref_slice %arg3[%mul3A_41] : memref<65536xf32, #tpu.memory_space<hbm>> -> memref<2048xf32, #tpu.memory_space<hbm>>
      %dma_wait3A_45 = tpu.memref_slice %arg3[%mul3A_41] : memref<65536xf32, #tpu.memory_space<hbm>> -> memref<2048xf32, #tpu.memory_space<hbm>>
      tpu.wait_dma2 semaphore(%run_scoped3A : memref<!tpu.dma_semaphore, #tpu.memory_space<semaphore_mem>>) src(%arg5 : memref<2048xf32, #tpu.memory_space<vmem>>) dst(%dma_wait3A_45 : memref<2048xf32, #tpu.memory_space<hbm>>)
      tpu.yield
    }) : () -> ()
    return
  }
}

module attributes {stable_mosaic.version = 14 : i64} {
  func.func @_sims_kernel(%arg0: i32, %arg1: memref<1xi32, #tpu.memory_space<smem>>, %arg2: memref<256x512xf32, #tpu.memory_space<vmem>>, %arg3: memref<4096x512xf32, #tpu.memory_space<vmem>>, %arg4: memref<256x1xi32, #tpu.memory_space<vmem>>, %arg5: memref<1x4096xi32, #tpu.memory_space<vmem>>, %arg6: memref<256x4096xf32, #tpu.memory_space<vmem>>) attributes {dimension_semantics = [#tpu.dimension_semantics<arbitrary>], iteration_bounds = array<i64: 16>, scalar_prefetch = 0 : i64, scratch_operands = 0 : i64, tpu.core_type = #tpu.core_type<tc>, window_params = [{transform_indices = @transform_0, window_bounds = array<i64: 1>}, {transform_indices = @transform_1, window_bounds = array<i64: 256, 512>}, {pipeline_mode = #tpu.pipeline_mode<synchronous>, transform_indices = @transform_2, window_bounds = array<i64: 4096, 512>}, {transform_indices = @transform_3, window_bounds = array<i64: 256, 1>}, {pipeline_mode = #tpu.pipeline_mode<synchronous>, transform_indices = @transform_4, window_bounds = array<i64: 1, 4096>}, {transform_indices = @transform_5, window_bounds = array<i64: 256, 4096>}]} {
    %get3A = arith.constant 0 : index
    %get3A_0 = arith.constant 0 : index
    %get3A_1 = vector.load %arg2[%get3A, %get3A_0] : memref<256x512xf32, #tpu.memory_space<vmem>>, vector<256x512xf32>
    %mul3A = arith.mulf %get3A_1, %get3A_1 : vector<256x512xf32>
    %reduce_sum3A = arith.constant dense<0.000000e+00> : vector<256xf32>
    %reduce_sum3A_2 = vector.multi_reduction <add>, %mul3A, %reduce_sum3A [1] : vector<256x512xf32> to vector<256xf32>
    %broadcast_in_dim3A = vector.shape_cast %reduce_sum3A_2 : vector<256xf32> to vector<256x1xf32>
    %sqrt3A = math.sqrt %broadcast_in_dim3A : vector<256x1xf32>
    %max3A = arith.constant 9.99999996E-13 : f32
    %max3A_3 = vector.broadcast %max3A : f32 to vector<256x1xf32>
    %max3A_4 = arith.maximumf %sqrt3A, %max3A_3 : vector<256x1xf32>
    %div3A = vector.broadcast %max3A_4 : vector<256x1xf32> to vector<256x512xf32>
    %div3A_5 = arith.divf %get3A_1, %div3A : vector<256x512xf32>
    %get3A_6 = arith.constant 0 : index
    %get3A_7 = arith.constant 0 : index
    %get3A_8 = vector.load %arg3[%get3A_6, %get3A_7] : memref<4096x512xf32, #tpu.memory_space<vmem>>, vector<4096x512xf32>
    %mul3A_9 = arith.mulf %get3A_8, %get3A_8 : vector<4096x512xf32>
    %reduce_sum3A_10 = arith.constant dense<0.000000e+00> : vector<4096xf32>
    %reduce_sum3A_11 = vector.multi_reduction <add>, %mul3A_9, %reduce_sum3A_10 [1] : vector<4096x512xf32> to vector<4096xf32>
    %broadcast_in_dim3A_12 = vector.shape_cast %reduce_sum3A_11 : vector<4096xf32> to vector<4096x1xf32>
    %sqrt3A_13 = math.sqrt %broadcast_in_dim3A_12 : vector<4096x1xf32>
    %max3A_14 = arith.constant 9.99999996E-13 : f32
    %max3A_15 = vector.broadcast %max3A_14 : f32 to vector<4096x1xf32>
    %max3A_16 = arith.maximumf %sqrt3A_13, %max3A_15 : vector<4096x1xf32>
    %div3A_17 = vector.broadcast %max3A_16 : vector<4096x1xf32> to vector<4096x512xf32>
    %div3A_18 = arith.divf %get3A_8, %div3A_17 : vector<4096x512xf32>
    %dot_general3A = arith.constant dense<0.000000e+00> : vector<256x4096xf32>
    %dot_general3A_19 = tpu.matmul %div3A_5, %div3A_18, %dot_general3A {dimension_numbers = #tpu.dot_dimension_numbers<[1], [1], [0], [0], [0, 0, 1, 0], [], []>, transpose_lhs_hint = false} : vector<256x512xf32>, vector<4096x512xf32>, vector<256x4096xf32> -> vector<256x4096xf32>
    %get3A_20 = arith.constant 0 : index
    %get3A_21 = arith.constant 0 : index
    %get3A_22 = vector.load %arg4[%get3A_20, %get3A_21] : memref<256x1xi32, #tpu.memory_space<vmem>>, vector<256x1xi32>
    %get3A_23 = arith.constant 0 : index
    %get3A_24 = arith.constant 0 : index
    %get3A_25 = vector.load %arg5[%get3A_23, %get3A_24] : memref<1x4096xi32, #tpu.memory_space<vmem>>, vector<1x4096xi32>
    %eq3A = vector.broadcast %get3A_22 : vector<256x1xi32> to vector<256x4096xi32>
    %eq3A_26 = vector.broadcast %get3A_25 : vector<1x4096xi32> to vector<256x4096xi32>
    %eq3A_27 = arith.cmpi eq, %eq3A, %eq3A_26 : vector<256x4096xi32>
    %get3A_28 = arith.constant 0 : index
    %get3A_29 = memref.load %arg1[%get3A_28] : memref<1xi32, #tpu.memory_space<smem>>
    %eq3A_30 = arith.constant 3 : i32
    %eq3A_31 = arith.cmpi eq, %get3A_29, %eq3A_30 : i32
    %and3A = vector.broadcast %eq3A_31 : i1 to vector<256x4096xi1>
    %and3A_32 = arith.andi %and3A, %eq3A_27 : vector<256x4096xi1>
    %jit3A = arith.constant 0xFF800000 : f32
    %broadcast_in_dim3A_33 = vector.broadcast %jit3A : f32 to vector<256x4096xf32>
    %select_n3A = arith.select %and3A_32, %broadcast_in_dim3A_33, %dot_general3A_19 : vector<256x4096xi1>, vector<256x4096xf32>
    %swap3A = arith.constant 0 : index
    %swap3A_34 = arith.constant 0 : index
    %swap3A_35 = vector.load %arg6[%swap3A, %swap3A_34] : memref<256x4096xf32, #tpu.memory_space<vmem>>, vector<256x4096xf32>
    tpu.vector_store %arg6[%swap3A, %swap3A_34], %select_n3A {strides = array<i32>} : memref<256x4096xf32, #tpu.memory_space<vmem>>, vector<256x4096xf32>,
    return
  }
  func.func @transform_0(%arg0: i32) -> i32 {
    %c0_i32 = arith.constant 0 : i32
    %c0_i32_0 = arith.constant 0 : i32
    return %c0_i32 : i32
  }
  func.func @transform_1(%arg0: i32) -> (i32, i32) {
    %c0_i32 = arith.constant 0 : i32
    %c0_i32_0 = arith.constant 0 : i32
    return %arg0, %c0_i32 : i32, i32
  }
  func.func @transform_2(%arg0: i32) -> (i32, i32) {
    %c0_i32 = arith.constant 0 : i32
    %c0_i32_0 = arith.constant 0 : i32
    %c0_i32_1 = arith.constant 0 : i32
    return %c0_i32, %c0_i32_0 : i32, i32
  }
  func.func @transform_3(%arg0: i32) -> (i32, i32) {
    %c0_i32 = arith.constant 0 : i32
    %c0_i32_0 = arith.constant 0 : i32
    return %arg0, %c0_i32 : i32, i32
  }
  func.func @transform_4(%arg0: i32) -> (i32, i32) {
    %c0_i32 = arith.constant 0 : i32
    %c0_i32_0 = arith.constant 0 : i32
    %c0_i32_1 = arith.constant 0 : i32
    return %c0_i32, %c0_i32_0 : i32, i32
  }
  func.func @transform_5(%arg0: i32) -> (i32, i32) {
    %c0_i32 = arith.constant 0 : i32
    %c0_i32_0 = arith.constant 0 : i32
    return %arg0, %c0_i32 : i32, i32
  }
}

module attributes {stable_mosaic.version = 14 : i64} {
  func.func @_sims_kernel(%arg0: i32, %arg1: memref<1xi32, #tpu.memory_space<smem>>, %arg2: memref<256x512xf32, #tpu.memory_space<vmem>>, %arg3: memref<4096x512xf32, #tpu.memory_space<vmem>>, %arg4: memref<256x1xi32, #tpu.memory_space<vmem>>, %arg5: memref<1x4096xi32, #tpu.memory_space<vmem>>, %arg6: memref<256x4096xf32, #tpu.memory_space<vmem>>) attributes {dimension_semantics = [#tpu.dimension_semantics<arbitrary>], iteration_bounds = array<i64: 16>, scalar_prefetch = 0 : i64, scratch_operands = 0 : i64, tpu.core_type = #tpu.core_type<tc>, window_params = [{transform_indices = @transform_0, window_bounds = array<i64: 1>}, {transform_indices = @transform_1, window_bounds = array<i64: 256, 512>}, {pipeline_mode = #tpu.pipeline_mode<synchronous>, transform_indices = @transform_2, window_bounds = array<i64: 4096, 512>}, {transform_indices = @transform_3, window_bounds = array<i64: 256, 1>}, {pipeline_mode = #tpu.pipeline_mode<synchronous>, transform_indices = @transform_4, window_bounds = array<i64: 1, 4096>}, {transform_indices = @transform_5, window_bounds = array<i64: 256, 4096>}]} {
    %get3A = arith.constant 0 : index
    %get3A_0 = arith.constant 0 : index
    %get3A_1 = vector.load %arg2[%get3A, %get3A_0] : memref<256x512xf32, #tpu.memory_space<vmem>>, vector<256x512xf32>
    %mul3A = arith.mulf %get3A_1, %get3A_1 : vector<256x512xf32>
    %reduce_sum3A = arith.constant dense<0.000000e+00> : vector<256xf32>
    %reduce_sum3A_2 = vector.multi_reduction <add>, %mul3A, %reduce_sum3A [1] : vector<256x512xf32> to vector<256xf32>
    %broadcast_in_dim3A = vector.shape_cast %reduce_sum3A_2 : vector<256xf32> to vector<256x1xf32>
    %sqrt3A = math.sqrt %broadcast_in_dim3A : vector<256x1xf32>
    %max3A = arith.constant 9.99999996E-13 : f32
    %max3A_3 = vector.broadcast %max3A : f32 to vector<256x1xf32>
    %max3A_4 = arith.maximumf %sqrt3A, %max3A_3 : vector<256x1xf32>
    %div3A = vector.broadcast %max3A_4 : vector<256x1xf32> to vector<256x512xf32>
    %div3A_5 = arith.divf %get3A_1, %div3A : vector<256x512xf32>
    %get3A_6 = arith.constant 0 : index
    %get3A_7 = arith.constant 0 : index
    %get3A_8 = vector.load %arg3[%get3A_6, %get3A_7] : memref<4096x512xf32, #tpu.memory_space<vmem>>, vector<4096x512xf32>
    %mul3A_9 = arith.mulf %get3A_8, %get3A_8 : vector<4096x512xf32>
    %reduce_sum3A_10 = arith.constant dense<0.000000e+00> : vector<4096xf32>
    %reduce_sum3A_11 = vector.multi_reduction <add>, %mul3A_9, %reduce_sum3A_10 [1] : vector<4096x512xf32> to vector<4096xf32>
    %broadcast_in_dim3A_12 = vector.shape_cast %reduce_sum3A_11 : vector<4096xf32> to vector<4096x1xf32>
    %sqrt3A_13 = math.sqrt %broadcast_in_dim3A_12 : vector<4096x1xf32>
    %max3A_14 = arith.constant 9.99999996E-13 : f32
    %max3A_15 = vector.broadcast %max3A_14 : f32 to vector<4096x1xf32>
    %max3A_16 = arith.maximumf %sqrt3A_13, %max3A_15 : vector<4096x1xf32>
    %div3A_17 = vector.broadcast %max3A_16 : vector<4096x1xf32> to vector<4096x512xf32>
    %div3A_18 = arith.divf %get3A_8, %div3A_17 : vector<4096x512xf32>
    %dot_general3A = arith.constant dense<0.000000e+00> : vector<256x4096xf32>
    %dot_general3A_19 = tpu.matmul %div3A_5, %div3A_18, %dot_general3A {dimension_numbers = #tpu.dot_dimension_numbers<[1], [1], [0], [0], [0, 0, 1, 0], [], []>, transpose_lhs_hint = false} : vector<256x512xf32>, vector<4096x512xf32>, vector<256x4096xf32> -> vector<256x4096xf32>
    %get3A_20 = arith.constant 0 : index
    %get3A_21 = arith.constant 0 : index
    %get3A_22 = vector.load %arg4[%get3A_20, %get3A_21] : memref<256x1xi32, #tpu.memory_space<vmem>>, vector<256x1xi32>
    %get3A_23 = arith.constant 0 : index
    %get3A_24 = arith.constant 0 : index
    %get3A_25 = vector.load %arg5[%get3A_23, %get3A_24] : memref<1x4096xi32, #tpu.memory_space<vmem>>, vector<1x4096xi32>
    %eq3A = vector.broadcast %get3A_22 : vector<256x1xi32> to vector<256x4096xi32>
    %eq3A_26 = vector.broadcast %get3A_25 : vector<1x4096xi32> to vector<256x4096xi32>
    %eq3A_27 = arith.cmpi eq, %eq3A, %eq3A_26 : vector<256x4096xi32>
    %get3A_28 = arith.constant 0 : index
    %get3A_29 = memref.load %arg1[%get3A_28] : memref<1xi32, #tpu.memory_space<smem>>
    %eq3A_30 = arith.constant 0 : i32
    %eq3A_31 = arith.cmpi eq, %get3A_29, %eq3A_30 : i32
    %and3A = vector.broadcast %eq3A_31 : i1 to vector<256x4096xi1>
    %and3A_32 = arith.andi %and3A, %eq3A_27 : vector<256x4096xi1>
    %jit3A = arith.constant 0xFF800000 : f32
    %broadcast_in_dim3A_33 = vector.broadcast %jit3A : f32 to vector<256x4096xf32>
    %select_n3A = arith.select %and3A_32, %broadcast_in_dim3A_33, %dot_general3A_19 : vector<256x4096xi1>, vector<256x4096xf32>
    %swap3A = arith.constant 0 : index
    %swap3A_34 = arith.constant 0 : index
    %swap3A_35 = vector.load %arg6[%swap3A, %swap3A_34] : memref<256x4096xf32, #tpu.memory_space<vmem>>, vector<256x4096xf32>
    tpu.vector_store %arg6[%swap3A, %swap3A_34], %select_n3A {strides = array<i32>} : memref<256x4096xf32, #tpu.memory_space<vmem>>, vector<256x4096xf32>,
    return
  }
  func.func @transform_0(%arg0: i32) -> i32 {
    %c0_i32 = arith.constant 0 : i32
    %c0_i32_0 = arith.constant 0 : i32
    return %c0_i32 : i32
  }
  func.func @transform_1(%arg0: i32) -> (i32, i32) {
    %c0_i32 = arith.constant 0 : i32
    %c0_i32_0 = arith.constant 0 : i32
    return %arg0, %c0_i32 : i32, i32
  }
  func.func @transform_2(%arg0: i32) -> (i32, i32) {
    %c0_i32 = arith.constant 0 : i32
    %c0_i32_0 = arith.constant 0 : i32
    %c0_i32_1 = arith.constant 0 : i32
    return %c0_i32, %c0_i32_0 : i32, i32
  }
  func.func @transform_3(%arg0: i32) -> (i32, i32) {
    %c0_i32 = arith.constant 0 : i32
    %c0_i32_0 = arith.constant 0 : i32
    return %arg0, %c0_i32 : i32, i32
  }
  func.func @transform_4(%arg0: i32) -> (i32, i32) {
    %c0_i32 = arith.constant 0 : i32
    %c0_i32_0 = arith.constant 0 : i32
    %c0_i32_1 = arith.constant 0 : i32
    return %c0_i32, %c0_i32_0 : i32, i32
  }
  func.func @transform_5(%arg0: i32) -> (i32, i32) {
    %c0_i32 = arith.constant 0 : i32
    %c0_i32_0 = arith.constant 0 : i32
    return %arg0, %c0_i32 : i32, i32
  }
}

module attributes {stable_mosaic.version = 14 : i64} {
  func.func @_sims_kernel(%arg0: i32, %arg1: memref<1xi32, #tpu.memory_space<smem>>, %arg2: memref<256x512xf32, #tpu.memory_space<vmem>>, %arg3: memref<4096x512xf32, #tpu.memory_space<vmem>>, %arg4: memref<256x1xi32, #tpu.memory_space<vmem>>, %arg5: memref<1x4096xi32, #tpu.memory_space<vmem>>, %arg6: memref<256x4096xf32, #tpu.memory_space<vmem>>) attributes {dimension_semantics = [#tpu.dimension_semantics<arbitrary>], iteration_bounds = array<i64: 16>, scalar_prefetch = 0 : i64, scratch_operands = 0 : i64, tpu.core_type = #tpu.core_type<tc>, window_params = [{transform_indices = @transform_0, window_bounds = array<i64: 1>}, {transform_indices = @transform_1, window_bounds = array<i64: 256, 512>}, {pipeline_mode = #tpu.pipeline_mode<synchronous>, transform_indices = @transform_2, window_bounds = array<i64: 4096, 512>}, {transform_indices = @transform_3, window_bounds = array<i64: 256, 1>}, {pipeline_mode = #tpu.pipeline_mode<synchronous>, transform_indices = @transform_4, window_bounds = array<i64: 1, 4096>}, {transform_indices = @transform_5, window_bounds = array<i64: 256, 4096>}]} {
    %get3A = arith.constant 0 : index
    %get3A_0 = arith.constant 0 : index
    %get3A_1 = vector.load %arg2[%get3A, %get3A_0] : memref<256x512xf32, #tpu.memory_space<vmem>>, vector<256x512xf32>
    %mul3A = arith.mulf %get3A_1, %get3A_1 : vector<256x512xf32>
    %reduce_sum3A = arith.constant dense<0.000000e+00> : vector<256xf32>
    %reduce_sum3A_2 = vector.multi_reduction <add>, %mul3A, %reduce_sum3A [1] : vector<256x512xf32> to vector<256xf32>
    %broadcast_in_dim3A = vector.shape_cast %reduce_sum3A_2 : vector<256xf32> to vector<256x1xf32>
    %sqrt3A = math.sqrt %broadcast_in_dim3A : vector<256x1xf32>
    %max3A = arith.constant 9.99999996E-13 : f32
    %max3A_3 = vector.broadcast %max3A : f32 to vector<256x1xf32>
    %max3A_4 = arith.maximumf %sqrt3A, %max3A_3 : vector<256x1xf32>
    %div3A = vector.broadcast %max3A_4 : vector<256x1xf32> to vector<256x512xf32>
    %div3A_5 = arith.divf %get3A_1, %div3A : vector<256x512xf32>
    %get3A_6 = arith.constant 0 : index
    %get3A_7 = arith.constant 0 : index
    %get3A_8 = vector.load %arg3[%get3A_6, %get3A_7] : memref<4096x512xf32, #tpu.memory_space<vmem>>, vector<4096x512xf32>
    %mul3A_9 = arith.mulf %get3A_8, %get3A_8 : vector<4096x512xf32>
    %reduce_sum3A_10 = arith.constant dense<0.000000e+00> : vector<4096xf32>
    %reduce_sum3A_11 = vector.multi_reduction <add>, %mul3A_9, %reduce_sum3A_10 [1] : vector<4096x512xf32> to vector<4096xf32>
    %broadcast_in_dim3A_12 = vector.shape_cast %reduce_sum3A_11 : vector<4096xf32> to vector<4096x1xf32>
    %sqrt3A_13 = math.sqrt %broadcast_in_dim3A_12 : vector<4096x1xf32>
    %max3A_14 = arith.constant 9.99999996E-13 : f32
    %max3A_15 = vector.broadcast %max3A_14 : f32 to vector<4096x1xf32>
    %max3A_16 = arith.maximumf %sqrt3A_13, %max3A_15 : vector<4096x1xf32>
    %div3A_17 = vector.broadcast %max3A_16 : vector<4096x1xf32> to vector<4096x512xf32>
    %div3A_18 = arith.divf %get3A_8, %div3A_17 : vector<4096x512xf32>
    %dot_general3A = arith.constant dense<0.000000e+00> : vector<256x4096xf32>
    %dot_general3A_19 = tpu.matmul %div3A_5, %div3A_18, %dot_general3A {dimension_numbers = #tpu.dot_dimension_numbers<[1], [1], [0], [0], [0, 0, 1, 0], [], []>, transpose_lhs_hint = false} : vector<256x512xf32>, vector<4096x512xf32>, vector<256x4096xf32> -> vector<256x4096xf32>
    %get3A_20 = arith.constant 0 : index
    %get3A_21 = arith.constant 0 : index
    %get3A_22 = vector.load %arg4[%get3A_20, %get3A_21] : memref<256x1xi32, #tpu.memory_space<vmem>>, vector<256x1xi32>
    %get3A_23 = arith.constant 0 : index
    %get3A_24 = arith.constant 0 : index
    %get3A_25 = vector.load %arg5[%get3A_23, %get3A_24] : memref<1x4096xi32, #tpu.memory_space<vmem>>, vector<1x4096xi32>
    %eq3A = vector.broadcast %get3A_22 : vector<256x1xi32> to vector<256x4096xi32>
    %eq3A_26 = vector.broadcast %get3A_25 : vector<1x4096xi32> to vector<256x4096xi32>
    %eq3A_27 = arith.cmpi eq, %eq3A, %eq3A_26 : vector<256x4096xi32>
    %get3A_28 = arith.constant 0 : index
    %get3A_29 = memref.load %arg1[%get3A_28] : memref<1xi32, #tpu.memory_space<smem>>
    %eq3A_30 = arith.constant 2 : i32
    %eq3A_31 = arith.cmpi eq, %get3A_29, %eq3A_30 : i32
    %and3A = vector.broadcast %eq3A_31 : i1 to vector<256x4096xi1>
    %and3A_32 = arith.andi %and3A, %eq3A_27 : vector<256x4096xi1>
    %jit3A = arith.constant 0xFF800000 : f32
    %broadcast_in_dim3A_33 = vector.broadcast %jit3A : f32 to vector<256x4096xf32>
    %select_n3A = arith.select %and3A_32, %broadcast_in_dim3A_33, %dot_general3A_19 : vector<256x4096xi1>, vector<256x4096xf32>
    %swap3A = arith.constant 0 : index
    %swap3A_34 = arith.constant 0 : index
    %swap3A_35 = vector.load %arg6[%swap3A, %swap3A_34] : memref<256x4096xf32, #tpu.memory_space<vmem>>, vector<256x4096xf32>
    tpu.vector_store %arg6[%swap3A, %swap3A_34], %select_n3A {strides = array<i32>} : memref<256x4096xf32, #tpu.memory_space<vmem>>, vector<256x4096xf32>,
    return
  }
  func.func @transform_0(%arg0: i32) -> i32 {
    %c0_i32 = arith.constant 0 : i32
    %c0_i32_0 = arith.constant 0 : i32
    return %c0_i32 : i32
  }
  func.func @transform_1(%arg0: i32) -> (i32, i32) {
    %c0_i32 = arith.constant 0 : i32
    %c0_i32_0 = arith.constant 0 : i32
    return %arg0, %c0_i32 : i32, i32
  }
  func.func @transform_2(%arg0: i32) -> (i32, i32) {
    %c0_i32 = arith.constant 0 : i32
    %c0_i32_0 = arith.constant 0 : i32
    %c0_i32_1 = arith.constant 0 : i32
    return %c0_i32, %c0_i32_0 : i32, i32
  }
  func.func @transform_3(%arg0: i32) -> (i32, i32) {
    %c0_i32 = arith.constant 0 : i32
    %c0_i32_0 = arith.constant 0 : i32
    return %arg0, %c0_i32 : i32, i32
  }
  func.func @transform_4(%arg0: i32) -> (i32, i32) {
    %c0_i32 = arith.constant 0 : i32
    %c0_i32_0 = arith.constant 0 : i32
    %c0_i32_1 = arith.constant 0 : i32
    return %c0_i32, %c0_i32_0 : i32, i32
  }
  func.func @transform_5(%arg0: i32) -> (i32, i32) {
    %c0_i32 = arith.constant 0 : i32
    %c0_i32_0 = arith.constant 0 : i32
    return %arg0, %c0_i32 : i32, i32
  }
}

module attributes {stable_mosaic.version = 14 : i64} {
  func.func @_sims_kernel(%arg0: i32, %arg1: memref<1xi32, #tpu.memory_space<smem>>, %arg2: memref<256x512xf32, #tpu.memory_space<vmem>>, %arg3: memref<4096x512xf32, #tpu.memory_space<vmem>>, %arg4: memref<256x1xi32, #tpu.memory_space<vmem>>, %arg5: memref<1x4096xi32, #tpu.memory_space<vmem>>, %arg6: memref<256x4096xf32, #tpu.memory_space<vmem>>) attributes {dimension_semantics = [#tpu.dimension_semantics<arbitrary>], iteration_bounds = array<i64: 16>, scalar_prefetch = 0 : i64, scratch_operands = 0 : i64, tpu.core_type = #tpu.core_type<tc>, window_params = [{transform_indices = @transform_0, window_bounds = array<i64: 1>}, {transform_indices = @transform_1, window_bounds = array<i64: 256, 512>}, {pipeline_mode = #tpu.pipeline_mode<synchronous>, transform_indices = @transform_2, window_bounds = array<i64: 4096, 512>}, {transform_indices = @transform_3, window_bounds = array<i64: 256, 1>}, {pipeline_mode = #tpu.pipeline_mode<synchronous>, transform_indices = @transform_4, window_bounds = array<i64: 1, 4096>}, {transform_indices = @transform_5, window_bounds = array<i64: 256, 4096>}]} {
    %get3A = arith.constant 0 : index
    %get3A_0 = arith.constant 0 : index
    %get3A_1 = vector.load %arg2[%get3A, %get3A_0] : memref<256x512xf32, #tpu.memory_space<vmem>>, vector<256x512xf32>
    %mul3A = arith.mulf %get3A_1, %get3A_1 : vector<256x512xf32>
    %reduce_sum3A = arith.constant dense<0.000000e+00> : vector<256xf32>
    %reduce_sum3A_2 = vector.multi_reduction <add>, %mul3A, %reduce_sum3A [1] : vector<256x512xf32> to vector<256xf32>
    %broadcast_in_dim3A = vector.shape_cast %reduce_sum3A_2 : vector<256xf32> to vector<256x1xf32>
    %sqrt3A = math.sqrt %broadcast_in_dim3A : vector<256x1xf32>
    %max3A = arith.constant 9.99999996E-13 : f32
    %max3A_3 = vector.broadcast %max3A : f32 to vector<256x1xf32>
    %max3A_4 = arith.maximumf %sqrt3A, %max3A_3 : vector<256x1xf32>
    %div3A = vector.broadcast %max3A_4 : vector<256x1xf32> to vector<256x512xf32>
    %div3A_5 = arith.divf %get3A_1, %div3A : vector<256x512xf32>
    %get3A_6 = arith.constant 0 : index
    %get3A_7 = arith.constant 0 : index
    %get3A_8 = vector.load %arg3[%get3A_6, %get3A_7] : memref<4096x512xf32, #tpu.memory_space<vmem>>, vector<4096x512xf32>
    %mul3A_9 = arith.mulf %get3A_8, %get3A_8 : vector<4096x512xf32>
    %reduce_sum3A_10 = arith.constant dense<0.000000e+00> : vector<4096xf32>
    %reduce_sum3A_11 = vector.multi_reduction <add>, %mul3A_9, %reduce_sum3A_10 [1] : vector<4096x512xf32> to vector<4096xf32>
    %broadcast_in_dim3A_12 = vector.shape_cast %reduce_sum3A_11 : vector<4096xf32> to vector<4096x1xf32>
    %sqrt3A_13 = math.sqrt %broadcast_in_dim3A_12 : vector<4096x1xf32>
    %max3A_14 = arith.constant 9.99999996E-13 : f32
    %max3A_15 = vector.broadcast %max3A_14 : f32 to vector<4096x1xf32>
    %max3A_16 = arith.maximumf %sqrt3A_13, %max3A_15 : vector<4096x1xf32>
    %div3A_17 = vector.broadcast %max3A_16 : vector<4096x1xf32> to vector<4096x512xf32>
    %div3A_18 = arith.divf %get3A_8, %div3A_17 : vector<4096x512xf32>
    %dot_general3A = arith.constant dense<0.000000e+00> : vector<256x4096xf32>
    %dot_general3A_19 = tpu.matmul %div3A_5, %div3A_18, %dot_general3A {dimension_numbers = #tpu.dot_dimension_numbers<[1], [1], [0], [0], [0, 0, 1, 0], [], []>, transpose_lhs_hint = false} : vector<256x512xf32>, vector<4096x512xf32>, vector<256x4096xf32> -> vector<256x4096xf32>
    %get3A_20 = arith.constant 0 : index
    %get3A_21 = arith.constant 0 : index
    %get3A_22 = vector.load %arg4[%get3A_20, %get3A_21] : memref<256x1xi32, #tpu.memory_space<vmem>>, vector<256x1xi32>
    %get3A_23 = arith.constant 0 : index
    %get3A_24 = arith.constant 0 : index
    %get3A_25 = vector.load %arg5[%get3A_23, %get3A_24] : memref<1x4096xi32, #tpu.memory_space<vmem>>, vector<1x4096xi32>
    %eq3A = vector.broadcast %get3A_22 : vector<256x1xi32> to vector<256x4096xi32>
    %eq3A_26 = vector.broadcast %get3A_25 : vector<1x4096xi32> to vector<256x4096xi32>
    %eq3A_27 = arith.cmpi eq, %eq3A, %eq3A_26 : vector<256x4096xi32>
    %get3A_28 = arith.constant 0 : index
    %get3A_29 = memref.load %arg1[%get3A_28] : memref<1xi32, #tpu.memory_space<smem>>
    %eq3A_30 = arith.constant 1 : i32
    %eq3A_31 = arith.cmpi eq, %get3A_29, %eq3A_30 : i32
    %and3A = vector.broadcast %eq3A_31 : i1 to vector<256x4096xi1>
    %and3A_32 = arith.andi %and3A, %eq3A_27 : vector<256x4096xi1>
    %jit3A = arith.constant 0xFF800000 : f32
    %broadcast_in_dim3A_33 = vector.broadcast %jit3A : f32 to vector<256x4096xf32>
    %select_n3A = arith.select %and3A_32, %broadcast_in_dim3A_33, %dot_general3A_19 : vector<256x4096xi1>, vector<256x4096xf32>
    %swap3A = arith.constant 0 : index
    %swap3A_34 = arith.constant 0 : index
    %swap3A_35 = vector.load %arg6[%swap3A, %swap3A_34] : memref<256x4096xf32, #tpu.memory_space<vmem>>, vector<256x4096xf32>
    tpu.vector_store %arg6[%swap3A, %swap3A_34], %select_n3A {strides = array<i32>} : memref<256x4096xf32, #tpu.memory_space<vmem>>, vector<256x4096xf32>,
    return
  }
  func.func @transform_0(%arg0: i32) -> i32 {
    %c0_i32 = arith.constant 0 : i32
    %c0_i32_0 = arith.constant 0 : i32
    return %c0_i32 : i32
  }
  func.func @transform_1(%arg0: i32) -> (i32, i32) {
    %c0_i32 = arith.constant 0 : i32
    %c0_i32_0 = arith.constant 0 : i32
    return %arg0, %c0_i32 : i32, i32
  }
  func.func @transform_2(%arg0: i32) -> (i32, i32) {
    %c0_i32 = arith.constant 0 : i32
    %c0_i32_0 = arith.constant 0 : i32
    %c0_i32_1 = arith.constant 0 : i32
    return %c0_i32, %c0_i32_0 : i32, i32
  }
  func.func @transform_3(%arg0: i32) -> (i32, i32) {
    %c0_i32 = arith.constant 0 : i32
    %c0_i32_0 = arith.constant 0 : i32
    return %arg0, %c0_i32 : i32, i32
  }
  func.func @transform_4(%arg0: i32) -> (i32, i32) {
    %c0_i32 = arith.constant 0 : i32
    %c0_i32_0 = arith.constant 0 : i32
    %c0_i32_1 = arith.constant 0 : i32
    return %c0_i32, %c0_i32_0 : i32, i32
  }
  func.func @transform_5(%arg0: i32) -> (i32, i32) {
    %c0_i32 = arith.constant 0 : i32
    %c0_i32_0 = arith.constant 0 : i32
    return %arg0, %c0_i32 : i32, i32
  }
}

module attributes {stable_mosaic.version = 14 : i64} {
  func.func @_entropy_kernel(%arg0: i32, %arg1: memref<4x4096x16xf32, #tpu.memory_space<vmem>>, %arg2: memref<1x1xf32, #tpu.memory_space<vmem>>) attributes {dimension_semantics = [#tpu.dimension_semantics<arbitrary>], iteration_bounds = array<i64: 1>, scalar_prefetch = 0 : i64, scratch_operands = 0 : i64, tpu.core_type = #tpu.core_type<tc>, window_params = [{pipeline_mode = #tpu.pipeline_mode<synchronous>, transform_indices = @transform_0, window_bounds = array<i64: 4, 4096, 16>}, {pipeline_mode = #tpu.pipeline_mode<synchronous>, transform_indices = @transform_1, window_bounds = array<i64: 1, 1>}]} {
    %get3A = arith.constant 0 : index
    %get3A_0 = arith.constant 0 : index
    %get3A_1 = arith.constant 0 : index
    %get3A_2 = vector.load %arg1[%get3A, %get3A_0, %get3A_1] : memref<4x4096x16xf32, #tpu.memory_space<vmem>>, vector<4x4096x16xf32>
    %reduce_max3A = arith.constant dense<0xFF800000> : vector<4096x16xf32>
    %reduce_max3A_3 = vector.multi_reduction <maximumf>, %get3A_2, %reduce_max3A [0] : vector<4x4096x16xf32> to vector<4096x16xf32>
    %broadcast_in_dim3A = vector.shape_cast %reduce_max3A_3 : vector<4096x16xf32> to vector<1x4096x16xf32>
    %sub3A = vector.broadcast %broadcast_in_dim3A : vector<1x4096x16xf32> to vector<4x4096x16xf32>
    %sub3A_4 = arith.subf %get3A_2, %sub3A : vector<4x4096x16xf32>
    %mul3A = arith.constant 1.000000e+02 : f32
    %mul3A_5 = vector.broadcast %mul3A : f32 to vector<4x4096x16xf32>
    %mul3A_6 = arith.mulf %sub3A_4, %mul3A_5 : vector<4x4096x16xf32>
    %exp3A = math.exp %mul3A_6 : vector<4x4096x16xf32>
    %reduce_sum3A = arith.constant dense<0.000000e+00> : vector<4096x16xf32>
    %reduce_sum3A_7 = vector.multi_reduction <add>, %exp3A, %reduce_sum3A [0] : vector<4x4096x16xf32> to vector<4096x16xf32>
    %mul3A_8 = arith.mulf %exp3A, %mul3A_6 : vector<4x4096x16xf32>
    %reduce_sum3A_9 = arith.constant dense<0.000000e+00> : vector<4096x16xf32>
    %reduce_sum3A_10 = vector.multi_reduction <add>, %mul3A_8, %reduce_sum3A_9 [0] : vector<4x4096x16xf32> to vector<4096x16xf32>
    %div3A = arith.divf %reduce_sum3A_10, %reduce_sum3A_7 : vector<4096x16xf32>
    %log3A = math.log %reduce_sum3A_7 : vector<4096x16xf32>
    %sub3A_11 = arith.subf %div3A, %log3A : vector<4096x16xf32>
    %iota3A = tpu.iota {dimensions = array<i32: 1>} : vector<1x16xi32>
    %lt3A = arith.constant 10 : i32
    %lt3A_12 = vector.broadcast %lt3A : i32 to vector<1x16xi32>
    %lt3A_13 = arith.cmpi slt, %iota3A, %lt3A_12 : vector<1x16xi32>
    %convert_element_type3A = arith.sitofp %iota3A : vector<1x16xi32> to vector<1x16xf32>
    %mul3A_14 = arith.constant -0.0512932949 : f32
    %mul3A_15 = vector.broadcast %mul3A_14 : f32 to vector<1x16xf32>
    %mul3A_16 = arith.mulf %convert_element_type3A, %mul3A_15 : vector<1x16xf32>
    %exp3A_17 = math.exp %mul3A_16 : vector<1x16xf32>
    %mul3A_18 = arith.constant 0.124606535 : f32
    %mul3A_19 = vector.broadcast %mul3A_18 : f32 to vector<1x16xf32>
    %mul3A_20 = arith.mulf %exp3A_17, %mul3A_19 : vector<1x16xf32>
    %jit3A = arith.constant 0.000000e+00 : f32
    %broadcast_in_dim3A_21 = vector.broadcast %jit3A : f32 to vector<1x16xf32>
    %select_n3A = arith.select %lt3A_13, %mul3A_20, %broadcast_in_dim3A_21 : vector<1x16xi1>, vector<1x16xf32>
    %mul3A_22 = vector.broadcast %select_n3A : vector<1x16xf32> to vector<4096x16xf32>
    %mul3A_23 = arith.mulf %sub3A_11, %mul3A_22 : vector<4096x16xf32>
    %reduce_sum3A_24 = vector.shape_cast %mul3A_23 : vector<4096x16xf32> to vector<1x4096x16xf32>
    %reduce_sum3A_25 = arith.constant dense<0.000000e+00> : vector<1xf32>
    %reduce_sum3A_26 = vector.multi_reduction <add>, %reduce_sum3A_24, %reduce_sum3A_25 [1, 2] : vector<1x4096x16xf32> to vector<1xf32>
    %reduce_sum3A_27 = vector.shape_cast %reduce_sum3A_26 : vector<1xf32> to vector<1x1x1xf32>
    %reduce_sum3A_28 = vector.extract %reduce_sum3A_27[0, 0, 0] : f32 from vector<1x1x1xf32>
    %broadcast_in_dim3A_29 = vector.broadcast %reduce_sum3A_28 : f32 to vector<1x1xf32>
    %mul3A_30 = arith.constant 2.44140625E-4 : f32
    %mul3A_31 = vector.broadcast %mul3A_30 : f32 to vector<1x1xf32>
    %mul3A_32 = arith.mulf %broadcast_in_dim3A_29, %mul3A_31 : vector<1x1xf32>
    %log3A_33 = arith.constant 4.000000e+00 : f32
    %log3A_34 = math.log %log3A_33 : f32
    %add3A = vector.broadcast %log3A_34 : f32 to vector<1x1xf32>
    %add3A_35 = arith.addf %mul3A_32, %add3A : vector<1x1xf32>
    %swap3A = arith.constant 0 : index
    %swap3A_36 = arith.constant 0 : index
    %swap3A_37 = vector.load %arg2[%swap3A, %swap3A_36] : memref<1x1xf32, #tpu.memory_space<vmem>>, vector<1x1xf32>
    tpu.vector_store %arg2[%swap3A, %swap3A_36], %add3A_35 {strides = array<i32>} : memref<1x1xf32, #tpu.memory_space<vmem>>, vector<1x1xf32>,
    return
  }
  func.func @transform_0(%arg0: i32) -> (i32, i32, i32) {
    %c0_i32 = arith.constant 0 : i32
    %c0_i32_0 = arith.constant 0 : i32
    %c0_i32_1 = arith.constant 0 : i32
    %c0_i32_2 = arith.constant 0 : i32
    return %c0_i32, %c0_i32_0, %c0_i32_1 : i32, i32, i32
  }
  func.func @transform_1(%arg0: i32) -> (i32, i32) {
    %c0_i32 = arith.constant 0 : i32
    %c0_i32_0 = arith.constant 0 : i32
    %c0_i32_1 = arith.constant 0 : i32
    return %c0_i32, %c0_i32_0 : i32, i32
  }
}

</mosaic_0001>

<sc_bundles>
// kernel: _run.11.cloned.1.call-start
scs
__scs_entry_jumppad:
0x0: {  	(pc) =	sbr.rel $0x88, $3  }
0x1: {  	(tag) =	ssettag $0x0;
	lr =	simm.s32 $0x1  }
0x2: {  	[smem:$0x3F9D] =	sst lr;
	_ =	strace $0xD0000000  }
0x3: {  	_ = 	snop  }
0x4: {  	_ = 	snop  }
0x5: {  	_ = 	snop  }
0x6: {  	_ = 	snop  }
0x7: {  	_ = 	snop  }
__scs_overlays_trampoline_lowered:
0x8: {  	[smem:$0x3FAC] =	sst s0  }
0x9: {  	[smem:$0x3FAD] =	sst s1  }
0xa: {  	[smem:$0x3FAE] =	sst s2  }
0xb: {  	[smem:$0x3FAF] =	sst s3  }
0xc: {  	[smem:$0x3FB0] =	sst s4  }
0xd: {  	[smem:$0x3FB1] =	sst s5  }
0xe: {  	[smem:$0x3FB2] =	sst s6  }
0xf: {  	[smem:$0x3FB3] =	sst s7  }
0x10: {  	[smem:$0x3FB4] =	sst s8  }
0x11: {  	[smem:$0x3FB5] =	sst s9;
	s0 =	simm.s32 @!p0 $0x0  }
0x12: {  	s1 =	sld [smem:$0x3F9B];
	s0 =	simm.s32 @p0 $0x1  }
0x13: {  	[smem:$0x3FB6] =	sst s0;
	s0 =	simm.s32 @!p1 $0x0  }
0x14: {  	s2 =	sld [smem:$0x3F9A];
	s0 =	simm.s32 @p1 $0x1  }
0x15: {  	[smem:$0x3FB7] =	sst s0;
	s0 =	simm.s32 @!p2 $0x0  }
0x16: {  	s3 =	sld [smem:$0x3FDB];
	s0 =	simm.s32 @p2 $0x1  }
0x17: {  	s4 =	simm.s32 $0x1BF5;
	[smem:$0x3FB9] =	sst s0  }
0x18: {  	s0 =	sld [smem:$0x3F9C];
	_ =	swait.ge [sflag:s4], $0x0  }
0x19: {  	s7 =	sld [smem:$0x3F9D]  }
0x1a: {  	s8 =	sadd.s32 $0xFFFFE003, lr  }
0x1b: {  	s9 =	sadd.s32 $0xFFFFFEF7, lr;
	s5 =	simm.s32 $0xFFFFFFFF;
	p2 =	slt.u32 s8, $0xFFFFF086  }
0x1c: {  	p1 =	slt.u32 s9, $0xF7A;
	s5 =	simm.s32 @!p2 $0x0  }
0x1d: {  	s5 =	simm.s32 @p1 $0x1;
	p0 =	seq.s32 s7, s2  }
0x1e: {  	s7 =	smul.u32 @!p0 $0xF7A, s2;
	p2 =	seq.s32 @!p0 s5, $0x0  }
0x1f: {  	s9 =	smul.u32 $0xF7A, s1;
	s8 =	simm.s32 @!p0 $0x1BF5;
	p2 =	por !p2, p0  }
0x20: {  	[sflag:s8] =	ssyncset.s32 @!p0 $0xFFFFF086;
	s6 =	sadd.s32 @!p0 s3, s7;
	s7 =	simm.s32 @!p0 $0x108  }
0x21: {  	s3 =	sadd.s32 s3, s9;
	s6 =	sadd.s32 @!p0 $0x88, s6;
	s7 =	simm.s32 @p2 $0x1082  }
0x22: {  	[simem:s7], [sflag:s8] =	dma.local @!p0 [hbm:s6], $0xF7A  }
0x23: {  	s9 =	sor.u32 $0xD0000000, s2;
	s6 =	simm.s32 $0x108;
	_ =	swait.ge @!p0 [sflag:s8], $0x0  }
0x24: {  	s3 =	sadd.s32 $0x88, s3;
	s6 =	simm.s32 @!p1 $0x1082;
	[sflag:s4] =	ssyncset.s32 $0xFFFFF086  }
0x25: {  	[simem:s6], [sflag:s4] =	dma.local [hbm:s3], $0xF7A  }
0x26: {  	[smem:$0x3F9D] =	sst s1;
	(tag) =	ssettag s2;
	_ =	strace s9  }
0x27: {  	s1 =	sld [smem:$0x3FAD]  }
0x28: {  	s2 =	sld [smem:$0x3FAE]  }
0x29: {  	s4 =	sld [smem:$0x3FB0]  }
0x2a: {  	p0 =	seq.s32 s5, $0x0;
	s5 =	sld [smem:$0x3FB1]  }
0x2b: {  	s6 =	sld [smem:$0x3FB2]  }
0x2c: {  	s7 =	sld [smem:$0x3FB3]  }
0x2d: {  	s3 =	simm.s32 $0x108;
	s8 =	sld [smem:$0x3FB4]  }
0x2e: {  	s3 =	simm.s32 @!p0 $0x1082;
	s9 =	sld [smem:$0x3FB5]  }
0x2f: {  	lr =	sadd.s32 s0, s3;
	s0 =	sld [smem:$0x3FAC]  }
0x30: {  	s3 =	sld [smem:$0x3FAF]  }
0x31: {  	[smem:$0x3FB8] =	sst s10  }
0x32: {  	s10 =	sld [smem:$0x3FB6];
	_ =	sdelay $0x3  }
0x33: {  	p0 =	seq.s32 s10, $0x1;
	s10 =	sld [smem:$0x3FB8];
	_ =	sdelay $0x3  }
0x34: {  	[smem:$0x3FB8] =	sst s10  }
0x35: {  	s10 =	sld [smem:$0x3FB7];
	_ =	sdelay $0x3  }
0x36: {  	p1 =	seq.s32 s10, $0x1;
	s10 =	sld [smem:$0x3FB8];
	_ =	sdelay $0x3  }
0x37: {  	[smem:$0x3FB8] =	sst s10  }
0x38: {  	s10 =	sld [smem:$0x3FB9]  }
0x39: {  	_ = 	snop;
	(pc) =	sbr.ind lr, $3  }
0x3a: {  	_ = 	snop  }
0x3b: {  	_ = 	snop  }
0x3c: {  	p2 =	seq.s32 s10, $0x1;
	s10 =	sld [smem:$0x3FB8]  }
0x3d: {  	_ =	shalt  }
0x3e: {  	_ =	shalt  }
0x3f: {  	_ =	shalt  }
0x40: {  	_ =	shalt  }
0x41: {  	_ =	shalt  }
0x42: {  	_ =	shalt  }
0x43: {  	_ =	shalt  }
0x44: {  	_ =	shalt  }
0x45: {  	_ =	shalt  }
0x46: {  	_ =	shalt  }
0x47: {  	_ =	shalt  }
0x48: {  	_ =	shalt  }
0x49: {  	_ =	shalt  }
0x4a: {  	_ =	shalt  }
0x4b: {  	_ =	shalt  }
0x4c: {  	_ =	shalt  }
0x4d: {  	_ =	shalt  }
0x4e: {  	_ =	shalt  }
0x4f: {  	_ =	shalt  }
0x50: {  	_ =	shalt  }
0x51: {  	_ =	shalt  }
0x52: {  	_ =	shalt  }
0x53: {  	_ =	shalt  }
0x54: {  	_ =	shalt  }
0x55: {  	_ =	shalt  }
0x56: {  	_ =	shalt  }
0x57: {  	_ =	shalt  }
0x58: {  	_ =	shalt  }
0x59: {  	_ =	shalt  }
0x5a: {  	_ =	shalt  }
0x5b: {  	_ =	shalt  }
0x5c: {  	_ =	shalt  }
0x5d: {  	_ =	shalt  }
0x5e: {  	_ =	shalt  }
0x5f: {  	_ =	shalt  }
0x60: {  	_ =	shalt  }
0x61: {  	_ =	shalt  }
0x62: {  	_ =	shalt  }
0x63: {  	_ =	shalt  }
0x64: {  	_ =	shalt  }
0x65: {  	_ =	shalt  }
0x66: {  	_ =	shalt  }
0x67: {  	_ =	shalt  }
0x68: {  	_ =	shalt  }
0x69: {  	_ =	shalt  }
0x6a: {  	_ =	shalt  }
0x6b: {  	_ =	shalt  }
0x6c: {  	_ =	shalt  }
0x6d: {  	_ =	shalt  }
0x6e: {  	_ =	shalt  }
0x6f: {  	_ =	shalt  }
0x70: {  	_ =	shalt  }
0x71: {  	_ =	shalt  }
0x72: {  	_ =	shalt  }
0x73: {  	_ =	shalt  }
0x74: {  	_ =	shalt  }
0x75: {  	_ =	shalt  }
0x76: {  	_ =	shalt  }
0x77: {  	_ =	shalt  }
0x78: {  	_ =	shalt  }
0x79: {  	_ =	shalt  }
0x7a: {  	_ =	shalt  }
0x7b: {  	_ =	shalt  }
0x7c: {  	_ =	shalt  }
0x7d: {  	_ =	shalt  }
0x7e: {  	_ =	shalt  }
0x7f: {  	_ =	shalt  }
0x80: {  	_ =	shalt  }
0x81: {  	_ =	shalt  }
0x82: {  	_ =	shalt  }
0x83: {  	_ =	shalt  }
0x84: {  	_ =	shalt  }
0x85: {  	_ =	shalt  }
0x86: {  	_ =	shalt  }
0x87: {  	_ =	shalt  }
.Lfunc_end0:
.L_simem_size_0:
called_computation_lowered:
.L_overlay_start_0:
0x88: {  	s2 =	sld [smem:$0x3FD9]  }
0x89: {  	s3 =	sld [smem:$0x3FFE];
	_ =	sdelay $0x1  }
0x8a: {  	s1 =	srdreg.scid  }
0x8b: {  	s0 =	sand.u32 $0x1, s1  }
0x8c: {  	s16 =	sshll.u32 s0, $0xA;
	s2 =	sadd.s32 s3, s2  }
0x8d: {  	s2 =	sadd.s32 s2, s16  }
0x8e: {  	[smem:$0x3FC4] =	sst s2  }
0x8f: {  	_ = 	snop  }
0x90: {  	(tm) =	ssettm $0x1  }
0x91: {  	s17 =	sld [smem:$0x3FFB];
	_ =	sdelay $0x3  }
0x92: {  	_ =	strace s17  }
0x93: {  	s2 =	sld [smem:$0x3FFC];
	_ =	sdelay $0x3  }
0x94: {  	_ =	strace s2  }
0x95: {  	s2 =	sld [smem:$0x3FFD];
	_ =	sdelay $0x3  }
0x96: {  	_ =	strace s2  }
0x97: {  	_ =	strace $0x8FFFFFFF  }
0x98: {  	s18 =	sld [smem:$0x3FDB];
	_ =	sdelay $0x1  }
0x99: {  	s19 =	simm.s32 $_scs_section_size  }
0x9a: {  	s4 =	simm.s32 $_size__tile_overlayer_lowered;
	s5 =	simm.s32 $_tile_overlayer_lowered  }
0x9b: {  	s22 =	simm.s32 $0x1BFF;
	s21 =	sshll.u32 s5, $0x1;
	s2 =	sadd.s32 s19, s18  }
0x9c: {  	s6 =	simm.s32 $0x0;
	s20 =	sshll.u32 s4, $0x1;
	s4 =	sadd.s32 s21, s2  }
0x9d: {  	[timem:s6], [sflag:s22] =	dma.local [hbm:s4], s20  }
0x9e: {  	_ =	swait.ge [sflag:s22], s20  }
0x9f: {  	s3 =	ssub.s32 $0x0, s20;
	[sflag:s22] =	ssyncset.done $0x0  }
0xa0: {  	[sflag:s22] =	ssyncadd.s32 s3;
	_ =	sdelay $0x1  }
0xa1: {  	s23 =	simm.s32 $0x1B8B  }
0xa2: {  	_ =	swait.ge [sflag:s23], $0x1  }
0xa3: {  	[sflag:s23] =	ssyncset.done $0x0  }
0xa4: {  	s25 =	simm.s32 $0x1B8E;
	s24 =	sld [smem:$0x3FFE];
	[sflag:s23] =	ssyncadd.s32 $0xFFFFFFFF  }
0xa5: {  	s26 =	simm.s32 $execute0_lowered;
	[smem:$0x3FD2] =	sst s25  }
0xa6: {  	s4 =	sshll.u32 s26, $0x1;
	_ =	strace $0x80000046;
	[dreg:$0x1] =	wrdreg $0xFFFFFFFF  }
0xa7: {  	s28 =	simm.s32 $_size_execute0_lowered;
	s2 =	sadd.s32 s2, s4;
	[dreg:$0x0] =	wrdreg $0x0  }
0xa8: {  	s4 =	sshll.u32 s28, $0x1;
	[dreg:$0x2] =	wrdreg s2  }
0xa9: {  	[dreg:$0x3] =	wrdreg s4  }
0xaa: {  	[dreg:$0x4] =	wrdreg $0xC0  }
0xab: {  	_ =	task [dreg:s6], $0x5FFFF  }
0xac: {  	[dreg:$0x1] =	wrdreg $0xFFFFFFFF  }
0xad: {  	[dreg:$0x0] =	wrdreg $0x60  }
0xae: {  	[dreg:$0x2] =	wrdreg s24  }
0xaf: {  	[dreg:$0x3] =	wrdreg $0x9  }
0xb0: {  	_ =	task.clear_ibuf [dreg:s6], $0x4FFFF;
	_ =	strace $0x90000046  }
0xb1: {  	s29 =	simm.s32 $0x9;
	_ =	strace $0x80000048  }
0xb2: {  	_ =	swait.ge [sflag:s29], $0x1  }
0xb3: {  	[sflag:s29] =	ssyncadd.s32 $0xFFFFFFFF  }
0xb4: {  	_ =	strace $0x90000048  }
0xb5: {  	_ =	sfence  }
0xb6: {  	s30 =	sld [smem:$0x0];
	_ =	sdelay $0x2  }
0xb7: {  	s31 =	sshll.u32 s1, $0xD;
	s1 =	sshrl.u32 s1, $0x2  }
0xb8: {  	s3 =	sand.u32 $0x4000, s31;
	s1 =	sadd.s32 s1, s30  }
0xb9: {  	s0 =	sor.u32 s3, s0;
	s1 =	sshll.u32 s1, $0x11  }
0xba: {  	s0 =	sor.u32 s1, s0  }
0xbb: {  	s0 =	sadd.s32 $0x8F2B, s0  }
0xbc: {  	[sflag:s0] =	ssyncadd.remote.s32 $0x1  }
0xbd: {  	_ =	sfence.sel $0xFFFF  }
0xbe: {  	[dreg:$0x0] =	wrdreg $0xFFFFFFFF;
	(pc) =	sbr.abs _section_cstart, $3  }
0xbf: {  	[dreg:$0x1] =	wrdreg $0xFFFFFFFF  }
0xc0: {  	_ =	task.clear_ibuf [dreg:s6], $0x2FFFF;
	_ =	strace $0x9FFFFFFF  }
0xc1: {  	(tm) =	ssettm $0x7FFFFFFF  }
tec
execute0_lowered:
.L_overlay_start_1:
0x0: {  	(tag) =	ssettag $0x1  }
0x1: {  	s3 =	rddreg [dreg:$0x0]  }
0x2: {  	s0 =	rddreg [dreg:$0x1];
	s4 =	srdreg.scid  }
0x3: {  	s1 =	stileid.u32;
	s2 =	simm.s32 $0x0;
	s8 =	simm.s32 $0x1  }
0x4: {  	s9 =	simm.s32 $0x2;
	s10 =	simm.s32 $0x10000;
	s11 =	simm.s32 $0x3  }
0x5: {  	s4 =	sand.u32 $0x1, s4;
	s5 =	sshll.u32 s1, $0x1;
	[smem:$0x7FF] =	sst s2  }
0x6: {  	s12 =	simm.s32 $0x0;
	s5 =	sor.u32 s4, s5;
	_ =	strace $0x80000047  }
0x7: {  	v0 =	vlaneseq.u32;
	s4 =	ssub.s32 $0x2, s4;
	s6 =	sshll.u32 s5, $0x10;
	s5 =	sshll.u32 s5, $0x8  }
0x8: {  	v0 =	vmul.u32 $0xFFFFFFFF, v0;
	s7 =	sshrl.u32 s4, $0x1;
	s6 =	sadd.s32 s6, s3;
	s5 =	sadd.s32 s5, s3  }
0x9: {  	s7 =	ssub.s32 s4, s7;
	s3 =	sadd.s32 $0xC2E00, s6;
	s4 =	sadd.s32 $0xC4E00, s6  }
0xa: {  	v0 =	vadd.s32 $0xF, v0;
	s5 =	sadd.s32 $0x2C2E00, s5;
	s6 =	smax.u32 s7, $0x1;
	s7 =	simm.s32 $0x8000  }
.LBB2_1:
0xb: {  	[tilespmem:s2], [sflag:$0x1] =	stream.linear.gather [hbm4b:s3+s2], $0x8000, $0x38;
	[tilespmem:$0x10800] =	vst v63  }
0xc: {  	s13 =	simm.s32 $0x0  }
.LBB2_2:
0xd: {  	s14 =	sshllo.u32 s13, $0x1  }
0xe: {  	s15 =	sshll.u32 s14, $0xC  }
0xf: {  	s31 =	sshll.u32 s13, $0x8;
	s16 =	sadd.s32 s15, s3;
	s15 =	simm.s32 $0x0  }
0x10: {  	[tilespmem:s7], [sflag:$0x2] =	stream.linear.gather [hbm4b:s16+s15], $0x8000, $0x38;
	[tilespmem:$0x10800] =	vst v63  }
0x11: {  	s16 =	sand.u32 $0x3FFFFF00, s31;
	_ =	swait.ge [sflag:s8], $0x8000  }
0x12: {  	s18 =	sadd.s32 $0x10000, s16;
	[sflag:s8] =	ssyncset.done $0x0  }
0x13: {  	s17 =	simm.s32 $0x40;
	s16 =	sshll.u32 s13, $0x1;
	v1 =	vmov s18;
	[sflag:s8] =	ssyncadd.s32 $0xFFFF8000  }
.LBB2_3:
0x14: {  	v2 =	vmov s17;
	_ =	sdelay $0x3  }
0x15: {  	s18 =	simm.s32 $0x0  }
0x16: {  	v3 =	vld.idx.msk [tilespmem:v2+s18+$0xFFFFFFC0 ss:$0x1], $0xffff;
	_ =	sdelay $0x4  }
0x17: {  	(xrf1) =	vsort.ascd.msk.f32 $0xffff, v3, v3;
	_ =	sdelay $0xa  }
0x18: {  	v3 =	vld.idx.msk [tilespmem:v2+s18+$0xFFFFFFD0 ss:$0x1], $0xffff;
	_ =	sdelay $0x2  }
0x19: {  	v4, _, _ =	vpop (xrf1)  }
0x1a: {  	v4 =	vperm.xlane v4, v0  }
0x1b: {  	v5 =	vimm.f32 $-Inf;
	(xrf1) =	vsort.ascd.msk.f32 $0xffff, v3, v3  }
0x1c: {  	v3 =	vmax.f32 v5, v4  }
0x1d: {  	(xrf1) =	vsort.ascd.msk.f32 $0xffff, v3, v3;
	_ =	sdelay $0x8  }
0x1e: {  	v3 =	vld.idx.msk [tilespmem:v2+s18+$0xFFFFFFE0 ss:$0x1], $0xffff;
	_ =	sdelay $0x2  }
0x1f: {  	v52, _, _ =	vpop (xrf1)  }
0x20: {  	v4 =	vperm.xlane v52, v0  }
0x21: {  	(xrf1) =	vsort.ascd.msk.f32 $0xffff, v3, v3;
	v53, _, _ =	vpop (xrf1)  }
0x22: {  	v3 =	vmax.f32 v53, v4  }
0x23: {  	(xrf1) =	vsort.ascd.msk.f32 $0xffff, v3, v3;
	_ =	sdelay $0x8  }
0x24: {  	v3 =	vld.idx.msk [tilespmem:v2+s18+$0xFFFFFFF0 ss:$0x1], $0xffff;
	_ =	sdelay $0x2  }
0x25: {  	v54, _, _ =	vpop (xrf1)  }
0x26: {  	v4 =	vperm.xlane v54, v0  }
0x27: {  	(xrf1) =	vsort.ascd.msk.f32 $0xffff, v3, v3;
	v55, _, _ =	vpop (xrf1)  }
0x28: {  	v3 =	vmax.f32 v55, v4  }
0x29: {  	(xrf1) =	vsort.ascd.msk.f32 $0xffff, v3, v3;
	_ =	sdelay $0x8  }
0x2a: {  	v3 =	vld.idx.msk [tilespmem:v2+s18+$0x0 ss:$0x1], $0xffff;
	_ =	sdelay $0x2  }
0x2b: {  	v56, _, _ =	vpop (xrf1)  }
0x2c: {  	v4 =	vperm.xlane v56, v0  }
0x2d: {  	(xrf1) =	vsort.ascd.msk.f32 $0xffff, v3, v3;
	v57, _, _ =	vpop (xrf1)  }
0x2e: {  	v3 =	vmax.f32 v57, v4  }
0x2f: {  	(xrf1) =	vsort.ascd.msk.f32 $0xffff, v3, v3;
	_ =	sdelay $0x8  }
0x30: {  	v3 =	vld.idx.msk [tilespmem:v2+s18+$0x10 ss:$0x1], $0xffff;
	_ =	sdelay $0x2  }
0x31: {  	v58, _, _ =	vpop (xrf1)  }
0x32: {  	v4 =	vperm.xlane v58, v0  }
0x33: {  	(xrf1) =	vsort.ascd.msk.f32 $0xffff, v3, v3;
	v59, _, _ =	vpop (xrf1)  }
0x34: {  	v3 =	vmax.f32 v59, v4  }
0x35: {  	(xrf1) =	vsort.ascd.msk.f32 $0xffff, v3, v3;
	_ =	sdelay $0x8  }
0x36: {  	v3 =	vld.idx.msk [tilespmem:v2+s18+$0x20 ss:$0x1], $0xffff;
	_ =	sdelay $0x2  }
0x37: {  	v60, _, _ =	vpop (xrf1)  }
0x38: {  	v4 =	vperm.xlane v60, v0  }
0x39: {  	(xrf1) =	vsort.ascd.msk.f32 $0xffff, v3, v3;
	v61, _, _ =	vpop (xrf1)  }
0x3a: {  	v3 =	vmax.f32 v61, v4  }
0x3b: {  	(xrf1) =	vsort.ascd.msk.f32 $0xffff, v3, v3;
	_ =	sdelay $0x8  }
0x3c: {  	v3 =	vld.idx.msk [tilespmem:v2+s18+$0x30 ss:$0x1], $0xffff;
	_ =	sdelay $0x2  }
0x3d: {  	v62, _, _ =	vpop (xrf1)  }
0x3e: {  	v4 =	vperm.xlane v62, v0  }
0x3f: {  	v63, _, _ =	vpop (xrf1);
	(xrf1) =	vsort.ascd.msk.f32 $0xffff, v3, v3  }
0x40: {  	v3 =	vmax.f32 v63, v4  }
0x41: {  	(xrf1) =	vsort.ascd.msk.f32 $0xffff, v3, v3;
	_ =	sdelay $0x6  }
0x42: {  	s19 =	simm.s32 $0x2000;
	s18 =	simm.s32 $0x400  }
.LBB2_4:
0x43: {  	p0 =	sne.s32 s19, $0x1F000;
	v3 =	vld.idx.msk [tilespmem:v2+s18+$0xFFFFFFC0 ss:$0x1], $0xffff;
	_ =	sdelay $0x3  }
0x44: {  	v4, _, _ =	vpop (xrf1)  }
0x45: {  	v4 =	vperm.xlane v4, v0  }
0x46: {  	(xrf1) =	vsort.ascd.msk.f32 $0xffff, v3, v3;
	v3, _, _ =	vpop (xrf1)  }
0x47: {  	v3 =	vmax.f32 v3, v4  }
0x48: {  	(xrf1) =	vsort.ascd.msk.f32 $0xffff, v3, v3;
	_ =	sdelay $0x7  }
0x49: {  	v3 =	vld.idx.msk [tilespmem:v2+s18+$0xFFFFFFD0 ss:$0x1], $0xffff;
	_ =	sdelay $0x3  }
0x4a: {  	v4, _, _ =	vpop (xrf1)  }
0x4b: {  	v4 =	vperm.xlane v4, v0  }
0x4c: {  	(xrf1) =	vsort.ascd.msk.f32 $0xffff, v3, v3;
	v3, _, _ =	vpop (xrf1)  }
0x4d: {  	v3 =	vmax.f32 v3, v4  }
0x4e: {  	(xrf1) =	vsort.ascd.msk.f32 $0xffff, v3, v3;
	_ =	sdelay $0x7  }
0x4f: {  	v3 =	vld.idx.msk [tilespmem:v2+s18+$0xFFFFFFE0 ss:$0x1], $0xffff;
	_ =	sdelay $0x3  }
0x50: {  	v4, _, _ =	vpop (xrf1)  }
0x51: {  	v4 =	vperm.xlane v4, v0  }
0x52: {  	v5, _, _ =	vpop (xrf1);
	(xrf1) =	vsort.ascd.msk.f32 $0xffff, v3, v3  }
0x53: {  	v3 =	vmax.f32 v5, v4  }
0x54: {  	(xrf1) =	vsort.ascd.msk.f32 $0xffff, v3, v3;
	_ =	sdelay $0x7  }
0x55: {  	v3 =	vld.idx.msk [tilespmem:v2+s18+$0xFFFFFFF0 ss:$0x1], $0xffff;
	_ =	sdelay $0x3  }
0x56: {  	v4, _, _ =	vpop (xrf1)  }
0x57: {  	v4 =	vperm.xlane v4, v0  }
0x58: {  	v5, _, _ =	vpop (xrf1);
	(xrf1) =	vsort.ascd.msk.f32 $0xffff, v3, v3  }
0x59: {  	v3 =	vmax.f32 v5, v4  }
0x5a: {  	(xrf1) =	vsort.ascd.msk.f32 $0xffff, v3, v3;
	_ =	sdelay $0x7  }
0x5b: {  	v3 =	vld.idx.msk [tilespmem:v2+s18+$0x0 ss:$0x1], $0xffff;
	_ =	sdelay $0x3  }
0x5c: {  	v4, _, _ =	vpop (xrf1)  }
0x5d: {  	v4 =	vperm.xlane v4, v0  }
0x5e: {  	v5, _, _ =	vpop (xrf1);
	(xrf1) =	vsort.ascd.msk.f32 $0xffff, v3, v3  }
0x5f: {  	v3 =	vmax.f32 v5, v4  }
0x60: {  	(xrf1) =	vsort.ascd.msk.f32 $0xffff, v3, v3;
	_ =	sdelay $0x7  }
0x61: {  	v3 =	vld.idx.msk [tilespmem:v2+s18+$0x10 ss:$0x1], $0xffff;
	_ =	sdelay $0x3  }
0x62: {  	v4, _, _ =	vpop (xrf1)  }
0x63: {  	v4 =	vperm.xlane v4, v0  }
0x64: {  	v5, _, _ =	vpop (xrf1);
	(xrf1) =	vsort.ascd.msk.f32 $0xffff, v3, v3  }
0x65: {  	v3 =	vmax.f32 v5, v4  }
0x66: {  	(xrf1) =	vsort.ascd.msk.f32 $0xffff, v3, v3;
	_ =	sdelay $0x7  }
0x67: {  	v3 =	vld.idx.msk [tilespmem:v2+s18+$0x20 ss:$0x1], $0xffff;
	_ =	sdelay $0x3  }
0x68: {  	v4, _, _ =	vpop (xrf1)  }
0x69: {  	v4 =	vperm.xlane v4, v0  }
0x6a: {  	v5, _, _ =	vpop (xrf1);
	(xrf1) =	vsort.ascd.msk.f32 $0xffff, v3, v3  }
0x6b: {  	v3 =	vmax.f32 v5, v4  }
0x6c: {  	(xrf1) =	vsort.ascd.msk.f32 $0xffff, v3, v3;
	_ =	sdelay $0x7  }
0x6d: {  	v3 =	vld.idx.msk [tilespmem:v2+s18+$0x30 ss:$0x1], $0xffff;
	_ =	sdelay $0x3  }
0x6e: {  	v4, _, _ =	vpop (xrf1)  }
0x6f: {  	v4 =	vperm.xlane v4, v0  }
0x70: {  	v5, _, _ =	vpop (xrf1);
	(xrf1) =	vsort.ascd.msk.f32 $0xffff, v3, v3  }
0x71: {  	v3 =	vmax.f32 v5, v4  }
0x72: {  	(xrf1) =	vsort.ascd.msk.f32 $0xffff, v3, v3;
	_ =	sdelay $0x2  }
.Ltmp0:
0x73: {  	(pc) =	sbr.rel @p0 .LBB2_4-.Ltmp0, $2  }
0x74: {  	_ =	sdelay $0x2  }
0x75: {  	s18 =	sshra.s32 s19, $0x2;
	s19 =	sadd.s32 $0x1000, s19  }
0x76: {  	_ =	sdelay $0x3  }
0x77: {  	v3 =	vld.idx.msk [tilespmem:v2+s18+$0xFFFFFFC0 ss:$0x1], $0xffff;
	_ =	sdelay $0x2  }
0x78: {  	v4, _, _ =	vpop (xrf1)  }
0x79: {  	v4 =	vperm.xlane v4, v0  }
0x7a: {  	(xrf1) =	vsort.ascd.msk.f32 $0xffff, v3, v3;
	v3, _, _ =	vpop (xrf1)  }
0x7b: {  	v3 =	vmax.f32 v3, v4  }
0x7c: {  	(xrf1) =	vsort.ascd.msk.f32 $0xffff, v3, v3;
	_ =	sdelay $0x8  }
0x7d: {  	v3 =	vld.idx.msk [tilespmem:v2+s18+$0xFFFFFFD0 ss:$0x1], $0xffff;
	_ =	sdelay $0x2  }
0x7e: {  	v53, _, _ =	vpop (xrf1)  }
0x7f: {  	v4 =	vperm.xlane v53, v0  }
0x80: {  	(xrf1) =	vsort.ascd.msk.f32 $0xffff, v3, v3;
	v3, _, _ =	vpop (xrf1)  }
0x81: {  	v3 =	vmax.f32 v3, v4  }
0x82: {  	(xrf1) =	vsort.ascd.msk.f32 $0xffff, v3, v3;
	_ =	sdelay $0x8  }
0x83: {  	v3 =	vld.idx.msk [tilespmem:v2+s18+$0xFFFFFFE0 ss:$0x1], $0xffff;
	_ =	sdelay $0x2  }
0x84: {  	v54, _, _ =	vpop (xrf1)  }
0x85: {  	v4 =	vperm.xlane v54, v0  }
0x86: {  	v5, _, _ =	vpop (xrf1);
	(xrf1) =	vsort.ascd.msk.f32 $0xffff, v3, v3  }
0x87: {  	v3 =	vmax.f32 v5, v4  }
0x88: {  	(xrf1) =	vsort.ascd.msk.f32 $0xffff, v3, v3;
	_ =	sdelay $0x8  }
0x89: {  	v3 =	vld.idx.msk [tilespmem:v2+s18+$0xFFFFFFF0 ss:$0x1], $0xffff;
	_ =	sdelay $0x2  }
0x8a: {  	v55, _, _ =	vpop (xrf1)  }
0x8b: {  	v4 =	vperm.xlane v55, v0  }
0x8c: {  	(xrf1) =	vsort.ascd.msk.f32 $0xffff, v3, v3;
	v56, _, _ =	vpop (xrf1)  }
0x8d: {  	v3 =	vmax.f32 v56, v4  }
0x8e: {  	(xrf1) =	vsort.ascd.msk.f32 $0xffff, v3, v3;
	_ =	sdelay $0x8  }
0x8f: {  	v3 =	vld.idx.msk [tilespmem:v2+s18+$0x0 ss:$0x1], $0xffff;
	_ =	sdelay $0x2  }
0x90: {  	v57, _, _ =	vpop (xrf1)  }
0x91: {  	v4 =	vperm.xlane v57, v0  }
0x92: {  	(xrf1) =	vsort.ascd.msk.f32 $0xffff, v3, v3;
	v58, _, _ =	vpop (xrf1)  }
0x93: {  	v3 =	vmax.f32 v58, v4  }
0x94: {  	(xrf1) =	vsort.ascd.msk.f32 $0xffff, v3, v3;
	_ =	sdelay $0x8  }
0x95: {  	v3 =	vld.idx.msk [tilespmem:v2+s18+$0x10 ss:$0x1], $0xffff;
	_ =	sdelay $0x2  }
0x96: {  	v59, _, _ =	vpop (xrf1)  }
0x97: {  	v4 =	vperm.xlane v59, v0  }
0x98: {  	(xrf1) =	vsort.ascd.msk.f32 $0xffff, v3, v3;
	v60, _, _ =	vpop (xrf1)  }
0x99: {  	v3 =	vmax.f32 v60, v4  }
0x9a: {  	(xrf1) =	vsort.ascd.msk.f32 $0xffff, v3, v3;
	_ =	sdelay $0x8  }
0x9b: {  	v3 =	vld.idx.msk [tilespmem:v2+s18+$0x20 ss:$0x1], $0xffff;
	_ =	sdelay $0x2  }
0x9c: {  	v61, _, _ =	vpop (xrf1)  }
0x9d: {  	v4 =	vperm.xlane v61, v0  }
0x9e: {  	(xrf1) =	vsort.ascd.msk.f32 $0xffff, v3, v3;
	v62, _, _ =	vpop (xrf1)  }
0x9f: {  	v3 =	vmax.f32 v62, v4  }
0xa0: {  	(xrf1) =	vsort.ascd.msk.f32 $0xffff, v3, v3;
	_ =	sdelay $0x8  }
0xa1: {  	v2 =	vld.idx.msk [tilespmem:v2+s18+$0x30 ss:$0x1], $0xffff;
	_ =	sdelay $0x2  }
0xa2: {  	v3, _, _ =	vpop (xrf1)  }
0xa3: {  	v3 =	vperm.xlane v3, v0  }
0xa4: {  	(xrf1) =	vsort.ascd.msk.f32 $0xffff, v2, v2;
	v63, _, _ =	vpop (xrf1)  }
0xa5: {  	v2 =	vmax.f32 v63, v3  }
0xa6: {  	(xrf1) =	vsort.ascd.msk.f32 $0xffff, v2, v2;
	_ =	sdelay $0xb  }
0xa7: {  	v2, _, _ =	vpop (xrf1)  }
0xa8: {  	v2 =	vperm.xlane v2, v0  }
0xa9: {  	v3, _, _ =	vpop (xrf1)  }
0xaa: {  	v2 =	vmax.f32 v3, v2  }
0xab: {  	(xrf1) =	vsort.ascd.msk.f32 $0xffff, v2, v2;
	_ =	sdelay $0xa  }
0xac: {  	s31 =	sshll.u32 s15, $0x4;
	s15 =	sadd.s32 $0x1, s15  }
0xad: {  	p0 =	sne.s32 s15, $0x8  }
.Ltmp1:
0xae: {  	_ = 	snop;
	(pc) =	sbr.rel @p0 .LBB2_3-.Ltmp1, $4  }
0xaf: {  	v2, _, _ =	vpop (xrf1)  }
0xb0: {  	v2 =	vperm.xlane v2, v0  }
0xb1: {  	s18 =	sand.u32 $0x3FFFFFF0, s31  }
0xb2: {  	s17 =	sadd.s32 $0x80, s17;
	[tilespmem:v1+s18+$0x0 ss:$0x1] =	vst.idx.msk $0xffff, v2  }
0xb3: {  	s15 =	smin.u32 s16, $0xD  }
0xb4: {  	s15 =	sshll.u32 s15, $0xC  }
0xb5: {  	s14 =	sshll.u32 s14, $0x7;
	s31 =	sadd.s32 s15, s4;
	s15 =	simm.s32 $0x0  }
0xb6: {  	[tilespmem:s15], [sflag:$0x1] =	stream.linear.gather [hbm4b:s31+s15], $0x8000, $0x38;
	[tilespmem:$0x10800] =	vst v63  }
0xb7: {  	s14 =	sand.u32 $0x3FFFFF80, s14;
	_ =	swait.ge [sflag:s9], $0x8000  }
0xb8: {  	s14 =	sadd.s32 $0x10000, s14;
	[sflag:s9] =	ssyncset.done $0x0  }
0xb9: {  	v1 =	vmov s14;
	s14 =	simm.s32 $0x0;
	[sflag:s9] =	ssyncadd.s32 $0xFFFF8000  }
.LBB2_7:
0xba: {  	v2 =	vmov s15;
	_ =	sdelay $0x3  }
0xbb: {  	s16 =	simm.s32 $0x0  }
0xbc: {  	v3 =	vld.idx.msk [tilespmem:v2+s16+$0x8000 ss:$0x1], $0xffff;
	_ =	sdelay $0x4  }
0xbd: {  	(xrf1) =	vsort.ascd.msk.f32 $0xffff, v3, v3;
	_ =	sdelay $0xa  }
0xbe: {  	v3 =	vld.idx.msk [tilespmem:v2+s16+$0x8010 ss:$0x1], $0xffff;
	_ =	sdelay $0x2  }
0xbf: {  	v4, _, _ =	vpop (xrf1)  }
0xc0: {  	v4 =	vperm.xlane v4, v0  }
0xc1: {  	v5 =	vimm.f32 $-Inf;
	(xrf1) =	vsort.ascd.msk.f32 $0xffff, v3, v3  }
0xc2: {  	v3 =	vmax.f32 v5, v4  }
0xc3: {  	(xrf1) =	vsort.ascd.msk.f32 $0xffff, v3, v3;
	_ =	sdelay $0x8  }
0xc4: {  	v3 =	vld.idx.msk [tilespmem:v2+s16+$0x8020 ss:$0x1], $0xffff;
	_ =	sdelay $0x2  }
0xc5: {  	v52, _, _ =	vpop (xrf1)  }
0xc6: {  	v4 =	vperm.xlane v52, v0  }
0xc7: {  	(xrf1) =	vsort.ascd.msk.f32 $0xffff, v3, v3;
	v53, _, _ =	vpop (xrf1)  }
0xc8: {  	v3 =	vmax.f32 v53, v4  }
0xc9: {  	(xrf1) =	vsort.ascd.msk.f32 $0xffff, v3, v3;
	_ =	sdelay $0x8  }
0xca: {  	v3 =	vld.idx.msk [tilespmem:v2+s16+$0x8030 ss:$0x1], $0xffff;
	_ =	sdelay $0x2  }
0xcb: {  	v54, _, _ =	vpop (xrf1)  }
0xcc: {  	v4 =	vperm.xlane v54, v0  }
0xcd: {  	(xrf1) =	vsort.ascd.msk.f32 $0xffff, v3, v3;
	v55, _, _ =	vpop (xrf1)  }
0xce: {  	v3 =	vmax.f32 v55, v4  }
0xcf: {  	(xrf1) =	vsort.ascd.msk.f32 $0xffff, v3, v3;
	_ =	sdelay $0x8  }
0xd0: {  	v3 =	vld.idx.msk [tilespmem:v2+s16+$0x8040 ss:$0x1], $0xffff;
	_ =	sdelay $0x2  }
0xd1: {  	v56, _, _ =	vpop (xrf1)  }
0xd2: {  	v4 =	vperm.xlane v56, v0  }
0xd3: {  	(xrf1) =	vsort.ascd.msk.f32 $0xffff, v3, v3;
	v57, _, _ =	vpop (xrf1)  }
0xd4: {  	v3 =	vmax.f32 v57, v4  }
0xd5: {  	(xrf1) =	vsort.ascd.msk.f32 $0xffff, v3, v3;
	_ =	sdelay $0x8  }
0xd6: {  	v3 =	vld.idx.msk [tilespmem:v2+s16+$0x8050 ss:$0x1], $0xffff;
	_ =	sdelay $0x2  }
0xd7: {  	v58, _, _ =	vpop (xrf1)  }
0xd8: {  	v4 =	vperm.xlane v58, v0  }
0xd9: {  	(xrf1) =	vsort.ascd.msk.f32 $0xffff, v3, v3;
	v59, _, _ =	vpop (xrf1)  }
0xda: {  	v3 =	vmax.f32 v59, v4  }
0xdb: {  	(xrf1) =	vsort.ascd.msk.f32 $0xffff, v3, v3;
	_ =	sdelay $0x8  }
0xdc: {  	v3 =	vld.idx.msk [tilespmem:v2+s16+$0x8060 ss:$0x1], $0xffff;
	_ =	sdelay $0x2  }
0xdd: {  	v60, _, _ =	vpop (xrf1)  }
0xde: {  	v4 =	vperm.xlane v60, v0  }
0xdf: {  	(xrf1) =	vsort.ascd.msk.f32 $0xffff, v3, v3;
	v61, _, _ =	vpop (xrf1)  }
0xe0: {  	v3 =	vmax.f32 v61, v4  }
0xe1: {  	(xrf1) =	vsort.ascd.msk.f32 $0xffff, v3, v3;
	_ =	sdelay $0x8  }
0xe2: {  	v3 =	vld.idx.msk [tilespmem:v2+s16+$0x8070 ss:$0x1], $0xffff;
	_ =	sdelay $0x2  }
0xe3: {  	v62, _, _ =	vpop (xrf1)  }
0xe4: {  	v4 =	vperm.xlane v62, v0  }
0xe5: {  	v63, _, _ =	vpop (xrf1);
	(xrf1) =	vsort.ascd.msk.f32 $0xffff, v3, v3  }
0xe6: {  	v3 =	vmax.f32 v63, v4  }
0xe7: {  	(xrf1) =	vsort.ascd.msk.f32 $0xffff, v3, v3;
	_ =	sdelay $0x6  }
0xe8: {  	s17 =	simm.s32 $0x2000;
	s16 =	simm.s32 $0x400  }
.LBB2_8:
0xe9: {  	p0 =	sne.s32 s17, $0x1F000;
	v3 =	vld.idx.msk [tilespmem:v2+s16+$0x8000 ss:$0x1], $0xffff;
	_ =	sdelay $0x3  }
0xea: {  	v4, _, _ =	vpop (xrf1)  }
0xeb: {  	v4 =	vperm.xlane v4, v0  }
0xec: {  	(xrf1) =	vsort.ascd.msk.f32 $0xffff, v3, v3;
	v3, _, _ =	vpop (xrf1)  }
0xed: {  	v3 =	vmax.f32 v3, v4  }
0xee: {  	(xrf1) =	vsort.ascd.msk.f32 $0xffff, v3, v3;
	_ =	sdelay $0x7  }
0xef: {  	v3 =	vld.idx.msk [tilespmem:v2+s16+$0x8010 ss:$0x1], $0xffff;
	_ =	sdelay $0x3  }
0xf0: {  	v4, _, _ =	vpop (xrf1)  }
0xf1: {  	v4 =	vperm.xlane v4, v0  }
0xf2: {  	(xrf1) =	vsort.ascd.msk.f32 $0xffff, v3, v3;
	v3, _, _ =	vpop (xrf1)  }
0xf3: {  	v3 =	vmax.f32 v3, v4  }
0xf4: {  	(xrf1) =	vsort.ascd.msk.f32 $0xffff, v3, v3;
	_ =	sdelay $0x7  }
0xf5: {  	v3 =	vld.idx.msk [tilespmem:v2+s16+$0x8020 ss:$0x1], $0xffff;
	_ =	sdelay $0x3  }
0xf6: {  	v4, _, _ =	vpop (xrf1)  }
0xf7: {  	v4 =	vperm.xlane v4, v0  }
0xf8: {  	v5, _, _ =	vpop (xrf1);
	(xrf1) =	vsort.ascd.msk.f32 $0xffff, v3, v3  }
0xf9: {  	v3 =	vmax.f32 v5, v4  }
0xfa: {  	(xrf1) =	vsort.ascd.msk.f32 $0xffff, v3, v3;
	_ =	sdelay $0x7  }
0xfb: {  	v3 =	vld.idx.msk [tilespmem:v2+s16+$0x8030 ss:$0x1], $0xffff;
	_ =	sdelay $0x3  }
0xfc: {  	v4, _, _ =	vpop (xrf1)  }
0xfd: {  	v4 =	vperm.xlane v4, v0  }
0xfe: {  	v5, _, _ =	vpop (xrf1);
	(xrf1) =	vsort.ascd.msk.f32 $0xffff, v3, v3  }
0xff: {  	v3 =	vmax.f32 v5, v4  }
0x100: {  	(xrf1) =	vsort.ascd.msk.f32 $0xffff, v3, v3;
	_ =	sdelay $0x7  }
0x101: {  	v3 =	vld.idx.msk [tilespmem:v2+s16+$0x8040 ss:$0x1], $0xffff;
	_ =	sdelay $0x3  }
0x102: {  	v4, _, _ =	vpop (xrf1)  }
0x103: {  	v4 =	vperm.xlane v4, v0  }
0x104: {  	v5, _, _ =	vpop (xrf1);
	(xrf1) =	vsort.ascd.msk.f32 $0xffff, v3, v3  }
0x105: {  	v3 =	vmax.f32 v5, v4  }
0x106: {  	(xrf1) =	vsort.ascd.msk.f32 $0xffff, v3, v3;
	_ =	sdelay $0x7  }
0x107: {  	v3 =	vld.idx.msk [tilespmem:v2+s16+$0x8050 ss:$0x1], $0xffff;
	_ =	sdelay $0x3  }
0x108: {  	v4, _, _ =	vpop (xrf1)  }
0x109: {  	v4 =	vperm.xlane v4, v0  }
0x10a: {  	v5, _, _ =	vpop (xrf1);
	(xrf1) =	vsort.ascd.msk.f32 $0xffff, v3, v3  }
0x10b: {  	v3 =	vmax.f32 v5, v4  }
0x10c: {  	(xrf1) =	vsort.ascd.msk.f32 $0xffff, v3, v3;
	_ =	sdelay $0x7  }
0x10d: {  	v3 =	vld.idx.msk [tilespmem:v2+s16+$0x8060 ss:$0x1], $0xffff;
	_ =	sdelay $0x3  }
0x10e: {  	v4, _, _ =	vpop (xrf1)  }
0x10f: {  	v4 =	vperm.xlane v4, v0  }
0x110: {  	v5, _, _ =	vpop (xrf1);
	(xrf1) =	vsort.ascd.msk.f32 $0xffff, v3, v3  }
0x111: {  	v3 =	vmax.f32 v5, v4  }
0x112: {  	(xrf1) =	vsort.ascd.msk.f32 $0xffff, v3, v3;
	_ =	sdelay $0x7  }
0x113: {  	v3 =	vld.idx.msk [tilespmem:v2+s16+$0x8070 ss:$0x1], $0xffff;
	_ =	sdelay $0x3  }
0x114: {  	v4, _, _ =	vpop (xrf1)  }
0x115: {  	v4 =	vperm.xlane v4, v0  }
0x116: {  	v5, _, _ =	vpop (xrf1);
	(xrf1) =	vsort.ascd.msk.f32 $0xffff, v3, v3  }
0x117: {  	v3 =	vmax.f32 v5, v4  }
0x118: {  	(xrf1) =	vsort.ascd.msk.f32 $0xffff, v3, v3;
	_ =	sdelay $0x2  }
.Ltmp2:
0x119: {  	(pc) =	sbr.rel @p0 .LBB2_8-.Ltmp2, $2  }
0x11a: {  	_ =	sdelay $0x2  }
0x11b: {  	s16 =	sshra.s32 s17, $0x2;
	s17 =	sadd.s32 $0x1000, s17  }
0x11c: {  	_ =	sdelay $0x3  }
0x11d: {  	v3 =	vld.idx.msk [tilespmem:v2+s16+$0x8000 ss:$0x1], $0xffff;
	_ =	sdelay $0x2  }
0x11e: {  	v4, _, _ =	vpop (xrf1)  }
0x11f: {  	v4 =	vperm.xlane v4, v0  }
0x120: {  	(xrf1) =	vsort.ascd.msk.f32 $0xffff, v3, v3;
	v3, _, _ =	vpop (xrf1)  }
0x121: {  	v3 =	vmax.f32 v3, v4  }
0x122: {  	(xrf1) =	vsort.ascd.msk.f32 $0xffff, v3, v3;
	_ =	sdelay $0x8  }
0x123: {  	v3 =	vld.idx.msk [tilespmem:v2+s16+$0x8010 ss:$0x1], $0xffff;
	_ =	sdelay $0x2  }
0x124: {  	v53, _, _ =	vpop (xrf1)  }
0x125: {  	v4 =	vperm.xlane v53, v0  }
0x126: {  	(xrf1) =	vsort.ascd.msk.f32 $0xffff, v3, v3;
	v3, _, _ =	vpop (xrf1)  }
0x127: {  	v3 =	vmax.f32 v3, v4  }
0x128: {  	(xrf1) =	vsort.ascd.msk.f32 $0xffff, v3, v3;
	_ =	sdelay $0x8  }
0x129: {  	v3 =	vld.idx.msk [tilespmem:v2+s16+$0x8020 ss:$0x1], $0xffff;
	_ =	sdelay $0x2  }
0x12a: {  	v54, _, _ =	vpop (xrf1)  }
0x12b: {  	v4 =	vperm.xlane v54, v0  }
0x12c: {  	v5, _, _ =	vpop (xrf1);
	(xrf1) =	vsort.ascd.msk.f32 $0xffff, v3, v3  }
0x12d: {  	v3 =	vmax.f32 v5, v4  }
0x12e: {  	(xrf1) =	vsort.ascd.msk.f32 $0xffff, v3, v3;
	_ =	sdelay $0x8  }
0x12f: {  	v3 =	vld.idx.msk [tilespmem:v2+s16+$0x8030 ss:$0x1], $0xffff;
	_ =	sdelay $0x2  }
0x130: {  	v55, _, _ =	vpop (xrf1)  }
0x131: {  	v4 =	vperm.xlane v55, v0  }
0x132: {  	(xrf1) =	vsort.ascd.msk.f32 $0xffff, v3, v3;
	v56, _, _ =	vpop (xrf1)  }
0x133: {  	v3 =	vmax.f32 v56, v4  }
0x134: {  	(xrf1) =	vsort.ascd.msk.f32 $0xffff, v3, v3;
	_ =	sdelay $0x8  }
0x135: {  	v3 =	vld.idx.msk [tilespmem:v2+s16+$0x8040 ss:$0x1], $0xffff;
	_ =	sdelay $0x2  }
0x136: {  	v57, _, _ =	vpop (xrf1)  }
0x137: {  	v4 =	vperm.xlane v57, v0  }
0x138: {  	(xrf1) =	vsort.ascd.msk.f32 $0xffff, v3, v3;
	v58, _, _ =	vpop (xrf1)  }
0x139: {  	v3 =	vmax.f32 v58, v4  }
0x13a: {  	(xrf1) =	vsort.ascd.msk.f32 $0xffff, v3, v3;
	_ =	sdelay $0x8  }
0x13b: {  	v3 =	vld.idx.msk [tilespmem:v2+s16+$0x8050 ss:$0x1], $0xffff;
	_ =	sdelay $0x2  }
0x13c: {  	v59, _, _ =	vpop (xrf1)  }
0x13d: {  	v4 =	vperm.xlane v59, v0  }
0x13e: {  	(xrf1) =	vsort.ascd.msk.f32 $0xffff, v3, v3;
	v60, _, _ =	vpop (xrf1)  }
0x13f: {  	v3 =	vmax.f32 v60, v4  }
0x140: {  	(xrf1) =	vsort.ascd.msk.f32 $0xffff, v3, v3;
	_ =	sdelay $0x8  }
0x141: {  	v3 =	vld.idx.msk [tilespmem:v2+s16+$0x8060 ss:$0x1], $0xffff;
	_ =	sdelay $0x2  }
0x142: {  	v61, _, _ =	vpop (xrf1)  }
0x143: {  	v4 =	vperm.xlane v61, v0  }
0x144: {  	(xrf1) =	vsort.ascd.msk.f32 $0xffff, v3, v3;
	v62, _, _ =	vpop (xrf1)  }
0x145: {  	v3 =	vmax.f32 v62, v4  }
0x146: {  	(xrf1) =	vsort.ascd.msk.f32 $0xffff, v3, v3;
	_ =	sdelay $0x8  }
0x147: {  	v2 =	vld.idx.msk [tilespmem:v2+s16+$0x8070 ss:$0x1], $0xffff;
	_ =	sdelay $0x2  }
0x148: {  	v3, _, _ =	vpop (xrf1)  }
0x149: {  	v3 =	vperm.xlane v3, v0  }
0x14a: {  	(xrf1) =	vsort.ascd.msk.f32 $0xffff, v2, v2;
	v63, _, _ =	vpop (xrf1)  }
0x14b: {  	v2 =	vmax.f32 v63, v3  }
0x14c: {  	(xrf1) =	vsort.ascd.msk.f32 $0xffff, v2, v2;
	_ =	sdelay $0xb  }
0x14d: {  	v2, _, _ =	vpop (xrf1)  }
0x14e: {  	v2 =	vperm.xlane v2, v0  }
0x14f: {  	v3, _, _ =	vpop (xrf1)  }
0x150: {  	v2 =	vmax.f32 v3, v2  }
0x151: {  	(xrf1) =	vsort.ascd.msk.f32 $0xffff, v2, v2;
	_ =	sdelay $0xa  }
0x152: {  	s31 =	sshll.u32 s14, $0x4;
	s14 =	sadd.s32 $0x1, s14  }
0x153: {  	p0 =	sne.s32 s14, $0x8  }
.Ltmp3:
0x154: {  	_ = 	snop;
	(pc) =	sbr.rel @p0 .LBB2_7-.Ltmp3, $4  }
0x155: {  	v2, _, _ =	vpop (xrf1)  }
0x156: {  	v2 =	vperm.xlane v2, v0  }
0x157: {  	s16 =	sand.u32 $0x3FFFFFF0, s31  }
0x158: {  	s15 =	sadd.s32 $0x80, s15;
	[tilespmem:v1+s16+$0x0 ss:$0x1] =	vst.idx.msk $0xffff, v2  }
0x159: {  	s13 =	sadd.s32 $0x1, s13  }
0x15a: {  	p0 =	sne.s32 s13, $0x8  }
.Ltmp4:
0x15b: {  	_ = 	snop;
	(pc) =	sbr.rel @p0 .LBB2_2-.Ltmp4, $1  }
0x15c: {  	_ =	sdelay $0x3  }
0x15d: {  	_ =	swait.ge [sflag:s8], $0x8000;
	s12 =	sadd.s32 $0x1, s12  }
0x15e: {  	[sflag:s8] =	ssyncset.done $0x0;
	p0 =	sne.s32 s12, s6  }
.Ltmp5:
0x15f: {  	[sflag:s8] =	ssyncadd.s32 $0xFFFF8000;
	(pc) =	sbr.rel @p0 .LBB2_1-.Ltmp5, $4  }
0x160: {  	[hbm4b:s5+s2] =	stream.linear.scatter [tilespmem:s10], [sflag:$0x3], $0x800, $0x38;
	[tilespmem:$0x10800] =	vst v63  }
0x161: {  	_ =	swait.ge [sflag:s11], $0x800  }
0x162: {  	[sflag:s11] =	ssyncset.done $0x0  }
0x163: {  	[sflag:s11] =	ssyncadd.s32 $0xFFFFF800  }
0x164: {  	_ =	sfence.sel $0x180000  }
0x165: {  	[bflag:$0x0] =	sbarrier.arrive $0xFFFF  }
0x166: {  	p0 =	sne.s32 s1, $0x0;
	_ =	strace $0x90000047  }
0x167: {  	s0 =	sadd.s32 @!p0 $0x100000, s0;
	[bflag:$0x2] =	sbarrier.arrive $0xFFFF  }
0x168: {  	[sflag:s0] =	ssyncadd.tile.s32 @!p0 $0x1;
	_ =	shalt  }
.Lfunc_end2:
_tile_overlayer_lowered:
.L_overlay_start_2:
0x169: {  	(tag) =	ssettag $0x2  }
0x16a: {  	s0 =	rddreg [dreg:$0x0];
	s2 =	stileid.u32  }
0x16b: {  	s1 =	rddreg [dreg:$0x1];
	p0 =	sne.s32 s2, $0x0  }
0x16c: {  	s3 =	rddreg [dreg:$0x2];
	[bflag:$0x3] =	sbarrier.arrive $0xFFFF;
	s2 =	simm.s32 @!p0 $0x1C03  }
0x16d: {  	[timem:s3], [sflag:s2] =	dma.local @!p0 [hbm:s0], s1  }
0x16e: {  	s0 =	simm.s32 @!p0 $0x3  }
0x16f: {  	_ =	swait.ge @!p0 [sflag:s0], s1  }
0x170: {  	s1 =	ssub.s32 @!p0 $0x0, s1;
	[sflag:s0] =	ssyncset.done @!p0 $0x0  }
0x171: {  	[sflag:s0] =	ssyncadd.s32 @!p0 s1  }
0x172: {  	[bflag:$0x3] =	sbarrier.arrive $0xFFFF  }
0x173: {  	_ =	shalt  }

// kernel: _run.14.cloned.1.call-start
scs
__scs_entry_jumppad:
0x0: {  	(pc) =	sbr.rel $0x88, $3  }
0x1: {  	(tag) =	ssettag $0x0;
	lr =	simm.s32 $0x1  }
0x2: {  	[smem:$0x3F9D] =	sst lr;
	_ =	strace $0xD0000000  }
0x3: {  	_ = 	snop  }
0x4: {  	_ = 	snop  }
0x5: {  	_ = 	snop  }
0x6: {  	_ = 	snop  }
0x7: {  	_ = 	snop  }
__scs_overlays_trampoline_lowered:
0x8: {  	[smem:$0x3FAC] =	sst s0  }
0x9: {  	[smem:$0x3FAD] =	sst s1  }
0xa: {  	[smem:$0x3FAE] =	sst s2  }
0xb: {  	[smem:$0x3FAF] =	sst s3  }
0xc: {  	[smem:$0x3FB0] =	sst s4  }
0xd: {  	[smem:$0x3FB1] =	sst s5  }
0xe: {  	[smem:$0x3FB2] =	sst s6  }
0xf: {  	[smem:$0x3FB3] =	sst s7  }
0x10: {  	[smem:$0x3FB4] =	sst s8  }
0x11: {  	[smem:$0x3FB5] =	sst s9;
	s0 =	simm.s32 @!p0 $0x0  }
0x12: {  	s1 =	sld [smem:$0x3F9B];
	s0 =	simm.s32 @p0 $0x1  }
0x13: {  	[smem:$0x3FB6] =	sst s0;
	s0 =	simm.s32 @!p1 $0x0  }
0x14: {  	s2 =	sld [smem:$0x3F9A];
	s0 =	simm.s32 @p1 $0x1  }
0x15: {  	[smem:$0x3FB7] =	sst s0;
	s0 =	simm.s32 @!p2 $0x0  }
0x16: {  	s3 =	sld [smem:$0x3FDB];
	s0 =	simm.s32 @p2 $0x1  }
0x17: {  	s4 =	simm.s32 $0x1BF5;
	[smem:$0x3FB9] =	sst s0  }
0x18: {  	s0 =	sld [smem:$0x3F9C];
	_ =	swait.ge [sflag:s4], $0x0  }
0x19: {  	s7 =	sld [smem:$0x3F9D]  }
0x1a: {  	s8 =	sadd.s32 $0xFFFFE003, lr  }
0x1b: {  	s9 =	sadd.s32 $0xFFFFFEF7, lr;
	s5 =	simm.s32 $0xFFFFFFFF;
	p2 =	slt.u32 s8, $0xFFFFF086  }
0x1c: {  	p1 =	slt.u32 s9, $0xF7A;
	s5 =	simm.s32 @!p2 $0x0  }
0x1d: {  	s5 =	simm.s32 @p1 $0x1;
	p0 =	seq.s32 s7, s2  }
0x1e: {  	s7 =	smul.u32 @!p0 $0xF7A, s2;
	p2 =	seq.s32 @!p0 s5, $0x0  }
0x1f: {  	s9 =	smul.u32 $0xF7A, s1;
	s8 =	simm.s32 @!p0 $0x1BF5;
	p2 =	por !p2, p0  }
0x20: {  	[sflag:s8] =	ssyncset.s32 @!p0 $0xFFFFF086;
	s6 =	sadd.s32 @!p0 s3, s7;
	s7 =	simm.s32 @!p0 $0x108  }
0x21: {  	s3 =	sadd.s32 s3, s9;
	s6 =	sadd.s32 @!p0 $0x88, s6;
	s7 =	simm.s32 @p2 $0x1082  }
0x22: {  	[simem:s7], [sflag:s8] =	dma.local @!p0 [hbm:s6], $0xF7A  }
0x23: {  	s9 =	sor.u32 $0xD0000000, s2;
	s6 =	simm.s32 $0x108;
	_ =	swait.ge @!p0 [sflag:s8], $0x0  }
0x24: {  	s3 =	sadd.s32 $0x88, s3;
	s6 =	simm.s32 @!p1 $0x1082;
	[sflag:s4] =	ssyncset.s32 $0xFFFFF086  }
0x25: {  	[simem:s6], [sflag:s4] =	dma.local [hbm:s3], $0xF7A  }
0x26: {  	[smem:$0x3F9D] =	sst s1;
	(tag) =	ssettag s2;
	_ =	strace s9  }
0x27: {  	s1 =	sld [smem:$0x3FAD]  }
0x28: {  	s2 =	sld [smem:$0x3FAE]  }
0x29: {  	s4 =	sld [smem:$0x3FB0]  }
0x2a: {  	p0 =	seq.s32 s5, $0x0;
	s5 =	sld [smem:$0x3FB1]  }
0x2b: {  	s6 =	sld [smem:$0x3FB2]  }
0x2c: {  	s7 =	sld [smem:$0x3FB3]  }
0x2d: {  	s3 =	simm.s32 $0x108;
	s8 =	sld [smem:$0x3FB4]  }
0x2e: {  	s3 =	simm.s32 @!p0 $0x1082;
	s9 =	sld [smem:$0x3FB5]  }
0x2f: {  	lr =	sadd.s32 s0, s3;
	s0 =	sld [smem:$0x3FAC]  }
0x30: {  	s3 =	sld [smem:$0x3FAF]  }
0x31: {  	[smem:$0x3FB8] =	sst s10  }
0x32: {  	s10 =	sld [smem:$0x3FB6];
	_ =	sdelay $0x3  }
0x33: {  	p0 =	seq.s32 s10, $0x1;
	s10 =	sld [smem:$0x3FB8];
	_ =	sdelay $0x3  }
0x34: {  	[smem:$0x3FB8] =	sst s10  }
0x35: {  	s10 =	sld [smem:$0x3FB7];
	_ =	sdelay $0x3  }
0x36: {  	p1 =	seq.s32 s10, $0x1;
	s10 =	sld [smem:$0x3FB8];
	_ =	sdelay $0x3  }
0x37: {  	[smem:$0x3FB8] =	sst s10  }
0x38: {  	s10 =	sld [smem:$0x3FB9]  }
0x39: {  	_ = 	snop;
	(pc) =	sbr.ind lr, $3  }
0x3a: {  	_ = 	snop  }
0x3b: {  	_ = 	snop  }
0x3c: {  	p2 =	seq.s32 s10, $0x1;
	s10 =	sld [smem:$0x3FB8]  }
0x3d: {  	_ =	shalt  }
0x3e: {  	_ =	shalt  }
0x3f: {  	_ =	shalt  }
0x40: {  	_ =	shalt  }
0x41: {  	_ =	shalt  }
0x42: {  	_ =	shalt  }
0x43: {  	_ =	shalt  }
0x44: {  	_ =	shalt  }
0x45: {  	_ =	shalt  }
0x46: {  	_ =	shalt  }
0x47: {  	_ =	shalt  }
0x48: {  	_ =	shalt  }
0x49: {  	_ =	shalt  }
0x4a: {  	_ =	shalt  }
0x4b: {  	_ =	shalt  }
0x4c: {  	_ =	shalt  }
0x4d: {  	_ =	shalt  }
0x4e: {  	_ =	shalt  }
0x4f: {  	_ =	shalt  }
0x50: {  	_ =	shalt  }
0x51: {  	_ =	shalt  }
0x52: {  	_ =	shalt  }
0x53: {  	_ =	shalt  }
0x54: {  	_ =	shalt  }
0x55: {  	_ =	shalt  }
0x56: {  	_ =	shalt  }
0x57: {  	_ =	shalt  }
0x58: {  	_ =	shalt  }
0x59: {  	_ =	shalt  }
0x5a: {  	_ =	shalt  }
0x5b: {  	_ =	shalt  }
0x5c: {  	_ =	shalt  }
0x5d: {  	_ =	shalt  }
0x5e: {  	_ =	shalt  }
0x5f: {  	_ =	shalt  }
0x60: {  	_ =	shalt  }
0x61: {  	_ =	shalt  }
0x62: {  	_ =	shalt  }
0x63: {  	_ =	shalt  }
0x64: {  	_ =	shalt  }
0x65: {  	_ =	shalt  }
0x66: {  	_ =	shalt  }
0x67: {  	_ =	shalt  }
0x68: {  	_ =	shalt  }
0x69: {  	_ =	shalt  }
0x6a: {  	_ =	shalt  }
0x6b: {  	_ =	shalt  }
0x6c: {  	_ =	shalt  }
0x6d: {  	_ =	shalt  }
0x6e: {  	_ =	shalt  }
0x6f: {  	_ =	shalt  }
0x70: {  	_ =	shalt  }
0x71: {  	_ =	shalt  }
0x72: {  	_ =	shalt  }
0x73: {  	_ =	shalt  }
0x74: {  	_ =	shalt  }
0x75: {  	_ =	shalt  }
0x76: {  	_ =	shalt  }
0x77: {  	_ =	shalt  }
0x78: {  	_ =	shalt  }
0x79: {  	_ =	shalt  }
0x7a: {  	_ =	shalt  }
0x7b: {  	_ =	shalt  }
0x7c: {  	_ =	shalt  }
0x7d: {  	_ =	shalt  }
0x7e: {  	_ =	shalt  }
0x7f: {  	_ =	shalt  }
0x80: {  	_ =	shalt  }
0x81: {  	_ =	shalt  }
0x82: {  	_ =	shalt  }
0x83: {  	_ =	shalt  }
0x84: {  	_ =	shalt  }
0x85: {  	_ =	shalt  }
0x86: {  	_ =	shalt  }
0x87: {  	_ =	shalt  }
.Lfunc_end0:
.L_simem_size_0:
called_computation.1_lowered:
.L_overlay_start_0:
0x88: {  	s2 =	sld [smem:$0x3FD9]  }
0x89: {  	s3 =	sld [smem:$0x3FFE];
	_ =	sdelay $0x1  }
0x8a: {  	s1 =	srdreg.scid  }
0x8b: {  	s0 =	sand.u32 $0x1, s1  }
0x8c: {  	s17 =	sshll.u32 s0, $0xA;
	s2 =	sadd.s32 s3, s2  }
0x8d: {  	s2 =	sadd.s32 s2, s17  }
0x8e: {  	[smem:$0x3FC4] =	sst s2  }
0x8f: {  	_ = 	snop  }
0x90: {  	(tm) =	ssettm $0x1  }
0x91: {  	s18 =	sld [smem:$0x3FFB];
	_ =	sdelay $0x3  }
0x92: {  	_ =	strace s18  }
0x93: {  	s2 =	sld [smem:$0x3FFC];
	_ =	sdelay $0x3  }
0x94: {  	_ =	strace s2  }
0x95: {  	s2 =	sld [smem:$0x3FFD];
	_ =	sdelay $0x3  }
0x96: {  	_ =	strace s2  }
0x97: {  	_ =	strace $0x8FFFFFFF  }
0x98: {  	s19 =	sld [smem:$0x3FDB];
	_ =	sdelay $0x1  }
0x99: {  	s20 =	simm.s32 $_scs_section_size  }
0x9a: {  	s4 =	simm.s32 $_size__tile_overlayer_lowered;
	s5 =	simm.s32 $_tile_overlayer_lowered  }
0x9b: {  	s6 =	simm.s32 $0x1BFF;
	s21 =	sshll.u32 s5, $0x1;
	s3 =	sadd.s32 s20, s19  }
0x9c: {  	s22 =	simm.s32 $0x0;
	s4 =	sshll.u32 s4, $0x1;
	s5 =	sadd.s32 s21, s3  }
0x9d: {  	[timem:s22], [sflag:s6] =	dma.local [hbm:s5], s4  }
0x9e: {  	_ =	swait.ge [sflag:s6], s4  }
0x9f: {  	s4 =	ssub.s32 $0x0, s4;
	[sflag:s6] =	ssyncset.done $0x0  }
0xa0: {  	[sflag:s6] =	ssyncadd.s32 s4;
	_ =	sdelay $0x1  }
0xa1: {  	s23 =	simm.s32 $0x1B8B  }
0xa2: {  	_ =	swait.ge [sflag:s23], $0x1  }
0xa3: {  	[sflag:s23] =	ssyncset.done $0x0  }
0xa4: {  	[sflag:s23] =	ssyncadd.s32 $0xFFFFFFFF  }
0xa5: {  	s4 =	sld [smem:$0x0]  }
0xa6: {  	s5 =	sand.u32 $0xFFFFFFFE, s1  }
0xa7: {  	p0 =	sne.s32 s1, s5  }
0xa8: {  	s5 =	sshll.u32 @p0 s5, $0xE  }
0xa9: {  	s5 =	sadd.s32 @p0 $0x11B8D, s5;
	s6 =	sshll.u32 @p0 s4, $0x11  }
0xaa: {  	s5 =	sor.u32 @p0 s6, s5  }
0xab: {  	[sflag:s5] =	ssyncadd.remote.s32 @p0 $0x1;
	_ =	sdelay $0x1  }
0xac: {  	s5 =	simm.s32 @p0 $0x1B8D  }
0xad: {  	_ =	swait.eq @p0 [sflag:s5], $0x1  }
0xae: {  	[sflag:s5] =	ssyncadd.s32 @p0 $0xFFFFFFFF  }
0xaf: {  	s6 =	sshll.u32 @!p0 s1, $0xE  }
0xb0: {  	s6 =	sor.u32 @!p0 $0x4000, s6;
	s5 =	simm.s32 @!p0 $0x1B8D  }
0xb1: {  	s4 =	sshll.u32 @!p0 s4, $0x11;
	s6 =	sadd.s32 @!p0 $0x11B8D, s6;
	_ =	swait.eq @!p0 [sflag:s5], $0x1  }
0xb2: {  	s4 =	sor.u32 @!p0 s4, s6;
	[sflag:s5] =	ssyncadd.s32 @!p0 $0xFFFFFFFF  }
0xb3: {  	s25 =	simm.s32 $0x1B8E;
	s24 =	sld [smem:$0x3FFE];
	[sflag:s4] =	ssyncadd.remote.s32 @!p0 $0x1  }
0xb4: {  	s26 =	simm.s32 $execute0_lowered;
	[smem:$0x3FD2] =	sst s25  }
0xb5: {  	s5 =	sshll.u32 s26, $0x1;
	_ =	strace $0x8000004F;
	[dreg:$0x1] =	wrdreg $0xFFFFFFFF  }
0xb6: {  	s28 =	simm.s32 $_size_execute0_lowered;
	s3 =	sadd.s32 s3, s5;
	[dreg:$0x0] =	wrdreg $0x0  }
0xb7: {  	s5 =	sshll.u32 s28, $0x1;
	[dreg:$0x2] =	wrdreg s3  }
0xb8: {  	[dreg:$0x3] =	wrdreg s5  }
0xb9: {  	[dreg:$0x4] =	wrdreg $0xC0  }
0xba: {  	_ =	task [dreg:s22], $0x5FFFF  }
0xbb: {  	[dreg:$0x1] =	wrdreg $0xFFFFFFFF  }
0xbc: {  	[dreg:$0x0] =	wrdreg $0x60  }
0xbd: {  	[dreg:$0x2] =	wrdreg s24  }
0xbe: {  	[dreg:$0x3] =	wrdreg $0xA  }
0xbf: {  	_ =	task.clear_ibuf [dreg:s22], $0x4FFFF;
	_ =	strace $0x9000004F  }
0xc0: {  	s29 =	simm.s32 $0xA;
	_ =	strace $0x80000051  }
0xc1: {  	_ =	swait.ge [sflag:s29], $0x1  }
0xc2: {  	[sflag:s29] =	ssyncadd.s32 $0xFFFFFFFF  }
0xc3: {  	_ =	strace $0x90000051  }
0xc4: {  	_ =	sfence  }
0xc5: {  	s30 =	sld [smem:$0x0];
	_ =	sdelay $0x2  }
0xc6: {  	s31 =	sshll.u32 s1, $0xD;
	s1 =	sshrl.u32 s1, $0x2  }
0xc7: {  	s4 =	sand.u32 $0x4000, s31;
	s1 =	sadd.s32 s1, s30  }
0xc8: {  	s0 =	sor.u32 s4, s0;
	s1 =	sshll.u32 s1, $0x11  }
0xc9: {  	s0 =	sor.u32 s1, s0  }
0xca: {  	s0 =	sadd.s32 $0x8F2B, s0  }
0xcb: {  	[sflag:s0] =	ssyncadd.remote.s32 $0x1  }
0xcc: {  	_ =	sfence.sel $0xFFFF  }
0xcd: {  	[dreg:$0x0] =	wrdreg $0xFFFFFFFF;
	(pc) =	sbr.abs _section_cstart, $3  }
0xce: {  	[dreg:$0x1] =	wrdreg $0xFFFFFFFF  }
0xcf: {  	_ =	task.clear_ibuf [dreg:s22], $0x2FFFF;
	_ =	strace $0x9FFFFFFF  }
0xd0: {  	(tm) =	ssettm $0x7FFFFFFF  }
0xd1: {  	_ =	shalt  }
tec
execute0_lowered:
.L_overlay_start_1:
0x0: {  	(tag) =	ssettag $0x1  }
0x1: {  	s3 =	rddreg [dreg:$0x0]  }
0x2: {  	s0 =	rddreg [dreg:$0x1];
	s4 =	srdreg.scid  }
0x3: {  	s1 =	stileid.u32;
	s2 =	simm.s32 $0x0;
	s8 =	simm.s32 $0x1  }
0x4: {  	s9 =	simm.s32 $0x2;
	s10 =	simm.s32 $0x10000;
	s11 =	simm.s32 $0x3  }
0x5: {  	s4 =	sand.u32 $0x1, s4;
	s5 =	sshll.u32 s1, $0x1;
	[smem:$0x7FF] =	sst s2  }
0x6: {  	s12 =	simm.s32 $0x0;
	s5 =	sor.u32 s4, s5;
	_ =	strace $0x80000050  }
0x7: {  	v0 =	vlaneseq.u32;
	s4 =	ssub.s32 $0x2, s4;
	s6 =	sshll.u32 s5, $0x10;
	s5 =	sshll.u32 s5, $0x8  }
0x8: {  	v0 =	vmul.u32 $0xFFFFFFFF, v0;
	s7 =	sshrl.u32 s4, $0x1;
	s6 =	sadd.s32 s6, s3;
	s5 =	sadd.s32 s5, s3  }
0x9: {  	s7 =	ssub.s32 s4, s7;
	s3 =	sadd.s32 $0x6C4E00, s6;
	s4 =	sadd.s32 $0x6C6E00, s6  }
0xa: {  	v0 =	vadd.s32 $0xF, v0;
	s5 =	sadd.s32 $0x6E00, s5;
	s6 =	smax.u32 s7, $0x1;
	s7 =	simm.s32 $0x8000  }
.LBB2_1:
0xb: {  	[tilespmem:s2], [sflag:$0x1] =	stream.linear.gather [hbm4b:s3+s2], $0x8000, $0x38;
	[tilespmem:$0x10800] =	vst v63  }
0xc: {  	s13 =	simm.s32 $0x0  }
.LBB2_2:
0xd: {  	s14 =	sshllo.u32 s13, $0x1  }
0xe: {  	s15 =	sshll.u32 s14, $0xC  }
0xf: {  	s31 =	sshll.u32 s13, $0x8;
	s16 =	sadd.s32 s15, s3;
	s15 =	simm.s32 $0x0  }
0x10: {  	[tilespmem:s7], [sflag:$0x2] =	stream.linear.gather [hbm4b:s16+s15], $0x8000, $0x38;
	[tilespmem:$0x10800] =	vst v63  }
0x11: {  	s16 =	sand.u32 $0x3FFFFF00, s31;
	_ =	swait.ge [sflag:s8], $0x8000  }
0x12: {  	s18 =	sadd.s32 $0x10000, s16;
	[sflag:s8] =	ssyncset.done $0x0  }
0x13: {  	s17 =	simm.s32 $0x40;
	s16 =	sshll.u32 s13, $0x1;
	v1 =	vmov s18;
	[sflag:s8] =	ssyncadd.s32 $0xFFFF8000  }
.LBB2_3:
0x14: {  	v2 =	vmov s17;
	_ =	sdelay $0x3  }
0x15: {  	s18 =	simm.s32 $0x0  }
0x16: {  	v3 =	vld.idx.msk [tilespmem:v2+s18+$0xFFFFFFC0 ss:$0x1], $0xffff;
	_ =	sdelay $0x4  }
0x17: {  	(xrf1) =	vsort.ascd.msk.f32 $0xffff, v3, v3;
	_ =	sdelay $0xa  }
0x18: {  	v3 =	vld.idx.msk [tilespmem:v2+s18+$0xFFFFFFD0 ss:$0x1], $0xffff;
	_ =	sdelay $0x2  }
0x19: {  	v4, _, _ =	vpop (xrf1)  }
0x1a: {  	v4 =	vperm.xlane v4, v0  }
0x1b: {  	v5 =	vimm.f32 $-Inf;
	(xrf1) =	vsort.ascd.msk.f32 $0xffff, v3, v3  }
0x1c: {  	v3 =	vmax.f32 v5, v4  }
0x1d: {  	(xrf1) =	vsort.ascd.msk.f32 $0xffff, v3, v3;
	_ =	sdelay $0x8  }
0x1e: {  	v3 =	vld.idx.msk [tilespmem:v2+s18+$0xFFFFFFE0 ss:$0x1], $0xffff;
	_ =	sdelay $0x2  }
0x1f: {  	v52, _, _ =	vpop (xrf1)  }
0x20: {  	v4 =	vperm.xlane v52, v0  }
0x21: {  	(xrf1) =	vsort.ascd.msk.f32 $0xffff, v3, v3;
	v53, _, _ =	vpop (xrf1)  }
0x22: {  	v3 =	vmax.f32 v53, v4  }
0x23: {  	(xrf1) =	vsort.ascd.msk.f32 $0xffff, v3, v3;
	_ =	sdelay $0x8  }
0x24: {  	v3 =	vld.idx.msk [tilespmem:v2+s18+$0xFFFFFFF0 ss:$0x1], $0xffff;
	_ =	sdelay $0x2  }
0x25: {  	v54, _, _ =	vpop (xrf1)  }
0x26: {  	v4 =	vperm.xlane v54, v0  }
0x27: {  	(xrf1) =	vsort.ascd.msk.f32 $0xffff, v3, v3;
	v55, _, _ =	vpop (xrf1)  }
0x28: {  	v3 =	vmax.f32 v55, v4  }
0x29: {  	(xrf1) =	vsort.ascd.msk.f32 $0xffff, v3, v3;
	_ =	sdelay $0x8  }
0x2a: {  	v3 =	vld.idx.msk [tilespmem:v2+s18+$0x0 ss:$0x1], $0xffff;
	_ =	sdelay $0x2  }
0x2b: {  	v56, _, _ =	vpop (xrf1)  }
0x2c: {  	v4 =	vperm.xlane v56, v0  }
0x2d: {  	(xrf1) =	vsort.ascd.msk.f32 $0xffff, v3, v3;
	v57, _, _ =	vpop (xrf1)  }
0x2e: {  	v3 =	vmax.f32 v57, v4  }
0x2f: {  	(xrf1) =	vsort.ascd.msk.f32 $0xffff, v3, v3;
	_ =	sdelay $0x8  }
0x30: {  	v3 =	vld.idx.msk [tilespmem:v2+s18+$0x10 ss:$0x1], $0xffff;
	_ =	sdelay $0x2  }
0x31: {  	v58, _, _ =	vpop (xrf1)  }
0x32: {  	v4 =	vperm.xlane v58, v0  }
0x33: {  	(xrf1) =	vsort.ascd.msk.f32 $0xffff, v3, v3;
	v59, _, _ =	vpop (xrf1)  }
0x34: {  	v3 =	vmax.f32 v59, v4  }
0x35: {  	(xrf1) =	vsort.ascd.msk.f32 $0xffff, v3, v3;
	_ =	sdelay $0x8  }
0x36: {  	v3 =	vld.idx.msk [tilespmem:v2+s18+$0x20 ss:$0x1], $0xffff;
	_ =	sdelay $0x2  }
0x37: {  	v60, _, _ =	vpop (xrf1)  }
0x38: {  	v4 =	vperm.xlane v60, v0  }
0x39: {  	(xrf1) =	vsort.ascd.msk.f32 $0xffff, v3, v3;
	v61, _, _ =	vpop (xrf1)  }
0x3a: {  	v3 =	vmax.f32 v61, v4  }
0x3b: {  	(xrf1) =	vsort.ascd.msk.f32 $0xffff, v3, v3;
	_ =	sdelay $0x8  }
0x3c: {  	v3 =	vld.idx.msk [tilespmem:v2+s18+$0x30 ss:$0x1], $0xffff;
	_ =	sdelay $0x2  }
0x3d: {  	v62, _, _ =	vpop (xrf1)  }
0x3e: {  	v4 =	vperm.xlane v62, v0  }
0x3f: {  	v63, _, _ =	vpop (xrf1);
	(xrf1) =	vsort.ascd.msk.f32 $0xffff, v3, v3  }
0x40: {  	v3 =	vmax.f32 v63, v4  }
0x41: {  	(xrf1) =	vsort.ascd.msk.f32 $0xffff, v3, v3;
	_ =	sdelay $0x6  }
0x42: {  	s19 =	simm.s32 $0x2000;
	s18 =	simm.s32 $0x400  }
.LBB2_4:
0x43: {  	p0 =	sne.s32 s19, $0x1F000;
	v3 =	vld.idx.msk [tilespmem:v2+s18+$0xFFFFFFC0 ss:$0x1], $0xffff;
	_ =	sdelay $0x3  }
0x44: {  	v4, _, _ =	vpop (xrf1)  }
0x45: {  	v4 =	vperm.xlane v4, v0  }
0x46: {  	(xrf1) =	vsort.ascd.msk.f32 $0xffff, v3, v3;
	v3, _, _ =	vpop (xrf1)  }
0x47: {  	v3 =	vmax.f32 v3, v4  }
0x48: {  	(xrf1) =	vsort.ascd.msk.f32 $0xffff, v3, v3;
	_ =	sdelay $0x7  }
0x49: {  	v3 =	vld.idx.msk [tilespmem:v2+s18+$0xFFFFFFD0 ss:$0x1], $0xffff;
	_ =	sdelay $0x3  }
0x4a: {  	v4, _, _ =	vpop (xrf1)  }
0x4b: {  	v4 =	vperm.xlane v4, v0  }
0x4c: {  	(xrf1) =	vsort.ascd.msk.f32 $0xffff, v3, v3;
	v3, _, _ =	vpop (xrf1)  }
0x4d: {  	v3 =	vmax.f32 v3, v4  }
0x4e: {  	(xrf1) =	vsort.ascd.msk.f32 $0xffff, v3, v3;
	_ =	sdelay $0x7  }
0x4f: {  	v3 =	vld.idx.msk [tilespmem:v2+s18+$0xFFFFFFE0 ss:$0x1], $0xffff;
	_ =	sdelay $0x3  }
0x50: {  	v4, _, _ =	vpop (xrf1)  }
0x51: {  	v4 =	vperm.xlane v4, v0  }
0x52: {  	v5, _, _ =	vpop (xrf1);
	(xrf1) =	vsort.ascd.msk.f32 $0xffff, v3, v3  }
0x53: {  	v3 =	vmax.f32 v5, v4  }
0x54: {  	(xrf1) =	vsort.ascd.msk.f32 $0xffff, v3, v3;
	_ =	sdelay $0x7  }
0x55: {  	v3 =	vld.idx.msk [tilespmem:v2+s18+$0xFFFFFFF0 ss:$0x1], $0xffff;
	_ =	sdelay $0x3  }
0x56: {  	v4, _, _ =	vpop (xrf1)  }
0x57: {  	v4 =	vperm.xlane v4, v0  }
0x58: {  	v5, _, _ =	vpop (xrf1);
	(xrf1) =	vsort.ascd.msk.f32 $0xffff, v3, v3  }
0x59: {  	v3 =	vmax.f32 v5, v4  }
0x5a: {  	(xrf1) =	vsort.ascd.msk.f32 $0xffff, v3, v3;
	_ =	sdelay $0x7  }
0x5b: {  	v3 =	vld.idx.msk [tilespmem:v2+s18+$0x0 ss:$0x1], $0xffff;
	_ =	sdelay $0x3  }
0x5c: {  	v4, _, _ =	vpop (xrf1)  }
0x5d: {  	v4 =	vperm.xlane v4, v0  }
0x5e: {  	v5, _, _ =	vpop (xrf1);
	(xrf1) =	vsort.ascd.msk.f32 $0xffff, v3, v3  }
0x5f: {  	v3 =	vmax.f32 v5, v4  }
0x60: {  	(xrf1) =	vsort.ascd.msk.f32 $0xffff, v3, v3;
	_ =	sdelay $0x7  }
0x61: {  	v3 =	vld.idx.msk [tilespmem:v2+s18+$0x10 ss:$0x1], $0xffff;
	_ =	sdelay $0x3  }
0x62: {  	v4, _, _ =	vpop (xrf1)  }
0x63: {  	v4 =	vperm.xlane v4, v0  }
0x64: {  	v5, _, _ =	vpop (xrf1);
	(xrf1) =	vsort.ascd.msk.f32 $0xffff, v3, v3  }
0x65: {  	v3 =	vmax.f32 v5, v4  }
0x66: {  	(xrf1) =	vsort.ascd.msk.f32 $0xffff, v3, v3;
	_ =	sdelay $0x7  }
0x67: {  	v3 =	vld.idx.msk [tilespmem:v2+s18+$0x20 ss:$0x1], $0xffff;
	_ =	sdelay $0x3  }
0x68: {  	v4, _, _ =	vpop (xrf1)  }
0x69: {  	v4 =	vperm.xlane v4, v0  }
0x6a: {  	v5, _, _ =	vpop (xrf1);
	(xrf1) =	vsort.ascd.msk.f32 $0xffff, v3, v3  }
0x6b: {  	v3 =	vmax.f32 v5, v4  }
0x6c: {  	(xrf1) =	vsort.ascd.msk.f32 $0xffff, v3, v3;
	_ =	sdelay $0x7  }
0x6d: {  	v3 =	vld.idx.msk [tilespmem:v2+s18+$0x30 ss:$0x1], $0xffff;
	_ =	sdelay $0x3  }
0x6e: {  	v4, _, _ =	vpop (xrf1)  }
0x6f: {  	v4 =	vperm.xlane v4, v0  }
0x70: {  	v5, _, _ =	vpop (xrf1);
	(xrf1) =	vsort.ascd.msk.f32 $0xffff, v3, v3  }
0x71: {  	v3 =	vmax.f32 v5, v4  }
0x72: {  	(xrf1) =	vsort.ascd.msk.f32 $0xffff, v3, v3;
	_ =	sdelay $0x2  }
.Ltmp0:
0x73: {  	(pc) =	sbr.rel @p0 .LBB2_4-.Ltmp0, $2  }
0x74: {  	_ =	sdelay $0x2  }
0x75: {  	s18 =	sshra.s32 s19, $0x2;
	s19 =	sadd.s32 $0x1000, s19  }
0x76: {  	_ =	sdelay $0x3  }
0x77: {  	v3 =	vld.idx.msk [tilespmem:v2+s18+$0xFFFFFFC0 ss:$0x1], $0xffff;
	_ =	sdelay $0x2  }
0x78: {  	v4, _, _ =	vpop (xrf1)  }
0x79: {  	v4 =	vperm.xlane v4, v0  }
0x7a: {  	(xrf1) =	vsort.ascd.msk.f32 $0xffff, v3, v3;
	v3, _, _ =	vpop (xrf1)  }
0x7b: {  	v3 =	vmax.f32 v3, v4  }
0x7c: {  	(xrf1) =	vsort.ascd.msk.f32 $0xffff, v3, v3;
	_ =	sdelay $0x8  }
0x7d: {  	v3 =	vld.idx.msk [tilespmem:v2+s18+$0xFFFFFFD0 ss:$0x1], $0xffff;
	_ =	sdelay $0x2  }
0x7e: {  	v53, _, _ =	vpop (xrf1)  }
0x7f: {  	v4 =	vperm.xlane v53, v0  }
0x80: {  	(xrf1) =	vsort.ascd.msk.f32 $0xffff, v3, v3;
	v3, _, _ =	vpop (xrf1)  }
0x81: {  	v3 =	vmax.f32 v3, v4  }
0x82: {  	(xrf1) =	vsort.ascd.msk.f32 $0xffff, v3, v3;
	_ =	sdelay $0x8  }
0x83: {  	v3 =	vld.idx.msk [tilespmem:v2+s18+$0xFFFFFFE0 ss:$0x1], $0xffff;
	_ =	sdelay $0x2  }
0x84: {  	v54, _, _ =	vpop (xrf1)  }
0x85: {  	v4 =	vperm.xlane v54, v0  }
0x86: {  	v5, _, _ =	vpop (xrf1);
	(xrf1) =	vsort.ascd.msk.f32 $0xffff, v3, v3  }
0x87: {  	v3 =	vmax.f32 v5, v4  }
0x88: {  	(xrf1) =	vsort.ascd.msk.f32 $0xffff, v3, v3;
	_ =	sdelay $0x8  }
0x89: {  	v3 =	vld.idx.msk [tilespmem:v2+s18+$0xFFFFFFF0 ss:$0x1], $0xffff;
	_ =	sdelay $0x2  }
0x8a: {  	v55, _, _ =	vpop (xrf1)  }
0x8b: {  	v4 =	vperm.xlane v55, v0  }
0x8c: {  	(xrf1) =	vsort.ascd.msk.f32 $0xffff, v3, v3;
	v56, _, _ =	vpop (xrf1)  }
0x8d: {  	v3 =	vmax.f32 v56, v4  }
0x8e: {  	(xrf1) =	vsort.ascd.msk.f32 $0xffff, v3, v3;
	_ =	sdelay $0x8  }
0x8f: {  	v3 =	vld.idx.msk [tilespmem:v2+s18+$0x0 ss:$0x1], $0xffff;
	_ =	sdelay $0x2  }
0x90: {  	v57, _, _ =	vpop (xrf1)  }
0x91: {  	v4 =	vperm.xlane v57, v0  }
0x92: {  	(xrf1) =	vsort.ascd.msk.f32 $0xffff, v3, v3;
	v58, _, _ =	vpop (xrf1)  }
0x93: {  	v3 =	vmax.f32 v58, v4  }
0x94: {  	(xrf1) =	vsort.ascd.msk.f32 $0xffff, v3, v3;
	_ =	sdelay $0x8  }
0x95: {  	v3 =	vld.idx.msk [tilespmem:v2+s18+$0x10 ss:$0x1], $0xffff;
	_ =	sdelay $0x2  }
0x96: {  	v59, _, _ =	vpop (xrf1)  }
0x97: {  	v4 =	vperm.xlane v59, v0  }
0x98: {  	(xrf1) =	vsort.ascd.msk.f32 $0xffff, v3, v3;
	v60, _, _ =	vpop (xrf1)  }
0x99: {  	v3 =	vmax.f32 v60, v4  }
0x9a: {  	(xrf1) =	vsort.ascd.msk.f32 $0xffff, v3, v3;
	_ =	sdelay $0x8  }
0x9b: {  	v3 =	vld.idx.msk [tilespmem:v2+s18+$0x20 ss:$0x1], $0xffff;
	_ =	sdelay $0x2  }
0x9c: {  	v61, _, _ =	vpop (xrf1)  }
0x9d: {  	v4 =	vperm.xlane v61, v0  }
0x9e: {  	(xrf1) =	vsort.ascd.msk.f32 $0xffff, v3, v3;
	v62, _, _ =	vpop (xrf1)  }
0x9f: {  	v3 =	vmax.f32 v62, v4  }
0xa0: {  	(xrf1) =	vsort.ascd.msk.f32 $0xffff, v3, v3;
	_ =	sdelay $0x8  }
0xa1: {  	v2 =	vld.idx.msk [tilespmem:v2+s18+$0x30 ss:$0x1], $0xffff;
	_ =	sdelay $0x2  }
0xa2: {  	v3, _, _ =	vpop (xrf1)  }
0xa3: {  	v3 =	vperm.xlane v3, v0  }
0xa4: {  	(xrf1) =	vsort.ascd.msk.f32 $0xffff, v2, v2;
	v63, _, _ =	vpop (xrf1)  }
0xa5: {  	v2 =	vmax.f32 v63, v3  }
0xa6: {  	(xrf1) =	vsort.ascd.msk.f32 $0xffff, v2, v2;
	_ =	sdelay $0xb  }
0xa7: {  	v2, _, _ =	vpop (xrf1)  }
0xa8: {  	v2 =	vperm.xlane v2, v0  }
0xa9: {  	v3, _, _ =	vpop (xrf1)  }
0xaa: {  	v2 =	vmax.f32 v3, v2  }
0xab: {  	(xrf1) =	vsort.ascd.msk.f32 $0xffff, v2, v2;
	_ =	sdelay $0xa  }
0xac: {  	s31 =	sshll.u32 s15, $0x4;
	s15 =	sadd.s32 $0x1, s15  }
0xad: {  	p0 =	sne.s32 s15, $0x8  }
.Ltmp1:
0xae: {  	_ = 	snop;
	(pc) =	sbr.rel @p0 .LBB2_3-.Ltmp1, $4  }
0xaf: {  	v2, _, _ =	vpop (xrf1)  }
0xb0: {  	v2 =	vperm.xlane v2, v0  }
0xb1: {  	s18 =	sand.u32 $0x3FFFFFF0, s31  }
0xb2: {  	s17 =	sadd.s32 $0x80, s17;
	[tilespmem:v1+s18+$0x0 ss:$0x1] =	vst.idx.msk $0xffff, v2  }
0xb3: {  	s15 =	smin.u32 s16, $0xD  }
0xb4: {  	s15 =	sshll.u32 s15, $0xC  }
0xb5: {  	s14 =	sshll.u32 s14, $0x7;
	s31 =	sadd.s32 s15, s4;
	s15 =	simm.s32 $0x0  }
0xb6: {  	[tilespmem:s15], [sflag:$0x1] =	stream.linear.gather [hbm4b:s31+s15], $0x8000, $0x38;
	[tilespmem:$0x10800] =	vst v63  }
0xb7: {  	s14 =	sand.u32 $0x3FFFFF80, s14;
	_ =	swait.ge [sflag:s9], $0x8000  }
0xb8: {  	s14 =	sadd.s32 $0x10000, s14;
	[sflag:s9] =	ssyncset.done $0x0  }
0xb9: {  	v1 =	vmov s14;
	s14 =	simm.s32 $0x0;
	[sflag:s9] =	ssyncadd.s32 $0xFFFF8000  }
.LBB2_7:
0xba: {  	v2 =	vmov s15;
	_ =	sdelay $0x3  }
0xbb: {  	s16 =	simm.s32 $0x0  }
0xbc: {  	v3 =	vld.idx.msk [tilespmem:v2+s16+$0x8000 ss:$0x1], $0xffff;
	_ =	sdelay $0x4  }
0xbd: {  	(xrf1) =	vsort.ascd.msk.f32 $0xffff, v3, v3;
	_ =	sdelay $0xa  }
0xbe: {  	v3 =	vld.idx.msk [tilespmem:v2+s16+$0x8010 ss:$0x1], $0xffff;
	_ =	sdelay $0x2  }
0xbf: {  	v4, _, _ =	vpop (xrf1)  }
0xc0: {  	v4 =	vperm.xlane v4, v0  }
0xc1: {  	v5 =	vimm.f32 $-Inf;
	(xrf1) =	vsort.ascd.msk.f32 $0xffff, v3, v3  }
0xc2: {  	v3 =	vmax.f32 v5, v4  }
0xc3: {  	(xrf1) =	vsort.ascd.msk.f32 $0xffff, v3, v3;
	_ =	sdelay $0x8  }
0xc4: {  	v3 =	vld.idx.msk [tilespmem:v2+s16+$0x8020 ss:$0x1], $0xffff;
	_ =	sdelay $0x2  }
0xc5: {  	v52, _, _ =	vpop (xrf1)  }
0xc6: {  	v4 =	vperm.xlane v52, v0  }
0xc7: {  	(xrf1) =	vsort.ascd.msk.f32 $0xffff, v3, v3;
	v53, _, _ =	vpop (xrf1)  }
0xc8: {  	v3 =	vmax.f32 v53, v4  }
0xc9: {  	(xrf1) =	vsort.ascd.msk.f32 $0xffff, v3, v3;
	_ =	sdelay $0x8  }
0xca: {  	v3 =	vld.idx.msk [tilespmem:v2+s16+$0x8030 ss:$0x1], $0xffff;
	_ =	sdelay $0x2  }
0xcb: {  	v54, _, _ =	vpop (xrf1)  }
0xcc: {  	v4 =	vperm.xlane v54, v0  }
0xcd: {  	(xrf1) =	vsort.ascd.msk.f32 $0xffff, v3, v3;
	v55, _, _ =	vpop (xrf1)  }
0xce: {  	v3 =	vmax.f32 v55, v4  }
0xcf: {  	(xrf1) =	vsort.ascd.msk.f32 $0xffff, v3, v3;
	_ =	sdelay $0x8  }
0xd0: {  	v3 =	vld.idx.msk [tilespmem:v2+s16+$0x8040 ss:$0x1], $0xffff;
	_ =	sdelay $0x2  }
0xd1: {  	v56, _, _ =	vpop (xrf1)  }
0xd2: {  	v4 =	vperm.xlane v56, v0  }
0xd3: {  	(xrf1) =	vsort.ascd.msk.f32 $0xffff, v3, v3;
	v57, _, _ =	vpop (xrf1)  }
0xd4: {  	v3 =	vmax.f32 v57, v4  }
0xd5: {  	(xrf1) =	vsort.ascd.msk.f32 $0xffff, v3, v3;
	_ =	sdelay $0x8  }
0xd6: {  	v3 =	vld.idx.msk [tilespmem:v2+s16+$0x8050 ss:$0x1], $0xffff;
	_ =	sdelay $0x2  }
0xd7: {  	v58, _, _ =	vpop (xrf1)  }
0xd8: {  	v4 =	vperm.xlane v58, v0  }
0xd9: {  	(xrf1) =	vsort.ascd.msk.f32 $0xffff, v3, v3;
	v59, _, _ =	vpop (xrf1)  }
0xda: {  	v3 =	vmax.f32 v59, v4  }
0xdb: {  	(xrf1) =	vsort.ascd.msk.f32 $0xffff, v3, v3;
	_ =	sdelay $0x8  }
0xdc: {  	v3 =	vld.idx.msk [tilespmem:v2+s16+$0x8060 ss:$0x1], $0xffff;
	_ =	sdelay $0x2  }
0xdd: {  	v60, _, _ =	vpop (xrf1)  }
0xde: {  	v4 =	vperm.xlane v60, v0  }
0xdf: {  	(xrf1) =	vsort.ascd.msk.f32 $0xffff, v3, v3;
	v61, _, _ =	vpop (xrf1)  }
0xe0: {  	v3 =	vmax.f32 v61, v4  }
0xe1: {  	(xrf1) =	vsort.ascd.msk.f32 $0xffff, v3, v3;
	_ =	sdelay $0x8  }
0xe2: {  	v3 =	vld.idx.msk [tilespmem:v2+s16+$0x8070 ss:$0x1], $0xffff;
	_ =	sdelay $0x2  }
0xe3: {  	v62, _, _ =	vpop (xrf1)  }
0xe4: {  	v4 =	vperm.xlane v62, v0  }
0xe5: {  	v63, _, _ =	vpop (xrf1);
	(xrf1) =	vsort.ascd.msk.f32 $0xffff, v3, v3  }
0xe6: {  	v3 =	vmax.f32 v63, v4  }
0xe7: {  	(xrf1) =	vsort.ascd.msk.f32 $0xffff, v3, v3;
	_ =	sdelay $0x6  }
0xe8: {  	s17 =	simm.s32 $0x2000;
	s16 =	simm.s32 $0x400  }
.LBB2_8:
0xe9: {  	p0 =	sne.s32 s17, $0x1F000;
	v3 =	vld.idx.msk [tilespmem:v2+s16+$0x8000 ss:$0x1], $0xffff;
	_ =	sdelay $0x3  }
0xea: {  	v4, _, _ =	vpop (xrf1)  }
0xeb: {  	v4 =	vperm.xlane v4, v0  }
0xec: {  	(xrf1) =	vsort.ascd.msk.f32 $0xffff, v3, v3;
	v3, _, _ =	vpop (xrf1)  }
0xed: {  	v3 =	vmax.f32 v3, v4  }
0xee: {  	(xrf1) =	vsort.ascd.msk.f32 $0xffff, v3, v3;
	_ =	sdelay $0x7  }
0xef: {  	v3 =	vld.idx.msk [tilespmem:v2+s16+$0x8010 ss:$0x1], $0xffff;
	_ =	sdelay $0x3  }
0xf0: {  	v4, _, _ =	vpop (xrf1)  }
0xf1: {  	v4 =	vperm.xlane v4, v0  }
0xf2: {  	(xrf1) =	vsort.ascd.msk.f32 $0xffff, v3, v3;
	v3, _, _ =	vpop (xrf1)  }
0xf3: {  	v3 =	vmax.f32 v3, v4  }
0xf4: {  	(xrf1) =	vsort.ascd.msk.f32 $0xffff, v3, v3;
	_ =	sdelay $0x7  }
0xf5: {  	v3 =	vld.idx.msk [tilespmem:v2+s16+$0x8020 ss:$0x1], $0xffff;
	_ =	sdelay $0x3  }
0xf6: {  	v4, _, _ =	vpop (xrf1)  }
0xf7: {  	v4 =	vperm.xlane v4, v0  }
0xf8: {  	v5, _, _ =	vpop (xrf1);
	(xrf1) =	vsort.ascd.msk.f32 $0xffff, v3, v3  }
0xf9: {  	v3 =	vmax.f32 v5, v4  }
0xfa: {  	(xrf1) =	vsort.ascd.msk.f32 $0xffff, v3, v3;
	_ =	sdelay $0x7  }
0xfb: {  	v3 =	vld.idx.msk [tilespmem:v2+s16+$0x8030 ss:$0x1], $0xffff;
	_ =	sdelay $0x3  }
0xfc: {  	v4, _, _ =	vpop (xrf1)  }
0xfd: {  	v4 =	vperm.xlane v4, v0  }
0xfe: {  	v5, _, _ =	vpop (xrf1);
	(xrf1) =	vsort.ascd.msk.f32 $0xffff, v3, v3  }
0xff: {  	v3 =	vmax.f32 v5, v4  }
0x100: {  	(xrf1) =	vsort.ascd.msk.f32 $0xffff, v3, v3;
	_ =	sdelay $0x7  }
0x101: {  	v3 =	vld.idx.msk [tilespmem:v2+s16+$0x8040 ss:$0x1], $0xffff;
	_ =	sdelay $0x3  }
0x102: {  	v4, _, _ =	vpop (xrf1)  }
0x103: {  	v4 =	vperm.xlane v4, v0  }
0x104: {  	v5, _, _ =	vpop (xrf1);
	(xrf1) =	vsort.ascd.msk.f32 $0xffff, v3, v3  }
0x105: {  	v3 =	vmax.f32 v5, v4  }
0x106: {  	(xrf1) =	vsort.ascd.msk.f32 $0xffff, v3, v3;
	_ =	sdelay $0x7  }
0x107: {  	v3 =	vld.idx.msk [tilespmem:v2+s16+$0x8050 ss:$0x1], $0xffff;
	_ =	sdelay $0x3  }
0x108: {  	v4, _, _ =	vpop (xrf1)  }
0x109: {  	v4 =	vperm.xlane v4, v0  }
0x10a: {  	v5, _, _ =	vpop (xrf1);
	(xrf1) =	vsort.ascd.msk.f32 $0xffff, v3, v3  }
0x10b: {  	v3 =	vmax.f32 v5, v4  }
0x10c: {  	(xrf1) =	vsort.ascd.msk.f32 $0xffff, v3, v3;
	_ =	sdelay $0x7  }
0x10d: {  	v3 =	vld.idx.msk [tilespmem:v2+s16+$0x8060 ss:$0x1], $0xffff;
	_ =	sdelay $0x3  }
0x10e: {  	v4, _, _ =	vpop (xrf1)  }
0x10f: {  	v4 =	vperm.xlane v4, v0  }
0x110: {  	v5, _, _ =	vpop (xrf1);
	(xrf1) =	vsort.ascd.msk.f32 $0xffff, v3, v3  }
0x111: {  	v3 =	vmax.f32 v5, v4  }
0x112: {  	(xrf1) =	vsort.ascd.msk.f32 $0xffff, v3, v3;
	_ =	sdelay $0x7  }
0x113: {  	v3 =	vld.idx.msk [tilespmem:v2+s16+$0x8070 ss:$0x1], $0xffff;
	_ =	sdelay $0x3  }
0x114: {  	v4, _, _ =	vpop (xrf1)  }
0x115: {  	v4 =	vperm.xlane v4, v0  }
0x116: {  	v5, _, _ =	vpop (xrf1);
	(xrf1) =	vsort.ascd.msk.f32 $0xffff, v3, v3  }
0x117: {  	v3 =	vmax.f32 v5, v4  }
0x118: {  	(xrf1) =	vsort.ascd.msk.f32 $0xffff, v3, v3;
	_ =	sdelay $0x2  }
.Ltmp2:
0x119: {  	(pc) =	sbr.rel @p0 .LBB2_8-.Ltmp2, $2  }
0x11a: {  	_ =	sdelay $0x2  }
0x11b: {  	s16 =	sshra.s32 s17, $0x2;
	s17 =	sadd.s32 $0x1000, s17  }
0x11c: {  	_ =	sdelay $0x3  }
0x11d: {  	v3 =	vld.idx.msk [tilespmem:v2+s16+$0x8000 ss:$0x1], $0xffff;
	_ =	sdelay $0x2  }
0x11e: {  	v4, _, _ =	vpop (xrf1)  }
0x11f: {  	v4 =	vperm.xlane v4, v0  }
0x120: {  	(xrf1) =	vsort.ascd.msk.f32 $0xffff, v3, v3;
	v3, _, _ =	vpop (xrf1)  }
0x121: {  	v3 =	vmax.f32 v3, v4  }
0x122: {  	(xrf1) =	vsort.ascd.msk.f32 $0xffff, v3, v3;
	_ =	sdelay $0x8  }
0x123: {  	v3 =	vld.idx.msk [tilespmem:v2+s16+$0x8010 ss:$0x1], $0xffff;
	_ =	sdelay $0x2  }
0x124: {  	v53, _, _ =	vpop (xrf1)  }
0x125: {  	v4 =	vperm.xlane v53, v0  }
0x126: {  	(xrf1) =	vsort.ascd.msk.f32 $0xffff, v3, v3;
	v3, _, _ =	vpop (xrf1)  }
0x127: {  	v3 =	vmax.f32 v3, v4  }
0x128: {  	(xrf1) =	vsort.ascd.msk.f32 $0xffff, v3, v3;
	_ =	sdelay $0x8  }
0x129: {  	v3 =	vld.idx.msk [tilespmem:v2+s16+$0x8020 ss:$0x1], $0xffff;
	_ =	sdelay $0x2  }
0x12a: {  	v54, _, _ =	vpop (xrf1)  }
0x12b: {  	v4 =	vperm.xlane v54, v0  }
0x12c: {  	v5, _, _ =	vpop (xrf1);
	(xrf1) =	vsort.ascd.msk.f32 $0xffff, v3, v3  }
0x12d: {  	v3 =	vmax.f32 v5, v4  }
0x12e: {  	(xrf1) =	vsort.ascd.msk.f32 $0xffff, v3, v3;
	_ =	sdelay $0x8  }
0x12f: {  	v3 =	vld.idx.msk [tilespmem:v2+s16+$0x8030 ss:$0x1], $0xffff;
	_ =	sdelay $0x2  }
0x130: {  	v55, _, _ =	vpop (xrf1)  }
0x131: {  	v4 =	vperm.xlane v55, v0  }
0x132: {  	(xrf1) =	vsort.ascd.msk.f32 $0xffff, v3, v3;
	v56, _, _ =	vpop (xrf1)  }
0x133: {  	v3 =	vmax.f32 v56, v4  }
0x134: {  	(xrf1) =	vsort.ascd.msk.f32 $0xffff, v3, v3;
	_ =	sdelay $0x8  }
0x135: {  	v3 =	vld.idx.msk [tilespmem:v2+s16+$0x8040 ss:$0x1], $0xffff;
	_ =	sdelay $0x2  }
0x136: {  	v57, _, _ =	vpop (xrf1)  }
0x137: {  	v4 =	vperm.xlane v57, v0  }
0x138: {  	(xrf1) =	vsort.ascd.msk.f32 $0xffff, v3, v3;
	v58, _, _ =	vpop (xrf1)  }
0x139: {  	v3 =	vmax.f32 v58, v4  }
0x13a: {  	(xrf1) =	vsort.ascd.msk.f32 $0xffff, v3, v3;
	_ =	sdelay $0x8  }
0x13b: {  	v3 =	vld.idx.msk [tilespmem:v2+s16+$0x8050 ss:$0x1], $0xffff;
	_ =	sdelay $0x2  }
0x13c: {  	v59, _, _ =	vpop (xrf1)  }
0x13d: {  	v4 =	vperm.xlane v59, v0  }
0x13e: {  	(xrf1) =	vsort.ascd.msk.f32 $0xffff, v3, v3;
	v60, _, _ =	vpop (xrf1)  }
0x13f: {  	v3 =	vmax.f32 v60, v4  }
0x140: {  	(xrf1) =	vsort.ascd.msk.f32 $0xffff, v3, v3;
	_ =	sdelay $0x8  }
0x141: {  	v3 =	vld.idx.msk [tilespmem:v2+s16+$0x8060 ss:$0x1], $0xffff;
	_ =	sdelay $0x2  }
0x142: {  	v61, _, _ =	vpop (xrf1)  }
0x143: {  	v4 =	vperm.xlane v61, v0  }
0x144: {  	(xrf1) =	vsort.ascd.msk.f32 $0xffff, v3, v3;
	v62, _, _ =	vpop (xrf1)  }
0x145: {  	v3 =	vmax.f32 v62, v4  }
0x146: {  	(xrf1) =	vsort.ascd.msk.f32 $0xffff, v3, v3;
	_ =	sdelay $0x8  }
0x147: {  	v2 =	vld.idx.msk [tilespmem:v2+s16+$0x8070 ss:$0x1], $0xffff;
	_ =	sdelay $0x2  }
0x148: {  	v3, _, _ =	vpop (xrf1)  }
0x149: {  	v3 =	vperm.xlane v3, v0  }
0x14a: {  	(xrf1) =	vsort.ascd.msk.f32 $0xffff, v2, v2;
	v63, _, _ =	vpop (xrf1)  }
0x14b: {  	v2 =	vmax.f32 v63, v3  }
0x14c: {  	(xrf1) =	vsort.ascd.msk.f32 $0xffff, v2, v2;
	_ =	sdelay $0xb  }
0x14d: {  	v2, _, _ =	vpop (xrf1)  }
0x14e: {  	v2 =	vperm.xlane v2, v0  }
0x14f: {  	v3, _, _ =	vpop (xrf1)  }
0x150: {  	v2 =	vmax.f32 v3, v2  }
0x151: {  	(xrf1) =	vsort.ascd.msk.f32 $0xffff, v2, v2;
	_ =	sdelay $0xa  }
0x152: {  	s31 =	sshll.u32 s14, $0x4;
	s14 =	sadd.s32 $0x1, s14  }
0x153: {  	p0 =	sne.s32 s14, $0x8  }
.Ltmp3:
0x154: {  	_ = 	snop;
	(pc) =	sbr.rel @p0 .LBB2_7-.Ltmp3, $4  }
0x155: {  	v2, _, _ =	vpop (xrf1)  }
0x156: {  	v2 =	vperm.xlane v2, v0  }
0x157: {  	s16 =	sand.u32 $0x3FFFFFF0, s31  }
0x158: {  	s15 =	sadd.s32 $0x80, s15;
	[tilespmem:v1+s16+$0x0 ss:$0x1] =	vst.idx.msk $0xffff, v2  }
0x159: {  	s13 =	sadd.s32 $0x1, s13  }
0x15a: {  	p0 =	sne.s32 s13, $0x8  }
.Ltmp4:
0x15b: {  	_ = 	snop;
	(pc) =	sbr.rel @p0 .LBB2_2-.Ltmp4, $1  }
0x15c: {  	_ =	sdelay $0x3  }
0x15d: {  	_ =	swait.ge [sflag:s8], $0x8000;
	s12 =	sadd.s32 $0x1, s12  }
0x15e: {  	[sflag:s8] =	ssyncset.done $0x0;
	p0 =	sne.s32 s12, s6  }
.Ltmp5:
0x15f: {  	[sflag:s8] =	ssyncadd.s32 $0xFFFF8000;
	(pc) =	sbr.rel @p0 .LBB2_1-.Ltmp5, $4  }
0x160: {  	[hbm4b:s5+s2] =	stream.linear.scatter [tilespmem:s10], [sflag:$0x3], $0x800, $0x38;
	[tilespmem:$0x10800] =	vst v63  }
0x161: {  	_ =	swait.ge [sflag:s11], $0x800  }
0x162: {  	[sflag:s11] =	ssyncset.done $0x0  }
0x163: {  	[sflag:s11] =	ssyncadd.s32 $0xFFFFF800  }
0x164: {  	_ =	sfence.sel $0x180000  }
0x165: {  	[bflag:$0x0] =	sbarrier.arrive $0xFFFF  }
0x166: {  	p0 =	sne.s32 s1, $0x0;
	_ =	strace $0x90000050  }
0x167: {  	s0 =	sadd.s32 @!p0 $0x100000, s0;
	[bflag:$0x2] =	sbarrier.arrive $0xFFFF  }
0x168: {  	[sflag:s0] =	ssyncadd.tile.s32 @!p0 $0x1;
	_ =	shalt  }
.Lfunc_end2:
_tile_overlayer_lowered:
.L_overlay_start_2:
0x169: {  	(tag) =	ssettag $0x2  }
0x16a: {  	s0 =	rddreg [dreg:$0x0];
	s2 =	stileid.u32  }
0x16b: {  	s1 =	rddreg [dreg:$0x1];
	p0 =	sne.s32 s2, $0x0  }
0x16c: {  	s3 =	rddreg [dreg:$0x2];
	[bflag:$0x3] =	sbarrier.arrive $0xFFFF;
	s2 =	simm.s32 @!p0 $0x1C03  }
0x16d: {  	[timem:s3], [sflag:s2] =	dma.local @!p0 [hbm:s0], s1  }
0x16e: {  	s0 =	simm.s32 @!p0 $0x3  }
0x16f: {  	_ =	swait.ge @!p0 [sflag:s0], s1  }
0x170: {  	s1 =	ssub.s32 @!p0 $0x0, s1;
	[sflag:s0] =	ssyncset.done @!p0 $0x0  }
0x171: {  	[sflag:s0] =	ssyncadd.s32 @!p0 s1  }
0x172: {  	[bflag:$0x3] =	sbarrier.arrive $0xFFFF  }
0x173: {  	_ =	shalt  }

// kernel: _run.17.cloned.1.call-start
scs
__scs_entry_jumppad:
0x0: {  	(pc) =	sbr.rel $0x88, $3  }
0x1: {  	(tag) =	ssettag $0x0;
	lr =	simm.s32 $0x1  }
0x2: {  	[smem:$0x3F9D] =	sst lr;
	_ =	strace $0xD0000000  }
0x3: {  	_ = 	snop  }
0x4: {  	_ = 	snop  }
0x5: {  	_ = 	snop  }
0x6: {  	_ = 	snop  }
0x7: {  	_ = 	snop  }
__scs_overlays_trampoline_lowered:
0x8: {  	[smem:$0x3FAC] =	sst s0  }
0x9: {  	[smem:$0x3FAD] =	sst s1  }
0xa: {  	[smem:$0x3FAE] =	sst s2  }
0xb: {  	[smem:$0x3FAF] =	sst s3  }
0xc: {  	[smem:$0x3FB0] =	sst s4  }
0xd: {  	[smem:$0x3FB1] =	sst s5  }
0xe: {  	[smem:$0x3FB2] =	sst s6  }
0xf: {  	[smem:$0x3FB3] =	sst s7  }
0x10: {  	[smem:$0x3FB4] =	sst s8  }
0x11: {  	[smem:$0x3FB5] =	sst s9;
	s0 =	simm.s32 @!p0 $0x0  }
0x12: {  	s1 =	sld [smem:$0x3F9B];
	s0 =	simm.s32 @p0 $0x1  }
0x13: {  	[smem:$0x3FB6] =	sst s0;
	s0 =	simm.s32 @!p1 $0x0  }
0x14: {  	s2 =	sld [smem:$0x3F9A];
	s0 =	simm.s32 @p1 $0x1  }
0x15: {  	[smem:$0x3FB7] =	sst s0;
	s0 =	simm.s32 @!p2 $0x0  }
0x16: {  	s3 =	sld [smem:$0x3FDB];
	s0 =	simm.s32 @p2 $0x1  }
0x17: {  	s4 =	simm.s32 $0x1BF5;
	[smem:$0x3FB9] =	sst s0  }
0x18: {  	s0 =	sld [smem:$0x3F9C];
	_ =	swait.ge [sflag:s4], $0x0  }
0x19: {  	s7 =	sld [smem:$0x3F9D]  }
0x1a: {  	s8 =	sadd.s32 $0xFFFFE003, lr  }
0x1b: {  	s9 =	sadd.s32 $0xFFFFFEF7, lr;
	s5 =	simm.s32 $0xFFFFFFFF;
	p2 =	slt.u32 s8, $0xFFFFF086  }
0x1c: {  	p1 =	slt.u32 s9, $0xF7A;
	s5 =	simm.s32 @!p2 $0x0  }
0x1d: {  	s5 =	simm.s32 @p1 $0x1;
	p0 =	seq.s32 s7, s2  }
0x1e: {  	s7 =	smul.u32 @!p0 $0xF7A, s2;
	p2 =	seq.s32 @!p0 s5, $0x0  }
0x1f: {  	s9 =	smul.u32 $0xF7A, s1;
	s8 =	simm.s32 @!p0 $0x1BF5;
	p2 =	por !p2, p0  }
0x20: {  	[sflag:s8] =	ssyncset.s32 @!p0 $0xFFFFF086;
	s6 =	sadd.s32 @!p0 s3, s7;
	s7 =	simm.s32 @!p0 $0x108  }
0x21: {  	s3 =	sadd.s32 s3, s9;
	s6 =	sadd.s32 @!p0 $0x88, s6;
	s7 =	simm.s32 @p2 $0x1082  }
0x22: {  	[simem:s7], [sflag:s8] =	dma.local @!p0 [hbm:s6], $0xF7A  }
0x23: {  	s9 =	sor.u32 $0xD0000000, s2;
	s6 =	simm.s32 $0x108;
	_ =	swait.ge @!p0 [sflag:s8], $0x0  }
0x24: {  	s3 =	sadd.s32 $0x88, s3;
	s6 =	simm.s32 @!p1 $0x1082;
	[sflag:s4] =	ssyncset.s32 $0xFFFFF086  }
0x25: {  	[simem:s6], [sflag:s4] =	dma.local [hbm:s3], $0xF7A  }
0x26: {  	[smem:$0x3F9D] =	sst s1;
	(tag) =	ssettag s2;
	_ =	strace s9  }
0x27: {  	s1 =	sld [smem:$0x3FAD]  }
0x28: {  	s2 =	sld [smem:$0x3FAE]  }
0x29: {  	s4 =	sld [smem:$0x3FB0]  }
0x2a: {  	p0 =	seq.s32 s5, $0x0;
	s5 =	sld [smem:$0x3FB1]  }
0x2b: {  	s6 =	sld [smem:$0x3FB2]  }
0x2c: {  	s7 =	sld [smem:$0x3FB3]  }
0x2d: {  	s3 =	simm.s32 $0x108;
	s8 =	sld [smem:$0x3FB4]  }
0x2e: {  	s3 =	simm.s32 @!p0 $0x1082;
	s9 =	sld [smem:$0x3FB5]  }
0x2f: {  	lr =	sadd.s32 s0, s3;
	s0 =	sld [smem:$0x3FAC]  }
0x30: {  	s3 =	sld [smem:$0x3FAF]  }
0x31: {  	[smem:$0x3FB8] =	sst s10  }
0x32: {  	s10 =	sld [smem:$0x3FB6];
	_ =	sdelay $0x3  }
0x33: {  	p0 =	seq.s32 s10, $0x1;
	s10 =	sld [smem:$0x3FB8];
	_ =	sdelay $0x3  }
0x34: {  	[smem:$0x3FB8] =	sst s10  }
0x35: {  	s10 =	sld [smem:$0x3FB7];
	_ =	sdelay $0x3  }
0x36: {  	p1 =	seq.s32 s10, $0x1;
	s10 =	sld [smem:$0x3FB8];
	_ =	sdelay $0x3  }
0x37: {  	[smem:$0x3FB8] =	sst s10  }
0x38: {  	s10 =	sld [smem:$0x3FB9]  }
0x39: {  	_ = 	snop;
	(pc) =	sbr.ind lr, $3  }
0x3a: {  	_ = 	snop  }
0x3b: {  	_ = 	snop  }
0x3c: {  	p2 =	seq.s32 s10, $0x1;
	s10 =	sld [smem:$0x3FB8]  }
0x3d: {  	_ =	shalt  }
0x3e: {  	_ =	shalt  }
0x3f: {  	_ =	shalt  }
0x40: {  	_ =	shalt  }
0x41: {  	_ =	shalt  }
0x42: {  	_ =	shalt  }
0x43: {  	_ =	shalt  }
0x44: {  	_ =	shalt  }
0x45: {  	_ =	shalt  }
0x46: {  	_ =	shalt  }
0x47: {  	_ =	shalt  }
0x48: {  	_ =	shalt  }
0x49: {  	_ =	shalt  }
0x4a: {  	_ =	shalt  }
0x4b: {  	_ =	shalt  }
0x4c: {  	_ =	shalt  }
0x4d: {  	_ =	shalt  }
0x4e: {  	_ =	shalt  }
0x4f: {  	_ =	shalt  }
0x50: {  	_ =	shalt  }
0x51: {  	_ =	shalt  }
0x52: {  	_ =	shalt  }
0x53: {  	_ =	shalt  }
0x54: {  	_ =	shalt  }
0x55: {  	_ =	shalt  }
0x56: {  	_ =	shalt  }
0x57: {  	_ =	shalt  }
0x58: {  	_ =	shalt  }
0x59: {  	_ =	shalt  }
0x5a: {  	_ =	shalt  }
0x5b: {  	_ =	shalt  }
0x5c: {  	_ =	shalt  }
0x5d: {  	_ =	shalt  }
0x5e: {  	_ =	shalt  }
0x5f: {  	_ =	shalt  }
0x60: {  	_ =	shalt  }
0x61: {  	_ =	shalt  }
0x62: {  	_ =	shalt  }
0x63: {  	_ =	shalt  }
0x64: {  	_ =	shalt  }
0x65: {  	_ =	shalt  }
0x66: {  	_ =	shalt  }
0x67: {  	_ =	shalt  }
0x68: {  	_ =	shalt  }
0x69: {  	_ =	shalt  }
0x6a: {  	_ =	shalt  }
0x6b: {  	_ =	shalt  }
0x6c: {  	_ =	shalt  }
0x6d: {  	_ =	shalt  }
0x6e: {  	_ =	shalt  }
0x6f: {  	_ =	shalt  }
0x70: {  	_ =	shalt  }
0x71: {  	_ =	shalt  }
0x72: {  	_ =	shalt  }
0x73: {  	_ =	shalt  }
0x74: {  	_ =	shalt  }
0x75: {  	_ =	shalt  }
0x76: {  	_ =	shalt  }
0x77: {  	_ =	shalt  }
0x78: {  	_ =	shalt  }
0x79: {  	_ =	shalt  }
0x7a: {  	_ =	shalt  }
0x7b: {  	_ =	shalt  }
0x7c: {  	_ =	shalt  }
0x7d: {  	_ =	shalt  }
0x7e: {  	_ =	shalt  }
0x7f: {  	_ =	shalt  }
0x80: {  	_ =	shalt  }
0x81: {  	_ =	shalt  }
0x82: {  	_ =	shalt  }
0x83: {  	_ =	shalt  }
0x84: {  	_ =	shalt  }
0x85: {  	_ =	shalt  }
0x86: {  	_ =	shalt  }
0x87: {  	_ =	shalt  }
.Lfunc_end0:
.L_simem_size_0:
called_computation.2_lowered:
.L_overlay_start_0:
0x88: {  	s2 =	sld [smem:$0x3FD9]  }
0x89: {  	s3 =	sld [smem:$0x3FFE];
	_ =	sdelay $0x1  }
0x8a: {  	s1 =	srdreg.scid  }
0x8b: {  	s0 =	sand.u32 $0x1, s1  }
0x8c: {  	s17 =	sshll.u32 s0, $0xA;
	s2 =	sadd.s32 s3, s2  }
0x8d: {  	s2 =	sadd.s32 s2, s17  }
0x8e: {  	[smem:$0x3FC4] =	sst s2  }
0x8f: {  	_ = 	snop  }
0x90: {  	(tm) =	ssettm $0x1  }
0x91: {  	s18 =	sld [smem:$0x3FFB];
	_ =	sdelay $0x3  }
0x92: {  	_ =	strace s18  }
0x93: {  	s2 =	sld [smem:$0x3FFC];
	_ =	sdelay $0x3  }
0x94: {  	_ =	strace s2  }
0x95: {  	s2 =	sld [smem:$0x3FFD];
	_ =	sdelay $0x3  }
0x96: {  	_ =	strace s2  }
0x97: {  	_ =	strace $0x8FFFFFFF  }
0x98: {  	s19 =	sld [smem:$0x3FDB];
	_ =	sdelay $0x1  }
0x99: {  	s20 =	simm.s32 $_scs_section_size  }
0x9a: {  	s4 =	simm.s32 $_size__tile_overlayer_lowered;
	s5 =	simm.s32 $_tile_overlayer_lowered  }
0x9b: {  	s6 =	simm.s32 $0x1BFF;
	s21 =	sshll.u32 s5, $0x1;
	s3 =	sadd.s32 s20, s19  }
0x9c: {  	s22 =	simm.s32 $0x0;
	s4 =	sshll.u32 s4, $0x1;
	s5 =	sadd.s32 s21, s3  }
0x9d: {  	[timem:s22], [sflag:s6] =	dma.local [hbm:s5], s4  }
0x9e: {  	_ =	swait.ge [sflag:s6], s4  }
0x9f: {  	s4 =	ssub.s32 $0x0, s4;
	[sflag:s6] =	ssyncset.done $0x0  }
0xa0: {  	[sflag:s6] =	ssyncadd.s32 s4;
	_ =	sdelay $0x1  }
0xa1: {  	s23 =	simm.s32 $0x1B8B  }
0xa2: {  	_ =	swait.ge [sflag:s23], $0x1  }
0xa3: {  	[sflag:s23] =	ssyncset.done $0x0  }
0xa4: {  	[sflag:s23] =	ssyncadd.s32 $0xFFFFFFFF  }
0xa5: {  	s4 =	sld [smem:$0x0]  }
0xa6: {  	s5 =	sand.u32 $0xFFFFFFFE, s1  }
0xa7: {  	p0 =	sne.s32 s1, s5  }
0xa8: {  	s5 =	sshll.u32 @p0 s5, $0xE  }
0xa9: {  	s5 =	sadd.s32 @p0 $0x11B8D, s5;
	s6 =	sshll.u32 @p0 s4, $0x11  }
0xaa: {  	s5 =	sor.u32 @p0 s6, s5  }
0xab: {  	[sflag:s5] =	ssyncadd.remote.s32 @p0 $0x1;
	_ =	sdelay $0x1  }
0xac: {  	s5 =	simm.s32 @p0 $0x1B8D  }
0xad: {  	_ =	swait.eq @p0 [sflag:s5], $0x1  }
0xae: {  	[sflag:s5] =	ssyncadd.s32 @p0 $0xFFFFFFFF  }
0xaf: {  	s6 =	sshll.u32 @!p0 s1, $0xE  }
0xb0: {  	s6 =	sor.u32 @!p0 $0x4000, s6;
	s5 =	simm.s32 @!p0 $0x1B8D  }
0xb1: {  	s4 =	sshll.u32 @!p0 s4, $0x11;
	s6 =	sadd.s32 @!p0 $0x11B8D, s6;
	_ =	swait.eq @!p0 [sflag:s5], $0x1  }
0xb2: {  	s4 =	sor.u32 @!p0 s4, s6;
	[sflag:s5] =	ssyncadd.s32 @!p0 $0xFFFFFFFF  }
0xb3: {  	s25 =	simm.s32 $0x1B8E;
	s24 =	sld [smem:$0x3FFE];
	[sflag:s4] =	ssyncadd.remote.s32 @!p0 $0x1  }
0xb4: {  	s26 =	simm.s32 $execute0_lowered;
	[smem:$0x3FD2] =	sst s25  }
0xb5: {  	s5 =	sshll.u32 s26, $0x1;
	_ =	strace $0x8000004C;
	[dreg:$0x1] =	wrdreg $0xFFFFFFFF  }
0xb6: {  	s28 =	simm.s32 $_size_execute0_lowered;
	s3 =	sadd.s32 s3, s5;
	[dreg:$0x0] =	wrdreg $0x0  }
0xb7: {  	s5 =	sshll.u32 s28, $0x1;
	[dreg:$0x2] =	wrdreg s3  }
0xb8: {  	[dreg:$0x3] =	wrdreg s5  }
0xb9: {  	[dreg:$0x4] =	wrdreg $0xC0  }
0xba: {  	_ =	task [dreg:s22], $0x5FFFF  }
0xbb: {  	[dreg:$0x1] =	wrdreg $0xFFFFFFFF  }
0xbc: {  	[dreg:$0x0] =	wrdreg $0x60  }
0xbd: {  	[dreg:$0x2] =	wrdreg s24  }
0xbe: {  	[dreg:$0x3] =	wrdreg $0xB  }
0xbf: {  	_ =	task.clear_ibuf [dreg:s22], $0x4FFFF;
	_ =	strace $0x9000004C  }
0xc0: {  	s29 =	simm.s32 $0xB;
	_ =	strace $0x8000004E  }
0xc1: {  	_ =	swait.ge [sflag:s29], $0x1  }
0xc2: {  	[sflag:s29] =	ssyncadd.s32 $0xFFFFFFFF  }
0xc3: {  	_ =	strace $0x9000004E  }
0xc4: {  	_ =	sfence  }
0xc5: {  	s30 =	sld [smem:$0x0];
	_ =	sdelay $0x2  }
0xc6: {  	s31 =	sshll.u32 s1, $0xD;
	s1 =	sshrl.u32 s1, $0x2  }
0xc7: {  	s4 =	sand.u32 $0x4000, s31;
	s1 =	sadd.s32 s1, s30  }
0xc8: {  	s0 =	sor.u32 s4, s0;
	s1 =	sshll.u32 s1, $0x11  }
0xc9: {  	s0 =	sor.u32 s1, s0  }
0xca: {  	s0 =	sadd.s32 $0x8F2B, s0  }
0xcb: {  	[sflag:s0] =	ssyncadd.remote.s32 $0x1  }
0xcc: {  	_ =	sfence.sel $0xFFFF  }
0xcd: {  	[dreg:$0x0] =	wrdreg $0xFFFFFFFF;
	(pc) =	sbr.abs _section_cstart, $3  }
0xce: {  	[dreg:$0x1] =	wrdreg $0xFFFFFFFF  }
0xcf: {  	_ =	task.clear_ibuf [dreg:s22], $0x2FFFF;
	_ =	strace $0x9FFFFFFF  }
0xd0: {  	(tm) =	ssettm $0x7FFFFFFF  }
0xd1: {  	_ =	shalt  }
tec
execute0_lowered:
.L_overlay_start_1:
0x0: {  	(tag) =	ssettag $0x1  }
0x1: {  	s3 =	rddreg [dreg:$0x0]  }
0x2: {  	s0 =	rddreg [dreg:$0x1];
	s4 =	srdreg.scid  }
0x3: {  	s1 =	stileid.u32;
	s2 =	simm.s32 $0x0;
	s8 =	simm.s32 $0x1  }
0x4: {  	s9 =	simm.s32 $0x2;
	s10 =	simm.s32 $0x10000;
	s11 =	simm.s32 $0x3  }
0x5: {  	s4 =	sand.u32 $0x1, s4;
	s5 =	sshll.u32 s1, $0x1;
	[smem:$0x7FF] =	sst s2  }
0x6: {  	s12 =	simm.s32 $0x0;
	s5 =	sor.u32 s4, s5;
	_ =	strace $0x8000004D  }
0x7: {  	v0 =	vlaneseq.u32;
	s4 =	ssub.s32 $0x2, s4;
	s6 =	sshll.u32 s5, $0x10;
	s5 =	sshll.u32 s5, $0x8  }
0x8: {  	v0 =	vmul.u32 $0xFFFFFFFF, v0;
	s7 =	sshrl.u32 s4, $0x1;
	s6 =	sadd.s32 s6, s3;
	s5 =	sadd.s32 s5, s3  }
0x9: {  	s7 =	ssub.s32 s4, s7;
	s3 =	sadd.s32 $0x4C4E00, s6;
	s4 =	sadd.s32 $0x4C6E00, s6  }
0xa: {  	v0 =	vadd.s32 $0xF, v0;
	s5 =	sadd.s32 $0x4E00, s5;
	s6 =	smax.u32 s7, $0x1;
	s7 =	simm.s32 $0x8000  }
.LBB2_1:
0xb: {  	[tilespmem:s2], [sflag:$0x1] =	stream.linear.gather [hbm4b:s3+s2], $0x8000, $0x38;
	[tilespmem:$0x10800] =	vst v63  }
0xc: {  	s13 =	simm.s32 $0x0  }
.LBB2_2:
0xd: {  	s14 =	sshllo.u32 s13, $0x1  }
0xe: {  	s15 =	sshll.u32 s14, $0xC  }
0xf: {  	s31 =	sshll.u32 s13, $0x8;
	s16 =	sadd.s32 s15, s3;
	s15 =	simm.s32 $0x0  }
0x10: {  	[tilespmem:s7], [sflag:$0x2] =	stream.linear.gather [hbm4b:s16+s15], $0x8000, $0x38;
	[tilespmem:$0x10800] =	vst v63  }
0x11: {  	s16 =	sand.u32 $0x3FFFFF00, s31;
	_ =	swait.ge [sflag:s8], $0x8000  }
0x12: {  	s18 =	sadd.s32 $0x10000, s16;
	[sflag:s8] =	ssyncset.done $0x0  }
0x13: {  	s17 =	simm.s32 $0x40;
	s16 =	sshll.u32 s13, $0x1;
	v1 =	vmov s18;
	[sflag:s8] =	ssyncadd.s32 $0xFFFF8000  }
.LBB2_3:
0x14: {  	v2 =	vmov s17;
	_ =	sdelay $0x3  }
0x15: {  	s18 =	simm.s32 $0x0  }
0x16: {  	v3 =	vld.idx.msk [tilespmem:v2+s18+$0xFFFFFFC0 ss:$0x1], $0xffff;
	_ =	sdelay $0x4  }
0x17: {  	(xrf1) =	vsort.ascd.msk.f32 $0xffff, v3, v3;
	_ =	sdelay $0xa  }
0x18: {  	v3 =	vld.idx.msk [tilespmem:v2+s18+$0xFFFFFFD0 ss:$0x1], $0xffff;
	_ =	sdelay $0x2  }
0x19: {  	v4, _, _ =	vpop (xrf1)  }
0x1a: {  	v4 =	vperm.xlane v4, v0  }
0x1b: {  	v5 =	vimm.f32 $-Inf;
	(xrf1) =	vsort.ascd.msk.f32 $0xffff, v3, v3  }
0x1c: {  	v3 =	vmax.f32 v5, v4  }
0x1d: {  	(xrf1) =	vsort.ascd.msk.f32 $0xffff, v3, v3;
	_ =	sdelay $0x8  }
0x1e: {  	v3 =	vld.idx.msk [tilespmem:v2+s18+$0xFFFFFFE0 ss:$0x1], $0xffff;
	_ =	sdelay $0x2  }
0x1f: {  	v52, _, _ =	vpop (xrf1)  }
0x20: {  	v4 =	vperm.xlane v52, v0  }
0x21: {  	(xrf1) =	vsort.ascd.msk.f32 $0xffff, v3, v3;
	v53, _, _ =	vpop (xrf1)  }
0x22: {  	v3 =	vmax.f32 v53, v4  }
0x23: {  	(xrf1) =	vsort.ascd.msk.f32 $0xffff, v3, v3;
	_ =	sdelay $0x8  }
0x24: {  	v3 =	vld.idx.msk [tilespmem:v2+s18+$0xFFFFFFF0 ss:$0x1], $0xffff;
	_ =	sdelay $0x2  }
0x25: {  	v54, _, _ =	vpop (xrf1)  }
0x26: {  	v4 =	vperm.xlane v54, v0  }
0x27: {  	(xrf1) =	vsort.ascd.msk.f32 $0xffff, v3, v3;
	v55, _, _ =	vpop (xrf1)  }
0x28: {  	v3 =	vmax.f32 v55, v4  }
0x29: {  	(xrf1) =	vsort.ascd.msk.f32 $0xffff, v3, v3;
	_ =	sdelay $0x8  }
0x2a: {  	v3 =	vld.idx.msk [tilespmem:v2+s18+$0x0 ss:$0x1], $0xffff;
	_ =	sdelay $0x2  }
0x2b: {  	v56, _, _ =	vpop (xrf1)  }
0x2c: {  	v4 =	vperm.xlane v56, v0  }
0x2d: {  	(xrf1) =	vsort.ascd.msk.f32 $0xffff, v3, v3;
	v57, _, _ =	vpop (xrf1)  }
0x2e: {  	v3 =	vmax.f32 v57, v4  }
0x2f: {  	(xrf1) =	vsort.ascd.msk.f32 $0xffff, v3, v3;
	_ =	sdelay $0x8  }
0x30: {  	v3 =	vld.idx.msk [tilespmem:v2+s18+$0x10 ss:$0x1], $0xffff;
	_ =	sdelay $0x2  }
0x31: {  	v58, _, _ =	vpop (xrf1)  }
0x32: {  	v4 =	vperm.xlane v58, v0  }
0x33: {  	(xrf1) =	vsort.ascd.msk.f32 $0xffff, v3, v3;
	v59, _, _ =	vpop (xrf1)  }
0x34: {  	v3 =	vmax.f32 v59, v4  }
0x35: {  	(xrf1) =	vsort.ascd.msk.f32 $0xffff, v3, v3;
	_ =	sdelay $0x8  }
0x36: {  	v3 =	vld.idx.msk [tilespmem:v2+s18+$0x20 ss:$0x1], $0xffff;
	_ =	sdelay $0x2  }
0x37: {  	v60, _, _ =	vpop (xrf1)  }
0x38: {  	v4 =	vperm.xlane v60, v0  }
0x39: {  	(xrf1) =	vsort.ascd.msk.f32 $0xffff, v3, v3;
	v61, _, _ =	vpop (xrf1)  }
0x3a: {  	v3 =	vmax.f32 v61, v4  }
0x3b: {  	(xrf1) =	vsort.ascd.msk.f32 $0xffff, v3, v3;
	_ =	sdelay $0x8  }
0x3c: {  	v3 =	vld.idx.msk [tilespmem:v2+s18+$0x30 ss:$0x1], $0xffff;
	_ =	sdelay $0x2  }
0x3d: {  	v62, _, _ =	vpop (xrf1)  }
0x3e: {  	v4 =	vperm.xlane v62, v0  }
0x3f: {  	v63, _, _ =	vpop (xrf1);
	(xrf1) =	vsort.ascd.msk.f32 $0xffff, v3, v3  }
0x40: {  	v3 =	vmax.f32 v63, v4  }
0x41: {  	(xrf1) =	vsort.ascd.msk.f32 $0xffff, v3, v3;
	_ =	sdelay $0x6  }
0x42: {  	s19 =	simm.s32 $0x2000;
	s18 =	simm.s32 $0x400  }
.LBB2_4:
0x43: {  	p0 =	sne.s32 s19, $0x1F000;
	v3 =	vld.idx.msk [tilespmem:v2+s18+$0xFFFFFFC0 ss:$0x1], $0xffff;
	_ =	sdelay $0x3  }
0x44: {  	v4, _, _ =	vpop (xrf1)  }
0x45: {  	v4 =	vperm.xlane v4, v0  }
0x46: {  	(xrf1) =	vsort.ascd.msk.f32 $0xffff, v3, v3;
	v3, _, _ =	vpop (xrf1)  }
0x47: {  	v3 =	vmax.f32 v3, v4  }
0x48: {  	(xrf1) =	vsort.ascd.msk.f32 $0xffff, v3, v3;
	_ =	sdelay $0x7  }
0x49: {  	v3 =	vld.idx.msk [tilespmem:v2+s18+$0xFFFFFFD0 ss:$0x1], $0xffff;
	_ =	sdelay $0x3  }
0x4a: {  	v4, _, _ =	vpop (xrf1)  }
0x4b: {  	v4 =	vperm.xlane v4, v0  }
0x4c: {  	(xrf1) =	vsort.ascd.msk.f32 $0xffff, v3, v3;
	v3, _, _ =	vpop (xrf1)  }
0x4d: {  	v3 =	vmax.f32 v3, v4  }
0x4e: {  	(xrf1) =	vsort.ascd.msk.f32 $0xffff, v3, v3;
	_ =	sdelay $0x7  }
0x4f: {  	v3 =	vld.idx.msk [tilespmem:v2+s18+$0xFFFFFFE0 ss:$0x1], $0xffff;
	_ =	sdelay $0x3  }
0x50: {  	v4, _, _ =	vpop (xrf1)  }
0x51: {  	v4 =	vperm.xlane v4, v0  }
0x52: {  	v5, _, _ =	vpop (xrf1);
	(xrf1) =	vsort.ascd.msk.f32 $0xffff, v3, v3  }
0x53: {  	v3 =	vmax.f32 v5, v4  }
0x54: {  	(xrf1) =	vsort.ascd.msk.f32 $0xffff, v3, v3;
	_ =	sdelay $0x7  }
0x55: {  	v3 =	vld.idx.msk [tilespmem:v2+s18+$0xFFFFFFF0 ss:$0x1], $0xffff;
	_ =	sdelay $0x3  }
0x56: {  	v4, _, _ =	vpop (xrf1)  }
0x57: {  	v4 =	vperm.xlane v4, v0  }
0x58: {  	v5, _, _ =	vpop (xrf1);
	(xrf1) =	vsort.ascd.msk.f32 $0xffff, v3, v3  }
0x59: {  	v3 =	vmax.f32 v5, v4  }
0x5a: {  	(xrf1) =	vsort.ascd.msk.f32 $0xffff, v3, v3;
	_ =	sdelay $0x7  }
0x5b: {  	v3 =	vld.idx.msk [tilespmem:v2+s18+$0x0 ss:$0x1], $0xffff;
	_ =	sdelay $0x3  }
0x5c: {  	v4, _, _ =	vpop (xrf1)  }
0x5d: {  	v4 =	vperm.xlane v4, v0  }
0x5e: {  	v5, _, _ =	vpop (xrf1);
	(xrf1) =	vsort.ascd.msk.f32 $0xffff, v3, v3  }
0x5f: {  	v3 =	vmax.f32 v5, v4  }
0x60: {  	(xrf1) =	vsort.ascd.msk.f32 $0xffff, v3, v3;
	_ =	sdelay $0x7  }
0x61: {  	v3 =	vld.idx.msk [tilespmem:v2+s18+$0x10 ss:$0x1], $0xffff;
	_ =	sdelay $0x3  }
0x62: {  	v4, _, _ =	vpop (xrf1)  }
0x63: {  	v4 =	vperm.xlane v4, v0  }
0x64: {  	v5, _, _ =	vpop (xrf1);
	(xrf1) =	vsort.ascd.msk.f32 $0xffff, v3, v3  }
0x65: {  	v3 =	vmax.f32 v5, v4  }
0x66: {  	(xrf1) =	vsort.ascd.msk.f32 $0xffff, v3, v3;
	_ =	sdelay $0x7  }
0x67: {  	v3 =	vld.idx.msk [tilespmem:v2+s18+$0x20 ss:$0x1], $0xffff;
	_ =	sdelay $0x3  }
0x68: {  	v4, _, _ =	vpop (xrf1)  }
0x69: {  	v4 =	vperm.xlane v4, v0  }
0x6a: {  	v5, _, _ =	vpop (xrf1);
	(xrf1) =	vsort.ascd.msk.f32 $0xffff, v3, v3  }
0x6b: {  	v3 =	vmax.f32 v5, v4  }
0x6c: {  	(xrf1) =	vsort.ascd.msk.f32 $0xffff, v3, v3;
	_ =	sdelay $0x7  }
0x6d: {  	v3 =	vld.idx.msk [tilespmem:v2+s18+$0x30 ss:$0x1], $0xffff;
	_ =	sdelay $0x3  }
0x6e: {  	v4, _, _ =	vpop (xrf1)  }
0x6f: {  	v4 =	vperm.xlane v4, v0  }
0x70: {  	v5, _, _ =	vpop (xrf1);
	(xrf1) =	vsort.ascd.msk.f32 $0xffff, v3, v3  }
0x71: {  	v3 =	vmax.f32 v5, v4  }
0x72: {  	(xrf1) =	vsort.ascd.msk.f32 $0xffff, v3, v3;
	_ =	sdelay $0x2  }
.Ltmp0:
0x73: {  	(pc) =	sbr.rel @p0 .LBB2_4-.Ltmp0, $2  }
0x74: {  	_ =	sdelay $0x2  }
0x75: {  	s18 =	sshra.s32 s19, $0x2;
	s19 =	sadd.s32 $0x1000, s19  }
0x76: {  	_ =	sdelay $0x3  }
0x77: {  	v3 =	vld.idx.msk [tilespmem:v2+s18+$0xFFFFFFC0 ss:$0x1], $0xffff;
	_ =	sdelay $0x2  }
0x78: {  	v4, _, _ =	vpop (xrf1)  }
0x79: {  	v4 =	vperm.xlane v4, v0  }
0x7a: {  	(xrf1) =	vsort.ascd.msk.f32 $0xffff, v3, v3;
	v3, _, _ =	vpop (xrf1)  }
0x7b: {  	v3 =	vmax.f32 v3, v4  }
0x7c: {  	(xrf1) =	vsort.ascd.msk.f32 $0xffff, v3, v3;
	_ =	sdelay $0x8  }
0x7d: {  	v3 =	vld.idx.msk [tilespmem:v2+s18+$0xFFFFFFD0 ss:$0x1], $0xffff;
	_ =	sdelay $0x2  }
0x7e: {  	v53, _, _ =	vpop (xrf1)  }
0x7f: {  	v4 =	vperm.xlane v53, v0  }
0x80: {  	(xrf1) =	vsort.ascd.msk.f32 $0xffff, v3, v3;
	v3, _, _ =	vpop (xrf1)  }
0x81: {  	v3 =	vmax.f32 v3, v4  }
0x82: {  	(xrf1) =	vsort.ascd.msk.f32 $0xffff, v3, v3;
	_ =	sdelay $0x8  }
0x83: {  	v3 =	vld.idx.msk [tilespmem:v2+s18+$0xFFFFFFE0 ss:$0x1], $0xffff;
	_ =	sdelay $0x2  }
0x84: {  	v54, _, _ =	vpop (xrf1)  }
0x85: {  	v4 =	vperm.xlane v54, v0  }
0x86: {  	v5, _, _ =	vpop (xrf1);
	(xrf1) =	vsort.ascd.msk.f32 $0xffff, v3, v3  }
0x87: {  	v3 =	vmax.f32 v5, v4  }
0x88: {  	(xrf1) =	vsort.ascd.msk.f32 $0xffff, v3, v3;
	_ =	sdelay $0x8  }
0x89: {  	v3 =	vld.idx.msk [tilespmem:v2+s18+$0xFFFFFFF0 ss:$0x1], $0xffff;
	_ =	sdelay $0x2  }
0x8a: {  	v55, _, _ =	vpop (xrf1)  }
0x8b: {  	v4 =	vperm.xlane v55, v0  }
0x8c: {  	(xrf1) =	vsort.ascd.msk.f32 $0xffff, v3, v3;
	v56, _, _ =	vpop (xrf1)  }
0x8d: {  	v3 =	vmax.f32 v56, v4  }
0x8e: {  	(xrf1) =	vsort.ascd.msk.f32 $0xffff, v3, v3;
	_ =	sdelay $0x8  }
0x8f: {  	v3 =	vld.idx.msk [tilespmem:v2+s18+$0x0 ss:$0x1], $0xffff;
	_ =	sdelay $0x2  }
0x90: {  	v57, _, _ =	vpop (xrf1)  }
0x91: {  	v4 =	vperm.xlane v57, v0  }
0x92: {  	(xrf1) =	vsort.ascd.msk.f32 $0xffff, v3, v3;
	v58, _, _ =	vpop (xrf1)  }
0x93: {  	v3 =	vmax.f32 v58, v4  }
0x94: {  	(xrf1) =	vsort.ascd.msk.f32 $0xffff, v3, v3;
	_ =	sdelay $0x8  }
0x95: {  	v3 =	vld.idx.msk [tilespmem:v2+s18+$0x10 ss:$0x1], $0xffff;
	_ =	sdelay $0x2  }
0x96: {  	v59, _, _ =	vpop (xrf1)  }
0x97: {  	v4 =	vperm.xlane v59, v0  }
0x98: {  	(xrf1) =	vsort.ascd.msk.f32 $0xffff, v3, v3;
	v60, _, _ =	vpop (xrf1)  }
0x99: {  	v3 =	vmax.f32 v60, v4  }
0x9a: {  	(xrf1) =	vsort.ascd.msk.f32 $0xffff, v3, v3;
	_ =	sdelay $0x8  }
0x9b: {  	v3 =	vld.idx.msk [tilespmem:v2+s18+$0x20 ss:$0x1], $0xffff;
	_ =	sdelay $0x2  }
0x9c: {  	v61, _, _ =	vpop (xrf1)  }
0x9d: {  	v4 =	vperm.xlane v61, v0  }
0x9e: {  	(xrf1) =	vsort.ascd.msk.f32 $0xffff, v3, v3;
	v62, _, _ =	vpop (xrf1)  }
0x9f: {  	v3 =	vmax.f32 v62, v4  }
0xa0: {  	(xrf1) =	vsort.ascd.msk.f32 $0xffff, v3, v3;
	_ =	sdelay $0x8  }
0xa1: {  	v2 =	vld.idx.msk [tilespmem:v2+s18+$0x30 ss:$0x1], $0xffff;
	_ =	sdelay $0x2  }
0xa2: {  	v3, _, _ =	vpop (xrf1)  }
0xa3: {  	v3 =	vperm.xlane v3, v0  }
0xa4: {  	(xrf1) =	vsort.ascd.msk.f32 $0xffff, v2, v2;
	v63, _, _ =	vpop (xrf1)  }
0xa5: {  	v2 =	vmax.f32 v63, v3  }
0xa6: {  	(xrf1) =	vsort.ascd.msk.f32 $0xffff, v2, v2;
	_ =	sdelay $0xb  }
0xa7: {  	v2, _, _ =	vpop (xrf1)  }
0xa8: {  	v2 =	vperm.xlane v2, v0  }
0xa9: {  	v3, _, _ =	vpop (xrf1)  }
0xaa: {  	v2 =	vmax.f32 v3, v2  }
0xab: {  	(xrf1) =	vsort.ascd.msk.f32 $0xffff, v2, v2;
	_ =	sdelay $0xa  }
0xac: {  	s31 =	sshll.u32 s15, $0x4;
	s15 =	sadd.s32 $0x1, s15  }
0xad: {  	p0 =	sne.s32 s15, $0x8  }
.Ltmp1:
0xae: {  	_ = 	snop;
	(pc) =	sbr.rel @p0 .LBB2_3-.Ltmp1, $4  }
0xaf: {  	v2, _, _ =	vpop (xrf1)  }
0xb0: {  	v2 =	vperm.xlane v2, v0  }
0xb1: {  	s18 =	sand.u32 $0x3FFFFFF0, s31  }
0xb2: {  	s17 =	sadd.s32 $0x80, s17;
	[tilespmem:v1+s18+$0x0 ss:$0x1] =	vst.idx.msk $0xffff, v2  }
0xb3: {  	s15 =	smin.u32 s16, $0xD  }
0xb4: {  	s15 =	sshll.u32 s15, $0xC  }
0xb5: {  	s14 =	sshll.u32 s14, $0x7;
	s31 =	sadd.s32 s15, s4;
	s15 =	simm.s32 $0x0  }
0xb6: {  	[tilespmem:s15], [sflag:$0x1] =	stream.linear.gather [hbm4b:s31+s15], $0x8000, $0x38;
	[tilespmem:$0x10800] =	vst v63  }
0xb7: {  	s14 =	sand.u32 $0x3FFFFF80, s14;
	_ =	swait.ge [sflag:s9], $0x8000  }
0xb8: {  	s14 =	sadd.s32 $0x10000, s14;
	[sflag:s9] =	ssyncset.done $0x0  }
0xb9: {  	v1 =	vmov s14;
	s14 =	simm.s32 $0x0;
	[sflag:s9] =	ssyncadd.s32 $0xFFFF8000  }
.LBB2_7:
0xba: {  	v2 =	vmov s15;
	_ =	sdelay $0x3  }
0xbb: {  	s16 =	simm.s32 $0x0  }
0xbc: {  	v3 =	vld.idx.msk [tilespmem:v2+s16+$0x8000 ss:$0x1], $0xffff;
	_ =	sdelay $0x4  }
0xbd: {  	(xrf1) =	vsort.ascd.msk.f32 $0xffff, v3, v3;
	_ =	sdelay $0xa  }
0xbe: {  	v3 =	vld.idx.msk [tilespmem:v2+s16+$0x8010 ss:$0x1], $0xffff;
	_ =	sdelay $0x2  }
0xbf: {  	v4, _, _ =	vpop (xrf1)  }
0xc0: {  	v4 =	vperm.xlane v4, v0  }
0xc1: {  	v5 =	vimm.f32 $-Inf;
	(xrf1) =	vsort.ascd.msk.f32 $0xffff, v3, v3  }
0xc2: {  	v3 =	vmax.f32 v5, v4  }
0xc3: {  	(xrf1) =	vsort.ascd.msk.f32 $0xffff, v3, v3;
	_ =	sdelay $0x8  }
0xc4: {  	v3 =	vld.idx.msk [tilespmem:v2+s16+$0x8020 ss:$0x1], $0xffff;
	_ =	sdelay $0x2  }
0xc5: {  	v52, _, _ =	vpop (xrf1)  }
0xc6: {  	v4 =	vperm.xlane v52, v0  }
0xc7: {  	(xrf1) =	vsort.ascd.msk.f32 $0xffff, v3, v3;
	v53, _, _ =	vpop (xrf1)  }
0xc8: {  	v3 =	vmax.f32 v53, v4  }
0xc9: {  	(xrf1) =	vsort.ascd.msk.f32 $0xffff, v3, v3;
	_ =	sdelay $0x8  }
0xca: {  	v3 =	vld.idx.msk [tilespmem:v2+s16+$0x8030 ss:$0x1], $0xffff;
	_ =	sdelay $0x2  }
0xcb: {  	v54, _, _ =	vpop (xrf1)  }
0xcc: {  	v4 =	vperm.xlane v54, v0  }
0xcd: {  	(xrf1) =	vsort.ascd.msk.f32 $0xffff, v3, v3;
	v55, _, _ =	vpop (xrf1)  }
0xce: {  	v3 =	vmax.f32 v55, v4  }
0xcf: {  	(xrf1) =	vsort.ascd.msk.f32 $0xffff, v3, v3;
	_ =	sdelay $0x8  }
0xd0: {  	v3 =	vld.idx.msk [tilespmem:v2+s16+$0x8040 ss:$0x1], $0xffff;
	_ =	sdelay $0x2  }
0xd1: {  	v56, _, _ =	vpop (xrf1)  }
0xd2: {  	v4 =	vperm.xlane v56, v0  }
0xd3: {  	(xrf1) =	vsort.ascd.msk.f32 $0xffff, v3, v3;
	v57, _, _ =	vpop (xrf1)  }
0xd4: {  	v3 =	vmax.f32 v57, v4  }
0xd5: {  	(xrf1) =	vsort.ascd.msk.f32 $0xffff, v3, v3;
	_ =	sdelay $0x8  }
0xd6: {  	v3 =	vld.idx.msk [tilespmem:v2+s16+$0x8050 ss:$0x1], $0xffff;
	_ =	sdelay $0x2  }
0xd7: {  	v58, _, _ =	vpop (xrf1)  }
0xd8: {  	v4 =	vperm.xlane v58, v0  }
0xd9: {  	(xrf1) =	vsort.ascd.msk.f32 $0xffff, v3, v3;
	v59, _, _ =	vpop (xrf1)  }
0xda: {  	v3 =	vmax.f32 v59, v4  }
0xdb: {  	(xrf1) =	vsort.ascd.msk.f32 $0xffff, v3, v3;
	_ =	sdelay $0x8  }
0xdc: {  	v3 =	vld.idx.msk [tilespmem:v2+s16+$0x8060 ss:$0x1], $0xffff;
	_ =	sdelay $0x2  }
0xdd: {  	v60, _, _ =	vpop (xrf1)  }
0xde: {  	v4 =	vperm.xlane v60, v0  }
0xdf: {  	(xrf1) =	vsort.ascd.msk.f32 $0xffff, v3, v3;
	v61, _, _ =	vpop (xrf1)  }
0xe0: {  	v3 =	vmax.f32 v61, v4  }
0xe1: {  	(xrf1) =	vsort.ascd.msk.f32 $0xffff, v3, v3;
	_ =	sdelay $0x8  }
0xe2: {  	v3 =	vld.idx.msk [tilespmem:v2+s16+$0x8070 ss:$0x1], $0xffff;
	_ =	sdelay $0x2  }
0xe3: {  	v62, _, _ =	vpop (xrf1)  }
0xe4: {  	v4 =	vperm.xlane v62, v0  }
0xe5: {  	v63, _, _ =	vpop (xrf1);
	(xrf1) =	vsort.ascd.msk.f32 $0xffff, v3, v3  }
0xe6: {  	v3 =	vmax.f32 v63, v4  }
0xe7: {  	(xrf1) =	vsort.ascd.msk.f32 $0xffff, v3, v3;
	_ =	sdelay $0x6  }
0xe8: {  	s17 =	simm.s32 $0x2000;
	s16 =	simm.s32 $0x400  }
.LBB2_8:
0xe9: {  	p0 =	sne.s32 s17, $0x1F000;
	v3 =	vld.idx.msk [tilespmem:v2+s16+$0x8000 ss:$0x1], $0xffff;
	_ =	sdelay $0x3  }
0xea: {  	v4, _, _ =	vpop (xrf1)  }
0xeb: {  	v4 =	vperm.xlane v4, v0  }
0xec: {  	(xrf1) =	vsort.ascd.msk.f32 $0xffff, v3, v3;
	v3, _, _ =	vpop (xrf1)  }
0xed: {  	v3 =	vmax.f32 v3, v4  }
0xee: {  	(xrf1) =	vsort.ascd.msk.f32 $0xffff, v3, v3;
	_ =	sdelay $0x7  }
0xef: {  	v3 =	vld.idx.msk [tilespmem:v2+s16+$0x8010 ss:$0x1], $0xffff;
	_ =	sdelay $0x3  }
0xf0: {  	v4, _, _ =	vpop (xrf1)  }
0xf1: {  	v4 =	vperm.xlane v4, v0  }
0xf2: {  	(xrf1) =	vsort.ascd.msk.f32 $0xffff, v3, v3;
	v3, _, _ =	vpop (xrf1)  }
0xf3: {  	v3 =	vmax.f32 v3, v4  }
0xf4: {  	(xrf1) =	vsort.ascd.msk.f32 $0xffff, v3, v3;
	_ =	sdelay $0x7  }
0xf5: {  	v3 =	vld.idx.msk [tilespmem:v2+s16+$0x8020 ss:$0x1], $0xffff;
	_ =	sdelay $0x3  }
0xf6: {  	v4, _, _ =	vpop (xrf1)  }
0xf7: {  	v4 =	vperm.xlane v4, v0  }
0xf8: {  	v5, _, _ =	vpop (xrf1);
	(xrf1) =	vsort.ascd.msk.f32 $0xffff, v3, v3  }
0xf9: {  	v3 =	vmax.f32 v5, v4  }
0xfa: {  	(xrf1) =	vsort.ascd.msk.f32 $0xffff, v3, v3;
	_ =	sdelay $0x7  }
0xfb: {  	v3 =	vld.idx.msk [tilespmem:v2+s16+$0x8030 ss:$0x1], $0xffff;
	_ =	sdelay $0x3  }
0xfc: {  	v4, _, _ =	vpop (xrf1)  }
0xfd: {  	v4 =	vperm.xlane v4, v0  }
0xfe: {  	v5, _, _ =	vpop (xrf1);
	(xrf1) =	vsort.ascd.msk.f32 $0xffff, v3, v3  }
0xff: {  	v3 =	vmax.f32 v5, v4  }
0x100: {  	(xrf1) =	vsort.ascd.msk.f32 $0xffff, v3, v3;
	_ =	sdelay $0x7  }
0x101: {  	v3 =	vld.idx.msk [tilespmem:v2+s16+$0x8040 ss:$0x1], $0xffff;
	_ =	sdelay $0x3  }
0x102: {  	v4, _, _ =	vpop (xrf1)  }
0x103: {  	v4 =	vperm.xlane v4, v0  }
0x104: {  	v5, _, _ =	vpop (xrf1);
	(xrf1) =	vsort.ascd.msk.f32 $0xffff, v3, v3  }
0x105: {  	v3 =	vmax.f32 v5, v4  }
0x106: {  	(xrf1) =	vsort.ascd.msk.f32 $0xffff, v3, v3;
	_ =	sdelay $0x7  }
0x107: {  	v3 =	vld.idx.msk [tilespmem:v2+s16+$0x8050 ss:$0x1], $0xffff;
	_ =	sdelay $0x3  }
0x108: {  	v4, _, _ =	vpop (xrf1)  }
0x109: {  	v4 =	vperm.xlane v4, v0  }
0x10a: {  	v5, _, _ =	vpop (xrf1);
	(xrf1) =	vsort.ascd.msk.f32 $0xffff, v3, v3  }
0x10b: {  	v3 =	vmax.f32 v5, v4  }
0x10c: {  	(xrf1) =	vsort.ascd.msk.f32 $0xffff, v3, v3;
	_ =	sdelay $0x7  }
0x10d: {  	v3 =	vld.idx.msk [tilespmem:v2+s16+$0x8060 ss:$0x1], $0xffff;
	_ =	sdelay $0x3  }
0x10e: {  	v4, _, _ =	vpop (xrf1)  }
0x10f: {  	v4 =	vperm.xlane v4, v0  }
0x110: {  	v5, _, _ =	vpop (xrf1);
	(xrf1) =	vsort.ascd.msk.f32 $0xffff, v3, v3  }
0x111: {  	v3 =	vmax.f32 v5, v4  }
0x112: {  	(xrf1) =	vsort.ascd.msk.f32 $0xffff, v3, v3;
	_ =	sdelay $0x7  }
0x113: {  	v3 =	vld.idx.msk [tilespmem:v2+s16+$0x8070 ss:$0x1], $0xffff;
	_ =	sdelay $0x3  }
0x114: {  	v4, _, _ =	vpop (xrf1)  }
0x115: {  	v4 =	vperm.xlane v4, v0  }
0x116: {  	v5, _, _ =	vpop (xrf1);
	(xrf1) =	vsort.ascd.msk.f32 $0xffff, v3, v3  }
0x117: {  	v3 =	vmax.f32 v5, v4  }
0x118: {  	(xrf1) =	vsort.ascd.msk.f32 $0xffff, v3, v3;
	_ =	sdelay $0x2  }
.Ltmp2:
0x119: {  	(pc) =	sbr.rel @p0 .LBB2_8-.Ltmp2, $2  }
0x11a: {  	_ =	sdelay $0x2  }
0x11b: {  	s16 =	sshra.s32 s17, $0x2;
	s17 =	sadd.s32 $0x1000, s17  }
0x11c: {  	_ =	sdelay $0x3  }
0x11d: {  	v3 =	vld.idx.msk [tilespmem:v2+s16+$0x8000 ss:$0x1], $0xffff;
	_ =	sdelay $0x2  }
0x11e: {  	v4, _, _ =	vpop (xrf1)  }
0x11f: {  	v4 =	vperm.xlane v4, v0  }
0x120: {  	(xrf1) =	vsort.ascd.msk.f32 $0xffff, v3, v3;
	v3, _, _ =	vpop (xrf1)  }
0x121: {  	v3 =	vmax.f32 v3, v4  }
0x122: {  	(xrf1) =	vsort.ascd.msk.f32 $0xffff, v3, v3;
	_ =	sdelay $0x8  }
0x123: {  	v3 =	vld.idx.msk [tilespmem:v2+s16+$0x8010 ss:$0x1], $0xffff;
	_ =	sdelay $0x2  }
0x124: {  	v53, _, _ =	vpop (xrf1)  }
0x125: {  	v4 =	vperm.xlane v53, v0  }
0x126: {  	(xrf1) =	vsort.ascd.msk.f32 $0xffff, v3, v3;
	v3, _, _ =	vpop (xrf1)  }
0x127: {  	v3 =	vmax.f32 v3, v4  }
0x128: {  	(xrf1) =	vsort.ascd.msk.f32 $0xffff, v3, v3;
	_ =	sdelay $0x8  }
0x129: {  	v3 =	vld.idx.msk [tilespmem:v2+s16+$0x8020 ss:$0x1], $0xffff;
	_ =	sdelay $0x2  }
0x12a: {  	v54, _, _ =	vpop (xrf1)  }
0x12b: {  	v4 =	vperm.xlane v54, v0  }
0x12c: {  	v5, _, _ =	vpop (xrf1);
	(xrf1) =	vsort.ascd.msk.f32 $0xffff, v3, v3  }
0x12d: {  	v3 =	vmax.f32 v5, v4  }
0x12e: {  	(xrf1) =	vsort.ascd.msk.f32 $0xffff, v3, v3;
	_ =	sdelay $0x8  }
0x12f: {  	v3 =	vld.idx.msk [tilespmem:v2+s16+$0x8030 ss:$0x1], $0xffff;
	_ =	sdelay $0x2  }
0x130: {  	v55, _, _ =	vpop (xrf1)  }
0x131: {  	v4 =	vperm.xlane v55, v0  }
0x132: {  	(xrf1) =	vsort.ascd.msk.f32 $0xffff, v3, v3;
	v56, _, _ =	vpop (xrf1)  }
0x133: {  	v3 =	vmax.f32 v56, v4  }
0x134: {  	(xrf1) =	vsort.ascd.msk.f32 $0xffff, v3, v3;
	_ =	sdelay $0x8  }
0x135: {  	v3 =	vld.idx.msk [tilespmem:v2+s16+$0x8040 ss:$0x1], $0xffff;
	_ =	sdelay $0x2  }
0x136: {  	v57, _, _ =	vpop (xrf1)  }
0x137: {  	v4 =	vperm.xlane v57, v0  }
0x138: {  	(xrf1) =	vsort.ascd.msk.f32 $0xffff, v3, v3;
	v58, _, _ =	vpop (xrf1)  }
0x139: {  	v3 =	vmax.f32 v58, v4  }
0x13a: {  	(xrf1) =	vsort.ascd.msk.f32 $0xffff, v3, v3;
	_ =	sdelay $0x8  }
0x13b: {  	v3 =	vld.idx.msk [tilespmem:v2+s16+$0x8050 ss:$0x1], $0xffff;
	_ =	sdelay $0x2  }
0x13c: {  	v59, _, _ =	vpop (xrf1)  }
0x13d: {  	v4 =	vperm.xlane v59, v0  }
0x13e: {  	(xrf1) =	vsort.ascd.msk.f32 $0xffff, v3, v3;
	v60, _, _ =	vpop (xrf1)  }
0x13f: {  	v3 =	vmax.f32 v60, v4  }
0x140: {  	(xrf1) =	vsort.ascd.msk.f32 $0xffff, v3, v3;
	_ =	sdelay $0x8  }
0x141: {  	v3 =	vld.idx.msk [tilespmem:v2+s16+$0x8060 ss:$0x1], $0xffff;
	_ =	sdelay $0x2  }
0x142: {  	v61, _, _ =	vpop (xrf1)  }
0x143: {  	v4 =	vperm.xlane v61, v0  }
0x144: {  	(xrf1) =	vsort.ascd.msk.f32 $0xffff, v3, v3;
	v62, _, _ =	vpop (xrf1)  }
0x145: {  	v3 =	vmax.f32 v62, v4  }
0x146: {  	(xrf1) =	vsort.ascd.msk.f32 $0xffff, v3, v3;
	_ =	sdelay $0x8  }
0x147: {  	v2 =	vld.idx.msk [tilespmem:v2+s16+$0x8070 ss:$0x1], $0xffff;
	_ =	sdelay $0x2  }
0x148: {  	v3, _, _ =	vpop (xrf1)  }
0x149: {  	v3 =	vperm.xlane v3, v0  }
0x14a: {  	(xrf1) =	vsort.ascd.msk.f32 $0xffff, v2, v2;
	v63, _, _ =	vpop (xrf1)  }
0x14b: {  	v2 =	vmax.f32 v63, v3  }
0x14c: {  	(xrf1) =	vsort.ascd.msk.f32 $0xffff, v2, v2;
	_ =	sdelay $0xb  }
0x14d: {  	v2, _, _ =	vpop (xrf1)  }
0x14e: {  	v2 =	vperm.xlane v2, v0  }
0x14f: {  	v3, _, _ =	vpop (xrf1)  }
0x150: {  	v2 =	vmax.f32 v3, v2  }
0x151: {  	(xrf1) =	vsort.ascd.msk.f32 $0xffff, v2, v2;
	_ =	sdelay $0xa  }
0x152: {  	s31 =	sshll.u32 s14, $0x4;
	s14 =	sadd.s32 $0x1, s14  }
0x153: {  	p0 =	sne.s32 s14, $0x8  }
.Ltmp3:
0x154: {  	_ = 	snop;
	(pc) =	sbr.rel @p0 .LBB2_7-.Ltmp3, $4  }
0x155: {  	v2, _, _ =	vpop (xrf1)  }
0x156: {  	v2 =	vperm.xlane v2, v0  }
0x157: {  	s16 =	sand.u32 $0x3FFFFFF0, s31  }
0x158: {  	s15 =	sadd.s32 $0x80, s15;
	[tilespmem:v1+s16+$0x0 ss:$0x1] =	vst.idx.msk $0xffff, v2  }
0x159: {  	s13 =	sadd.s32 $0x1, s13  }
0x15a: {  	p0 =	sne.s32 s13, $0x8  }
.Ltmp4:
0x15b: {  	_ = 	snop;
	(pc) =	sbr.rel @p0 .LBB2_2-.Ltmp4, $1  }
0x15c: {  	_ =	sdelay $0x3  }
0x15d: {  	_ =	swait.ge [sflag:s8], $0x8000;
	s12 =	sadd.s32 $0x1, s12  }
0x15e: {  	[sflag:s8] =	ssyncset.done $0x0;
	p0 =	sne.s32 s12, s6  }
.Ltmp5:
0x15f: {  	[sflag:s8] =	ssyncadd.s32 $0xFFFF8000;
	(pc) =	sbr.rel @p0 .LBB2_1-.Ltmp5, $4  }
0x160: {  	[hbm4b:s5+s2] =	stream.linear.scatter [tilespmem:s10], [sflag:$0x3], $0x800, $0x38;
	[tilespmem:$0x10800] =	vst v63  }
0x161: {  	_ =	swait.ge [sflag:s11], $0x800  }
0x162: {  	[sflag:s11] =	ssyncset.done $0x0  }
0x163: {  	[sflag:s11] =	ssyncadd.s32 $0xFFFFF800  }
0x164: {  	_ =	sfence.sel $0x180000  }
0x165: {  	[bflag:$0x0] =	sbarrier.arrive $0xFFFF  }
0x166: {  	p0 =	sne.s32 s1, $0x0;
	_ =	strace $0x9000004D  }
0x167: {  	s0 =	sadd.s32 @!p0 $0x100000, s0;
	[bflag:$0x2] =	sbarrier.arrive $0xFFFF  }
0x168: {  	[sflag:s0] =	ssyncadd.tile.s32 @!p0 $0x1;
	_ =	shalt  }
.Lfunc_end2:
_tile_overlayer_lowered:
.L_overlay_start_2:
0x169: {  	(tag) =	ssettag $0x2  }
0x16a: {  	s0 =	rddreg [dreg:$0x0];
	s2 =	stileid.u32  }
0x16b: {  	s1 =	rddreg [dreg:$0x1];
	p0 =	sne.s32 s2, $0x0  }
0x16c: {  	s3 =	rddreg [dreg:$0x2];
	[bflag:$0x3] =	sbarrier.arrive $0xFFFF;
	s2 =	simm.s32 @!p0 $0x1C03  }
0x16d: {  	[timem:s3], [sflag:s2] =	dma.local @!p0 [hbm:s0], s1  }
0x16e: {  	s0 =	simm.s32 @!p0 $0x3  }
0x16f: {  	_ =	swait.ge @!p0 [sflag:s0], s1  }
0x170: {  	s1 =	ssub.s32 @!p0 $0x0, s1;
	[sflag:s0] =	ssyncset.done @!p0 $0x0  }
0x171: {  	[sflag:s0] =	ssyncadd.s32 @!p0 s1  }
0x172: {  	[bflag:$0x3] =	sbarrier.arrive $0xFFFF  }
0x173: {  	_ =	shalt  }

// kernel: _run.20.cloned.1.call-start
scs
__scs_entry_jumppad:
0x0: {  	(pc) =	sbr.rel $0x88, $3  }
0x1: {  	(tag) =	ssettag $0x0;
	lr =	simm.s32 $0x1  }
0x2: {  	[smem:$0x3F9D] =	sst lr;
	_ =	strace $0xD0000000  }
0x3: {  	_ = 	snop  }
0x4: {  	_ = 	snop  }
0x5: {  	_ = 	snop  }
0x6: {  	_ = 	snop  }
0x7: {  	_ = 	snop  }
__scs_overlays_trampoline_lowered:
0x8: {  	[smem:$0x3FAC] =	sst s0  }
0x9: {  	[smem:$0x3FAD] =	sst s1  }
0xa: {  	[smem:$0x3FAE] =	sst s2  }
0xb: {  	[smem:$0x3FAF] =	sst s3  }
0xc: {  	[smem:$0x3FB0] =	sst s4  }
0xd: {  	[smem:$0x3FB1] =	sst s5  }
0xe: {  	[smem:$0x3FB2] =	sst s6  }
0xf: {  	[smem:$0x3FB3] =	sst s7  }
0x10: {  	[smem:$0x3FB4] =	sst s8  }
0x11: {  	[smem:$0x3FB5] =	sst s9;
	s0 =	simm.s32 @!p0 $0x0  }
0x12: {  	s1 =	sld [smem:$0x3F9B];
	s0 =	simm.s32 @p0 $0x1  }
0x13: {  	[smem:$0x3FB6] =	sst s0;
	s0 =	simm.s32 @!p1 $0x0  }
0x14: {  	s2 =	sld [smem:$0x3F9A];
	s0 =	simm.s32 @p1 $0x1  }
0x15: {  	[smem:$0x3FB7] =	sst s0;
	s0 =	simm.s32 @!p2 $0x0  }
0x16: {  	s3 =	sld [smem:$0x3FDB];
	s0 =	simm.s32 @p2 $0x1  }
0x17: {  	s4 =	simm.s32 $0x1BF5;
	[smem:$0x3FB9] =	sst s0  }
0x18: {  	s0 =	sld [smem:$0x3F9C];
	_ =	swait.ge [sflag:s4], $0x0  }
0x19: {  	s7 =	sld [smem:$0x3F9D]  }
0x1a: {  	s8 =	sadd.s32 $0xFFFFE003, lr  }
0x1b: {  	s9 =	sadd.s32 $0xFFFFFEF7, lr;
	s5 =	simm.s32 $0xFFFFFFFF;
	p2 =	slt.u32 s8, $0xFFFFF086  }
0x1c: {  	p1 =	slt.u32 s9, $0xF7A;
	s5 =	simm.s32 @!p2 $0x0  }
0x1d: {  	s5 =	simm.s32 @p1 $0x1;
	p0 =	seq.s32 s7, s2  }
0x1e: {  	s7 =	smul.u32 @!p0 $0xF7A, s2;
	p2 =	seq.s32 @!p0 s5, $0x0  }
0x1f: {  	s9 =	smul.u32 $0xF7A, s1;
	s8 =	simm.s32 @!p0 $0x1BF5;
	p2 =	por !p2, p0  }
0x20: {  	[sflag:s8] =	ssyncset.s32 @!p0 $0xFFFFF086;
	s6 =	sadd.s32 @!p0 s3, s7;
	s7 =	simm.s32 @!p0 $0x108  }
0x21: {  	s3 =	sadd.s32 s3, s9;
	s6 =	sadd.s32 @!p0 $0x88, s6;
	s7 =	simm.s32 @p2 $0x1082  }
0x22: {  	[simem:s7], [sflag:s8] =	dma.local @!p0 [hbm:s6], $0xF7A  }
0x23: {  	s9 =	sor.u32 $0xD0000000, s2;
	s6 =	simm.s32 $0x108;
	_ =	swait.ge @!p0 [sflag:s8], $0x0  }
0x24: {  	s3 =	sadd.s32 $0x88, s3;
	s6 =	simm.s32 @!p1 $0x1082;
	[sflag:s4] =	ssyncset.s32 $0xFFFFF086  }
0x25: {  	[simem:s6], [sflag:s4] =	dma.local [hbm:s3], $0xF7A  }
0x26: {  	[smem:$0x3F9D] =	sst s1;
	(tag) =	ssettag s2;
	_ =	strace s9  }
0x27: {  	s1 =	sld [smem:$0x3FAD]  }
0x28: {  	s2 =	sld [smem:$0x3FAE]  }
0x29: {  	s4 =	sld [smem:$0x3FB0]  }
0x2a: {  	p0 =	seq.s32 s5, $0x0;
	s5 =	sld [smem:$0x3FB1]  }
0x2b: {  	s6 =	sld [smem:$0x3FB2]  }
0x2c: {  	s7 =	sld [smem:$0x3FB3]  }
0x2d: {  	s3 =	simm.s32 $0x108;
	s8 =	sld [smem:$0x3FB4]  }
0x2e: {  	s3 =	simm.s32 @!p0 $0x1082;
	s9 =	sld [smem:$0x3FB5]  }
0x2f: {  	lr =	sadd.s32 s0, s3;
	s0 =	sld [smem:$0x3FAC]  }
0x30: {  	s3 =	sld [smem:$0x3FAF]  }
0x31: {  	[smem:$0x3FB8] =	sst s10  }
0x32: {  	s10 =	sld [smem:$0x3FB6];
	_ =	sdelay $0x3  }
0x33: {  	p0 =	seq.s32 s10, $0x1;
	s10 =	sld [smem:$0x3FB8];
	_ =	sdelay $0x3  }
0x34: {  	[smem:$0x3FB8] =	sst s10  }
0x35: {  	s10 =	sld [smem:$0x3FB7];
	_ =	sdelay $0x3  }
0x36: {  	p1 =	seq.s32 s10, $0x1;
	s10 =	sld [smem:$0x3FB8];
	_ =	sdelay $0x3  }
0x37: {  	[smem:$0x3FB8] =	sst s10  }
0x38: {  	s10 =	sld [smem:$0x3FB9]  }
0x39: {  	_ = 	snop;
	(pc) =	sbr.ind lr, $3  }
0x3a: {  	_ = 	snop  }
0x3b: {  	_ = 	snop  }
0x3c: {  	p2 =	seq.s32 s10, $0x1;
	s10 =	sld [smem:$0x3FB8]  }
0x3d: {  	_ =	shalt  }
0x3e: {  	_ =	shalt  }
0x3f: {  	_ =	shalt  }
0x40: {  	_ =	shalt  }
0x41: {  	_ =	shalt  }
0x42: {  	_ =	shalt  }
0x43: {  	_ =	shalt  }
0x44: {  	_ =	shalt  }
0x45: {  	_ =	shalt  }
0x46: {  	_ =	shalt  }
0x47: {  	_ =	shalt  }
0x48: {  	_ =	shalt  }
0x49: {  	_ =	shalt  }
0x4a: {  	_ =	shalt  }
0x4b: {  	_ =	shalt  }
0x4c: {  	_ =	shalt  }
0x4d: {  	_ =	shalt  }
0x4e: {  	_ =	shalt  }
0x4f: {  	_ =	shalt  }
0x50: {  	_ =	shalt  }
0x51: {  	_ =	shalt  }
0x52: {  	_ =	shalt  }
0x53: {  	_ =	shalt  }
0x54: {  	_ =	shalt  }
0x55: {  	_ =	shalt  }
0x56: {  	_ =	shalt  }
0x57: {  	_ =	shalt  }
0x58: {  	_ =	shalt  }
0x59: {  	_ =	shalt  }
0x5a: {  	_ =	shalt  }
0x5b: {  	_ =	shalt  }
0x5c: {  	_ =	shalt  }
0x5d: {  	_ =	shalt  }
0x5e: {  	_ =	shalt  }
0x5f: {  	_ =	shalt  }
0x60: {  	_ =	shalt  }
0x61: {  	_ =	shalt  }
0x62: {  	_ =	shalt  }
0x63: {  	_ =	shalt  }
0x64: {  	_ =	shalt  }
0x65: {  	_ =	shalt  }
0x66: {  	_ =	shalt  }
0x67: {  	_ =	shalt  }
0x68: {  	_ =	shalt  }
0x69: {  	_ =	shalt  }
0x6a: {  	_ =	shalt  }
0x6b: {  	_ =	shalt  }
0x6c: {  	_ =	shalt  }
0x6d: {  	_ =	shalt  }
0x6e: {  	_ =	shalt  }
0x6f: {  	_ =	shalt  }
0x70: {  	_ =	shalt  }
0x71: {  	_ =	shalt  }
0x72: {  	_ =	shalt  }
0x73: {  	_ =	shalt  }
0x74: {  	_ =	shalt  }
0x75: {  	_ =	shalt  }
0x76: {  	_ =	shalt  }
0x77: {  	_ =	shalt  }
0x78: {  	_ =	shalt  }
0x79: {  	_ =	shalt  }
0x7a: {  	_ =	shalt  }
0x7b: {  	_ =	shalt  }
0x7c: {  	_ =	shalt  }
0x7d: {  	_ =	shalt  }
0x7e: {  	_ =	shalt  }
0x7f: {  	_ =	shalt  }
0x80: {  	_ =	shalt  }
0x81: {  	_ =	shalt  }
0x82: {  	_ =	shalt  }
0x83: {  	_ =	shalt  }
0x84: {  	_ =	shalt  }
0x85: {  	_ =	shalt  }
0x86: {  	_ =	shalt  }
0x87: {  	_ =	shalt  }
.Lfunc_end0:
.L_simem_size_0:
called_computation.3_lowered:
.L_overlay_start_0:
0x88: {  	s2 =	sld [smem:$0x3FD9]  }
0x89: {  	s3 =	sld [smem:$0x3FFE];
	_ =	sdelay $0x1  }
0x8a: {  	s1 =	srdreg.scid  }
0x8b: {  	s0 =	sand.u32 $0x1, s1  }
0x8c: {  	s17 =	sshll.u32 s0, $0xA;
	s2 =	sadd.s32 s3, s2  }
0x8d: {  	s2 =	sadd.s32 s2, s17  }
0x8e: {  	[smem:$0x3FC4] =	sst s2  }
0x8f: {  	_ = 	snop  }
0x90: {  	(tm) =	ssettm $0x1  }
0x91: {  	s18 =	sld [smem:$0x3FFB];
	_ =	sdelay $0x3  }
0x92: {  	_ =	strace s18  }
0x93: {  	s2 =	sld [smem:$0x3FFC];
	_ =	sdelay $0x3  }
0x94: {  	_ =	strace s2  }
0x95: {  	s2 =	sld [smem:$0x3FFD];
	_ =	sdelay $0x3  }
0x96: {  	_ =	strace s2  }
0x97: {  	_ =	strace $0x8FFFFFFF  }
0x98: {  	s19 =	sld [smem:$0x3FDB];
	_ =	sdelay $0x1  }
0x99: {  	s20 =	simm.s32 $_scs_section_size  }
0x9a: {  	s4 =	simm.s32 $_size__tile_overlayer_lowered;
	s5 =	simm.s32 $_tile_overlayer_lowered  }
0x9b: {  	s6 =	simm.s32 $0x1BFF;
	s21 =	sshll.u32 s5, $0x1;
	s3 =	sadd.s32 s20, s19  }
0x9c: {  	s22 =	simm.s32 $0x0;
	s4 =	sshll.u32 s4, $0x1;
	s5 =	sadd.s32 s21, s3  }
0x9d: {  	[timem:s22], [sflag:s6] =	dma.local [hbm:s5], s4  }
0x9e: {  	_ =	swait.ge [sflag:s6], s4  }
0x9f: {  	s4 =	ssub.s32 $0x0, s4;
	[sflag:s6] =	ssyncset.done $0x0  }
0xa0: {  	[sflag:s6] =	ssyncadd.s32 s4;
	_ =	sdelay $0x1  }
0xa1: {  	s23 =	simm.s32 $0x1B8B  }
0xa2: {  	_ =	swait.ge [sflag:s23], $0x1  }
0xa3: {  	[sflag:s23] =	ssyncset.done $0x0  }
0xa4: {  	[sflag:s23] =	ssyncadd.s32 $0xFFFFFFFF  }
0xa5: {  	s4 =	sld [smem:$0x0]  }
0xa6: {  	s5 =	sand.u32 $0xFFFFFFFE, s1  }
0xa7: {  	p0 =	sne.s32 s1, s5  }
0xa8: {  	s5 =	sshll.u32 @p0 s5, $0xE  }
0xa9: {  	s5 =	sadd.s32 @p0 $0x11B8D, s5;
	s6 =	sshll.u32 @p0 s4, $0x11  }
0xaa: {  	s5 =	sor.u32 @p0 s6, s5  }
0xab: {  	[sflag:s5] =	ssyncadd.remote.s32 @p0 $0x1;
	_ =	sdelay $0x1  }
0xac: {  	s5 =	simm.s32 @p0 $0x1B8D  }
0xad: {  	_ =	swait.eq @p0 [sflag:s5], $0x1  }
0xae: {  	[sflag:s5] =	ssyncadd.s32 @p0 $0xFFFFFFFF  }
0xaf: {  	s6 =	sshll.u32 @!p0 s1, $0xE  }
0xb0: {  	s6 =	sor.u32 @!p0 $0x4000, s6;
	s5 =	simm.s32 @!p0 $0x1B8D  }
0xb1: {  	s4 =	sshll.u32 @!p0 s4, $0x11;
	s6 =	sadd.s32 @!p0 $0x11B8D, s6;
	_ =	swait.eq @!p0 [sflag:s5], $0x1  }
0xb2: {  	s4 =	sor.u32 @!p0 s4, s6;
	[sflag:s5] =	ssyncadd.s32 @!p0 $0xFFFFFFFF  }
0xb3: {  	s25 =	simm.s32 $0x1B8E;
	s24 =	sld [smem:$0x3FFE];
	[sflag:s4] =	ssyncadd.remote.s32 @!p0 $0x1  }
0xb4: {  	s26 =	simm.s32 $execute0_lowered;
	[smem:$0x3FD2] =	sst s25  }
0xb5: {  	s5 =	sshll.u32 s26, $0x1;
	_ =	strace $0x80000049;
	[dreg:$0x1] =	wrdreg $0xFFFFFFFF  }
0xb6: {  	s28 =	simm.s32 $_size_execute0_lowered;
	s3 =	sadd.s32 s3, s5;
	[dreg:$0x0] =	wrdreg $0x0  }
0xb7: {  	s5 =	sshll.u32 s28, $0x1;
	[dreg:$0x2] =	wrdreg s3  }
0xb8: {  	[dreg:$0x3] =	wrdreg s5  }
0xb9: {  	[dreg:$0x4] =	wrdreg $0xC0  }
0xba: {  	_ =	task [dreg:s22], $0x5FFFF  }
0xbb: {  	[dreg:$0x1] =	wrdreg $0xFFFFFFFF  }
0xbc: {  	[dreg:$0x0] =	wrdreg $0x60  }
0xbd: {  	[dreg:$0x2] =	wrdreg s24  }
0xbe: {  	[dreg:$0x3] =	wrdreg $0xC  }
0xbf: {  	_ =	task.clear_ibuf [dreg:s22], $0x4FFFF;
	_ =	strace $0x90000049  }
0xc0: {  	s29 =	simm.s32 $0xC;
	_ =	strace $0x8000004B  }
0xc1: {  	_ =	swait.ge [sflag:s29], $0x1  }
0xc2: {  	[sflag:s29] =	ssyncadd.s32 $0xFFFFFFFF  }
0xc3: {  	_ =	strace $0x9000004B  }
0xc4: {  	_ =	sfence  }
0xc5: {  	s30 =	sld [smem:$0x0];
	_ =	sdelay $0x2  }
0xc6: {  	s31 =	sshll.u32 s1, $0xD;
	s1 =	sshrl.u32 s1, $0x2  }
0xc7: {  	s4 =	sand.u32 $0x4000, s31;
	s1 =	sadd.s32 s1, s30  }
0xc8: {  	s0 =	sor.u32 s4, s0;
	s1 =	sshll.u32 s1, $0x11  }
0xc9: {  	s0 =	sor.u32 s1, s0  }
0xca: {  	s0 =	sadd.s32 $0x8F2B, s0  }
0xcb: {  	[sflag:s0] =	ssyncadd.remote.s32 $0x1  }
0xcc: {  	_ =	sfence.sel $0xFFFF  }
0xcd: {  	[dreg:$0x0] =	wrdreg $0xFFFFFFFF;
	(pc) =	sbr.abs _section_cstart, $3  }
0xce: {  	[dreg:$0x1] =	wrdreg $0xFFFFFFFF  }
0xcf: {  	_ =	task.clear_ibuf [dreg:s22], $0x2FFFF;
	_ =	strace $0x9FFFFFFF  }
0xd0: {  	(tm) =	ssettm $0x7FFFFFFF  }
0xd1: {  	_ =	shalt  }
tec
execute0_lowered:
.L_overlay_start_1:
0x0: {  	(tag) =	ssettag $0x1  }
0x1: {  	s3 =	rddreg [dreg:$0x0]  }
0x2: {  	s0 =	rddreg [dreg:$0x1];
	s4 =	srdreg.scid  }
0x3: {  	s1 =	stileid.u32;
	s2 =	simm.s32 $0x0;
	s8 =	simm.s32 $0x1  }
0x4: {  	s9 =	simm.s32 $0x2;
	s10 =	simm.s32 $0x10000;
	s11 =	simm.s32 $0x3  }
0x5: {  	s4 =	sand.u32 $0x1, s4;
	s5 =	sshll.u32 s1, $0x1;
	[smem:$0x7FF] =	sst s2  }
0x6: {  	s12 =	simm.s32 $0x0;
	s5 =	sor.u32 s4, s5;
	_ =	strace $0x8000004A  }
0x7: {  	v0 =	vlaneseq.u32;
	s4 =	ssub.s32 $0x2, s4;
	s6 =	sshll.u32 s5, $0x10;
	s5 =	sshll.u32 s5, $0x8  }
0x8: {  	v0 =	vmul.u32 $0xFFFFFFFF, v0;
	s7 =	sshrl.u32 s4, $0x1;
	s6 =	sadd.s32 s6, s3;
	s5 =	sadd.s32 s5, s3  }
0x9: {  	s7 =	ssub.s32 s4, s7;
	s3 =	sadd.s32 $0x2C4E00, s6;
	s4 =	sadd.s32 $0x2C6E00, s6  }
0xa: {  	v0 =	vadd.s32 $0xF, v0;
	s5 =	sadd.s32 $0x2E00, s5;
	s6 =	smax.u32 s7, $0x1;
	s7 =	simm.s32 $0x8000  }
.LBB2_1:
0xb: {  	[tilespmem:s2], [sflag:$0x1] =	stream.linear.gather [hbm4b:s3+s2], $0x8000, $0x38;
	[tilespmem:$0x10800] =	vst v63  }
0xc: {  	s13 =	simm.s32 $0x0  }
.LBB2_2:
0xd: {  	s14 =	sshllo.u32 s13, $0x1  }
0xe: {  	s15 =	sshll.u32 s14, $0xC  }
0xf: {  	s31 =	sshll.u32 s13, $0x8;
	s16 =	sadd.s32 s15, s3;
	s15 =	simm.s32 $0x0  }
0x10: {  	[tilespmem:s7], [sflag:$0x2] =	stream.linear.gather [hbm4b:s16+s15], $0x8000, $0x38;
	[tilespmem:$0x10800] =	vst v63  }
0x11: {  	s16 =	sand.u32 $0x3FFFFF00, s31;
	_ =	swait.ge [sflag:s8], $0x8000  }
0x12: {  	s18 =	sadd.s32 $0x10000, s16;
	[sflag:s8] =	ssyncset.done $0x0  }
0x13: {  	s17 =	simm.s32 $0x40;
	s16 =	sshll.u32 s13, $0x1;
	v1 =	vmov s18;
	[sflag:s8] =	ssyncadd.s32 $0xFFFF8000  }
.LBB2_3:
0x14: {  	v2 =	vmov s17;
	_ =	sdelay $0x3  }
0x15: {  	s18 =	simm.s32 $0x0  }
0x16: {  	v3 =	vld.idx.msk [tilespmem:v2+s18+$0xFFFFFFC0 ss:$0x1], $0xffff;
	_ =	sdelay $0x4  }
0x17: {  	(xrf1) =	vsort.ascd.msk.f32 $0xffff, v3, v3;
	_ =	sdelay $0xa  }
0x18: {  	v3 =	vld.idx.msk [tilespmem:v2+s18+$0xFFFFFFD0 ss:$0x1], $0xffff;
	_ =	sdelay $0x2  }
0x19: {  	v4, _, _ =	vpop (xrf1)  }
0x1a: {  	v4 =	vperm.xlane v4, v0  }
0x1b: {  	v5 =	vimm.f32 $-Inf;
	(xrf1) =	vsort.ascd.msk.f32 $0xffff, v3, v3  }
0x1c: {  	v3 =	vmax.f32 v5, v4  }
0x1d: {  	(xrf1) =	vsort.ascd.msk.f32 $0xffff, v3, v3;
	_ =	sdelay $0x8  }
0x1e: {  	v3 =	vld.idx.msk [tilespmem:v2+s18+$0xFFFFFFE0 ss:$0x1], $0xffff;
	_ =	sdelay $0x2  }
0x1f: {  	v52, _, _ =	vpop (xrf1)  }
0x20: {  	v4 =	vperm.xlane v52, v0  }
0x21: {  	(xrf1) =	vsort.ascd.msk.f32 $0xffff, v3, v3;
	v53, _, _ =	vpop (xrf1)  }
0x22: {  	v3 =	vmax.f32 v53, v4  }
0x23: {  	(xrf1) =	vsort.ascd.msk.f32 $0xffff, v3, v3;
	_ =	sdelay $0x8  }
0x24: {  	v3 =	vld.idx.msk [tilespmem:v2+s18+$0xFFFFFFF0 ss:$0x1], $0xffff;
	_ =	sdelay $0x2  }
0x25: {  	v54, _, _ =	vpop (xrf1)  }
0x26: {  	v4 =	vperm.xlane v54, v0  }
0x27: {  	(xrf1) =	vsort.ascd.msk.f32 $0xffff, v3, v3;
	v55, _, _ =	vpop (xrf1)  }
0x28: {  	v3 =	vmax.f32 v55, v4  }
0x29: {  	(xrf1) =	vsort.ascd.msk.f32 $0xffff, v3, v3;
	_ =	sdelay $0x8  }
0x2a: {  	v3 =	vld.idx.msk [tilespmem:v2+s18+$0x0 ss:$0x1], $0xffff;
	_ =	sdelay $0x2  }
0x2b: {  	v56, _, _ =	vpop (xrf1)  }
0x2c: {  	v4 =	vperm.xlane v56, v0  }
0x2d: {  	(xrf1) =	vsort.ascd.msk.f32 $0xffff, v3, v3;
	v57, _, _ =	vpop (xrf1)  }
0x2e: {  	v3 =	vmax.f32 v57, v4  }
0x2f: {  	(xrf1) =	vsort.ascd.msk.f32 $0xffff, v3, v3;
	_ =	sdelay $0x8  }
0x30: {  	v3 =	vld.idx.msk [tilespmem:v2+s18+$0x10 ss:$0x1], $0xffff;
	_ =	sdelay $0x2  }
0x31: {  	v58, _, _ =	vpop (xrf1)  }
0x32: {  	v4 =	vperm.xlane v58, v0  }
0x33: {  	(xrf1) =	vsort.ascd.msk.f32 $0xffff, v3, v3;
	v59, _, _ =	vpop (xrf1)  }
0x34: {  	v3 =	vmax.f32 v59, v4  }
0x35: {  	(xrf1) =	vsort.ascd.msk.f32 $0xffff, v3, v3;
	_ =	sdelay $0x8  }
0x36: {  	v3 =	vld.idx.msk [tilespmem:v2+s18+$0x20 ss:$0x1], $0xffff;
	_ =	sdelay $0x2  }
0x37: {  	v60, _, _ =	vpop (xrf1)  }
0x38: {  	v4 =	vperm.xlane v60, v0  }
0x39: {  	(xrf1) =	vsort.ascd.msk.f32 $0xffff, v3, v3;
	v61, _, _ =	vpop (xrf1)  }
0x3a: {  	v3 =	vmax.f32 v61, v4  }
0x3b: {  	(xrf1) =	vsort.ascd.msk.f32 $0xffff, v3, v3;
	_ =	sdelay $0x8  }
0x3c: {  	v3 =	vld.idx.msk [tilespmem:v2+s18+$0x30 ss:$0x1], $0xffff;
	_ =	sdelay $0x2  }
0x3d: {  	v62, _, _ =	vpop (xrf1)  }
0x3e: {  	v4 =	vperm.xlane v62, v0  }
0x3f: {  	v63, _, _ =	vpop (xrf1);
	(xrf1) =	vsort.ascd.msk.f32 $0xffff, v3, v3  }
0x40: {  	v3 =	vmax.f32 v63, v4  }
0x41: {  	(xrf1) =	vsort.ascd.msk.f32 $0xffff, v3, v3;
	_ =	sdelay $0x6  }
0x42: {  	s19 =	simm.s32 $0x2000;
	s18 =	simm.s32 $0x400  }
.LBB2_4:
0x43: {  	p0 =	sne.s32 s19, $0x1F000;
	v3 =	vld.idx.msk [tilespmem:v2+s18+$0xFFFFFFC0 ss:$0x1], $0xffff;
	_ =	sdelay $0x3  }
0x44: {  	v4, _, _ =	vpop (xrf1)  }
0x45: {  	v4 =	vperm.xlane v4, v0  }
0x46: {  	(xrf1) =	vsort.ascd.msk.f32 $0xffff, v3, v3;
	v3, _, _ =	vpop (xrf1)  }
0x47: {  	v3 =	vmax.f32 v3, v4  }
0x48: {  	(xrf1) =	vsort.ascd.msk.f32 $0xffff, v3, v3;
	_ =	sdelay $0x7  }
0x49: {  	v3 =	vld.idx.msk [tilespmem:v2+s18+$0xFFFFFFD0 ss:$0x1], $0xffff;
	_ =	sdelay $0x3  }
0x4a: {  	v4, _, _ =	vpop (xrf1)  }
0x4b: {  	v4 =	vperm.xlane v4, v0  }
0x4c: {  	(xrf1) =	vsort.ascd.msk.f32 $0xffff, v3, v3;
	v3, _, _ =	vpop (xrf1)  }
0x4d: {  	v3 =	vmax.f32 v3, v4  }
0x4e: {  	(xrf1) =	vsort.ascd.msk.f32 $0xffff, v3, v3;
	_ =	sdelay $0x7  }
0x4f: {  	v3 =	vld.idx.msk [tilespmem:v2+s18+$0xFFFFFFE0 ss:$0x1], $0xffff;
	_ =	sdelay $0x3  }
0x50: {  	v4, _, _ =	vpop (xrf1)  }
0x51: {  	v4 =	vperm.xlane v4, v0  }
0x52: {  	v5, _, _ =	vpop (xrf1);
	(xrf1) =	vsort.ascd.msk.f32 $0xffff, v3, v3  }
0x53: {  	v3 =	vmax.f32 v5, v4  }
0x54: {  	(xrf1) =	vsort.ascd.msk.f32 $0xffff, v3, v3;
	_ =	sdelay $0x7  }
0x55: {  	v3 =	vld.idx.msk [tilespmem:v2+s18+$0xFFFFFFF0 ss:$0x1], $0xffff;
	_ =	sdelay $0x3  }
0x56: {  	v4, _, _ =	vpop (xrf1)  }
0x57: {  	v4 =	vperm.xlane v4, v0  }
0x58: {  	v5, _, _ =	vpop (xrf1);
	(xrf1) =	vsort.ascd.msk.f32 $0xffff, v3, v3  }
0x59: {  	v3 =	vmax.f32 v5, v4  }
0x5a: {  	(xrf1) =	vsort.ascd.msk.f32 $0xffff, v3, v3;
	_ =	sdelay $0x7  }
0x5b: {  	v3 =	vld.idx.msk [tilespmem:v2+s18+$0x0 ss:$0x1], $0xffff;
	_ =	sdelay $0x3  }
0x5c: {  	v4, _, _ =	vpop (xrf1)  }
0x5d: {  	v4 =	vperm.xlane v4, v0  }
0x5e: {  	v5, _, _ =	vpop (xrf1);
	(xrf1) =	vsort.ascd.msk.f32 $0xffff, v3, v3  }
0x5f: {  	v3 =	vmax.f32 v5, v4  }
0x60: {  	(xrf1) =	vsort.ascd.msk.f32 $0xffff, v3, v3;
	_ =	sdelay $0x7  }
0x61: {  	v3 =	vld.idx.msk [tilespmem:v2+s18+$0x10 ss:$0x1], $0xffff;
	_ =	sdelay $0x3  }
0x62: {  	v4, _, _ =	vpop (xrf1)  }
0x63: {  	v4 =	vperm.xlane v4, v0  }
0x64: {  	v5, _, _ =	vpop (xrf1);
	(xrf1) =	vsort.ascd.msk.f32 $0xffff, v3, v3  }
0x65: {  	v3 =	vmax.f32 v5, v4  }
0x66: {  	(xrf1) =	vsort.ascd.msk.f32 $0xffff, v3, v3;
	_ =	sdelay $0x7  }
0x67: {  	v3 =	vld.idx.msk [tilespmem:v2+s18+$0x20 ss:$0x1], $0xffff;
	_ =	sdelay $0x3  }
0x68: {  	v4, _, _ =	vpop (xrf1)  }
0x69: {  	v4 =	vperm.xlane v4, v0  }
0x6a: {  	v5, _, _ =	vpop (xrf1);
	(xrf1) =	vsort.ascd.msk.f32 $0xffff, v3, v3  }
0x6b: {  	v3 =	vmax.f32 v5, v4  }
0x6c: {  	(xrf1) =	vsort.ascd.msk.f32 $0xffff, v3, v3;
	_ =	sdelay $0x7  }
0x6d: {  	v3 =	vld.idx.msk [tilespmem:v2+s18+$0x30 ss:$0x1], $0xffff;
	_ =	sdelay $0x3  }
0x6e: {  	v4, _, _ =	vpop (xrf1)  }
0x6f: {  	v4 =	vperm.xlane v4, v0  }
0x70: {  	v5, _, _ =	vpop (xrf1);
	(xrf1) =	vsort.ascd.msk.f32 $0xffff, v3, v3  }
0x71: {  	v3 =	vmax.f32 v5, v4  }
0x72: {  	(xrf1) =	vsort.ascd.msk.f32 $0xffff, v3, v3;
	_ =	sdelay $0x2  }
.Ltmp0:
0x73: {  	(pc) =	sbr.rel @p0 .LBB2_4-.Ltmp0, $2  }
0x74: {  	_ =	sdelay $0x2  }
0x75: {  	s18 =	sshra.s32 s19, $0x2;
	s19 =	sadd.s32 $0x1000, s19  }
0x76: {  	_ =	sdelay $0x3  }
0x77: {  	v3 =	vld.idx.msk [tilespmem:v2+s18+$0xFFFFFFC0 ss:$0x1], $0xffff;
	_ =	sdelay $0x2  }
0x78: {  	v4, _, _ =	vpop (xrf1)  }
0x79: {  	v4 =	vperm.xlane v4, v0  }
0x7a: {  	(xrf1) =	vsort.ascd.msk.f32 $0xffff, v3, v3;
	v3, _, _ =	vpop (xrf1)  }
0x7b: {  	v3 =	vmax.f32 v3, v4  }
0x7c: {  	(xrf1) =	vsort.ascd.msk.f32 $0xffff, v3, v3;
	_ =	sdelay $0x8  }
0x7d: {  	v3 =	vld.idx.msk [tilespmem:v2+s18+$0xFFFFFFD0 ss:$0x1], $0xffff;
	_ =	sdelay $0x2  }
0x7e: {  	v53, _, _ =	vpop (xrf1)  }
0x7f: {  	v4 =	vperm.xlane v53, v0  }
0x80: {  	(xrf1) =	vsort.ascd.msk.f32 $0xffff, v3, v3;
	v3, _, _ =	vpop (xrf1)  }
0x81: {  	v3 =	vmax.f32 v3, v4  }
0x82: {  	(xrf1) =	vsort.ascd.msk.f32 $0xffff, v3, v3;
	_ =	sdelay $0x8  }
0x83: {  	v3 =	vld.idx.msk [tilespmem:v2+s18+$0xFFFFFFE0 ss:$0x1], $0xffff;
	_ =	sdelay $0x2  }
0x84: {  	v54, _, _ =	vpop (xrf1)  }
0x85: {  	v4 =	vperm.xlane v54, v0  }
0x86: {  	v5, _, _ =	vpop (xrf1);
	(xrf1) =	vsort.ascd.msk.f32 $0xffff, v3, v3  }
0x87: {  	v3 =	vmax.f32 v5, v4  }
0x88: {  	(xrf1) =	vsort.ascd.msk.f32 $0xffff, v3, v3;
	_ =	sdelay $0x8  }
0x89: {  	v3 =	vld.idx.msk [tilespmem:v2+s18+$0xFFFFFFF0 ss:$0x1], $0xffff;
	_ =	sdelay $0x2  }
0x8a: {  	v55, _, _ =	vpop (xrf1)  }
0x8b: {  	v4 =	vperm.xlane v55, v0  }
0x8c: {  	(xrf1) =	vsort.ascd.msk.f32 $0xffff, v3, v3;
	v56, _, _ =	vpop (xrf1)  }
0x8d: {  	v3 =	vmax.f32 v56, v4  }
0x8e: {  	(xrf1) =	vsort.ascd.msk.f32 $0xffff, v3, v3;
	_ =	sdelay $0x8  }
0x8f: {  	v3 =	vld.idx.msk [tilespmem:v2+s18+$0x0 ss:$0x1], $0xffff;
	_ =	sdelay $0x2  }
0x90: {  	v57, _, _ =	vpop (xrf1)  }
0x91: {  	v4 =	vperm.xlane v57, v0  }
0x92: {  	(xrf1) =	vsort.ascd.msk.f32 $0xffff, v3, v3;
	v58, _, _ =	vpop (xrf1)  }
0x93: {  	v3 =	vmax.f32 v58, v4  }
0x94: {  	(xrf1) =	vsort.ascd.msk.f32 $0xffff, v3, v3;
	_ =	sdelay $0x8  }
0x95: {  	v3 =	vld.idx.msk [tilespmem:v2+s18+$0x10 ss:$0x1], $0xffff;
	_ =	sdelay $0x2  }
0x96: {  	v59, _, _ =	vpop (xrf1)  }
0x97: {  	v4 =	vperm.xlane v59, v0  }
0x98: {  	(xrf1) =	vsort.ascd.msk.f32 $0xffff, v3, v3;
	v60, _, _ =	vpop (xrf1)  }
0x99: {  	v3 =	vmax.f32 v60, v4  }
0x9a: {  	(xrf1) =	vsort.ascd.msk.f32 $0xffff, v3, v3;
	_ =	sdelay $0x8  }
0x9b: {  	v3 =	vld.idx.msk [tilespmem:v2+s18+$0x20 ss:$0x1], $0xffff;
	_ =	sdelay $0x2  }
0x9c: {  	v61, _, _ =	vpop (xrf1)  }
0x9d: {  	v4 =	vperm.xlane v61, v0  }
0x9e: {  	(xrf1) =	vsort.ascd.msk.f32 $0xffff, v3, v3;
	v62, _, _ =	vpop (xrf1)  }
0x9f: {  	v3 =	vmax.f32 v62, v4  }
0xa0: {  	(xrf1) =	vsort.ascd.msk.f32 $0xffff, v3, v3;
	_ =	sdelay $0x8  }
0xa1: {  	v2 =	vld.idx.msk [tilespmem:v2+s18+$0x30 ss:$0x1], $0xffff;
	_ =	sdelay $0x2  }
0xa2: {  	v3, _, _ =	vpop (xrf1)  }
0xa3: {  	v3 =	vperm.xlane v3, v0  }
0xa4: {  	(xrf1) =	vsort.ascd.msk.f32 $0xffff, v2, v2;
	v63, _, _ =	vpop (xrf1)  }
0xa5: {  	v2 =	vmax.f32 v63, v3  }
0xa6: {  	(xrf1) =	vsort.ascd.msk.f32 $0xffff, v2, v2;
	_ =	sdelay $0xb  }
0xa7: {  	v2, _, _ =	vpop (xrf1)  }
0xa8: {  	v2 =	vperm.xlane v2, v0  }
0xa9: {  	v3, _, _ =	vpop (xrf1)  }
0xaa: {  	v2 =	vmax.f32 v3, v2  }
0xab: {  	(xrf1) =	vsort.ascd.msk.f32 $0xffff, v2, v2;
	_ =	sdelay $0xa  }
0xac: {  	s31 =	sshll.u32 s15, $0x4;
	s15 =	sadd.s32 $0x1, s15  }
0xad: {  	p0 =	sne.s32 s15, $0x8  }
.Ltmp1:
0xae: {  	_ = 	snop;
	(pc) =	sbr.rel @p0 .LBB2_3-.Ltmp1, $4  }
0xaf: {  	v2, _, _ =	vpop (xrf1)  }
0xb0: {  	v2 =	vperm.xlane v2, v0  }
0xb1: {  	s18 =	sand.u32 $0x3FFFFFF0, s31  }
0xb2: {  	s17 =	sadd.s32 $0x80, s17;
	[tilespmem:v1+s18+$0x0 ss:$0x1] =	vst.idx.msk $0xffff, v2  }
0xb3: {  	s15 =	smin.u32 s16, $0xD  }
0xb4: {  	s15 =	sshll.u32 s15, $0xC  }
0xb5: {  	s14 =	sshll.u32 s14, $0x7;
	s31 =	sadd.s32 s15, s4;
	s15 =	simm.s32 $0x0  }
0xb6: {  	[tilespmem:s15], [sflag:$0x1] =	stream.linear.gather [hbm4b:s31+s15], $0x8000, $0x38;
	[tilespmem:$0x10800] =	vst v63  }
0xb7: {  	s14 =	sand.u32 $0x3FFFFF80, s14;
	_ =	swait.ge [sflag:s9], $0x8000  }
0xb8: {  	s14 =	sadd.s32 $0x10000, s14;
	[sflag:s9] =	ssyncset.done $0x0  }
0xb9: {  	v1 =	vmov s14;
	s14 =	simm.s32 $0x0;
	[sflag:s9] =	ssyncadd.s32 $0xFFFF8000  }
.LBB2_7:
0xba: {  	v2 =	vmov s15;
	_ =	sdelay $0x3  }
0xbb: {  	s16 =	simm.s32 $0x0  }
0xbc: {  	v3 =	vld.idx.msk [tilespmem:v2+s16+$0x8000 ss:$0x1], $0xffff;
	_ =	sdelay $0x4  }
0xbd: {  	(xrf1) =	vsort.ascd.msk.f32 $0xffff, v3, v3;
	_ =	sdelay $0xa  }
0xbe: {  	v3 =	vld.idx.msk [tilespmem:v2+s16+$0x8010 ss:$0x1], $0xffff;
	_ =	sdelay $0x2  }
0xbf: {  	v4, _, _ =	vpop (xrf1)  }
0xc0: {  	v4 =	vperm.xlane v4, v0  }
0xc1: {  	v5 =	vimm.f32 $-Inf;
	(xrf1) =	vsort.ascd.msk.f32 $0xffff, v3, v3  }
0xc2: {  	v3 =	vmax.f32 v5, v4  }
0xc3: {  	(xrf1) =	vsort.ascd.msk.f32 $0xffff, v3, v3;
	_ =	sdelay $0x8  }
0xc4: {  	v3 =	vld.idx.msk [tilespmem:v2+s16+$0x8020 ss:$0x1], $0xffff;
	_ =	sdelay $0x2  }
0xc5: {  	v52, _, _ =	vpop (xrf1)  }
0xc6: {  	v4 =	vperm.xlane v52, v0  }
0xc7: {  	(xrf1) =	vsort.ascd.msk.f32 $0xffff, v3, v3;
	v53, _, _ =	vpop (xrf1)  }
0xc8: {  	v3 =	vmax.f32 v53, v4  }
0xc9: {  	(xrf1) =	vsort.ascd.msk.f32 $0xffff, v3, v3;
	_ =	sdelay $0x8  }
0xca: {  	v3 =	vld.idx.msk [tilespmem:v2+s16+$0x8030 ss:$0x1], $0xffff;
	_ =	sdelay $0x2  }
0xcb: {  	v54, _, _ =	vpop (xrf1)  }
0xcc: {  	v4 =	vperm.xlane v54, v0  }
0xcd: {  	(xrf1) =	vsort.ascd.msk.f32 $0xffff, v3, v3;
	v55, _, _ =	vpop (xrf1)  }
0xce: {  	v3 =	vmax.f32 v55, v4  }
0xcf: {  	(xrf1) =	vsort.ascd.msk.f32 $0xffff, v3, v3;
	_ =	sdelay $0x8  }
0xd0: {  	v3 =	vld.idx.msk [tilespmem:v2+s16+$0x8040 ss:$0x1], $0xffff;
	_ =	sdelay $0x2  }
0xd1: {  	v56, _, _ =	vpop (xrf1)  }
0xd2: {  	v4 =	vperm.xlane v56, v0  }
0xd3: {  	(xrf1) =	vsort.ascd.msk.f32 $0xffff, v3, v3;
	v57, _, _ =	vpop (xrf1)  }
0xd4: {  	v3 =	vmax.f32 v57, v4  }
0xd5: {  	(xrf1) =	vsort.ascd.msk.f32 $0xffff, v3, v3;
	_ =	sdelay $0x8  }
0xd6: {  	v3 =	vld.idx.msk [tilespmem:v2+s16+$0x8050 ss:$0x1], $0xffff;
	_ =	sdelay $0x2  }
0xd7: {  	v58, _, _ =	vpop (xrf1)  }
0xd8: {  	v4 =	vperm.xlane v58, v0  }
0xd9: {  	(xrf1) =	vsort.ascd.msk.f32 $0xffff, v3, v3;
	v59, _, _ =	vpop (xrf1)  }
0xda: {  	v3 =	vmax.f32 v59, v4  }
0xdb: {  	(xrf1) =	vsort.ascd.msk.f32 $0xffff, v3, v3;
	_ =	sdelay $0x8  }
0xdc: {  	v3 =	vld.idx.msk [tilespmem:v2+s16+$0x8060 ss:$0x1], $0xffff;
	_ =	sdelay $0x2  }
0xdd: {  	v60, _, _ =	vpop (xrf1)  }
0xde: {  	v4 =	vperm.xlane v60, v0  }
0xdf: {  	(xrf1) =	vsort.ascd.msk.f32 $0xffff, v3, v3;
	v61, _, _ =	vpop (xrf1)  }
0xe0: {  	v3 =	vmax.f32 v61, v4  }
0xe1: {  	(xrf1) =	vsort.ascd.msk.f32 $0xffff, v3, v3;
	_ =	sdelay $0x8  }
0xe2: {  	v3 =	vld.idx.msk [tilespmem:v2+s16+$0x8070 ss:$0x1], $0xffff;
	_ =	sdelay $0x2  }
0xe3: {  	v62, _, _ =	vpop (xrf1)  }
0xe4: {  	v4 =	vperm.xlane v62, v0  }
0xe5: {  	v63, _, _ =	vpop (xrf1);
	(xrf1) =	vsort.ascd.msk.f32 $0xffff, v3, v3  }
0xe6: {  	v3 =	vmax.f32 v63, v4  }
0xe7: {  	(xrf1) =	vsort.ascd.msk.f32 $0xffff, v3, v3;
	_ =	sdelay $0x6  }
0xe8: {  	s17 =	simm.s32 $0x2000;
	s16 =	simm.s32 $0x400  }
.LBB2_8:
0xe9: {  	p0 =	sne.s32 s17, $0x1F000;
	v3 =	vld.idx.msk [tilespmem:v2+s16+$0x8000 ss:$0x1], $0xffff;
	_ =	sdelay $0x3  }
0xea: {  	v4, _, _ =	vpop (xrf1)  }
0xeb: {  	v4 =	vperm.xlane v4, v0  }
0xec: {  	(xrf1) =	vsort.ascd.msk.f32 $0xffff, v3, v3;
	v3, _, _ =	vpop (xrf1)  }
0xed: {  	v3 =	vmax.f32 v3, v4  }
0xee: {  	(xrf1) =	vsort.ascd.msk.f32 $0xffff, v3, v3;
	_ =	sdelay $0x7  }
0xef: {  	v3 =	vld.idx.msk [tilespmem:v2+s16+$0x8010 ss:$0x1], $0xffff;
	_ =	sdelay $0x3  }
0xf0: {  	v4, _, _ =	vpop (xrf1)  }
0xf1: {  	v4 =	vperm.xlane v4, v0  }
0xf2: {  	(xrf1) =	vsort.ascd.msk.f32 $0xffff, v3, v3;
	v3, _, _ =	vpop (xrf1)  }
0xf3: {  	v3 =	vmax.f32 v3, v4  }
0xf4: {  	(xrf1) =	vsort.ascd.msk.f32 $0xffff, v3, v3;
	_ =	sdelay $0x7  }
0xf5: {  	v3 =	vld.idx.msk [tilespmem:v2+s16+$0x8020 ss:$0x1], $0xffff;
	_ =	sdelay $0x3  }
0xf6: {  	v4, _, _ =	vpop (xrf1)  }
0xf7: {  	v4 =	vperm.xlane v4, v0  }
0xf8: {  	v5, _, _ =	vpop (xrf1);
	(xrf1) =	vsort.ascd.msk.f32 $0xffff, v3, v3  }
0xf9: {  	v3 =	vmax.f32 v5, v4  }
0xfa: {  	(xrf1) =	vsort.ascd.msk.f32 $0xffff, v3, v3;
	_ =	sdelay $0x7  }
0xfb: {  	v3 =	vld.idx.msk [tilespmem:v2+s16+$0x8030 ss:$0x1], $0xffff;
	_ =	sdelay $0x3  }
0xfc: {  	v4, _, _ =	vpop (xrf1)  }
0xfd: {  	v4 =	vperm.xlane v4, v0  }
0xfe: {  	v5, _, _ =	vpop (xrf1);
	(xrf1) =	vsort.ascd.msk.f32 $0xffff, v3, v3  }
0xff: {  	v3 =	vmax.f32 v5, v4  }
0x100: {  	(xrf1) =	vsort.ascd.msk.f32 $0xffff, v3, v3;
	_ =	sdelay $0x7  }
0x101: {  	v3 =	vld.idx.msk [tilespmem:v2+s16+$0x8040 ss:$0x1], $0xffff;
	_ =	sdelay $0x3  }
0x102: {  	v4, _, _ =	vpop (xrf1)  }
0x103: {  	v4 =	vperm.xlane v4, v0  }
0x104: {  	v5, _, _ =	vpop (xrf1);
	(xrf1) =	vsort.ascd.msk.f32 $0xffff, v3, v3  }
0x105: {  	v3 =	vmax.f32 v5, v4  }
0x106: {  	(xrf1) =	vsort.ascd.msk.f32 $0xffff, v3, v3;
	_ =	sdelay $0x7  }
0x107: {  	v3 =	vld.idx.msk [tilespmem:v2+s16+$0x8050 ss:$0x1], $0xffff;
	_ =	sdelay $0x3  }
0x108: {  	v4, _, _ =	vpop (xrf1)  }
0x109: {  	v4 =	vperm.xlane v4, v0  }
0x10a: {  	v5, _, _ =	vpop (xrf1);
	(xrf1) =	vsort.ascd.msk.f32 $0xffff, v3, v3  }
0x10b: {  	v3 =	vmax.f32 v5, v4  }
0x10c: {  	(xrf1) =	vsort.ascd.msk.f32 $0xffff, v3, v3;
	_ =	sdelay $0x7  }
0x10d: {  	v3 =	vld.idx.msk [tilespmem:v2+s16+$0x8060 ss:$0x1], $0xffff;
	_ =	sdelay $0x3  }
0x10e: {  	v4, _, _ =	vpop (xrf1)  }
0x10f: {  	v4 =	vperm.xlane v4, v0  }
0x110: {  	v5, _, _ =	vpop (xrf1);
	(xrf1) =	vsort.ascd.msk.f32 $0xffff, v3, v3  }
0x111: {  	v3 =	vmax.f32 v5, v4  }
0x112: {  	(xrf1) =	vsort.ascd.msk.f32 $0xffff, v3, v3;
	_ =	sdelay $0x7  }
0x113: {  	v3 =	vld.idx.msk [tilespmem:v2+s16+$0x8070 ss:$0x1], $0xffff;
	_ =	sdelay $0x3  }
0x114: {  	v4, _, _ =	vpop (xrf1)  }
0x115: {  	v4 =	vperm.xlane v4, v0  }
0x116: {  	v5, _, _ =	vpop (xrf1);
	(xrf1) =	vsort.ascd.msk.f32 $0xffff, v3, v3  }
0x117: {  	v3 =	vmax.f32 v5, v4  }
0x118: {  	(xrf1) =	vsort.ascd.msk.f32 $0xffff, v3, v3;
	_ =	sdelay $0x2  }
.Ltmp2:
0x119: {  	(pc) =	sbr.rel @p0 .LBB2_8-.Ltmp2, $2  }
0x11a: {  	_ =	sdelay $0x2  }
0x11b: {  	s16 =	sshra.s32 s17, $0x2;
	s17 =	sadd.s32 $0x1000, s17  }
0x11c: {  	_ =	sdelay $0x3  }
0x11d: {  	v3 =	vld.idx.msk [tilespmem:v2+s16+$0x8000 ss:$0x1], $0xffff;
	_ =	sdelay $0x2  }
0x11e: {  	v4, _, _ =	vpop (xrf1)  }
0x11f: {  	v4 =	vperm.xlane v4, v0  }
0x120: {  	(xrf1) =	vsort.ascd.msk.f32 $0xffff, v3, v3;
	v3, _, _ =	vpop (xrf1)  }
0x121: {  	v3 =	vmax.f32 v3, v4  }
0x122: {  	(xrf1) =	vsort.ascd.msk.f32 $0xffff, v3, v3;
	_ =	sdelay $0x8  }
0x123: {  	v3 =	vld.idx.msk [tilespmem:v2+s16+$0x8010 ss:$0x1], $0xffff;
	_ =	sdelay $0x2  }
0x124: {  	v53, _, _ =	vpop (xrf1)  }
0x125: {  	v4 =	vperm.xlane v53, v0  }
0x126: {  	(xrf1) =	vsort.ascd.msk.f32 $0xffff, v3, v3;
	v3, _, _ =	vpop (xrf1)  }
0x127: {  	v3 =	vmax.f32 v3, v4  }
0x128: {  	(xrf1) =	vsort.ascd.msk.f32 $0xffff, v3, v3;
	_ =	sdelay $0x8  }
0x129: {  	v3 =	vld.idx.msk [tilespmem:v2+s16+$0x8020 ss:$0x1], $0xffff;
	_ =	sdelay $0x2  }
0x12a: {  	v54, _, _ =	vpop (xrf1)  }
0x12b: {  	v4 =	vperm.xlane v54, v0  }
0x12c: {  	v5, _, _ =	vpop (xrf1);
	(xrf1) =	vsort.ascd.msk.f32 $0xffff, v3, v3  }
0x12d: {  	v3 =	vmax.f32 v5, v4  }
0x12e: {  	(xrf1) =	vsort.ascd.msk.f32 $0xffff, v3, v3;
	_ =	sdelay $0x8  }
0x12f: {  	v3 =	vld.idx.msk [tilespmem:v2+s16+$0x8030 ss:$0x1], $0xffff;
	_ =	sdelay $0x2  }
0x130: {  	v55, _, _ =	vpop (xrf1)  }
0x131: {  	v4 =	vperm.xlane v55, v0  }
0x132: {  	(xrf1) =	vsort.ascd.msk.f32 $0xffff, v3, v3;
	v56, _, _ =	vpop (xrf1)  }
0x133: {  	v3 =	vmax.f32 v56, v4  }
0x134: {  	(xrf1) =	vsort.ascd.msk.f32 $0xffff, v3, v3;
	_ =	sdelay $0x8  }
0x135: {  	v3 =	vld.idx.msk [tilespmem:v2+s16+$0x8040 ss:$0x1], $0xffff;
	_ =	sdelay $0x2  }
0x136: {  	v57, _, _ =	vpop (xrf1)  }
0x137: {  	v4 =	vperm.xlane v57, v0  }
0x138: {  	(xrf1) =	vsort.ascd.msk.f32 $0xffff, v3, v3;
	v58, _, _ =	vpop (xrf1)  }
0x139: {  	v3 =	vmax.f32 v58, v4  }
0x13a: {  	(xrf1) =	vsort.ascd.msk.f32 $0xffff, v3, v3;
	_ =	sdelay $0x8  }
0x13b: {  	v3 =	vld.idx.msk [tilespmem:v2+s16+$0x8050 ss:$0x1], $0xffff;
	_ =	sdelay $0x2  }
0x13c: {  	v59, _, _ =	vpop (xrf1)  }
0x13d: {  	v4 =	vperm.xlane v59, v0  }
0x13e: {  	(xrf1) =	vsort.ascd.msk.f32 $0xffff, v3, v3;
	v60, _, _ =	vpop (xrf1)  }
0x13f: {  	v3 =	vmax.f32 v60, v4  }
0x140: {  	(xrf1) =	vsort.ascd.msk.f32 $0xffff, v3, v3;
	_ =	sdelay $0x8  }
0x141: {  	v3 =	vld.idx.msk [tilespmem:v2+s16+$0x8060 ss:$0x1], $0xffff;
	_ =	sdelay $0x2  }
0x142: {  	v61, _, _ =	vpop (xrf1)  }
0x143: {  	v4 =	vperm.xlane v61, v0  }
0x144: {  	(xrf1) =	vsort.ascd.msk.f32 $0xffff, v3, v3;
	v62, _, _ =	vpop (xrf1)  }
0x145: {  	v3 =	vmax.f32 v62, v4  }
0x146: {  	(xrf1) =	vsort.ascd.msk.f32 $0xffff, v3, v3;
	_ =	sdelay $0x8  }
0x147: {  	v2 =	vld.idx.msk [tilespmem:v2+s16+$0x8070 ss:$0x1], $0xffff;
	_ =	sdelay $0x2  }
0x148: {  	v3, _, _ =	vpop (xrf1)  }
0x149: {  	v3 =	vperm.xlane v3, v0  }
0x14a: {  	(xrf1) =	vsort.ascd.msk.f32 $0xffff, v2, v2;
	v63, _, _ =	vpop (xrf1)  }
0x14b: {  	v2 =	vmax.f32 v63, v3  }
0x14c: {  	(xrf1) =	vsort.ascd.msk.f32 $0xffff, v2, v2;
	_ =	sdelay $0xb  }
0x14d: {  	v2, _, _ =	vpop (xrf1)  }
0x14e: {  	v2 =	vperm.xlane v2, v0  }
0x14f: {  	v3, _, _ =	vpop (xrf1)  }
0x150: {  	v2 =	vmax.f32 v3, v2  }
0x151: {  	(xrf1) =	vsort.ascd.msk.f32 $0xffff, v2, v2;
	_ =	sdelay $0xa  }
0x152: {  	s31 =	sshll.u32 s14, $0x4;
	s14 =	sadd.s32 $0x1, s14  }
0x153: {  	p0 =	sne.s32 s14, $0x8  }
.Ltmp3:
0x154: {  	_ = 	snop;
	(pc) =	sbr.rel @p0 .LBB2_7-.Ltmp3, $4  }
0x155: {  	v2, _, _ =	vpop (xrf1)  }
0x156: {  	v2 =	vperm.xlane v2, v0  }
0x157: {  	s16 =	sand.u32 $0x3FFFFFF0, s31  }
0x158: {  	s15 =	sadd.s32 $0x80, s15;
	[tilespmem:v1+s16+$0x0 ss:$0x1] =	vst.idx.msk $0xffff, v2  }
0x159: {  	s13 =	sadd.s32 $0x1, s13  }
0x15a: {  	p0 =	sne.s32 s13, $0x8  }
.Ltmp4:
0x15b: {  	_ = 	snop;
	(pc) =	sbr.rel @p0 .LBB2_2-.Ltmp4, $1  }
0x15c: {  	_ =	sdelay $0x3  }
0x15d: {  	_ =	swait.ge [sflag:s8], $0x8000;
	s12 =	sadd.s32 $0x1, s12  }
0x15e: {  	[sflag:s8] =	ssyncset.done $0x0;
	p0 =	sne.s32 s12, s6  }
.Ltmp5:
0x15f: {  	[sflag:s8] =	ssyncadd.s32 $0xFFFF8000;
	(pc) =	sbr.rel @p0 .LBB2_1-.Ltmp5, $4  }
0x160: {  	[hbm4b:s5+s2] =	stream.linear.scatter [tilespmem:s10], [sflag:$0x3], $0x800, $0x38;
	[tilespmem:$0x10800] =	vst v63  }
0x161: {  	_ =	swait.ge [sflag:s11], $0x800  }
0x162: {  	[sflag:s11] =	ssyncset.done $0x0  }
0x163: {  	[sflag:s11] =	ssyncadd.s32 $0xFFFFF800  }
0x164: {  	_ =	sfence.sel $0x180000  }
0x165: {  	[bflag:$0x0] =	sbarrier.arrive $0xFFFF  }
0x166: {  	p0 =	sne.s32 s1, $0x0;
	_ =	strace $0x9000004A  }
0x167: {  	s0 =	sadd.s32 @!p0 $0x100000, s0;
	[bflag:$0x2] =	sbarrier.arrive $0xFFFF  }
0x168: {  	[sflag:s0] =	ssyncadd.tile.s32 @!p0 $0x1;
	_ =	shalt  }
.Lfunc_end2:
_tile_overlayer_lowered:
.L_overlay_start_2:
0x169: {  	(tag) =	ssettag $0x2  }
0x16a: {  	s0 =	rddreg [dreg:$0x0];
	s2 =	stileid.u32  }
0x16b: {  	s1 =	rddreg [dreg:$0x1];
	p0 =	sne.s32 s2, $0x0  }
0x16c: {  	s3 =	rddreg [dreg:$0x2];
	[bflag:$0x3] =	sbarrier.arrive $0xFFFF;
	s2 =	simm.s32 @!p0 $0x1C03  }
0x16d: {  	[timem:s3], [sflag:s2] =	dma.local @!p0 [hbm:s0], s1  }
0x16e: {  	s0 =	simm.s32 @!p0 $0x3  }
0x16f: {  	_ =	swait.ge @!p0 [sflag:s0], s1  }
0x170: {  	s1 =	ssub.s32 @!p0 $0x0, s1;
	[sflag:s0] =	ssyncset.done @!p0 $0x0  }
0x171: {  	[sflag:s0] =	ssyncadd.s32 @!p0 s1  }
0x172: {  	[bflag:$0x3] =	sbarrier.arrive $0xFFFF  }
0x173: {  	_ =	shalt  }

</sc_bundles>
